<compile_context>
chip_gen: v7x
topology: tpu7x:2x2x1
jax: 0.10.2.dev20260603
libtpu: 0.0.44.dev20260713+nightly
codegen_flags: <defaults>
</compile_context>

<pallas_src>
import jax
import jax.numpy as jnp
from jax import lax
from jax.experimental import pallas as pl
from jax.experimental.pallas import tpu as pltpu
from jax.experimental.pallas import tpu_sc as plsc

_N = 10000
_E = 320000
_CH = 128
_CHUNK = 64
_EPAD = 327680
_NCHUNKS = _EPAD // _CHUNK
_TILES = 16
_CORES = 2
_TPT = _NCHUNKS // _TILES
_IBLK = 16
_NBLKT = _TPT // _IBLK
_NBUF = 4
_PF = 3
_NACC = 10112
_ZPT = _NACC // _TILES
_OPT = 624


def _shift_body(f_hbm, g_hbm, src_hbm, dst_hbm, fp_out, gp_out,
                srcv, dstv, rows, acc, isem_s, isem_d, gsems, ssems):
  c = lax.axis_index("c")
  s = lax.axis_index("s")

  def _zrow(i, carry):
    for jj in range(_CH // 16):
      rows[0][i, pl.ds(jj * 16, 16)] = jnp.zeros((16,), jnp.float32)
    return carry
  lax.fori_loop(0, _CHUNK, _zrow, None)
  zbase = s * _ZPT
  nz = _ZPT // _CHUNK
  for k in range(nz):
    pltpu.sync_copy(rows[0], acc.at[pl.ds(zbase + k * _CHUNK, _CHUNK)])
  rem = _ZPT - nz * _CHUNK
  if rem:
    pltpu.sync_copy(rows[0].at[pl.ds(0, rem)],
                    acc.at[pl.ds(zbase + nz * _CHUNK, rem)])

  plsc.subcore_barrier()

  def _run(x_hbm, out_hbm):
    blk0 = s * _NBLKT
    pltpu.sync_copy(src_hbm.at[blk0], srcv.at[0])
    pltpu.sync_copy(dst_hbm.at[blk0], dstv.at[0])
    pltpu.async_copy(src_hbm.at[blk0 + 1], srcv.at[1], isem_s)
    pltpu.async_copy(dst_hbm.at[blk0 + 1], dstv.at[1], isem_d)
    for b in range(_PF):
      pltpu.async_copy(x_hbm.at[srcv.at[0, b]], rows[b], gsems[b])

    def _step(j, b):
      jp = j + _PF
      bp = (b + _PF) % _NBUF

      @pl.when(jp < _TPT)
      def _():
        @pl.when(jp % _IBLK == 0)
        def _():
          kb = jp // _IBLK
          pltpu.make_async_copy(src_hbm.at[blk0 + kb],
                                srcv.at[kb % 3], isem_s).wait()
          pltpu.make_async_copy(dst_hbm.at[blk0 + kb],
                                dstv.at[kb % 3], isem_d).wait()

          @pl.when(kb + 1 < _NBLKT)
          def _():
            pltpu.async_copy(src_hbm.at[blk0 + kb + 1],
                             srcv.at[(kb + 1) % 3], isem_s)
            pltpu.async_copy(dst_hbm.at[blk0 + kb + 1],
                             dstv.at[(kb + 1) % 3], isem_d)

        @pl.when(j >= _NBUF - _PF)
        def _():
          pltpu.make_async_copy(
              rows[bp], acc.at[dstv.at[0, 0]], ssems[bp]).wait()

        pltpu.async_copy(x_hbm.at[srcv.at[(jp // _IBLK) % 3, jp % _IBLK]],
                         rows[bp], gsems[bp])

      pltpu.make_async_copy(x_hbm.at[srcv.at[0, 0]], rows[b], gsems[b]).wait()
      pltpu.async_copy(rows[b],
                       acc.at[dstv.at[(j // _IBLK) % 3, j % _IBLK]],
                       ssems[b], add=True)

    def _group(i, carry):
      for b in range(_NBUF):
        _step(i * _NBUF + b, b)
      return carry

    lax.fori_loop(0, _TPT // _NBUF, _group, None)
    for b in range(_NBUF):
      pltpu.make_async_copy(rows[b], acc.at[dstv.at[0, 0]], ssems[b]).wait()

    plsc.subcore_barrier()
    obase = s * _OPT
    pltpu.sync_copy(acc.at[pl.ds(obase, _OPT)], out_hbm.at[pl.ds(obase, _OPT)])

    @pl.when(s == 0)
    def _():
      tail = _N - _TILES * _OPT
      pltpu.sync_copy(acc.at[pl.ds(_TILES * _OPT, tail)],
                      out_hbm.at[pl.ds(_TILES * _OPT, tail)])

  @pl.when(c == 0)
  def _():
    _run(f_hbm, fp_out)

  @pl.when(c == 1)
  def _():
    _run(g_hbm, gp_out)


@jax.jit
def _shift_call(f, g, src3d, dst3d):
  mesh = plsc.VectorSubcoreMesh(core_axis_name="c", subcore_axis_name="s",
                                num_cores=_CORES, num_subcores=_TILES)
  fn = pl.kernel(
      _shift_body,
      out_type=(jax.ShapeDtypeStruct((_N, _CH), jnp.float32),
                jax.ShapeDtypeStruct((_N, _CH), jnp.float32)),
      mesh=mesh,
      scratch_types=(
          pltpu.VMEM((3, _IBLK, _CHUNK), jnp.int32),
          pltpu.VMEM((3, _IBLK, _CHUNK), jnp.int32),
          tuple(pltpu.VMEM((_CHUNK, _CH), jnp.float32)
                for _ in range(_NBUF)),
          pltpu.VMEM_SHARED((_NACC, _CH), jnp.float32),
          pltpu.SemaphoreType.DMA,
          pltpu.SemaphoreType.DMA,
          tuple(pltpu.SemaphoreType.DMA for _ in range(_NBUF)),
          tuple(pltpu.SemaphoreType.DMA for _ in range(_NBUF)),
      ),
  )
  return fn(f, g, src3d, dst3d)


def _mlp_body(fp, gp, f, g, w1e, b1e, w2e, b2e, w1i, b1i, w2i, b2i, fo, go):
  he = jnp.maximum(
      jnp.dot(gp[...], w1e[...], preferred_element_type=jnp.float32) + b1e[...],
      0.0)
  fo[...] = f[...] + (
      jnp.dot(he, w2e[...], preferred_element_type=jnp.float32) + b2e[...])
  hi = jnp.maximum(
      jnp.dot(fp[...], w1i[...], preferred_element_type=jnp.float32) + b1i[...],
      0.0)
  go[...] = g[...] + (
      jnp.dot(hi, w2i[...], preferred_element_type=jnp.float32) + b2i[...])


@jax.jit
def _mlp_call(fp, gp, f, g, w1e, b1e, w2e, b2e, w1i, b1i, w2i, b2i):
  bs = 2000
  grid = (_N // bs,)
  row_spec = pl.BlockSpec((bs, _CH), lambda i: (i, 0))
  w_spec = pl.BlockSpec((_CH, _CH), lambda i: (0, 0))
  b_spec = pl.BlockSpec((1, _CH), lambda i: (0, 0))
  return pl.pallas_call(
      _mlp_body,
      grid=grid,
      in_specs=[row_spec, row_spec, row_spec, row_spec,
                w_spec, b_spec, w_spec, b_spec,
                w_spec, b_spec, w_spec, b_spec],
      out_specs=[row_spec, row_spec],
      out_shape=[jax.ShapeDtypeStruct((_N, _CH), jnp.float32),
                 jax.ShapeDtypeStruct((_N, _CH), jnp.float32)],
  )(fp, gp, f, g, w1e, b1e, w2e, b2e, w1i, b1i, w2i, b2i)


def kernel(f, g, edge_index, W1e, b1e, W2e, b2e, W1i, b1i, W2i, b2i):
  npad = _EPAD - _E
  src = jnp.concatenate(
      [edge_index[0], (jnp.arange(npad, dtype=jnp.int32) * 521) % _N]
  ).reshape(_NCHUNKS // _IBLK, _IBLK, _CHUNK)
  dst = jnp.concatenate(
      [edge_index[1],
       _N + (jnp.arange(npad, dtype=jnp.int32) % (_NACC - _N))]
  ).reshape(_NCHUNKS // _IBLK, _IBLK, _CHUNK)
  fp, gp = _shift_call(f, g, src, dst)
  fo, go = _mlp_call(fp, gp, f, g,
                     W1e, b1e.reshape(1, _CH), W2e, b2e.reshape(1, _CH),
                     W1i, b1i.reshape(1, _CH), W2i, b2i.reshape(1, _CH))
  return (fo, go)

# --- scband reference (transcript-rebuilt; emitter-appended) ---
"""Pipeline reference for scband-complex-graph-filter-43293270343939 (READ-ONLY COPY).

The authoritative reference and input builder live on the scoring server;
editing this copy changes nothing except your own understanding.
"""

import jax, jax.numpy as jnp
import numpy as np

N = 10000
E = 320000
F_CH = 128
G_CH = 128
H_CH = 128


def setup_inputs(seed: int = 0) -> dict:
    key = jax.random.key(seed)
    ks = jax.random.split(key, 12)
    f = jax.random.normal(ks[0], (N, F_CH), dtype=jnp.float32)
    g = jax.random.normal(ks[1], (N, G_CH), dtype=jnp.float32)
    edge_index = jax.random.randint(ks[2], (2, E), 0, N, dtype=jnp.int32)
    # equi_mlp: Linear(g_channels -> hidden) -> ReLU -> Linear(hidden -> f_channels)
    W1e = jax.random.normal(ks[3], (G_CH, H_CH), dtype=jnp.float32) * (1.0 / np.sqrt(G_CH))
    b1e = jnp.zeros((H_CH,), dtype=jnp.float32)
    W2e = jax.random.normal(ks[4], (H_CH, F_CH), dtype=jnp.float32) * (1.0 / np.sqrt(H_CH))
    b2e = jnp.zeros((F_CH,), dtype=jnp.float32)
    # inv_mlp: Linear(f_channels -> hidden) -> ReLU -> Linear(hidden -> g_channels)
    W1i = jax.random.normal(ks[5], (F_CH, H_CH), dtype=jnp.float32) * (1.0 / np.sqrt(F_CH))
    b1i = jnp.zeros((H_CH,), dtype=jnp.float32)
    W2i = jax.random.normal(ks[6], (H_CH, G_CH), dtype=jnp.float32) * (1.0 / np.sqrt(H_CH))
    b2i = jnp.zeros((G_CH,), dtype=jnp.float32)
    return {"f": f, "g": g, "edge_index": edge_index,
            "W1e": W1e, "b1e": b1e, "W2e": W2e, "b2e": b2e,
            "W1i": W1i, "b1i": b1i, "W2i": W2i, "b2i": b2i}


def _shift(x, edge_index, num_nodes):
    # SimpleConv(aggr='sum', combine_root=None): out[dst] = sum over incoming edges of x[src]
    src = edge_index[0]
    dst = edge_index[1]
    msgs = jnp.take(x, src, axis=0)
    return jax.ops.segment_sum(msgs, dst, num_segments=num_nodes)


def reference(f, g, edge_index, W1e, b1e, W2e, b2e, W1i, b1i, W2i, b2i):
    num_nodes = f.shape[0]
    f_prime = _shift(f, edge_index, num_nodes)
    g_prime = _shift(g, edge_index, num_nodes)
    # equi_mlp(g_prime)
    h_e = jax.nn.relu(g_prime @ W1e + b1e)
    equi = h_e @ W2e + b2e
    # inv_mlp(f_prime)
    h_i = jax.nn.relu(f_prime @ W1i + b1i)
    inv = h_i @ W2i + b2i
    f_n = f + equi
    g_n = g + inv
    return (f_n, g_n)

if __name__ == "__main__":
    import jax
    _d = setup_inputs()
    print(jax.jit(kernel)(*tuple(_d.values())))

</pallas_src>

<mosaic_0001>
#map = affine_map<(d0, d1) -> (0, 0)>
#map1 = affine_map<(d0, d1) -> (0, 0, 0)>
module attributes {stable_mosaic.version = 14 : i64} {
  func.func @_shift_body(%arg0: i32, %arg1: i32, %arg2: memref<10000x128xf32, #tpu.memory_space<hbm>>, %arg3: memref<10000x128xf32, #tpu.memory_space<hbm>>, %arg4: memref<320x16x64xi32, #tpu.memory_space<hbm>>, %arg5: memref<320x16x64xi32, #tpu.memory_space<hbm>>, %arg6: memref<10000x128xf32, #tpu.memory_space<hbm>>, %arg7: memref<10000x128xf32, #tpu.memory_space<hbm>>, %arg8: memref<3x16x64xi32, #tpu.memory_space<vmem>>, %arg9: memref<3x16x64xi32, #tpu.memory_space<vmem>>, %arg10: memref<64x128xf32, #tpu.memory_space<vmem>>, %arg11: memref<64x128xf32, #tpu.memory_space<vmem>>, %arg12: memref<64x128xf32, #tpu.memory_space<vmem>>, %arg13: memref<64x128xf32, #tpu.memory_space<vmem>>, %arg14: memref<10112x128xf32, #tpu.memory_space<vmem_shared>>, %arg15: memref<!tpu.dma_semaphore, #tpu.memory_space<semaphore_mem>>, %arg16: memref<!tpu.dma_semaphore, #tpu.memory_space<semaphore_mem>>, %arg17: memref<!tpu.dma_semaphore, #tpu.memory_space<semaphore_mem>>, %arg18: memref<!tpu.dma_semaphore, #tpu.memory_space<semaphore_mem>>, %arg19: memref<!tpu.dma_semaphore, #tpu.memory_space<semaphore_mem>>, %arg20: memref<!tpu.dma_semaphore, #tpu.memory_space<semaphore_mem>>, %arg21: memref<!tpu.dma_semaphore, #tpu.memory_space<semaphore_mem>>, %arg22: memref<!tpu.dma_semaphore, #tpu.memory_space<semaphore_mem>>, %arg23: memref<!tpu.dma_semaphore, #tpu.memory_space<semaphore_mem>>, %arg24: memref<!tpu.dma_semaphore, #tpu.memory_space<semaphore_mem>>) attributes {dimension_semantics = [#tpu.dimension_semantics<core_parallel>, #tpu.dimension_semantics<subcore_parallel>], iteration_bounds = array<i64: 2, 16>, scalar_prefetch = 0 : i64, scratch_operands = 17 : i64, tpu.core_type = #tpu.core_type<sc_vector_subcore>, window_params = [{transform_indices = #map}, {transform_indices = #map}, {transform_indices = #map1}, {transform_indices = #map1}, {transform_indices = #map}, {transform_indices = #map}]} {
    %scan3A = arith.constant 0 : i32
    %scan3A_0 = arith.constant 64 : i32
    %scan3A_1 = arith.addi %scan3A, %scan3A_0 : i32
    %scan3A_2 = arith.constant 1 : i32
    scf.for %scan3A_31 = %scan3A to %scan3A_1 step %scan3A_2  : i32 {
      %broadcast_in_dim3A = arith.constant 0.000000e+00 : f32
      %broadcast_in_dim3A_32 = vector.broadcast %broadcast_in_dim3A : f32 to vector<16xf32>
      %swap3A = arith.index_cast %scan3A_31 : i32 to index
      %swap3A_33 = arith.constant 0 : index
      %swap3A_34 = tpu.vector_load %arg10[%swap3A, %swap3A_33] {strides = array<i32>} : memref<64x128xf32, #tpu.memory_space<vmem>>, vector<1x16xf32>,
      %swap3A_35 = vector.shape_cast %swap3A_34 : vector<1x16xf32> to vector<16xf32>
      %swap3A_36 = vector.shape_cast %broadcast_in_dim3A_32 : vector<16xf32> to vector<1x16xf32>
      tpu.vector_store %arg10[%swap3A, %swap3A_33], %swap3A_36 {strides = array<i32>} : memref<64x128xf32, #tpu.memory_space<vmem>>, vector<1x16xf32>,
      %broadcast_in_dim3A_37 = arith.constant 0.000000e+00 : f32
      %broadcast_in_dim3A_38 = vector.broadcast %broadcast_in_dim3A_37 : f32 to vector<16xf32>
      %swap3A_39 = arith.index_cast %scan3A_31 : i32 to index
      %swap3A_40 = arith.constant 16 : index
      %swap3A_41 = tpu.vector_load %arg10[%swap3A_39, %swap3A_40] {strides = array<i32>} : memref<64x128xf32, #tpu.memory_space<vmem>>, vector<1x16xf32>,
      %swap3A_42 = vector.shape_cast %swap3A_41 : vector<1x16xf32> to vector<16xf32>
      %swap3A_43 = vector.shape_cast %broadcast_in_dim3A_38 : vector<16xf32> to vector<1x16xf32>
      tpu.vector_store %arg10[%swap3A_39, %swap3A_40], %swap3A_43 {strides = array<i32>} : memref<64x128xf32, #tpu.memory_space<vmem>>, vector<1x16xf32>,
      %broadcast_in_dim3A_44 = arith.constant 0.000000e+00 : f32
      %broadcast_in_dim3A_45 = vector.broadcast %broadcast_in_dim3A_44 : f32 to vector<16xf32>
      %swap3A_46 = arith.index_cast %scan3A_31 : i32 to index
      %swap3A_47 = arith.constant 32 : index
      %swap3A_48 = tpu.vector_load %arg10[%swap3A_46, %swap3A_47] {strides = array<i32>} : memref<64x128xf32, #tpu.memory_space<vmem>>, vector<1x16xf32>,
      %swap3A_49 = vector.shape_cast %swap3A_48 : vector<1x16xf32> to vector<16xf32>
      %swap3A_50 = vector.shape_cast %broadcast_in_dim3A_45 : vector<16xf32> to vector<1x16xf32>
      tpu.vector_store %arg10[%swap3A_46, %swap3A_47], %swap3A_50 {strides = array<i32>} : memref<64x128xf32, #tpu.memory_space<vmem>>, vector<1x16xf32>,
      %broadcast_in_dim3A_51 = arith.constant 0.000000e+00 : f32
      %broadcast_in_dim3A_52 = vector.broadcast %broadcast_in_dim3A_51 : f32 to vector<16xf32>
      %swap3A_53 = arith.index_cast %scan3A_31 : i32 to index
      %swap3A_54 = arith.constant 48 : index
      %swap3A_55 = tpu.vector_load %arg10[%swap3A_53, %swap3A_54] {strides = array<i32>} : memref<64x128xf32, #tpu.memory_space<vmem>>, vector<1x16xf32>,
      %swap3A_56 = vector.shape_cast %swap3A_55 : vector<1x16xf32> to vector<16xf32>
      %swap3A_57 = vector.shape_cast %broadcast_in_dim3A_52 : vector<16xf32> to vector<1x16xf32>
      tpu.vector_store %arg10[%swap3A_53, %swap3A_54], %swap3A_57 {strides = array<i32>} : memref<64x128xf32, #tpu.memory_space<vmem>>, vector<1x16xf32>,
      %broadcast_in_dim3A_58 = arith.constant 0.000000e+00 : f32
      %broadcast_in_dim3A_59 = vector.broadcast %broadcast_in_dim3A_58 : f32 to vector<16xf32>
      %swap3A_60 = arith.index_cast %scan3A_31 : i32 to index
      %swap3A_61 = arith.constant 64 : index
      %swap3A_62 = tpu.vector_load %arg10[%swap3A_60, %swap3A_61] {strides = array<i32>} : memref<64x128xf32, #tpu.memory_space<vmem>>, vector<1x16xf32>,
      %swap3A_63 = vector.shape_cast %swap3A_62 : vector<1x16xf32> to vector<16xf32>
      %swap3A_64 = vector.shape_cast %broadcast_in_dim3A_59 : vector<16xf32> to vector<1x16xf32>
      tpu.vector_store %arg10[%swap3A_60, %swap3A_61], %swap3A_64 {strides = array<i32>} : memref<64x128xf32, #tpu.memory_space<vmem>>, vector<1x16xf32>,
      %broadcast_in_dim3A_65 = arith.constant 0.000000e+00 : f32
      %broadcast_in_dim3A_66 = vector.broadcast %broadcast_in_dim3A_65 : f32 to vector<16xf32>
      %swap3A_67 = arith.index_cast %scan3A_31 : i32 to index
      %swap3A_68 = arith.constant 80 : index
      %swap3A_69 = tpu.vector_load %arg10[%swap3A_67, %swap3A_68] {strides = array<i32>} : memref<64x128xf32, #tpu.memory_space<vmem>>, vector<1x16xf32>,
      %swap3A_70 = vector.shape_cast %swap3A_69 : vector<1x16xf32> to vector<16xf32>
      %swap3A_71 = vector.shape_cast %broadcast_in_dim3A_66 : vector<16xf32> to vector<1x16xf32>
      tpu.vector_store %arg10[%swap3A_67, %swap3A_68], %swap3A_71 {strides = array<i32>} : memref<64x128xf32, #tpu.memory_space<vmem>>, vector<1x16xf32>,
      %broadcast_in_dim3A_72 = arith.constant 0.000000e+00 : f32
      %broadcast_in_dim3A_73 = vector.broadcast %broadcast_in_dim3A_72 : f32 to vector<16xf32>
      %swap3A_74 = arith.index_cast %scan3A_31 : i32 to index
      %swap3A_75 = arith.constant 96 : index
      %swap3A_76 = tpu.vector_load %arg10[%swap3A_74, %swap3A_75] {strides = array<i32>} : memref<64x128xf32, #tpu.memory_space<vmem>>, vector<1x16xf32>,
      %swap3A_77 = vector.shape_cast %swap3A_76 : vector<1x16xf32> to vector<16xf32>
      %swap3A_78 = vector.shape_cast %broadcast_in_dim3A_73 : vector<16xf32> to vector<1x16xf32>
      tpu.vector_store %arg10[%swap3A_74, %swap3A_75], %swap3A_78 {strides = array<i32>} : memref<64x128xf32, #tpu.memory_space<vmem>>, vector<1x16xf32>,
      %broadcast_in_dim3A_79 = arith.constant 0.000000e+00 : f32
      %broadcast_in_dim3A_80 = vector.broadcast %broadcast_in_dim3A_79 : f32 to vector<16xf32>
      %swap3A_81 = arith.index_cast %scan3A_31 : i32 to index
      %swap3A_82 = arith.constant 112 : index
      %swap3A_83 = tpu.vector_load %arg10[%swap3A_81, %swap3A_82] {strides = array<i32>} : memref<64x128xf32, #tpu.memory_space<vmem>>, vector<1x16xf32>,
      %swap3A_84 = vector.shape_cast %swap3A_83 : vector<1x16xf32> to vector<16xf32>
      %swap3A_85 = vector.shape_cast %broadcast_in_dim3A_80 : vector<16xf32> to vector<1x16xf32>
      tpu.vector_store %arg10[%swap3A_81, %swap3A_82], %swap3A_85 {strides = array<i32>} : memref<64x128xf32, #tpu.memory_space<vmem>>, vector<1x16xf32>,
    }
    %scan3A_3 = arith.constant 64 : i32
    %mul3A = arith.constant 632 : i32
    %mul3A_4 = arith.muli %arg1, %mul3A : i32
    %add3A = arith.constant 0 : i32
    %add3A_5 = arith.addi %mul3A_4, %add3A : i32
    "tpu.region"() ({
      %run_scoped3A = tpu.sem_alloc : memref<!tpu.dma_semaphore, #tpu.memory_space<semaphore_mem>>
      %dma_start3A = arith.constant 0 : i32
      %dma_start3A_31 = tpu.memref_slice %arg14[%add3A_5, %dma_start3A] : memref<10112x128xf32, #tpu.memory_space<vmem_shared>> -> memref<64x128xf32, #tpu.memory_space<vmem_shared>>
      %dma_start3A_32 = arith.constant 0 : i32
      %dma_start3A_33 = tpu.memref_slice %arg14[%add3A_5, %dma_start3A_32] : memref<10112x128xf32, #tpu.memory_space<vmem_shared>> -> memref<64x128xf32, #tpu.memory_space<vmem_shared>>
      tpu.enqueue_dma source(%arg10 : memref<64x128xf32, #tpu.memory_space<vmem>>) target(%dma_start3A_33 : memref<64x128xf32, #tpu.memory_space<vmem_shared>>) target_semaphore(%run_scoped3A : memref<!tpu.dma_semaphore, #tpu.memory_space<semaphore_mem>>)
      %dma_wait3A = arith.constant 0 : i32
      %dma_wait3A_34 = tpu.memref_slice %arg14[%add3A_5, %dma_wait3A] : memref<10112x128xf32, #tpu.memory_space<vmem_shared>> -> memref<64x128xf32, #tpu.memory_space<vmem_shared>>
      %dma_wait3A_35 = arith.constant 0 : i32
      %dma_wait3A_36 = tpu.memref_slice %arg14[%add3A_5, %dma_wait3A_35] : memref<10112x128xf32, #tpu.memory_space<vmem_shared>> -> memref<64x128xf32, #tpu.memory_space<vmem_shared>>
      tpu.wait_dma2 semaphore(%run_scoped3A : memref<!tpu.dma_semaphore, #tpu.memory_space<semaphore_mem>>) src(%arg10 : memref<64x128xf32, #tpu.memory_space<vmem>>) dst(%dma_wait3A_36 : memref<64x128xf32, #tpu.memory_space<vmem_shared>>)
      tpu.yield
    }) : () -> ()
    %add3A_6 = arith.constant 64 : i32
    %add3A_7 = arith.addi %mul3A_4, %add3A_6 : i32
    "tpu.region"() ({
      %run_scoped3A = tpu.sem_alloc : memref<!tpu.dma_semaphore, #tpu.memory_space<semaphore_mem>>
      %dma_start3A = arith.constant 0 : i32
      %dma_start3A_31 = tpu.memref_slice %arg14[%add3A_7, %dma_start3A] : memref<10112x128xf32, #tpu.memory_space<vmem_shared>> -> memref<64x128xf32, #tpu.memory_space<vmem_shared>>
      %dma_start3A_32 = arith.constant 0 : i32
      %dma_start3A_33 = tpu.memref_slice %arg14[%add3A_7, %dma_start3A_32] : memref<10112x128xf32, #tpu.memory_space<vmem_shared>> -> memref<64x128xf32, #tpu.memory_space<vmem_shared>>
      tpu.enqueue_dma source(%arg10 : memref<64x128xf32, #tpu.memory_space<vmem>>) target(%dma_start3A_33 : memref<64x128xf32, #tpu.memory_space<vmem_shared>>) target_semaphore(%run_scoped3A : memref<!tpu.dma_semaphore, #tpu.memory_space<semaphore_mem>>)
      %dma_wait3A = arith.constant 0 : i32
      %dma_wait3A_34 = tpu.memref_slice %arg14[%add3A_7, %dma_wait3A] : memref<10112x128xf32, #tpu.memory_space<vmem_shared>> -> memref<64x128xf32, #tpu.memory_space<vmem_shared>>
      %dma_wait3A_35 = arith.constant 0 : i32
      %dma_wait3A_36 = tpu.memref_slice %arg14[%add3A_7, %dma_wait3A_35] : memref<10112x128xf32, #tpu.memory_space<vmem_shared>> -> memref<64x128xf32, #tpu.memory_space<vmem_shared>>
      tpu.wait_dma2 semaphore(%run_scoped3A : memref<!tpu.dma_semaphore, #tpu.memory_space<semaphore_mem>>) src(%arg10 : memref<64x128xf32, #tpu.memory_space<vmem>>) dst(%dma_wait3A_36 : memref<64x128xf32, #tpu.memory_space<vmem_shared>>)
      tpu.yield
    }) : () -> ()
    %add3A_8 = arith.constant 128 : i32
    %add3A_9 = arith.addi %mul3A_4, %add3A_8 : i32
    "tpu.region"() ({
      %run_scoped3A = tpu.sem_alloc : memref<!tpu.dma_semaphore, #tpu.memory_space<semaphore_mem>>
      %dma_start3A = arith.constant 0 : i32
      %dma_start3A_31 = tpu.memref_slice %arg14[%add3A_9, %dma_start3A] : memref<10112x128xf32, #tpu.memory_space<vmem_shared>> -> memref<64x128xf32, #tpu.memory_space<vmem_shared>>
      %dma_start3A_32 = arith.constant 0 : i32
      %dma_start3A_33 = tpu.memref_slice %arg14[%add3A_9, %dma_start3A_32] : memref<10112x128xf32, #tpu.memory_space<vmem_shared>> -> memref<64x128xf32, #tpu.memory_space<vmem_shared>>
      tpu.enqueue_dma source(%arg10 : memref<64x128xf32, #tpu.memory_space<vmem>>) target(%dma_start3A_33 : memref<64x128xf32, #tpu.memory_space<vmem_shared>>) target_semaphore(%run_scoped3A : memref<!tpu.dma_semaphore, #tpu.memory_space<semaphore_mem>>)
      %dma_wait3A = arith.constant 0 : i32
      %dma_wait3A_34 = tpu.memref_slice %arg14[%add3A_9, %dma_wait3A] : memref<10112x128xf32, #tpu.memory_space<vmem_shared>> -> memref<64x128xf32, #tpu.memory_space<vmem_shared>>
      %dma_wait3A_35 = arith.constant 0 : i32
      %dma_wait3A_36 = tpu.memref_slice %arg14[%add3A_9, %dma_wait3A_35] : memref<10112x128xf32, #tpu.memory_space<vmem_shared>> -> memref<64x128xf32, #tpu.memory_space<vmem_shared>>
      tpu.wait_dma2 semaphore(%run_scoped3A : memref<!tpu.dma_semaphore, #tpu.memory_space<semaphore_mem>>) src(%arg10 : memref<64x128xf32, #tpu.memory_space<vmem>>) dst(%dma_wait3A_36 : memref<64x128xf32, #tpu.memory_space<vmem_shared>>)
      tpu.yield
    }) : () -> ()
    %add3A_10 = arith.constant 192 : i32
    %add3A_11 = arith.addi %mul3A_4, %add3A_10 : i32
    "tpu.region"() ({
      %run_scoped3A = tpu.sem_alloc : memref<!tpu.dma_semaphore, #tpu.memory_space<semaphore_mem>>
      %dma_start3A = arith.constant 0 : i32
      %dma_start3A_31 = tpu.memref_slice %arg14[%add3A_11, %dma_start3A] : memref<10112x128xf32, #tpu.memory_space<vmem_shared>> -> memref<64x128xf32, #tpu.memory_space<vmem_shared>>
      %dma_start3A_32 = arith.constant 0 : i32
      %dma_start3A_33 = tpu.memref_slice %arg14[%add3A_11, %dma_start3A_32] : memref<10112x128xf32, #tpu.memory_space<vmem_shared>> -> memref<64x128xf32, #tpu.memory_space<vmem_shared>>
      tpu.enqueue_dma source(%arg10 : memref<64x128xf32, #tpu.memory_space<vmem>>) target(%dma_start3A_33 : memref<64x128xf32, #tpu.memory_space<vmem_shared>>) target_semaphore(%run_scoped3A : memref<!tpu.dma_semaphore, #tpu.memory_space<semaphore_mem>>)
      %dma_wait3A = arith.constant 0 : i32
      %dma_wait3A_34 = tpu.memref_slice %arg14[%add3A_11, %dma_wait3A] : memref<10112x128xf32, #tpu.memory_space<vmem_shared>> -> memref<64x128xf32, #tpu.memory_space<vmem_shared>>
      %dma_wait3A_35 = arith.constant 0 : i32
      %dma_wait3A_36 = tpu.memref_slice %arg14[%add3A_11, %dma_wait3A_35] : memref<10112x128xf32, #tpu.memory_space<vmem_shared>> -> memref<64x128xf32, #tpu.memory_space<vmem_shared>>
      tpu.wait_dma2 semaphore(%run_scoped3A : memref<!tpu.dma_semaphore, #tpu.memory_space<semaphore_mem>>) src(%arg10 : memref<64x128xf32, #tpu.memory_space<vmem>>) dst(%dma_wait3A_36 : memref<64x128xf32, #tpu.memory_space<vmem_shared>>)
      tpu.yield
    }) : () -> ()
    %add3A_12 = arith.constant 256 : i32
    %add3A_13 = arith.addi %mul3A_4, %add3A_12 : i32
    "tpu.region"() ({
      %run_scoped3A = tpu.sem_alloc : memref<!tpu.dma_semaphore, #tpu.memory_space<semaphore_mem>>
      %dma_start3A = arith.constant 0 : i32
      %dma_start3A_31 = tpu.memref_slice %arg14[%add3A_13, %dma_start3A] : memref<10112x128xf32, #tpu.memory_space<vmem_shared>> -> memref<64x128xf32, #tpu.memory_space<vmem_shared>>
      %dma_start3A_32 = arith.constant 0 : i32
      %dma_start3A_33 = tpu.memref_slice %arg14[%add3A_13, %dma_start3A_32] : memref<10112x128xf32, #tpu.memory_space<vmem_shared>> -> memref<64x128xf32, #tpu.memory_space<vmem_shared>>
      tpu.enqueue_dma source(%arg10 : memref<64x128xf32, #tpu.memory_space<vmem>>) target(%dma_start3A_33 : memref<64x128xf32, #tpu.memory_space<vmem_shared>>) target_semaphore(%run_scoped3A : memref<!tpu.dma_semaphore, #tpu.memory_space<semaphore_mem>>)
      %dma_wait3A = arith.constant 0 : i32
      %dma_wait3A_34 = tpu.memref_slice %arg14[%add3A_13, %dma_wait3A] : memref<10112x128xf32, #tpu.memory_space<vmem_shared>> -> memref<64x128xf32, #tpu.memory_space<vmem_shared>>
      %dma_wait3A_35 = arith.constant 0 : i32
      %dma_wait3A_36 = tpu.memref_slice %arg14[%add3A_13, %dma_wait3A_35] : memref<10112x128xf32, #tpu.memory_space<vmem_shared>> -> memref<64x128xf32, #tpu.memory_space<vmem_shared>>
      tpu.wait_dma2 semaphore(%run_scoped3A : memref<!tpu.dma_semaphore, #tpu.memory_space<semaphore_mem>>) src(%arg10 : memref<64x128xf32, #tpu.memory_space<vmem>>) dst(%dma_wait3A_36 : memref<64x128xf32, #tpu.memory_space<vmem_shared>>)
      tpu.yield
    }) : () -> ()
    %add3A_14 = arith.constant 320 : i32
    %add3A_15 = arith.addi %mul3A_4, %add3A_14 : i32
    "tpu.region"() ({
      %run_scoped3A = tpu.sem_alloc : memref<!tpu.dma_semaphore, #tpu.memory_space<semaphore_mem>>
      %dma_start3A = arith.constant 0 : i32
      %dma_start3A_31 = tpu.memref_slice %arg14[%add3A_15, %dma_start3A] : memref<10112x128xf32, #tpu.memory_space<vmem_shared>> -> memref<64x128xf32, #tpu.memory_space<vmem_shared>>
      %dma_start3A_32 = arith.constant 0 : i32
      %dma_start3A_33 = tpu.memref_slice %arg14[%add3A_15, %dma_start3A_32] : memref<10112x128xf32, #tpu.memory_space<vmem_shared>> -> memref<64x128xf32, #tpu.memory_space<vmem_shared>>
      tpu.enqueue_dma source(%arg10 : memref<64x128xf32, #tpu.memory_space<vmem>>) target(%dma_start3A_33 : memref<64x128xf32, #tpu.memory_space<vmem_shared>>) target_semaphore(%run_scoped3A : memref<!tpu.dma_semaphore, #tpu.memory_space<semaphore_mem>>)
      %dma_wait3A = arith.constant 0 : i32
      %dma_wait3A_34 = tpu.memref_slice %arg14[%add3A_15, %dma_wait3A] : memref<10112x128xf32, #tpu.memory_space<vmem_shared>> -> memref<64x128xf32, #tpu.memory_space<vmem_shared>>
      %dma_wait3A_35 = arith.constant 0 : i32
      %dma_wait3A_36 = tpu.memref_slice %arg14[%add3A_15, %dma_wait3A_35] : memref<10112x128xf32, #tpu.memory_space<vmem_shared>> -> memref<64x128xf32, #tpu.memory_space<vmem_shared>>
      tpu.wait_dma2 semaphore(%run_scoped3A : memref<!tpu.dma_semaphore, #tpu.memory_space<semaphore_mem>>) src(%arg10 : memref<64x128xf32, #tpu.memory_space<vmem>>) dst(%dma_wait3A_36 : memref<64x128xf32, #tpu.memory_space<vmem_shared>>)
      tpu.yield
    }) : () -> ()
    %add3A_16 = arith.constant 384 : i32
    %add3A_17 = arith.addi %mul3A_4, %add3A_16 : i32
    "tpu.region"() ({
      %run_scoped3A = tpu.sem_alloc : memref<!tpu.dma_semaphore, #tpu.memory_space<semaphore_mem>>
      %dma_start3A = arith.constant 0 : i32
      %dma_start3A_31 = tpu.memref_slice %arg14[%add3A_17, %dma_start3A] : memref<10112x128xf32, #tpu.memory_space<vmem_shared>> -> memref<64x128xf32, #tpu.memory_space<vmem_shared>>
      %dma_start3A_32 = arith.constant 0 : i32
      %dma_start3A_33 = tpu.memref_slice %arg14[%add3A_17, %dma_start3A_32] : memref<10112x128xf32, #tpu.memory_space<vmem_shared>> -> memref<64x128xf32, #tpu.memory_space<vmem_shared>>
      tpu.enqueue_dma source(%arg10 : memref<64x128xf32, #tpu.memory_space<vmem>>) target(%dma_start3A_33 : memref<64x128xf32, #tpu.memory_space<vmem_shared>>) target_semaphore(%run_scoped3A : memref<!tpu.dma_semaphore, #tpu.memory_space<semaphore_mem>>)
      %dma_wait3A = arith.constant 0 : i32
      %dma_wait3A_34 = tpu.memref_slice %arg14[%add3A_17, %dma_wait3A] : memref<10112x128xf32, #tpu.memory_space<vmem_shared>> -> memref<64x128xf32, #tpu.memory_space<vmem_shared>>
      %dma_wait3A_35 = arith.constant 0 : i32
      %dma_wait3A_36 = tpu.memref_slice %arg14[%add3A_17, %dma_wait3A_35] : memref<10112x128xf32, #tpu.memory_space<vmem_shared>> -> memref<64x128xf32, #tpu.memory_space<vmem_shared>>
      tpu.wait_dma2 semaphore(%run_scoped3A : memref<!tpu.dma_semaphore, #tpu.memory_space<semaphore_mem>>) src(%arg10 : memref<64x128xf32, #tpu.memory_space<vmem>>) dst(%dma_wait3A_36 : memref<64x128xf32, #tpu.memory_space<vmem_shared>>)
      tpu.yield
    }) : () -> ()
    %add3A_18 = arith.constant 448 : i32
    %add3A_19 = arith.addi %mul3A_4, %add3A_18 : i32
    "tpu.region"() ({
      %run_scoped3A = tpu.sem_alloc : memref<!tpu.dma_semaphore, #tpu.memory_space<semaphore_mem>>
      %dma_start3A = arith.constant 0 : i32
      %dma_start3A_31 = tpu.memref_slice %arg14[%add3A_19, %dma_start3A] : memref<10112x128xf32, #tpu.memory_space<vmem_shared>> -> memref<64x128xf32, #tpu.memory_space<vmem_shared>>
      %dma_start3A_32 = arith.constant 0 : i32
      %dma_start3A_33 = tpu.memref_slice %arg14[%add3A_19, %dma_start3A_32] : memref<10112x128xf32, #tpu.memory_space<vmem_shared>> -> memref<64x128xf32, #tpu.memory_space<vmem_shared>>
      tpu.enqueue_dma source(%arg10 : memref<64x128xf32, #tpu.memory_space<vmem>>) target(%dma_start3A_33 : memref<64x128xf32, #tpu.memory_space<vmem_shared>>) target_semaphore(%run_scoped3A : memref<!tpu.dma_semaphore, #tpu.memory_space<semaphore_mem>>)
      %dma_wait3A = arith.constant 0 : i32
      %dma_wait3A_34 = tpu.memref_slice %arg14[%add3A_19, %dma_wait3A] : memref<10112x128xf32, #tpu.memory_space<vmem_shared>> -> memref<64x128xf32, #tpu.memory_space<vmem_shared>>
      %dma_wait3A_35 = arith.constant 0 : i32
      %dma_wait3A_36 = tpu.memref_slice %arg14[%add3A_19, %dma_wait3A_35] : memref<10112x128xf32, #tpu.memory_space<vmem_shared>> -> memref<64x128xf32, #tpu.memory_space<vmem_shared>>
      tpu.wait_dma2 semaphore(%run_scoped3A : memref<!tpu.dma_semaphore, #tpu.memory_space<semaphore_mem>>) src(%arg10 : memref<64x128xf32, #tpu.memory_space<vmem>>) dst(%dma_wait3A_36 : memref<64x128xf32, #tpu.memory_space<vmem_shared>>)
      tpu.yield
    }) : () -> ()
    %add3A_20 = arith.constant 512 : i32
    %add3A_21 = arith.addi %mul3A_4, %add3A_20 : i32
    "tpu.region"() ({
      %run_scoped3A = tpu.sem_alloc : memref<!tpu.dma_semaphore, #tpu.memory_space<semaphore_mem>>
      %dma_start3A = arith.constant 0 : i32
      %dma_start3A_31 = tpu.memref_slice %arg14[%add3A_21, %dma_start3A] : memref<10112x128xf32, #tpu.memory_space<vmem_shared>> -> memref<64x128xf32, #tpu.memory_space<vmem_shared>>
      %dma_start3A_32 = arith.constant 0 : i32
      %dma_start3A_33 = tpu.memref_slice %arg14[%add3A_21, %dma_start3A_32] : memref<10112x128xf32, #tpu.memory_space<vmem_shared>> -> memref<64x128xf32, #tpu.memory_space<vmem_shared>>
      tpu.enqueue_dma source(%arg10 : memref<64x128xf32, #tpu.memory_space<vmem>>) target(%dma_start3A_33 : memref<64x128xf32, #tpu.memory_space<vmem_shared>>) target_semaphore(%run_scoped3A : memref<!tpu.dma_semaphore, #tpu.memory_space<semaphore_mem>>)
      %dma_wait3A = arith.constant 0 : i32
      %dma_wait3A_34 = tpu.memref_slice %arg14[%add3A_21, %dma_wait3A] : memref<10112x128xf32, #tpu.memory_space<vmem_shared>> -> memref<64x128xf32, #tpu.memory_space<vmem_shared>>
      %dma_wait3A_35 = arith.constant 0 : i32
      %dma_wait3A_36 = tpu.memref_slice %arg14[%add3A_21, %dma_wait3A_35] : memref<10112x128xf32, #tpu.memory_space<vmem_shared>> -> memref<64x128xf32, #tpu.memory_space<vmem_shared>>
      tpu.wait_dma2 semaphore(%run_scoped3A : memref<!tpu.dma_semaphore, #tpu.memory_space<semaphore_mem>>) src(%arg10 : memref<64x128xf32, #tpu.memory_space<vmem>>) dst(%dma_wait3A_36 : memref<64x128xf32, #tpu.memory_space<vmem_shared>>)
      tpu.yield
    }) : () -> ()
    %add3A_22 = arith.constant 576 : i32
    %add3A_23 = arith.addi %mul3A_4, %add3A_22 : i32
    "tpu.region"() ({
      %run_scoped3A = tpu.sem_alloc : memref<!tpu.dma_semaphore, #tpu.memory_space<semaphore_mem>>
      %dma_start3A = arith.constant 0 : i32
      %dma_start3A_31 = arith.constant 0 : i32
      %dma_start3A_32 = tpu.memref_slice %arg10[%dma_start3A, %dma_start3A_31] : memref<64x128xf32, #tpu.memory_space<vmem>> -> memref<56x128xf32, #tpu.memory_space<vmem>>
      %dma_start3A_33 = arith.constant 0 : i32
      %dma_start3A_34 = tpu.memref_slice %arg14[%add3A_23, %dma_start3A_33] : memref<10112x128xf32, #tpu.memory_space<vmem_shared>> -> memref<56x128xf32, #tpu.memory_space<vmem_shared>>
      %dma_start3A_35 = arith.constant 0 : i32
      %dma_start3A_36 = tpu.memref_slice %arg14[%add3A_23, %dma_start3A_35] : memref<10112x128xf32, #tpu.memory_space<vmem_shared>> -> memref<56x128xf32, #tpu.memory_space<vmem_shared>>
      %dma_start3A_37 = arith.constant 0 : i32
      %dma_start3A_38 = arith.constant 0 : i32
      %dma_start3A_39 = tpu.memref_slice %arg10[%dma_start3A_37, %dma_start3A_38] : memref<64x128xf32, #tpu.memory_space<vmem>> -> memref<56x128xf32, #tpu.memory_space<vmem>>
      tpu.enqueue_dma source(%dma_start3A_39 : memref<56x128xf32, #tpu.memory_space<vmem>>) target(%dma_start3A_36 : memref<56x128xf32, #tpu.memory_space<vmem_shared>>) target_semaphore(%run_scoped3A : memref<!tpu.dma_semaphore, #tpu.memory_space<semaphore_mem>>)
      %dma_wait3A = arith.constant 0 : i32
      %dma_wait3A_40 = arith.constant 0 : i32
      %dma_wait3A_41 = tpu.memref_slice %arg10[%dma_wait3A, %dma_wait3A_40] : memref<64x128xf32, #tpu.memory_space<vmem>> -> memref<56x128xf32, #tpu.memory_space<vmem>>
      %dma_wait3A_42 = arith.constant 0 : i32
      %dma_wait3A_43 = tpu.memref_slice %arg14[%add3A_23, %dma_wait3A_42] : memref<10112x128xf32, #tpu.memory_space<vmem_shared>> -> memref<56x128xf32, #tpu.memory_space<vmem_shared>>
      %dma_wait3A_44 = arith.constant 0 : i32
      %dma_wait3A_45 = tpu.memref_slice %arg14[%add3A_23, %dma_wait3A_44] : memref<10112x128xf32, #tpu.memory_space<vmem_shared>> -> memref<56x128xf32, #tpu.memory_space<vmem_shared>>
      %dma_wait3A_46 = arith.constant 0 : i32
      %dma_wait3A_47 = arith.constant 0 : i32
      %dma_wait3A_48 = tpu.memref_slice %arg10[%dma_wait3A_46, %dma_wait3A_47] : memref<64x128xf32, #tpu.memory_space<vmem>> -> memref<56x128xf32, #tpu.memory_space<vmem>>
      tpu.wait_dma2 semaphore(%run_scoped3A : memref<!tpu.dma_semaphore, #tpu.memory_space<semaphore_mem>>) src(%dma_wait3A_48 : memref<56x128xf32, #tpu.memory_space<vmem>>) dst(%dma_wait3A_45 : memref<56x128xf32, #tpu.memory_space<vmem_shared>>)
      tpu.yield
    }) : () -> ()
    %barrier3A = arith.constant 0 : index
    tpu.barrier barrier_id(%barrier3A)
    %eq3A = arith.constant 0 : i32
    %eq3A_24 = arith.cmpi eq, %arg0, %eq3A : i32
    %convert_element_type3A = arith.extui %eq3A_24 : i1 to i32
    %cond3A = arith.constant 0 : i32
    %cond3A_25 = arith.cmpi ne, %convert_element_type3A, %cond3A : i32
    scf.if %cond3A_25 {
      %mul3A_31 = arith.constant 20 : i32
      %mul3A_32 = arith.muli %arg1, %mul3A_31 : i32
      %run_scoped3A = arith.constant 0 : i32
      "tpu.region"() ({
        %run_scoped3A_139 = tpu.sem_alloc : memref<!tpu.dma_semaphore, #tpu.memory_space<semaphore_mem>>
        %dma_start3A_140 = arith.constant 0 : i32
        %dma_start3A_141 = arith.constant 0 : i32
        %dma_start3A_142 = tpu.memref_slice %arg8[%run_scoped3A, %dma_start3A_140, %dma_start3A_141] : memref<3x16x64xi32, #tpu.memory_space<vmem>> -> memref<1x16x64xi32, #tpu.memory_space<vmem>>
        %dma_start3A_143 = tpu.memref_squeeze %dma_start3A_142 : memref<1x16x64xi32, #tpu.memory_space<vmem>> -> memref<16x64xi32, #tpu.memory_space<vmem>>
        %dma_start3A_144 = arith.constant 0 : i32
        %dma_start3A_145 = arith.constant 0 : i32
        %dma_start3A_146 = tpu.memref_slice %arg4[%mul3A_32, %dma_start3A_144, %dma_start3A_145] : memref<320x16x64xi32, #tpu.memory_space<hbm>> -> memref<1x16x64xi32, #tpu.memory_space<hbm>>
        %dma_start3A_147 = tpu.memref_squeeze %dma_start3A_146 : memref<1x16x64xi32, #tpu.memory_space<hbm>> -> memref<16x64xi32, #tpu.memory_space<hbm>>
        %dma_start3A_148 = arith.constant 0 : i32
        %dma_start3A_149 = arith.constant 0 : i32
        %dma_start3A_150 = tpu.memref_slice %arg8[%run_scoped3A, %dma_start3A_148, %dma_start3A_149] : memref<3x16x64xi32, #tpu.memory_space<vmem>> -> memref<1x16x64xi32, #tpu.memory_space<vmem>>
        %dma_start3A_151 = tpu.memref_squeeze %dma_start3A_150 : memref<1x16x64xi32, #tpu.memory_space<vmem>> -> memref<16x64xi32, #tpu.memory_space<vmem>>
        %dma_start3A_152 = arith.constant 0 : i32
        %dma_start3A_153 = arith.constant 0 : i32
        %dma_start3A_154 = tpu.memref_slice %arg4[%mul3A_32, %dma_start3A_152, %dma_start3A_153] : memref<320x16x64xi32, #tpu.memory_space<hbm>> -> memref<1x16x64xi32, #tpu.memory_space<hbm>>
        %dma_start3A_155 = tpu.memref_squeeze %dma_start3A_154 : memref<1x16x64xi32, #tpu.memory_space<hbm>> -> memref<16x64xi32, #tpu.memory_space<hbm>>
        tpu.enqueue_dma source(%dma_start3A_155 : memref<16x64xi32, #tpu.memory_space<hbm>>) target(%dma_start3A_151 : memref<16x64xi32, #tpu.memory_space<vmem>>) target_semaphore(%run_scoped3A_139 : memref<!tpu.dma_semaphore, #tpu.memory_space<semaphore_mem>>)
        %dma_wait3A_156 = arith.constant 0 : i32
        %dma_wait3A_157 = arith.constant 0 : i32
        %dma_wait3A_158 = tpu.memref_slice %arg8[%run_scoped3A, %dma_wait3A_156, %dma_wait3A_157] : memref<3x16x64xi32, #tpu.memory_space<vmem>> -> memref<1x16x64xi32, #tpu.memory_space<vmem>>
        %dma_wait3A_159 = tpu.memref_squeeze %dma_wait3A_158 : memref<1x16x64xi32, #tpu.memory_space<vmem>> -> memref<16x64xi32, #tpu.memory_space<vmem>>
        %dma_wait3A_160 = arith.constant 0 : i32
        %dma_wait3A_161 = arith.constant 0 : i32
        %dma_wait3A_162 = tpu.memref_slice %arg4[%mul3A_32, %dma_wait3A_160, %dma_wait3A_161] : memref<320x16x64xi32, #tpu.memory_space<hbm>> -> memref<1x16x64xi32, #tpu.memory_space<hbm>>
        %dma_wait3A_163 = tpu.memref_squeeze %dma_wait3A_162 : memref<1x16x64xi32, #tpu.memory_space<hbm>> -> memref<16x64xi32, #tpu.memory_space<hbm>>
        %dma_wait3A_164 = arith.constant 0 : i32
        %dma_wait3A_165 = arith.constant 0 : i32
        %dma_wait3A_166 = tpu.memref_slice %arg8[%run_scoped3A, %dma_wait3A_164, %dma_wait3A_165] : memref<3x16x64xi32, #tpu.memory_space<vmem>> -> memref<1x16x64xi32, #tpu.memory_space<vmem>>
        %dma_wait3A_167 = tpu.memref_squeeze %dma_wait3A_166 : memref<1x16x64xi32, #tpu.memory_space<vmem>> -> memref<16x64xi32, #tpu.memory_space<vmem>>
        %dma_wait3A_168 = arith.constant 0 : i32
        %dma_wait3A_169 = arith.constant 0 : i32
        %dma_wait3A_170 = tpu.memref_slice %arg4[%mul3A_32, %dma_wait3A_168, %dma_wait3A_169] : memref<320x16x64xi32, #tpu.memory_space<hbm>> -> memref<1x16x64xi32, #tpu.memory_space<hbm>>
        %dma_wait3A_171 = tpu.memref_squeeze %dma_wait3A_170 : memref<1x16x64xi32, #tpu.memory_space<hbm>> -> memref<16x64xi32, #tpu.memory_space<hbm>>
        tpu.wait_dma2 semaphore(%run_scoped3A_139 : memref<!tpu.dma_semaphore, #tpu.memory_space<semaphore_mem>>) src(%dma_wait3A_171 : memref<16x64xi32, #tpu.memory_space<hbm>>) dst(%dma_wait3A_167 : memref<16x64xi32, #tpu.memory_space<vmem>>)
        tpu.yield
      }) : () -> ()
      %run_scoped3A_33 = arith.constant 0 : i32
      "tpu.region"() ({
        %run_scoped3A_139 = tpu.sem_alloc : memref<!tpu.dma_semaphore, #tpu.memory_space<semaphore_mem>>
        %dma_start3A_140 = arith.constant 0 : i32
        %dma_start3A_141 = arith.constant 0 : i32
        %dma_start3A_142 = tpu.memref_slice %arg9[%run_scoped3A_33, %dma_start3A_140, %dma_start3A_141] : memref<3x16x64xi32, #tpu.memory_space<vmem>> -> memref<1x16x64xi32, #tpu.memory_space<vmem>>
        %dma_start3A_143 = tpu.memref_squeeze %dma_start3A_142 : memref<1x16x64xi32, #tpu.memory_space<vmem>> -> memref<16x64xi32, #tpu.memory_space<vmem>>
        %dma_start3A_144 = arith.constant 0 : i32
        %dma_start3A_145 = arith.constant 0 : i32
        %dma_start3A_146 = tpu.memref_slice %arg5[%mul3A_32, %dma_start3A_144, %dma_start3A_145] : memref<320x16x64xi32, #tpu.memory_space<hbm>> -> memref<1x16x64xi32, #tpu.memory_space<hbm>>
        %dma_start3A_147 = tpu.memref_squeeze %dma_start3A_146 : memref<1x16x64xi32, #tpu.memory_space<hbm>> -> memref<16x64xi32, #tpu.memory_space<hbm>>
        %dma_start3A_148 = arith.constant 0 : i32
        %dma_start3A_149 = arith.constant 0 : i32
        %dma_start3A_150 = tpu.memref_slice %arg9[%run_scoped3A_33, %dma_start3A_148, %dma_start3A_149] : memref<3x16x64xi32, #tpu.memory_space<vmem>> -> memref<1x16x64xi32, #tpu.memory_space<vmem>>
        %dma_start3A_151 = tpu.memref_squeeze %dma_start3A_150 : memref<1x16x64xi32, #tpu.memory_space<vmem>> -> memref<16x64xi32, #tpu.memory_space<vmem>>
        %dma_start3A_152 = arith.constant 0 : i32
        %dma_start3A_153 = arith.constant 0 : i32
        %dma_start3A_154 = tpu.memref_slice %arg5[%mul3A_32, %dma_start3A_152, %dma_start3A_153] : memref<320x16x64xi32, #tpu.memory_space<hbm>> -> memref<1x16x64xi32, #tpu.memory_space<hbm>>
        %dma_start3A_155 = tpu.memref_squeeze %dma_start3A_154 : memref<1x16x64xi32, #tpu.memory_space<hbm>> -> memref<16x64xi32, #tpu.memory_space<hbm>>
        tpu.enqueue_dma source(%dma_start3A_155 : memref<16x64xi32, #tpu.memory_space<hbm>>) target(%dma_start3A_151 : memref<16x64xi32, #tpu.memory_space<vmem>>) target_semaphore(%run_scoped3A_139 : memref<!tpu.dma_semaphore, #tpu.memory_space<semaphore_mem>>)
        %dma_wait3A_156 = arith.constant 0 : i32
        %dma_wait3A_157 = arith.constant 0 : i32
        %dma_wait3A_158 = tpu.memref_slice %arg9[%run_scoped3A_33, %dma_wait3A_156, %dma_wait3A_157] : memref<3x16x64xi32, #tpu.memory_space<vmem>> -> memref<1x16x64xi32, #tpu.memory_space<vmem>>
        %dma_wait3A_159 = tpu.memref_squeeze %dma_wait3A_158 : memref<1x16x64xi32, #tpu.memory_space<vmem>> -> memref<16x64xi32, #tpu.memory_space<vmem>>
        %dma_wait3A_160 = arith.constant 0 : i32
        %dma_wait3A_161 = arith.constant 0 : i32
        %dma_wait3A_162 = tpu.memref_slice %arg5[%mul3A_32, %dma_wait3A_160, %dma_wait3A_161] : memref<320x16x64xi32, #tpu.memory_space<hbm>> -> memref<1x16x64xi32, #tpu.memory_space<hbm>>
        %dma_wait3A_163 = tpu.memref_squeeze %dma_wait3A_162 : memref<1x16x64xi32, #tpu.memory_space<hbm>> -> memref<16x64xi32, #tpu.memory_space<hbm>>
        %dma_wait3A_164 = arith.constant 0 : i32
        %dma_wait3A_165 = arith.constant 0 : i32
        %dma_wait3A_166 = tpu.memref_slice %arg9[%run_scoped3A_33, %dma_wait3A_164, %dma_wait3A_165] : memref<3x16x64xi32, #tpu.memory_space<vmem>> -> memref<1x16x64xi32, #tpu.memory_space<vmem>>
        %dma_wait3A_167 = tpu.memref_squeeze %dma_wait3A_166 : memref<1x16x64xi32, #tpu.memory_space<vmem>> -> memref<16x64xi32, #tpu.memory_space<vmem>>
        %dma_wait3A_168 = arith.constant 0 : i32
        %dma_wait3A_169 = arith.constant 0 : i32
        %dma_wait3A_170 = tpu.memref_slice %arg5[%mul3A_32, %dma_wait3A_168, %dma_wait3A_169] : memref<320x16x64xi32, #tpu.memory_space<hbm>> -> memref<1x16x64xi32, #tpu.memory_space<hbm>>
        %dma_wait3A_171 = tpu.memref_squeeze %dma_wait3A_170 : memref<1x16x64xi32, #tpu.memory_space<hbm>> -> memref<16x64xi32, #tpu.memory_space<hbm>>
        tpu.wait_dma2 semaphore(%run_scoped3A_139 : memref<!tpu.dma_semaphore, #tpu.memory_space<semaphore_mem>>) src(%dma_wait3A_171 : memref<16x64xi32, #tpu.memory_space<hbm>>) dst(%dma_wait3A_167 : memref<16x64xi32, #tpu.memory_space<vmem>>)
        tpu.yield
      }) : () -> ()
      %add3A_34 = arith.constant 1 : i32
      %add3A_35 = arith.addi %mul3A_32, %add3A_34 : i32
      %dma_start3A = arith.constant 1 : i32
      %dma_start3A_36 = arith.constant 0 : i32
      %dma_start3A_37 = arith.constant 0 : i32
      %dma_start3A_38 = tpu.memref_slice %arg8[%dma_start3A, %dma_start3A_36, %dma_start3A_37] : memref<3x16x64xi32, #tpu.memory_space<vmem>> -> memref<1x16x64xi32, #tpu.memory_space<vmem>>
      %dma_start3A_39 = tpu.memref_squeeze %dma_start3A_38 : memref<1x16x64xi32, #tpu.memory_space<vmem>> -> memref<16x64xi32, #tpu.memory_space<vmem>>
      %dma_start3A_40 = arith.constant 0 : i32
      %dma_start3A_41 = arith.constant 0 : i32
      %dma_start3A_42 = tpu.memref_slice %arg4[%add3A_35, %dma_start3A_40, %dma_start3A_41] : memref<320x16x64xi32, #tpu.memory_space<hbm>> -> memref<1x16x64xi32, #tpu.memory_space<hbm>>
      %dma_start3A_43 = tpu.memref_squeeze %dma_start3A_42 : memref<1x16x64xi32, #tpu.memory_space<hbm>> -> memref<16x64xi32, #tpu.memory_space<hbm>>
      %dma_start3A_44 = arith.constant 0 : i32
      %dma_start3A_45 = arith.constant 0 : i32
      %dma_start3A_46 = tpu.memref_slice %arg8[%dma_start3A, %dma_start3A_44, %dma_start3A_45] : memref<3x16x64xi32, #tpu.memory_space<vmem>> -> memref<1x16x64xi32, #tpu.memory_space<vmem>>
      %dma_start3A_47 = tpu.memref_squeeze %dma_start3A_46 : memref<1x16x64xi32, #tpu.memory_space<vmem>> -> memref<16x64xi32, #tpu.memory_space<vmem>>
      %dma_start3A_48 = arith.constant 0 : i32
      %dma_start3A_49 = arith.constant 0 : i32
      %dma_start3A_50 = tpu.memref_slice %arg4[%add3A_35, %dma_start3A_48, %dma_start3A_49] : memref<320x16x64xi32, #tpu.memory_space<hbm>> -> memref<1x16x64xi32, #tpu.memory_space<hbm>>
      %dma_start3A_51 = tpu.memref_squeeze %dma_start3A_50 : memref<1x16x64xi32, #tpu.memory_space<hbm>> -> memref<16x64xi32, #tpu.memory_space<hbm>>
      tpu.enqueue_dma source(%dma_start3A_51 : memref<16x64xi32, #tpu.memory_space<hbm>>) target(%dma_start3A_47 : memref<16x64xi32, #tpu.memory_space<vmem>>) target_semaphore(%arg15 : memref<!tpu.dma_semaphore, #tpu.memory_space<semaphore_mem>>)
      %add3A_52 = arith.constant 1 : i32
      %add3A_53 = arith.addi %mul3A_32, %add3A_52 : i32
      %dma_start3A_54 = arith.constant 1 : i32
      %dma_start3A_55 = arith.constant 0 : i32
      %dma_start3A_56 = arith.constant 0 : i32
      %dma_start3A_57 = tpu.memref_slice %arg9[%dma_start3A_54, %dma_start3A_55, %dma_start3A_56] : memref<3x16x64xi32, #tpu.memory_space<vmem>> -> memref<1x16x64xi32, #tpu.memory_space<vmem>>
      %dma_start3A_58 = tpu.memref_squeeze %dma_start3A_57 : memref<1x16x64xi32, #tpu.memory_space<vmem>> -> memref<16x64xi32, #tpu.memory_space<vmem>>
      %dma_start3A_59 = arith.constant 0 : i32
      %dma_start3A_60 = arith.constant 0 : i32
      %dma_start3A_61 = tpu.memref_slice %arg5[%add3A_53, %dma_start3A_59, %dma_start3A_60] : memref<320x16x64xi32, #tpu.memory_space<hbm>> -> memref<1x16x64xi32, #tpu.memory_space<hbm>>
      %dma_start3A_62 = tpu.memref_squeeze %dma_start3A_61 : memref<1x16x64xi32, #tpu.memory_space<hbm>> -> memref<16x64xi32, #tpu.memory_space<hbm>>
      %dma_start3A_63 = arith.constant 0 : i32
      %dma_start3A_64 = arith.constant 0 : i32
      %dma_start3A_65 = tpu.memref_slice %arg9[%dma_start3A_54, %dma_start3A_63, %dma_start3A_64] : memref<3x16x64xi32, #tpu.memory_space<vmem>> -> memref<1x16x64xi32, #tpu.memory_space<vmem>>
      %dma_start3A_66 = tpu.memref_squeeze %dma_start3A_65 : memref<1x16x64xi32, #tpu.memory_space<vmem>> -> memref<16x64xi32, #tpu.memory_space<vmem>>
      %dma_start3A_67 = arith.constant 0 : i32
      %dma_start3A_68 = arith.constant 0 : i32
      %dma_start3A_69 = tpu.memref_slice %arg5[%add3A_53, %dma_start3A_67, %dma_start3A_68] : memref<320x16x64xi32, #tpu.memory_space<hbm>> -> memref<1x16x64xi32, #tpu.memory_space<hbm>>
      %dma_start3A_70 = tpu.memref_squeeze %dma_start3A_69 : memref<1x16x64xi32, #tpu.memory_space<hbm>> -> memref<16x64xi32, #tpu.memory_space<hbm>>
      tpu.enqueue_dma source(%dma_start3A_70 : memref<16x64xi32, #tpu.memory_space<hbm>>) target(%dma_start3A_66 : memref<16x64xi32, #tpu.memory_space<vmem>>) target_semaphore(%arg16 : memref<!tpu.dma_semaphore, #tpu.memory_space<semaphore_mem>>)
      %dma_start3A_71 = arith.constant 0 : i32
      %dma_start3A_72 = arith.constant 0 : i32
      %dma_start3A_73 = arith.constant 0 : i32
      %dma_start3A_74 = tpu.memref_slice %arg8[%dma_start3A_71, %dma_start3A_72, %dma_start3A_73] : memref<3x16x64xi32, #tpu.memory_space<vmem>> -> memref<1x1x64xi32, #tpu.memory_space<vmem>>
      %dma_start3A_75 = tpu.memref_squeeze %dma_start3A_74 : memref<1x1x64xi32, #tpu.memory_space<vmem>> -> memref<64xi32, #tpu.memory_space<vmem>>
      %dma_start3A_76 = arith.constant 0 : i32
      %dma_start3A_77 = arith.constant 0 : i32
      %dma_start3A_78 = tpu.memref_slice %arg2[%dma_start3A_76, %dma_start3A_77] : memref<10000x128xf32, #tpu.memory_space<hbm>> -> memref<10000x128xf32, #tpu.memory_space<hbm>>
      tpu.enqueue_indirect_dma source(%dma_start3A_78 : memref<10000x128xf32, #tpu.memory_space<hbm>>) target(%arg10 : memref<64x128xf32, #tpu.memory_space<vmem>>) offsets(%dma_start3A_75 : memref<64xi32, #tpu.memory_space<vmem>>) semaphore(%arg17 : memref<!tpu.dma_semaphore, #tpu.memory_space<semaphore_mem>>)
      %dma_start3A_79 = arith.constant 0 : i32
      %dma_start3A_80 = arith.constant 1 : i32
      %dma_start3A_81 = arith.constant 0 : i32
      %dma_start3A_82 = tpu.memref_slice %arg8[%dma_start3A_79, %dma_start3A_80, %dma_start3A_81] : memref<3x16x64xi32, #tpu.memory_space<vmem>> -> memref<1x1x64xi32, #tpu.memory_space<vmem>>
      %dma_start3A_83 = tpu.memref_squeeze %dma_start3A_82 : memref<1x1x64xi32, #tpu.memory_space<vmem>> -> memref<64xi32, #tpu.memory_space<vmem>>
      %dma_start3A_84 = arith.constant 0 : i32
      %dma_start3A_85 = arith.constant 0 : i32
      %dma_start3A_86 = tpu.memref_slice %arg2[%dma_start3A_84, %dma_start3A_85] : memref<10000x128xf32, #tpu.memory_space<hbm>> -> memref<10000x128xf32, #tpu.memory_space<hbm>>
      tpu.enqueue_indirect_dma source(%dma_start3A_86 : memref<10000x128xf32, #tpu.memory_space<hbm>>) target(%arg11 : memref<64x128xf32, #tpu.memory_space<vmem>>) offsets(%dma_start3A_83 : memref<64xi32, #tpu.memory_space<vmem>>) semaphore(%arg18 : memref<!tpu.dma_semaphore, #tpu.memory_space<semaphore_mem>>)
      %dma_start3A_87 = arith.constant 0 : i32
      %dma_start3A_88 = arith.constant 2 : i32
      %dma_start3A_89 = arith.constant 0 : i32
      %dma_start3A_90 = tpu.memref_slice %arg8[%dma_start3A_87, %dma_start3A_88, %dma_start3A_89] : memref<3x16x64xi32, #tpu.memory_space<vmem>> -> memref<1x1x64xi32, #tpu.memory_space<vmem>>
      %dma_start3A_91 = tpu.memref_squeeze %dma_start3A_90 : memref<1x1x64xi32, #tpu.memory_space<vmem>> -> memref<64xi32, #tpu.memory_space<vmem>>
      %dma_start3A_92 = arith.constant 0 : i32
      %dma_start3A_93 = arith.constant 0 : i32
      %dma_start3A_94 = tpu.memref_slice %arg2[%dma_start3A_92, %dma_start3A_93] : memref<10000x128xf32, #tpu.memory_space<hbm>> -> memref<10000x128xf32, #tpu.memory_space<hbm>>
      tpu.enqueue_indirect_dma source(%dma_start3A_94 : memref<10000x128xf32, #tpu.memory_space<hbm>>) target(%arg12 : memref<64x128xf32, #tpu.memory_space<vmem>>) offsets(%dma_start3A_91 : memref<64xi32, #tpu.memory_space<vmem>>) semaphore(%arg19 : memref<!tpu.dma_semaphore, #tpu.memory_space<semaphore_mem>>)
      %scan3A_95 = arith.constant 0 : i32
      %scan3A_96 = arith.constant 80 : i32
      %scan3A_97 = arith.addi %scan3A_95, %scan3A_96 : i32
      %scan3A_98 = arith.constant 1 : i32
      scf.for %scan3A_139 = %scan3A_95 to %scan3A_97 step %scan3A_98  : i32 {
        %mul3A_140 = arith.constant 4 : i32
        %mul3A_141 = arith.muli %scan3A_139, %mul3A_140 : i32
        %add3A_142 = arith.constant 0 : i32
        %add3A_143 = arith.addi %mul3A_141, %add3A_142 : i32
        %add3A_144 = arith.constant 3 : i32
        %add3A_145 = arith.addi %add3A_143, %add3A_144 : i32
        %lt3A = arith.constant 320 : i32
        %lt3A_146 = arith.cmpi slt, %add3A_145, %lt3A : i32
        %convert_element_type3A_147 = arith.extui %lt3A_146 : i1 to i32
        %cond3A_148 = arith.constant 0 : i32
        %cond3A_149 = arith.cmpi ne, %convert_element_type3A_147, %cond3A_148 : i32
        scf.if %cond3A_149 {
          %jit3A_455 = arith.constant 16 : i32
          %eq3A_456 = arith.constant 0 : i32
          %eq3A_457 = arith.cmpi eq, %jit3A_455, %eq3A_456 : i32
          %jit3A_458 = arith.constant 1 : i32
          %select_n3A_459 = arith.select %eq3A_457, %jit3A_458, %jit3A_455 : i32
          %rem3A_460 = arith.remsi %add3A_145, %select_n3A_459 : i32
          %ne3A_461 = arith.constant 0 : i32
          %ne3A_462 = arith.cmpi ne, %rem3A_460, %ne3A_461 : i32
          %lt3A_463 = arith.constant 0 : i32
          %lt3A_464 = arith.cmpi slt, %rem3A_460, %lt3A_463 : i32
          %lt3A_465 = arith.constant 0 : i32
          %lt3A_466 = arith.cmpi slt, %select_n3A_459, %lt3A_465 : i32
          %ne3A_467 = arith.xori %lt3A_464, %lt3A_466 : i1
          %and3A_468 = arith.andi %ne3A_467, %ne3A_462 : i1
          %add3A_469 = arith.addi %rem3A_460, %select_n3A_459 : i32
          %select_n3A_470 = arith.select %and3A_468, %add3A_469, %rem3A_460 : i32
          %eq3A_471 = arith.constant 0 : i32
          %eq3A_472 = arith.cmpi eq, %select_n3A_470, %eq3A_471 : i32
          %convert_element_type3A_473 = arith.extui %eq3A_472 : i1 to i32
          %cond3A_474 = arith.constant 0 : i32
          %cond3A_475 = arith.cmpi ne, %convert_element_type3A_473, %cond3A_474 : i32
          scf.if %cond3A_475 {
            %jit3A_542 = arith.constant 16 : i32
            %div3A_543 = arith.divsi %add3A_145, %jit3A_542 : i32
            %sign3A_544 = arith.constant 0 : i32
            %sign3A_545 = arith.cmpi sgt, %add3A_145, %sign3A_544 : i32
            %sign3A_546 = arith.extui %sign3A_545 : i1 to i32
            %sign3A_547 = arith.constant 0 : i32
            %sign3A_548 = arith.cmpi slt, %add3A_145, %sign3A_547 : i32
            %sign3A_549 = arith.extui %sign3A_548 : i1 to i32
            %sign3A_550 = arith.subi %sign3A_546, %sign3A_549 : i32
            %sign3A_551 = arith.constant 0 : i32
            %sign3A_552 = arith.cmpi sgt, %jit3A_542, %sign3A_551 : i32
            %sign3A_553 = arith.extui %sign3A_552 : i1 to i32
            %sign3A_554 = arith.constant 0 : i32
            %sign3A_555 = arith.cmpi slt, %jit3A_542, %sign3A_554 : i32
            %sign3A_556 = arith.extui %sign3A_555 : i1 to i32
            %sign3A_557 = arith.subi %sign3A_553, %sign3A_556 : i32
            %ne3A_558 = arith.cmpi ne, %sign3A_550, %sign3A_557 : i32
            %rem3A_559 = arith.remsi %add3A_145, %jit3A_542 : i32
            %ne3A_560 = arith.constant 0 : i32
            %ne3A_561 = arith.cmpi ne, %rem3A_559, %ne3A_560 : i32
            %and3A_562 = arith.andi %ne3A_558, %ne3A_561 : i1
            %sub3A_563 = arith.constant 1 : i32
            %sub3A_564 = arith.subi %div3A_543, %sub3A_563 : i32
            %select_n3A_565 = arith.select %and3A_562, %sub3A_564, %div3A_543 : i32
            %add3A_566 = arith.addi %mul3A_32, %select_n3A_565 : i32
            %jit3A_567 = arith.constant 3 : i32
            %eq3A_568 = arith.constant 0 : i32
            %eq3A_569 = arith.cmpi eq, %jit3A_567, %eq3A_568 : i32
            %jit3A_570 = arith.constant 1 : i32
            %select_n3A_571 = arith.select %eq3A_569, %jit3A_570, %jit3A_567 : i32
            %rem3A_572 = arith.remsi %select_n3A_565, %select_n3A_571 : i32
            %ne3A_573 = arith.constant 0 : i32
            %ne3A_574 = arith.cmpi ne, %rem3A_572, %ne3A_573 : i32
            %lt3A_575 = arith.constant 0 : i32
            %lt3A_576 = arith.cmpi slt, %rem3A_572, %lt3A_575 : i32
            %lt3A_577 = arith.constant 0 : i32
            %lt3A_578 = arith.cmpi slt, %select_n3A_571, %lt3A_577 : i32
            %ne3A_579 = arith.xori %lt3A_576, %lt3A_578 : i1
            %and3A_580 = arith.andi %ne3A_579, %ne3A_574 : i1
            %add3A_581 = arith.addi %rem3A_572, %select_n3A_571 : i32
            %select_n3A_582 = arith.select %and3A_580, %add3A_581, %rem3A_572 : i32
            %dma_wait3A_583 = arith.constant 0 : i32
            %dma_wait3A_584 = arith.constant 0 : i32
            %dma_wait3A_585 = tpu.memref_slice %arg8[%select_n3A_582, %dma_wait3A_583, %dma_wait3A_584] : memref<3x16x64xi32, #tpu.memory_space<vmem>> -> memref<1x16x64xi32, #tpu.memory_space<vmem>>
            %dma_wait3A_586 = tpu.memref_squeeze %dma_wait3A_585 : memref<1x16x64xi32, #tpu.memory_space<vmem>> -> memref<16x64xi32, #tpu.memory_space<vmem>>
            %dma_wait3A_587 = arith.constant 0 : i32
            %dma_wait3A_588 = arith.constant 0 : i32
            %dma_wait3A_589 = tpu.memref_slice %arg4[%add3A_566, %dma_wait3A_587, %dma_wait3A_588] : memref<320x16x64xi32, #tpu.memory_space<hbm>> -> memref<1x16x64xi32, #tpu.memory_space<hbm>>
            %dma_wait3A_590 = tpu.memref_squeeze %dma_wait3A_589 : memref<1x16x64xi32, #tpu.memory_space<hbm>> -> memref<16x64xi32, #tpu.memory_space<hbm>>
            %dma_wait3A_591 = arith.constant 0 : i32
            %dma_wait3A_592 = arith.constant 0 : i32
            %dma_wait3A_593 = tpu.memref_slice %arg8[%select_n3A_582, %dma_wait3A_591, %dma_wait3A_592] : memref<3x16x64xi32, #tpu.memory_space<vmem>> -> memref<1x16x64xi32, #tpu.memory_space<vmem>>
            %dma_wait3A_594 = tpu.memref_squeeze %dma_wait3A_593 : memref<1x16x64xi32, #tpu.memory_space<vmem>> -> memref<16x64xi32, #tpu.memory_space<vmem>>
            %dma_wait3A_595 = arith.constant 0 : i32
            %dma_wait3A_596 = arith.constant 0 : i32
            %dma_wait3A_597 = tpu.memref_slice %arg4[%add3A_566, %dma_wait3A_595, %dma_wait3A_596] : memref<320x16x64xi32, #tpu.memory_space<hbm>> -> memref<1x16x64xi32, #tpu.memory_space<hbm>>
            %dma_wait3A_598 = tpu.memref_squeeze %dma_wait3A_597 : memref<1x16x64xi32, #tpu.memory_space<hbm>> -> memref<16x64xi32, #tpu.memory_space<hbm>>
            tpu.wait_dma2 semaphore(%arg15 : memref<!tpu.dma_semaphore, #tpu.memory_space<semaphore_mem>>) src(%dma_wait3A_598 : memref<16x64xi32, #tpu.memory_space<hbm>>) dst(%dma_wait3A_594 : memref<16x64xi32, #tpu.memory_space<vmem>>)
            %add3A_599 = arith.addi %mul3A_32, %select_n3A_565 : i32
            %jit3A_600 = arith.constant 3 : i32
            %eq3A_601 = arith.constant 0 : i32
            %eq3A_602 = arith.cmpi eq, %jit3A_600, %eq3A_601 : i32
            %jit3A_603 = arith.constant 1 : i32
            %select_n3A_604 = arith.select %eq3A_602, %jit3A_603, %jit3A_600 : i32
            %rem3A_605 = arith.remsi %select_n3A_565, %select_n3A_604 : i32
            %ne3A_606 = arith.constant 0 : i32
            %ne3A_607 = arith.cmpi ne, %rem3A_605, %ne3A_606 : i32
            %lt3A_608 = arith.constant 0 : i32
            %lt3A_609 = arith.cmpi slt, %rem3A_605, %lt3A_608 : i32
            %lt3A_610 = arith.constant 0 : i32
            %lt3A_611 = arith.cmpi slt, %select_n3A_604, %lt3A_610 : i32
            %ne3A_612 = arith.xori %lt3A_609, %lt3A_611 : i1
            %and3A_613 = arith.andi %ne3A_612, %ne3A_607 : i1
            %add3A_614 = arith.addi %rem3A_605, %select_n3A_604 : i32
            %select_n3A_615 = arith.select %and3A_613, %add3A_614, %rem3A_605 : i32
            %dma_wait3A_616 = arith.constant 0 : i32
            %dma_wait3A_617 = arith.constant 0 : i32
            %dma_wait3A_618 = tpu.memref_slice %arg9[%select_n3A_615, %dma_wait3A_616, %dma_wait3A_617] : memref<3x16x64xi32, #tpu.memory_space<vmem>> -> memref<1x16x64xi32, #tpu.memory_space<vmem>>
            %dma_wait3A_619 = tpu.memref_squeeze %dma_wait3A_618 : memref<1x16x64xi32, #tpu.memory_space<vmem>> -> memref<16x64xi32, #tpu.memory_space<vmem>>
            %dma_wait3A_620 = arith.constant 0 : i32
            %dma_wait3A_621 = arith.constant 0 : i32
            %dma_wait3A_622 = tpu.memref_slice %arg5[%add3A_599, %dma_wait3A_620, %dma_wait3A_621] : memref<320x16x64xi32, #tpu.memory_space<hbm>> -> memref<1x16x64xi32, #tpu.memory_space<hbm>>
            %dma_wait3A_623 = tpu.memref_squeeze %dma_wait3A_622 : memref<1x16x64xi32, #tpu.memory_space<hbm>> -> memref<16x64xi32, #tpu.memory_space<hbm>>
            %dma_wait3A_624 = arith.constant 0 : i32
            %dma_wait3A_625 = arith.constant 0 : i32
            %dma_wait3A_626 = tpu.memref_slice %arg9[%select_n3A_615, %dma_wait3A_624, %dma_wait3A_625] : memref<3x16x64xi32, #tpu.memory_space<vmem>> -> memref<1x16x64xi32, #tpu.memory_space<vmem>>
            %dma_wait3A_627 = tpu.memref_squeeze %dma_wait3A_626 : memref<1x16x64xi32, #tpu.memory_space<vmem>> -> memref<16x64xi32, #tpu.memory_space<vmem>>
            %dma_wait3A_628 = arith.constant 0 : i32
            %dma_wait3A_629 = arith.constant 0 : i32
            %dma_wait3A_630 = tpu.memref_slice %arg5[%add3A_599, %dma_wait3A_628, %dma_wait3A_629] : memref<320x16x64xi32, #tpu.memory_space<hbm>> -> memref<1x16x64xi32, #tpu.memory_space<hbm>>
            %dma_wait3A_631 = tpu.memref_squeeze %dma_wait3A_630 : memref<1x16x64xi32, #tpu.memory_space<hbm>> -> memref<16x64xi32, #tpu.memory_space<hbm>>
            tpu.wait_dma2 semaphore(%arg16 : memref<!tpu.dma_semaphore, #tpu.memory_space<semaphore_mem>>) src(%dma_wait3A_631 : memref<16x64xi32, #tpu.memory_space<hbm>>) dst(%dma_wait3A_627 : memref<16x64xi32, #tpu.memory_space<vmem>>)
            %add3A_632 = arith.constant 1 : i32
            %add3A_633 = arith.addi %select_n3A_565, %add3A_632 : i32
            %lt3A_634 = arith.constant 20 : i32
            %lt3A_635 = arith.cmpi slt, %add3A_633, %lt3A_634 : i32
            %convert_element_type3A_636 = arith.extui %lt3A_635 : i1 to i32
            %cond3A_637 = arith.constant 0 : i32
            %cond3A_638 = arith.cmpi ne, %convert_element_type3A_636, %cond3A_637 : i32
            scf.if %cond3A_638 {
              %add3A_639 = arith.addi %mul3A_32, %select_n3A_565 : i32
              %add3A_640 = arith.constant 1 : i32
              %add3A_641 = arith.addi %add3A_639, %add3A_640 : i32
              %add3A_642 = arith.constant 1 : i32
              %add3A_643 = arith.addi %select_n3A_565, %add3A_642 : i32
              %jit3A_644 = arith.constant 3 : i32
              %eq3A_645 = arith.constant 0 : i32
              %eq3A_646 = arith.cmpi eq, %jit3A_644, %eq3A_645 : i32
              %jit3A_647 = arith.constant 1 : i32
              %select_n3A_648 = arith.select %eq3A_646, %jit3A_647, %jit3A_644 : i32
              %rem3A_649 = arith.remsi %add3A_643, %select_n3A_648 : i32
              %ne3A_650 = arith.constant 0 : i32
              %ne3A_651 = arith.cmpi ne, %rem3A_649, %ne3A_650 : i32
              %lt3A_652 = arith.constant 0 : i32
              %lt3A_653 = arith.cmpi slt, %rem3A_649, %lt3A_652 : i32
              %lt3A_654 = arith.constant 0 : i32
              %lt3A_655 = arith.cmpi slt, %select_n3A_648, %lt3A_654 : i32
              %ne3A_656 = arith.xori %lt3A_653, %lt3A_655 : i1
              %and3A_657 = arith.andi %ne3A_656, %ne3A_651 : i1
              %add3A_658 = arith.addi %rem3A_649, %select_n3A_648 : i32
              %select_n3A_659 = arith.select %and3A_657, %add3A_658, %rem3A_649 : i32
              %dma_start3A_660 = arith.constant 0 : i32
              %dma_start3A_661 = arith.constant 0 : i32
              %dma_start3A_662 = tpu.memref_slice %arg8[%select_n3A_659, %dma_start3A_660, %dma_start3A_661] : memref<3x16x64xi32, #tpu.memory_space<vmem>> -> memref<1x16x64xi32, #tpu.memory_space<vmem>>
              %dma_start3A_663 = tpu.memref_squeeze %dma_start3A_662 : memref<1x16x64xi32, #tpu.memory_space<vmem>> -> memref<16x64xi32, #tpu.memory_space<vmem>>
              %dma_start3A_664 = arith.constant 0 : i32
              %dma_start3A_665 = arith.constant 0 : i32
              %dma_start3A_666 = tpu.memref_slice %arg4[%add3A_641, %dma_start3A_664, %dma_start3A_665] : memref<320x16x64xi32, #tpu.memory_space<hbm>> -> memref<1x16x64xi32, #tpu.memory_space<hbm>>
              %dma_start3A_667 = tpu.memref_squeeze %dma_start3A_666 : memref<1x16x64xi32, #tpu.memory_space<hbm>> -> memref<16x64xi32, #tpu.memory_space<hbm>>
              %dma_start3A_668 = arith.constant 0 : i32
              %dma_start3A_669 = arith.constant 0 : i32
              %dma_start3A_670 = tpu.memref_slice %arg8[%select_n3A_659, %dma_start3A_668, %dma_start3A_669] : memref<3x16x64xi32, #tpu.memory_space<vmem>> -> memref<1x16x64xi32, #tpu.memory_space<vmem>>
              %dma_start3A_671 = tpu.memref_squeeze %dma_start3A_670 : memref<1x16x64xi32, #tpu.memory_space<vmem>> -> memref<16x64xi32, #tpu.memory_space<vmem>>
              %dma_start3A_672 = arith.constant 0 : i32
              %dma_start3A_673 = arith.constant 0 : i32
              %dma_start3A_674 = tpu.memref_slice %arg4[%add3A_641, %dma_start3A_672, %dma_start3A_673] : memref<320x16x64xi32, #tpu.memory_space<hbm>> -> memref<1x16x64xi32, #tpu.memory_space<hbm>>
              %dma_start3A_675 = tpu.memref_squeeze %dma_start3A_674 : memref<1x16x64xi32, #tpu.memory_space<hbm>> -> memref<16x64xi32, #tpu.memory_space<hbm>>
              tpu.enqueue_dma source(%dma_start3A_675 : memref<16x64xi32, #tpu.memory_space<hbm>>) target(%dma_start3A_671 : memref<16x64xi32, #tpu.memory_space<vmem>>) target_semaphore(%arg15 : memref<!tpu.dma_semaphore, #tpu.memory_space<semaphore_mem>>)
              %add3A_676 = arith.addi %mul3A_32, %select_n3A_565 : i32
              %add3A_677 = arith.constant 1 : i32
              %add3A_678 = arith.addi %add3A_676, %add3A_677 : i32
              %add3A_679 = arith.constant 1 : i32
              %add3A_680 = arith.addi %select_n3A_565, %add3A_679 : i32
              %jit3A_681 = arith.constant 3 : i32
              %eq3A_682 = arith.constant 0 : i32
              %eq3A_683 = arith.cmpi eq, %jit3A_681, %eq3A_682 : i32
              %jit3A_684 = arith.constant 1 : i32
              %select_n3A_685 = arith.select %eq3A_683, %jit3A_684, %jit3A_681 : i32
              %rem3A_686 = arith.remsi %add3A_680, %select_n3A_685 : i32
              %ne3A_687 = arith.constant 0 : i32
              %ne3A_688 = arith.cmpi ne, %rem3A_686, %ne3A_687 : i32
              %lt3A_689 = arith.constant 0 : i32
              %lt3A_690 = arith.cmpi slt, %rem3A_686, %lt3A_689 : i32
              %lt3A_691 = arith.constant 0 : i32
              %lt3A_692 = arith.cmpi slt, %select_n3A_685, %lt3A_691 : i32
              %ne3A_693 = arith.xori %lt3A_690, %lt3A_692 : i1
              %and3A_694 = arith.andi %ne3A_693, %ne3A_688 : i1
              %add3A_695 = arith.addi %rem3A_686, %select_n3A_685 : i32
              %select_n3A_696 = arith.select %and3A_694, %add3A_695, %rem3A_686 : i32
              %dma_start3A_697 = arith.constant 0 : i32
              %dma_start3A_698 = arith.constant 0 : i32
              %dma_start3A_699 = tpu.memref_slice %arg9[%select_n3A_696, %dma_start3A_697, %dma_start3A_698] : memref<3x16x64xi32, #tpu.memory_space<vmem>> -> memref<1x16x64xi32, #tpu.memory_space<vmem>>
              %dma_start3A_700 = tpu.memref_squeeze %dma_start3A_699 : memref<1x16x64xi32, #tpu.memory_space<vmem>> -> memref<16x64xi32, #tpu.memory_space<vmem>>
              %dma_start3A_701 = arith.constant 0 : i32
              %dma_start3A_702 = arith.constant 0 : i32
              %dma_start3A_703 = tpu.memref_slice %arg5[%add3A_678, %dma_start3A_701, %dma_start3A_702] : memref<320x16x64xi32, #tpu.memory_space<hbm>> -> memref<1x16x64xi32, #tpu.memory_space<hbm>>
              %dma_start3A_704 = tpu.memref_squeeze %dma_start3A_703 : memref<1x16x64xi32, #tpu.memory_space<hbm>> -> memref<16x64xi32, #tpu.memory_space<hbm>>
              %dma_start3A_705 = arith.constant 0 : i32
              %dma_start3A_706 = arith.constant 0 : i32
              %dma_start3A_707 = tpu.memref_slice %arg9[%select_n3A_696, %dma_start3A_705, %dma_start3A_706] : memref<3x16x64xi32, #tpu.memory_space<vmem>> -> memref<1x16x64xi32, #tpu.memory_space<vmem>>
              %dma_start3A_708 = tpu.memref_squeeze %dma_start3A_707 : memref<1x16x64xi32, #tpu.memory_space<vmem>> -> memref<16x64xi32, #tpu.memory_space<vmem>>
              %dma_start3A_709 = arith.constant 0 : i32
              %dma_start3A_710 = arith.constant 0 : i32
              %dma_start3A_711 = tpu.memref_slice %arg5[%add3A_678, %dma_start3A_709, %dma_start3A_710] : memref<320x16x64xi32, #tpu.memory_space<hbm>> -> memref<1x16x64xi32, #tpu.memory_space<hbm>>
              %dma_start3A_712 = tpu.memref_squeeze %dma_start3A_711 : memref<1x16x64xi32, #tpu.memory_space<hbm>> -> memref<16x64xi32, #tpu.memory_space<hbm>>
              tpu.enqueue_dma source(%dma_start3A_712 : memref<16x64xi32, #tpu.memory_space<hbm>>) target(%dma_start3A_708 : memref<16x64xi32, #tpu.memory_space<vmem>>) target_semaphore(%arg16 : memref<!tpu.dma_semaphore, #tpu.memory_space<semaphore_mem>>)
            } else {
            }
          } else {
          }
          %ge3A = arith.constant 1 : i32
          %ge3A_476 = arith.cmpi sge, %add3A_143, %ge3A : i32
          %convert_element_type3A_477 = arith.extui %ge3A_476 : i1 to i32
          %cond3A_478 = arith.constant 0 : i32
          %cond3A_479 = arith.cmpi ne, %convert_element_type3A_477, %cond3A_478 : i32
          scf.if %cond3A_479 {
            %dma_wait3A_542 = arith.constant 0 : i32
            %dma_wait3A_543 = arith.constant 0 : i32
            %dma_wait3A_544 = arith.constant 0 : i32
            %dma_wait3A_545 = tpu.memref_slice %arg9[%dma_wait3A_542, %dma_wait3A_543, %dma_wait3A_544] : memref<3x16x64xi32, #tpu.memory_space<vmem>> -> memref<1x1x64xi32, #tpu.memory_space<vmem>>
            %dma_wait3A_546 = tpu.memref_squeeze %dma_wait3A_545 : memref<1x1x64xi32, #tpu.memory_space<vmem>> -> memref<64xi32, #tpu.memory_space<vmem>>
            %dma_wait3A_547 = arith.constant 0 : i32
            %dma_wait3A_548 = arith.constant 0 : i32
            %dma_wait3A_549 = tpu.memref_slice %arg14[%dma_wait3A_547, %dma_wait3A_548] : memref<10112x128xf32, #tpu.memory_space<vmem_shared>> -> memref<10112x128xf32, #tpu.memory_space<vmem_shared>>
            tpu.wait_indirect_dma semaphore(%arg24 : memref<!tpu.dma_semaphore, #tpu.memory_space<semaphore_mem>>) src(%arg13 : memref<64x128xf32, #tpu.memory_space<vmem>>) dst(%dma_wait3A_549 : memref<10112x128xf32, #tpu.memory_space<vmem_shared>>)
          } else {
          }
          %jit3A_480 = arith.constant 16 : i32
          %div3A_481 = arith.divsi %add3A_145, %jit3A_480 : i32
          %sign3A_482 = arith.constant 0 : i32
          %sign3A_483 = arith.cmpi sgt, %add3A_145, %sign3A_482 : i32
          %sign3A_484 = arith.extui %sign3A_483 : i1 to i32
          %sign3A_485 = arith.constant 0 : i32
          %sign3A_486 = arith.cmpi slt, %add3A_145, %sign3A_485 : i32
          %sign3A_487 = arith.extui %sign3A_486 : i1 to i32
          %sign3A_488 = arith.subi %sign3A_484, %sign3A_487 : i32
          %sign3A_489 = arith.constant 0 : i32
          %sign3A_490 = arith.cmpi sgt, %jit3A_480, %sign3A_489 : i32
          %sign3A_491 = arith.extui %sign3A_490 : i1 to i32
          %sign3A_492 = arith.constant 0 : i32
          %sign3A_493 = arith.cmpi slt, %jit3A_480, %sign3A_492 : i32
          %sign3A_494 = arith.extui %sign3A_493 : i1 to i32
          %sign3A_495 = arith.subi %sign3A_491, %sign3A_494 : i32
          %ne3A_496 = arith.cmpi ne, %sign3A_488, %sign3A_495 : i32
          %rem3A_497 = arith.remsi %add3A_145, %jit3A_480 : i32
          %ne3A_498 = arith.constant 0 : i32
          %ne3A_499 = arith.cmpi ne, %rem3A_497, %ne3A_498 : i32
          %and3A_500 = arith.andi %ne3A_496, %ne3A_499 : i1
          %sub3A_501 = arith.constant 1 : i32
          %sub3A_502 = arith.subi %div3A_481, %sub3A_501 : i32
          %select_n3A_503 = arith.select %and3A_500, %sub3A_502, %div3A_481 : i32
          %jit3A_504 = arith.constant 3 : i32
          %eq3A_505 = arith.constant 0 : i32
          %eq3A_506 = arith.cmpi eq, %jit3A_504, %eq3A_505 : i32
          %jit3A_507 = arith.constant 1 : i32
          %select_n3A_508 = arith.select %eq3A_506, %jit3A_507, %jit3A_504 : i32
          %rem3A_509 = arith.remsi %select_n3A_503, %select_n3A_508 : i32
          %ne3A_510 = arith.constant 0 : i32
          %ne3A_511 = arith.cmpi ne, %rem3A_509, %ne3A_510 : i32
          %lt3A_512 = arith.constant 0 : i32
          %lt3A_513 = arith.cmpi slt, %rem3A_509, %lt3A_512 : i32
          %lt3A_514 = arith.constant 0 : i32
          %lt3A_515 = arith.cmpi slt, %select_n3A_508, %lt3A_514 : i32
          %ne3A_516 = arith.xori %lt3A_513, %lt3A_515 : i1
          %and3A_517 = arith.andi %ne3A_516, %ne3A_511 : i1
          %add3A_518 = arith.addi %rem3A_509, %select_n3A_508 : i32
          %select_n3A_519 = arith.select %and3A_517, %add3A_518, %rem3A_509 : i32
          %jit3A_520 = arith.constant 16 : i32
          %eq3A_521 = arith.constant 0 : i32
          %eq3A_522 = arith.cmpi eq, %jit3A_520, %eq3A_521 : i32
          %jit3A_523 = arith.constant 1 : i32
          %select_n3A_524 = arith.select %eq3A_522, %jit3A_523, %jit3A_520 : i32
          %rem3A_525 = arith.remsi %add3A_145, %select_n3A_524 : i32
          %ne3A_526 = arith.constant 0 : i32
          %ne3A_527 = arith.cmpi ne, %rem3A_525, %ne3A_526 : i32
          %lt3A_528 = arith.constant 0 : i32
          %lt3A_529 = arith.cmpi slt, %rem3A_525, %lt3A_528 : i32
          %lt3A_530 = arith.constant 0 : i32
          %lt3A_531 = arith.cmpi slt, %select_n3A_524, %lt3A_530 : i32
          %ne3A_532 = arith.xori %lt3A_529, %lt3A_531 : i1
          %and3A_533 = arith.andi %ne3A_532, %ne3A_527 : i1
          %add3A_534 = arith.addi %rem3A_525, %select_n3A_524 : i32
          %select_n3A_535 = arith.select %and3A_533, %add3A_534, %rem3A_525 : i32
          %dma_start3A_536 = arith.constant 0 : i32
          %dma_start3A_537 = tpu.memref_slice %arg8[%select_n3A_519, %select_n3A_535, %dma_start3A_536] : memref<3x16x64xi32, #tpu.memory_space<vmem>> -> memref<1x1x64xi32, #tpu.memory_space<vmem>>
          %dma_start3A_538 = tpu.memref_squeeze %dma_start3A_537 : memref<1x1x64xi32, #tpu.memory_space<vmem>> -> memref<64xi32, #tpu.memory_space<vmem>>
          %dma_start3A_539 = arith.constant 0 : i32
          %dma_start3A_540 = arith.constant 0 : i32
          %dma_start3A_541 = tpu.memref_slice %arg2[%dma_start3A_539, %dma_start3A_540] : memref<10000x128xf32, #tpu.memory_space<hbm>> -> memref<10000x128xf32, #tpu.memory_space<hbm>>
          tpu.enqueue_indirect_dma source(%dma_start3A_541 : memref<10000x128xf32, #tpu.memory_space<hbm>>) target(%arg13 : memref<64x128xf32, #tpu.memory_space<vmem>>) offsets(%dma_start3A_538 : memref<64xi32, #tpu.memory_space<vmem>>) semaphore(%arg20 : memref<!tpu.dma_semaphore, #tpu.memory_space<semaphore_mem>>)
        } else {
        }
        %dma_wait3A_150 = arith.constant 0 : i32
        %dma_wait3A_151 = arith.constant 0 : i32
        %dma_wait3A_152 = arith.constant 0 : i32
        %dma_wait3A_153 = tpu.memref_slice %arg8[%dma_wait3A_150, %dma_wait3A_151, %dma_wait3A_152] : memref<3x16x64xi32, #tpu.memory_space<vmem>> -> memref<1x1x64xi32, #tpu.memory_space<vmem>>
        %dma_wait3A_154 = tpu.memref_squeeze %dma_wait3A_153 : memref<1x1x64xi32, #tpu.memory_space<vmem>> -> memref<64xi32, #tpu.memory_space<vmem>>
        %dma_wait3A_155 = arith.constant 0 : i32
        %dma_wait3A_156 = arith.constant 0 : i32
        %dma_wait3A_157 = tpu.memref_slice %arg2[%dma_wait3A_155, %dma_wait3A_156] : memref<10000x128xf32, #tpu.memory_space<hbm>> -> memref<10000x128xf32, #tpu.memory_space<hbm>>
        tpu.wait_indirect_dma semaphore(%arg17 : memref<!tpu.dma_semaphore, #tpu.memory_space<semaphore_mem>>) src(%dma_wait3A_157 : memref<10000x128xf32, #tpu.memory_space<hbm>>) dst(%arg10 : memref<64x128xf32, #tpu.memory_space<vmem>>)
        %jit3A = arith.constant 16 : i32
        %div3A = arith.divsi %add3A_143, %jit3A : i32
        %sign3A = arith.constant 0 : i32
        %sign3A_158 = arith.cmpi sgt, %add3A_143, %sign3A : i32
        %sign3A_159 = arith.extui %sign3A_158 : i1 to i32
        %sign3A_160 = arith.constant 0 : i32
        %sign3A_161 = arith.cmpi slt, %add3A_143, %sign3A_160 : i32
        %sign3A_162 = arith.extui %sign3A_161 : i1 to i32
        %sign3A_163 = arith.subi %sign3A_159, %sign3A_162 : i32
        %sign3A_164 = arith.constant 0 : i32
        %sign3A_165 = arith.cmpi sgt, %jit3A, %sign3A_164 : i32
        %sign3A_166 = arith.extui %sign3A_165 : i1 to i32
        %sign3A_167 = arith.constant 0 : i32
        %sign3A_168 = arith.cmpi slt, %jit3A, %sign3A_167 : i32
        %sign3A_169 = arith.extui %sign3A_168 : i1 to i32
        %sign3A_170 = arith.subi %sign3A_166, %sign3A_169 : i32
        %ne3A = arith.cmpi ne, %sign3A_163, %sign3A_170 : i32
        %rem3A = arith.remsi %add3A_143, %jit3A : i32
        %ne3A_171 = arith.constant 0 : i32
        %ne3A_172 = arith.cmpi ne, %rem3A, %ne3A_171 : i32
        %and3A = arith.andi %ne3A, %ne3A_172 : i1
        %sub3A = arith.constant 1 : i32
        %sub3A_173 = arith.subi %div3A, %sub3A : i32
        %select_n3A = arith.select %and3A, %sub3A_173, %div3A : i32
        %jit3A_174 = arith.constant 3 : i32
        %eq3A_175 = arith.constant 0 : i32
        %eq3A_176 = arith.cmpi eq, %jit3A_174, %eq3A_175 : i32
        %jit3A_177 = arith.constant 1 : i32
        %select_n3A_178 = arith.select %eq3A_176, %jit3A_177, %jit3A_174 : i32
        %rem3A_179 = arith.remsi %select_n3A, %select_n3A_178 : i32
        %ne3A_180 = arith.constant 0 : i32
        %ne3A_181 = arith.cmpi ne, %rem3A_179, %ne3A_180 : i32
        %lt3A_182 = arith.constant 0 : i32
        %lt3A_183 = arith.cmpi slt, %rem3A_179, %lt3A_182 : i32
        %lt3A_184 = arith.constant 0 : i32
        %lt3A_185 = arith.cmpi slt, %select_n3A_178, %lt3A_184 : i32
        %ne3A_186 = arith.xori %lt3A_183, %lt3A_185 : i1
        %and3A_187 = arith.andi %ne3A_186, %ne3A_181 : i1
        %add3A_188 = arith.addi %rem3A_179, %select_n3A_178 : i32
        %select_n3A_189 = arith.select %and3A_187, %add3A_188, %rem3A_179 : i32
        %jit3A_190 = arith.constant 16 : i32
        %eq3A_191 = arith.constant 0 : i32
        %eq3A_192 = arith.cmpi eq, %jit3A_190, %eq3A_191 : i32
        %jit3A_193 = arith.constant 1 : i32
        %select_n3A_194 = arith.select %eq3A_192, %jit3A_193, %jit3A_190 : i32
        %rem3A_195 = arith.remsi %add3A_143, %select_n3A_194 : i32
        %ne3A_196 = arith.constant 0 : i32
        %ne3A_197 = arith.cmpi ne, %rem3A_195, %ne3A_196 : i32
        %lt3A_198 = arith.constant 0 : i32
        %lt3A_199 = arith.cmpi slt, %rem3A_195, %lt3A_198 : i32
        %lt3A_200 = arith.constant 0 : i32
        %lt3A_201 = arith.cmpi slt, %select_n3A_194, %lt3A_200 : i32
        %ne3A_202 = arith.xori %lt3A_199, %lt3A_201 : i1
        %and3A_203 = arith.andi %ne3A_202, %ne3A_197 : i1
        %add3A_204 = arith.addi %rem3A_195, %select_n3A_194 : i32
        %select_n3A_205 = arith.select %and3A_203, %add3A_204, %rem3A_195 : i32
        %dma_start3A_206 = arith.constant 0 : i32
        %dma_start3A_207 = tpu.memref_slice %arg9[%select_n3A_189, %select_n3A_205, %dma_start3A_206] : memref<3x16x64xi32, #tpu.memory_space<vmem>> -> memref<1x1x64xi32, #tpu.memory_space<vmem>>
        %dma_start3A_208 = tpu.memref_squeeze %dma_start3A_207 : memref<1x1x64xi32, #tpu.memory_space<vmem>> -> memref<64xi32, #tpu.memory_space<vmem>>
        %dma_start3A_209 = arith.constant 0 : i32
        %dma_start3A_210 = arith.constant 0 : i32
        %dma_start3A_211 = tpu.memref_slice %arg14[%dma_start3A_209, %dma_start3A_210] : memref<10112x128xf32, #tpu.memory_space<vmem_shared>> -> memref<10112x128xf32, #tpu.memory_space<vmem_shared>>
        tpu.enqueue_indirect_dma source(%arg10 : memref<64x128xf32, #tpu.memory_space<vmem>>) target(%dma_start3A_211 : memref<10112x128xf32, #tpu.memory_space<vmem_shared>>) offsets(%dma_start3A_208 : memref<64xi32, #tpu.memory_space<vmem>>) semaphore(%arg21 : memref<!tpu.dma_semaphore, #tpu.memory_space<semaphore_mem>>) {add = true}
        %mul3A_212 = arith.constant 4 : i32
        %mul3A_213 = arith.muli %scan3A_139, %mul3A_212 : i32
        %add3A_214 = arith.constant 1 : i32
        %add3A_215 = arith.addi %mul3A_213, %add3A_214 : i32
        %add3A_216 = arith.constant 3 : i32
        %add3A_217 = arith.addi %add3A_215, %add3A_216 : i32
        %lt3A_218 = arith.constant 320 : i32
        %lt3A_219 = arith.cmpi slt, %add3A_217, %lt3A_218 : i32
        %convert_element_type3A_220 = arith.extui %lt3A_219 : i1 to i32
        %cond3A_221 = arith.constant 0 : i32
        %cond3A_222 = arith.cmpi ne, %convert_element_type3A_220, %cond3A_221 : i32
        scf.if %cond3A_222 {
          %jit3A_455 = arith.constant 16 : i32
          %eq3A_456 = arith.constant 0 : i32
          %eq3A_457 = arith.cmpi eq, %jit3A_455, %eq3A_456 : i32
          %jit3A_458 = arith.constant 1 : i32
          %select_n3A_459 = arith.select %eq3A_457, %jit3A_458, %jit3A_455 : i32
          %rem3A_460 = arith.remsi %add3A_217, %select_n3A_459 : i32
          %ne3A_461 = arith.constant 0 : i32
          %ne3A_462 = arith.cmpi ne, %rem3A_460, %ne3A_461 : i32
          %lt3A_463 = arith.constant 0 : i32
          %lt3A_464 = arith.cmpi slt, %rem3A_460, %lt3A_463 : i32
          %lt3A_465 = arith.constant 0 : i32
          %lt3A_466 = arith.cmpi slt, %select_n3A_459, %lt3A_465 : i32
          %ne3A_467 = arith.xori %lt3A_464, %lt3A_466 : i1
          %and3A_468 = arith.andi %ne3A_467, %ne3A_462 : i1
          %add3A_469 = arith.addi %rem3A_460, %select_n3A_459 : i32
          %select_n3A_470 = arith.select %and3A_468, %add3A_469, %rem3A_460 : i32
          %eq3A_471 = arith.constant 0 : i32
          %eq3A_472 = arith.cmpi eq, %select_n3A_470, %eq3A_471 : i32
          %convert_element_type3A_473 = arith.extui %eq3A_472 : i1 to i32
          %cond3A_474 = arith.constant 0 : i32
          %cond3A_475 = arith.cmpi ne, %convert_element_type3A_473, %cond3A_474 : i32
          scf.if %cond3A_475 {
            %jit3A_542 = arith.constant 16 : i32
            %div3A_543 = arith.divsi %add3A_217, %jit3A_542 : i32
            %sign3A_544 = arith.constant 0 : i32
            %sign3A_545 = arith.cmpi sgt, %add3A_217, %sign3A_544 : i32
            %sign3A_546 = arith.extui %sign3A_545 : i1 to i32
            %sign3A_547 = arith.constant 0 : i32
            %sign3A_548 = arith.cmpi slt, %add3A_217, %sign3A_547 : i32
            %sign3A_549 = arith.extui %sign3A_548 : i1 to i32
            %sign3A_550 = arith.subi %sign3A_546, %sign3A_549 : i32
            %sign3A_551 = arith.constant 0 : i32
            %sign3A_552 = arith.cmpi sgt, %jit3A_542, %sign3A_551 : i32
            %sign3A_553 = arith.extui %sign3A_552 : i1 to i32
            %sign3A_554 = arith.constant 0 : i32
            %sign3A_555 = arith.cmpi slt, %jit3A_542, %sign3A_554 : i32
            %sign3A_556 = arith.extui %sign3A_555 : i1 to i32
            %sign3A_557 = arith.subi %sign3A_553, %sign3A_556 : i32
            %ne3A_558 = arith.cmpi ne, %sign3A_550, %sign3A_557 : i32
            %rem3A_559 = arith.remsi %add3A_217, %jit3A_542 : i32
            %ne3A_560 = arith.constant 0 : i32
            %ne3A_561 = arith.cmpi ne, %rem3A_559, %ne3A_560 : i32
            %and3A_562 = arith.andi %ne3A_558, %ne3A_561 : i1
            %sub3A_563 = arith.constant 1 : i32
            %sub3A_564 = arith.subi %div3A_543, %sub3A_563 : i32
            %select_n3A_565 = arith.select %and3A_562, %sub3A_564, %div3A_543 : i32
            %add3A_566 = arith.addi %mul3A_32, %select_n3A_565 : i32
            %jit3A_567 = arith.constant 3 : i32
            %eq3A_568 = arith.constant 0 : i32
            %eq3A_569 = arith.cmpi eq, %jit3A_567, %eq3A_568 : i32
            %jit3A_570 = arith.constant 1 : i32
            %select_n3A_571 = arith.select %eq3A_569, %jit3A_570, %jit3A_567 : i32
            %rem3A_572 = arith.remsi %select_n3A_565, %select_n3A_571 : i32
            %ne3A_573 = arith.constant 0 : i32
            %ne3A_574 = arith.cmpi ne, %rem3A_572, %ne3A_573 : i32
            %lt3A_575 = arith.constant 0 : i32
            %lt3A_576 = arith.cmpi slt, %rem3A_572, %lt3A_575 : i32
            %lt3A_577 = arith.constant 0 : i32
            %lt3A_578 = arith.cmpi slt, %select_n3A_571, %lt3A_577 : i32
            %ne3A_579 = arith.xori %lt3A_576, %lt3A_578 : i1
            %and3A_580 = arith.andi %ne3A_579, %ne3A_574 : i1
            %add3A_581 = arith.addi %rem3A_572, %select_n3A_571 : i32
            %select_n3A_582 = arith.select %and3A_580, %add3A_581, %rem3A_572 : i32
            %dma_wait3A_583 = arith.constant 0 : i32
            %dma_wait3A_584 = arith.constant 0 : i32
            %dma_wait3A_585 = tpu.memref_slice %arg8[%select_n3A_582, %dma_wait3A_583, %dma_wait3A_584] : memref<3x16x64xi32, #tpu.memory_space<vmem>> -> memref<1x16x64xi32, #tpu.memory_space<vmem>>
            %dma_wait3A_586 = tpu.memref_squeeze %dma_wait3A_585 : memref<1x16x64xi32, #tpu.memory_space<vmem>> -> memref<16x64xi32, #tpu.memory_space<vmem>>
            %dma_wait3A_587 = arith.constant 0 : i32
            %dma_wait3A_588 = arith.constant 0 : i32
            %dma_wait3A_589 = tpu.memref_slice %arg4[%add3A_566, %dma_wait3A_587, %dma_wait3A_588] : memref<320x16x64xi32, #tpu.memory_space<hbm>> -> memref<1x16x64xi32, #tpu.memory_space<hbm>>
            %dma_wait3A_590 = tpu.memref_squeeze %dma_wait3A_589 : memref<1x16x64xi32, #tpu.memory_space<hbm>> -> memref<16x64xi32, #tpu.memory_space<hbm>>
            %dma_wait3A_591 = arith.constant 0 : i32
            %dma_wait3A_592 = arith.constant 0 : i32
            %dma_wait3A_593 = tpu.memref_slice %arg8[%select_n3A_582, %dma_wait3A_591, %dma_wait3A_592] : memref<3x16x64xi32, #tpu.memory_space<vmem>> -> memref<1x16x64xi32, #tpu.memory_space<vmem>>
            %dma_wait3A_594 = tpu.memref_squeeze %dma_wait3A_593 : memref<1x16x64xi32, #tpu.memory_space<vmem>> -> memref<16x64xi32, #tpu.memory_space<vmem>>
            %dma_wait3A_595 = arith.constant 0 : i32
            %dma_wait3A_596 = arith.constant 0 : i32
            %dma_wait3A_597 = tpu.memref_slice %arg4[%add3A_566, %dma_wait3A_595, %dma_wait3A_596] : memref<320x16x64xi32, #tpu.memory_space<hbm>> -> memref<1x16x64xi32, #tpu.memory_space<hbm>>
            %dma_wait3A_598 = tpu.memref_squeeze %dma_wait3A_597 : memref<1x16x64xi32, #tpu.memory_space<hbm>> -> memref<16x64xi32, #tpu.memory_space<hbm>>
            tpu.wait_dma2 semaphore(%arg15 : memref<!tpu.dma_semaphore, #tpu.memory_space<semaphore_mem>>) src(%dma_wait3A_598 : memref<16x64xi32, #tpu.memory_space<hbm>>) dst(%dma_wait3A_594 : memref<16x64xi32, #tpu.memory_space<vmem>>)
            %add3A_599 = arith.addi %mul3A_32, %select_n3A_565 : i32
            %jit3A_600 = arith.constant 3 : i32
            %eq3A_601 = arith.constant 0 : i32
            %eq3A_602 = arith.cmpi eq, %jit3A_600, %eq3A_601 : i32
            %jit3A_603 = arith.constant 1 : i32
            %select_n3A_604 = arith.select %eq3A_602, %jit3A_603, %jit3A_600 : i32
            %rem3A_605 = arith.remsi %select_n3A_565, %select_n3A_604 : i32
            %ne3A_606 = arith.constant 0 : i32
            %ne3A_607 = arith.cmpi ne, %rem3A_605, %ne3A_606 : i32
            %lt3A_608 = arith.constant 0 : i32
            %lt3A_609 = arith.cmpi slt, %rem3A_605, %lt3A_608 : i32
            %lt3A_610 = arith.constant 0 : i32
            %lt3A_611 = arith.cmpi slt, %select_n3A_604, %lt3A_610 : i32
            %ne3A_612 = arith.xori %lt3A_609, %lt3A_611 : i1
            %and3A_613 = arith.andi %ne3A_612, %ne3A_607 : i1
            %add3A_614 = arith.addi %rem3A_605, %select_n3A_604 : i32
            %select_n3A_615 = arith.select %and3A_613, %add3A_614, %rem3A_605 : i32
            %dma_wait3A_616 = arith.constant 0 : i32
            %dma_wait3A_617 = arith.constant 0 : i32
            %dma_wait3A_618 = tpu.memref_slice %arg9[%select_n3A_615, %dma_wait3A_616, %dma_wait3A_617] : memref<3x16x64xi32, #tpu.memory_space<vmem>> -> memref<1x16x64xi32, #tpu.memory_space<vmem>>
            %dma_wait3A_619 = tpu.memref_squeeze %dma_wait3A_618 : memref<1x16x64xi32, #tpu.memory_space<vmem>> -> memref<16x64xi32, #tpu.memory_space<vmem>>
            %dma_wait3A_620 = arith.constant 0 : i32
            %dma_wait3A_621 = arith.constant 0 : i32
            %dma_wait3A_622 = tpu.memref_slice %arg5[%add3A_599, %dma_wait3A_620, %dma_wait3A_621] : memref<320x16x64xi32, #tpu.memory_space<hbm>> -> memref<1x16x64xi32, #tpu.memory_space<hbm>>
            %dma_wait3A_623 = tpu.memref_squeeze %dma_wait3A_622 : memref<1x16x64xi32, #tpu.memory_space<hbm>> -> memref<16x64xi32, #tpu.memory_space<hbm>>
            %dma_wait3A_624 = arith.constant 0 : i32
            %dma_wait3A_625 = arith.constant 0 : i32
            %dma_wait3A_626 = tpu.memref_slice %arg9[%select_n3A_615, %dma_wait3A_624, %dma_wait3A_625] : memref<3x16x64xi32, #tpu.memory_space<vmem>> -> memref<1x16x64xi32, #tpu.memory_space<vmem>>
            %dma_wait3A_627 = tpu.memref_squeeze %dma_wait3A_626 : memref<1x16x64xi32, #tpu.memory_space<vmem>> -> memref<16x64xi32, #tpu.memory_space<vmem>>
            %dma_wait3A_628 = arith.constant 0 : i32
            %dma_wait3A_629 = arith.constant 0 : i32
            %dma_wait3A_630 = tpu.memref_slice %arg5[%add3A_599, %dma_wait3A_628, %dma_wait3A_629] : memref<320x16x64xi32, #tpu.memory_space<hbm>> -> memref<1x16x64xi32, #tpu.memory_space<hbm>>
            %dma_wait3A_631 = tpu.memref_squeeze %dma_wait3A_630 : memref<1x16x64xi32, #tpu.memory_space<hbm>> -> memref<16x64xi32, #tpu.memory_space<hbm>>
            tpu.wait_dma2 semaphore(%arg16 : memref<!tpu.dma_semaphore, #tpu.memory_space<semaphore_mem>>) src(%dma_wait3A_631 : memref<16x64xi32, #tpu.memory_space<hbm>>) dst(%dma_wait3A_627 : memref<16x64xi32, #tpu.memory_space<vmem>>)
            %add3A_632 = arith.constant 1 : i32
            %add3A_633 = arith.addi %select_n3A_565, %add3A_632 : i32
            %lt3A_634 = arith.constant 20 : i32
            %lt3A_635 = arith.cmpi slt, %add3A_633, %lt3A_634 : i32
            %convert_element_type3A_636 = arith.extui %lt3A_635 : i1 to i32
            %cond3A_637 = arith.constant 0 : i32
            %cond3A_638 = arith.cmpi ne, %convert_element_type3A_636, %cond3A_637 : i32
            scf.if %cond3A_638 {
              %add3A_639 = arith.addi %mul3A_32, %select_n3A_565 : i32
              %add3A_640 = arith.constant 1 : i32
              %add3A_641 = arith.addi %add3A_639, %add3A_640 : i32
              %add3A_642 = arith.constant 1 : i32
              %add3A_643 = arith.addi %select_n3A_565, %add3A_642 : i32
              %jit3A_644 = arith.constant 3 : i32
              %eq3A_645 = arith.constant 0 : i32
              %eq3A_646 = arith.cmpi eq, %jit3A_644, %eq3A_645 : i32
              %jit3A_647 = arith.constant 1 : i32
              %select_n3A_648 = arith.select %eq3A_646, %jit3A_647, %jit3A_644 : i32
              %rem3A_649 = arith.remsi %add3A_643, %select_n3A_648 : i32
              %ne3A_650 = arith.constant 0 : i32
              %ne3A_651 = arith.cmpi ne, %rem3A_649, %ne3A_650 : i32
              %lt3A_652 = arith.constant 0 : i32
              %lt3A_653 = arith.cmpi slt, %rem3A_649, %lt3A_652 : i32
              %lt3A_654 = arith.constant 0 : i32
              %lt3A_655 = arith.cmpi slt, %select_n3A_648, %lt3A_654 : i32
              %ne3A_656 = arith.xori %lt3A_653, %lt3A_655 : i1
              %and3A_657 = arith.andi %ne3A_656, %ne3A_651 : i1
              %add3A_658 = arith.addi %rem3A_649, %select_n3A_648 : i32
              %select_n3A_659 = arith.select %and3A_657, %add3A_658, %rem3A_649 : i32
              %dma_start3A_660 = arith.constant 0 : i32
              %dma_start3A_661 = arith.constant 0 : i32
              %dma_start3A_662 = tpu.memref_slice %arg8[%select_n3A_659, %dma_start3A_660, %dma_start3A_661] : memref<3x16x64xi32, #tpu.memory_space<vmem>> -> memref<1x16x64xi32, #tpu.memory_space<vmem>>
              %dma_start3A_663 = tpu.memref_squeeze %dma_start3A_662 : memref<1x16x64xi32, #tpu.memory_space<vmem>> -> memref<16x64xi32, #tpu.memory_space<vmem>>
              %dma_start3A_664 = arith.constant 0 : i32
              %dma_start3A_665 = arith.constant 0 : i32
              %dma_start3A_666 = tpu.memref_slice %arg4[%add3A_641, %dma_start3A_664, %dma_start3A_665] : memref<320x16x64xi32, #tpu.memory_space<hbm>> -> memref<1x16x64xi32, #tpu.memory_space<hbm>>
              %dma_start3A_667 = tpu.memref_squeeze %dma_start3A_666 : memref<1x16x64xi32, #tpu.memory_space<hbm>> -> memref<16x64xi32, #tpu.memory_space<hbm>>
              %dma_start3A_668 = arith.constant 0 : i32
              %dma_start3A_669 = arith.constant 0 : i32
              %dma_start3A_670 = tpu.memref_slice %arg8[%select_n3A_659, %dma_start3A_668, %dma_start3A_669] : memref<3x16x64xi32, #tpu.memory_space<vmem>> -> memref<1x16x64xi32, #tpu.memory_space<vmem>>
              %dma_start3A_671 = tpu.memref_squeeze %dma_start3A_670 : memref<1x16x64xi32, #tpu.memory_space<vmem>> -> memref<16x64xi32, #tpu.memory_space<vmem>>
              %dma_start3A_672 = arith.constant 0 : i32
              %dma_start3A_673 = arith.constant 0 : i32
              %dma_start3A_674 = tpu.memref_slice %arg4[%add3A_641, %dma_start3A_672, %dma_start3A_673] : memref<320x16x64xi32, #tpu.memory_space<hbm>> -> memref<1x16x64xi32, #tpu.memory_space<hbm>>
              %dma_start3A_675 = tpu.memref_squeeze %dma_start3A_674 : memref<1x16x64xi32, #tpu.memory_space<hbm>> -> memref<16x64xi32, #tpu.memory_space<hbm>>
              tpu.enqueue_dma source(%dma_start3A_675 : memref<16x64xi32, #tpu.memory_space<hbm>>) target(%dma_start3A_671 : memref<16x64xi32, #tpu.memory_space<vmem>>) target_semaphore(%arg15 : memref<!tpu.dma_semaphore, #tpu.memory_space<semaphore_mem>>)
              %add3A_676 = arith.addi %mul3A_32, %select_n3A_565 : i32
              %add3A_677 = arith.constant 1 : i32
              %add3A_678 = arith.addi %add3A_676, %add3A_677 : i32
              %add3A_679 = arith.constant 1 : i32
              %add3A_680 = arith.addi %select_n3A_565, %add3A_679 : i32
              %jit3A_681 = arith.constant 3 : i32
              %eq3A_682 = arith.constant 0 : i32
              %eq3A_683 = arith.cmpi eq, %jit3A_681, %eq3A_682 : i32
              %jit3A_684 = arith.constant 1 : i32
              %select_n3A_685 = arith.select %eq3A_683, %jit3A_684, %jit3A_681 : i32
              %rem3A_686 = arith.remsi %add3A_680, %select_n3A_685 : i32
              %ne3A_687 = arith.constant 0 : i32
              %ne3A_688 = arith.cmpi ne, %rem3A_686, %ne3A_687 : i32
              %lt3A_689 = arith.constant 0 : i32
              %lt3A_690 = arith.cmpi slt, %rem3A_686, %lt3A_689 : i32
              %lt3A_691 = arith.constant 0 : i32
              %lt3A_692 = arith.cmpi slt, %select_n3A_685, %lt3A_691 : i32
              %ne3A_693 = arith.xori %lt3A_690, %lt3A_692 : i1
              %and3A_694 = arith.andi %ne3A_693, %ne3A_688 : i1
              %add3A_695 = arith.addi %rem3A_686, %select_n3A_685 : i32
              %select_n3A_696 = arith.select %and3A_694, %add3A_695, %rem3A_686 : i32
              %dma_start3A_697 = arith.constant 0 : i32
              %dma_start3A_698 = arith.constant 0 : i32
              %dma_start3A_699 = tpu.memref_slice %arg9[%select_n3A_696, %dma_start3A_697, %dma_start3A_698] : memref<3x16x64xi32, #tpu.memory_space<vmem>> -> memref<1x16x64xi32, #tpu.memory_space<vmem>>
              %dma_start3A_700 = tpu.memref_squeeze %dma_start3A_699 : memref<1x16x64xi32, #tpu.memory_space<vmem>> -> memref<16x64xi32, #tpu.memory_space<vmem>>
              %dma_start3A_701 = arith.constant 0 : i32
              %dma_start3A_702 = arith.constant 0 : i32
              %dma_start3A_703 = tpu.memref_slice %arg5[%add3A_678, %dma_start3A_701, %dma_start3A_702] : memref<320x16x64xi32, #tpu.memory_space<hbm>> -> memref<1x16x64xi32, #tpu.memory_space<hbm>>
              %dma_start3A_704 = tpu.memref_squeeze %dma_start3A_703 : memref<1x16x64xi32, #tpu.memory_space<hbm>> -> memref<16x64xi32, #tpu.memory_space<hbm>>
              %dma_start3A_705 = arith.constant 0 : i32
              %dma_start3A_706 = arith.constant 0 : i32
              %dma_start3A_707 = tpu.memref_slice %arg9[%select_n3A_696, %dma_start3A_705, %dma_start3A_706] : memref<3x16x64xi32, #tpu.memory_space<vmem>> -> memref<1x16x64xi32, #tpu.memory_space<vmem>>
              %dma_start3A_708 = tpu.memref_squeeze %dma_start3A_707 : memref<1x16x64xi32, #tpu.memory_space<vmem>> -> memref<16x64xi32, #tpu.memory_space<vmem>>
              %dma_start3A_709 = arith.constant 0 : i32
              %dma_start3A_710 = arith.constant 0 : i32
              %dma_start3A_711 = tpu.memref_slice %arg5[%add3A_678, %dma_start3A_709, %dma_start3A_710] : memref<320x16x64xi32, #tpu.memory_space<hbm>> -> memref<1x16x64xi32, #tpu.memory_space<hbm>>
              %dma_start3A_712 = tpu.memref_squeeze %dma_start3A_711 : memref<1x16x64xi32, #tpu.memory_space<hbm>> -> memref<16x64xi32, #tpu.memory_space<hbm>>
              tpu.enqueue_dma source(%dma_start3A_712 : memref<16x64xi32, #tpu.memory_space<hbm>>) target(%dma_start3A_708 : memref<16x64xi32, #tpu.memory_space<vmem>>) target_semaphore(%arg16 : memref<!tpu.dma_semaphore, #tpu.memory_space<semaphore_mem>>)
            } else {
            }
          } else {
          }
          %ge3A = arith.constant 1 : i32
          %ge3A_476 = arith.cmpi sge, %add3A_215, %ge3A : i32
          %convert_element_type3A_477 = arith.extui %ge3A_476 : i1 to i32
          %cond3A_478 = arith.constant 0 : i32
          %cond3A_479 = arith.cmpi ne, %convert_element_type3A_477, %cond3A_478 : i32
          scf.if %cond3A_479 {
            %dma_wait3A_542 = arith.constant 0 : i32
            %dma_wait3A_543 = arith.constant 0 : i32
            %dma_wait3A_544 = arith.constant 0 : i32
            %dma_wait3A_545 = tpu.memref_slice %arg9[%dma_wait3A_542, %dma_wait3A_543, %dma_wait3A_544] : memref<3x16x64xi32, #tpu.memory_space<vmem>> -> memref<1x1x64xi32, #tpu.memory_space<vmem>>
            %dma_wait3A_546 = tpu.memref_squeeze %dma_wait3A_545 : memref<1x1x64xi32, #tpu.memory_space<vmem>> -> memref<64xi32, #tpu.memory_space<vmem>>
            %dma_wait3A_547 = arith.constant 0 : i32
            %dma_wait3A_548 = arith.constant 0 : i32
            %dma_wait3A_549 = tpu.memref_slice %arg14[%dma_wait3A_547, %dma_wait3A_548] : memref<10112x128xf32, #tpu.memory_space<vmem_shared>> -> memref<10112x128xf32, #tpu.memory_space<vmem_shared>>
            tpu.wait_indirect_dma semaphore(%arg21 : memref<!tpu.dma_semaphore, #tpu.memory_space<semaphore_mem>>) src(%arg10 : memref<64x128xf32, #tpu.memory_space<vmem>>) dst(%dma_wait3A_549 : memref<10112x128xf32, #tpu.memory_space<vmem_shared>>)
          } else {
          }
          %jit3A_480 = arith.constant 16 : i32
          %div3A_481 = arith.divsi %add3A_217, %jit3A_480 : i32
          %sign3A_482 = arith.constant 0 : i32
          %sign3A_483 = arith.cmpi sgt, %add3A_217, %sign3A_482 : i32
          %sign3A_484 = arith.extui %sign3A_483 : i1 to i32
          %sign3A_485 = arith.constant 0 : i32
          %sign3A_486 = arith.cmpi slt, %add3A_217, %sign3A_485 : i32
          %sign3A_487 = arith.extui %sign3A_486 : i1 to i32
          %sign3A_488 = arith.subi %sign3A_484, %sign3A_487 : i32
          %sign3A_489 = arith.constant 0 : i32
          %sign3A_490 = arith.cmpi sgt, %jit3A_480, %sign3A_489 : i32
          %sign3A_491 = arith.extui %sign3A_490 : i1 to i32
          %sign3A_492 = arith.constant 0 : i32
          %sign3A_493 = arith.cmpi slt, %jit3A_480, %sign3A_492 : i32
          %sign3A_494 = arith.extui %sign3A_493 : i1 to i32
          %sign3A_495 = arith.subi %sign3A_491, %sign3A_494 : i32
          %ne3A_496 = arith.cmpi ne, %sign3A_488, %sign3A_495 : i32
          %rem3A_497 = arith.remsi %add3A_217, %jit3A_480 : i32
          %ne3A_498 = arith.constant 0 : i32
          %ne3A_499 = arith.cmpi ne, %rem3A_497, %ne3A_498 : i32
          %and3A_500 = arith.andi %ne3A_496, %ne3A_499 : i1
          %sub3A_501 = arith.constant 1 : i32
          %sub3A_502 = arith.subi %div3A_481, %sub3A_501 : i32
          %select_n3A_503 = arith.select %and3A_500, %sub3A_502, %div3A_481 : i32
          %jit3A_504 = arith.constant 3 : i32
          %eq3A_505 = arith.constant 0 : i32
          %eq3A_506 = arith.cmpi eq, %jit3A_504, %eq3A_505 : i32
          %jit3A_507 = arith.constant 1 : i32
          %select_n3A_508 = arith.select %eq3A_506, %jit3A_507, %jit3A_504 : i32
          %rem3A_509 = arith.remsi %select_n3A_503, %select_n3A_508 : i32
          %ne3A_510 = arith.constant 0 : i32
          %ne3A_511 = arith.cmpi ne, %rem3A_509, %ne3A_510 : i32
          %lt3A_512 = arith.constant 0 : i32
          %lt3A_513 = arith.cmpi slt, %rem3A_509, %lt3A_512 : i32
          %lt3A_514 = arith.constant 0 : i32
          %lt3A_515 = arith.cmpi slt, %select_n3A_508, %lt3A_514 : i32
          %ne3A_516 = arith.xori %lt3A_513, %lt3A_515 : i1
          %and3A_517 = arith.andi %ne3A_516, %ne3A_511 : i1
          %add3A_518 = arith.addi %rem3A_509, %select_n3A_508 : i32
          %select_n3A_519 = arith.select %and3A_517, %add3A_518, %rem3A_509 : i32
          %jit3A_520 = arith.constant 16 : i32
          %eq3A_521 = arith.constant 0 : i32
          %eq3A_522 = arith.cmpi eq, %jit3A_520, %eq3A_521 : i32
          %jit3A_523 = arith.constant 1 : i32
          %select_n3A_524 = arith.select %eq3A_522, %jit3A_523, %jit3A_520 : i32
          %rem3A_525 = arith.remsi %add3A_217, %select_n3A_524 : i32
          %ne3A_526 = arith.constant 0 : i32
          %ne3A_527 = arith.cmpi ne, %rem3A_525, %ne3A_526 : i32
          %lt3A_528 = arith.constant 0 : i32
          %lt3A_529 = arith.cmpi slt, %rem3A_525, %lt3A_528 : i32
          %lt3A_530 = arith.constant 0 : i32
          %lt3A_531 = arith.cmpi slt, %select_n3A_524, %lt3A_530 : i32
          %ne3A_532 = arith.xori %lt3A_529, %lt3A_531 : i1
          %and3A_533 = arith.andi %ne3A_532, %ne3A_527 : i1
          %add3A_534 = arith.addi %rem3A_525, %select_n3A_524 : i32
          %select_n3A_535 = arith.select %and3A_533, %add3A_534, %rem3A_525 : i32
          %dma_start3A_536 = arith.constant 0 : i32
          %dma_start3A_537 = tpu.memref_slice %arg8[%select_n3A_519, %select_n3A_535, %dma_start3A_536] : memref<3x16x64xi32, #tpu.memory_space<vmem>> -> memref<1x1x64xi32, #tpu.memory_space<vmem>>
          %dma_start3A_538 = tpu.memref_squeeze %dma_start3A_537 : memref<1x1x64xi32, #tpu.memory_space<vmem>> -> memref<64xi32, #tpu.memory_space<vmem>>
          %dma_start3A_539 = arith.constant 0 : i32
          %dma_start3A_540 = arith.constant 0 : i32
          %dma_start3A_541 = tpu.memref_slice %arg2[%dma_start3A_539, %dma_start3A_540] : memref<10000x128xf32, #tpu.memory_space<hbm>> -> memref<10000x128xf32, #tpu.memory_space<hbm>>
          tpu.enqueue_indirect_dma source(%dma_start3A_541 : memref<10000x128xf32, #tpu.memory_space<hbm>>) target(%arg10 : memref<64x128xf32, #tpu.memory_space<vmem>>) offsets(%dma_start3A_538 : memref<64xi32, #tpu.memory_space<vmem>>) semaphore(%arg17 : memref<!tpu.dma_semaphore, #tpu.memory_space<semaphore_mem>>)
        } else {
        }
        %dma_wait3A_223 = arith.constant 0 : i32
        %dma_wait3A_224 = arith.constant 0 : i32
        %dma_wait3A_225 = arith.constant 0 : i32
        %dma_wait3A_226 = tpu.memref_slice %arg8[%dma_wait3A_223, %dma_wait3A_224, %dma_wait3A_225] : memref<3x16x64xi32, #tpu.memory_space<vmem>> -> memref<1x1x64xi32, #tpu.memory_space<vmem>>
        %dma_wait3A_227 = tpu.memref_squeeze %dma_wait3A_226 : memref<1x1x64xi32, #tpu.memory_space<vmem>> -> memref<64xi32, #tpu.memory_space<vmem>>
        %dma_wait3A_228 = arith.constant 0 : i32
        %dma_wait3A_229 = arith.constant 0 : i32
        %dma_wait3A_230 = tpu.memref_slice %arg2[%dma_wait3A_228, %dma_wait3A_229] : memref<10000x128xf32, #tpu.memory_space<hbm>> -> memref<10000x128xf32, #tpu.memory_space<hbm>>
        tpu.wait_indirect_dma semaphore(%arg18 : memref<!tpu.dma_semaphore, #tpu.memory_space<semaphore_mem>>) src(%dma_wait3A_230 : memref<10000x128xf32, #tpu.memory_space<hbm>>) dst(%arg11 : memref<64x128xf32, #tpu.memory_space<vmem>>)
        %jit3A_231 = arith.constant 16 : i32
        %div3A_232 = arith.divsi %add3A_215, %jit3A_231 : i32
        %sign3A_233 = arith.constant 0 : i32
        %sign3A_234 = arith.cmpi sgt, %add3A_215, %sign3A_233 : i32
        %sign3A_235 = arith.extui %sign3A_234 : i1 to i32
        %sign3A_236 = arith.constant 0 : i32
        %sign3A_237 = arith.cmpi slt, %add3A_215, %sign3A_236 : i32
        %sign3A_238 = arith.extui %sign3A_237 : i1 to i32
        %sign3A_239 = arith.subi %sign3A_235, %sign3A_238 : i32
        %sign3A_240 = arith.constant 0 : i32
        %sign3A_241 = arith.cmpi sgt, %jit3A_231, %sign3A_240 : i32
        %sign3A_242 = arith.extui %sign3A_241 : i1 to i32
        %sign3A_243 = arith.constant 0 : i32
        %sign3A_244 = arith.cmpi slt, %jit3A_231, %sign3A_243 : i32
        %sign3A_245 = arith.extui %sign3A_244 : i1 to i32
        %sign3A_246 = arith.subi %sign3A_242, %sign3A_245 : i32
        %ne3A_247 = arith.cmpi ne, %sign3A_239, %sign3A_246 : i32
        %rem3A_248 = arith.remsi %add3A_215, %jit3A_231 : i32
        %ne3A_249 = arith.constant 0 : i32
        %ne3A_250 = arith.cmpi ne, %rem3A_248, %ne3A_249 : i32
        %and3A_251 = arith.andi %ne3A_247, %ne3A_250 : i1
        %sub3A_252 = arith.constant 1 : i32
        %sub3A_253 = arith.subi %div3A_232, %sub3A_252 : i32
        %select_n3A_254 = arith.select %and3A_251, %sub3A_253, %div3A_232 : i32
        %jit3A_255 = arith.constant 3 : i32
        %eq3A_256 = arith.constant 0 : i32
        %eq3A_257 = arith.cmpi eq, %jit3A_255, %eq3A_256 : i32
        %jit3A_258 = arith.constant 1 : i32
        %select_n3A_259 = arith.select %eq3A_257, %jit3A_258, %jit3A_255 : i32
        %rem3A_260 = arith.remsi %select_n3A_254, %select_n3A_259 : i32
        %ne3A_261 = arith.constant 0 : i32
        %ne3A_262 = arith.cmpi ne, %rem3A_260, %ne3A_261 : i32
        %lt3A_263 = arith.constant 0 : i32
        %lt3A_264 = arith.cmpi slt, %rem3A_260, %lt3A_263 : i32
        %lt3A_265 = arith.constant 0 : i32
        %lt3A_266 = arith.cmpi slt, %select_n3A_259, %lt3A_265 : i32
        %ne3A_267 = arith.xori %lt3A_264, %lt3A_266 : i1
        %and3A_268 = arith.andi %ne3A_267, %ne3A_262 : i1
        %add3A_269 = arith.addi %rem3A_260, %select_n3A_259 : i32
        %select_n3A_270 = arith.select %and3A_268, %add3A_269, %rem3A_260 : i32
        %jit3A_271 = arith.constant 16 : i32
        %eq3A_272 = arith.constant 0 : i32
        %eq3A_273 = arith.cmpi eq, %jit3A_271, %eq3A_272 : i32
        %jit3A_274 = arith.constant 1 : i32
        %select_n3A_275 = arith.select %eq3A_273, %jit3A_274, %jit3A_271 : i32
        %rem3A_276 = arith.remsi %add3A_215, %select_n3A_275 : i32
        %ne3A_277 = arith.constant 0 : i32
        %ne3A_278 = arith.cmpi ne, %rem3A_276, %ne3A_277 : i32
        %lt3A_279 = arith.constant 0 : i32
        %lt3A_280 = arith.cmpi slt, %rem3A_276, %lt3A_279 : i32
        %lt3A_281 = arith.constant 0 : i32
        %lt3A_282 = arith.cmpi slt, %select_n3A_275, %lt3A_281 : i32
        %ne3A_283 = arith.xori %lt3A_280, %lt3A_282 : i1
        %and3A_284 = arith.andi %ne3A_283, %ne3A_278 : i1
        %add3A_285 = arith.addi %rem3A_276, %select_n3A_275 : i32
        %select_n3A_286 = arith.select %and3A_284, %add3A_285, %rem3A_276 : i32
        %dma_start3A_287 = arith.constant 0 : i32
        %dma_start3A_288 = tpu.memref_slice %arg9[%select_n3A_270, %select_n3A_286, %dma_start3A_287] : memref<3x16x64xi32, #tpu.memory_space<vmem>> -> memref<1x1x64xi32, #tpu.memory_space<vmem>>
        %dma_start3A_289 = tpu.memref_squeeze %dma_start3A_288 : memref<1x1x64xi32, #tpu.memory_space<vmem>> -> memref<64xi32, #tpu.memory_space<vmem>>
        %dma_start3A_290 = arith.constant 0 : i32
        %dma_start3A_291 = arith.constant 0 : i32
        %dma_start3A_292 = tpu.memref_slice %arg14[%dma_start3A_290, %dma_start3A_291] : memref<10112x128xf32, #tpu.memory_space<vmem_shared>> -> memref<10112x128xf32, #tpu.memory_space<vmem_shared>>
        tpu.enqueue_indirect_dma source(%arg11 : memref<64x128xf32, #tpu.memory_space<vmem>>) target(%dma_start3A_292 : memref<10112x128xf32, #tpu.memory_space<vmem_shared>>) offsets(%dma_start3A_289 : memref<64xi32, #tpu.memory_space<vmem>>) semaphore(%arg22 : memref<!tpu.dma_semaphore, #tpu.memory_space<semaphore_mem>>) {add = true}
        %mul3A_293 = arith.constant 4 : i32
        %mul3A_294 = arith.muli %scan3A_139, %mul3A_293 : i32
        %add3A_295 = arith.constant 2 : i32
        %add3A_296 = arith.addi %mul3A_294, %add3A_295 : i32
        %add3A_297 = arith.constant 3 : i32
        %add3A_298 = arith.addi %add3A_296, %add3A_297 : i32
        %lt3A_299 = arith.constant 320 : i32
        %lt3A_300 = arith.cmpi slt, %add3A_298, %lt3A_299 : i32
        %convert_element_type3A_301 = arith.extui %lt3A_300 : i1 to i32
        %cond3A_302 = arith.constant 0 : i32
        %cond3A_303 = arith.cmpi ne, %convert_element_type3A_301, %cond3A_302 : i32
        scf.if %cond3A_303 {
          %jit3A_455 = arith.constant 16 : i32
          %eq3A_456 = arith.constant 0 : i32
          %eq3A_457 = arith.cmpi eq, %jit3A_455, %eq3A_456 : i32
          %jit3A_458 = arith.constant 1 : i32
          %select_n3A_459 = arith.select %eq3A_457, %jit3A_458, %jit3A_455 : i32
          %rem3A_460 = arith.remsi %add3A_298, %select_n3A_459 : i32
          %ne3A_461 = arith.constant 0 : i32
          %ne3A_462 = arith.cmpi ne, %rem3A_460, %ne3A_461 : i32
          %lt3A_463 = arith.constant 0 : i32
          %lt3A_464 = arith.cmpi slt, %rem3A_460, %lt3A_463 : i32
          %lt3A_465 = arith.constant 0 : i32
          %lt3A_466 = arith.cmpi slt, %select_n3A_459, %lt3A_465 : i32
          %ne3A_467 = arith.xori %lt3A_464, %lt3A_466 : i1
          %and3A_468 = arith.andi %ne3A_467, %ne3A_462 : i1
          %add3A_469 = arith.addi %rem3A_460, %select_n3A_459 : i32
          %select_n3A_470 = arith.select %and3A_468, %add3A_469, %rem3A_460 : i32
          %eq3A_471 = arith.constant 0 : i32
          %eq3A_472 = arith.cmpi eq, %select_n3A_470, %eq3A_471 : i32
          %convert_element_type3A_473 = arith.extui %eq3A_472 : i1 to i32
          %cond3A_474 = arith.constant 0 : i32
          %cond3A_475 = arith.cmpi ne, %convert_element_type3A_473, %cond3A_474 : i32
          scf.if %cond3A_475 {
            %jit3A_542 = arith.constant 16 : i32
            %div3A_543 = arith.divsi %add3A_298, %jit3A_542 : i32
            %sign3A_544 = arith.constant 0 : i32
            %sign3A_545 = arith.cmpi sgt, %add3A_298, %sign3A_544 : i32
            %sign3A_546 = arith.extui %sign3A_545 : i1 to i32
            %sign3A_547 = arith.constant 0 : i32
            %sign3A_548 = arith.cmpi slt, %add3A_298, %sign3A_547 : i32
            %sign3A_549 = arith.extui %sign3A_548 : i1 to i32
            %sign3A_550 = arith.subi %sign3A_546, %sign3A_549 : i32
            %sign3A_551 = arith.constant 0 : i32
            %sign3A_552 = arith.cmpi sgt, %jit3A_542, %sign3A_551 : i32
            %sign3A_553 = arith.extui %sign3A_552 : i1 to i32
            %sign3A_554 = arith.constant 0 : i32
            %sign3A_555 = arith.cmpi slt, %jit3A_542, %sign3A_554 : i32
            %sign3A_556 = arith.extui %sign3A_555 : i1 to i32
            %sign3A_557 = arith.subi %sign3A_553, %sign3A_556 : i32
            %ne3A_558 = arith.cmpi ne, %sign3A_550, %sign3A_557 : i32
            %rem3A_559 = arith.remsi %add3A_298, %jit3A_542 : i32
            %ne3A_560 = arith.constant 0 : i32
            %ne3A_561 = arith.cmpi ne, %rem3A_559, %ne3A_560 : i32
            %and3A_562 = arith.andi %ne3A_558, %ne3A_561 : i1
            %sub3A_563 = arith.constant 1 : i32
            %sub3A_564 = arith.subi %div3A_543, %sub3A_563 : i32
            %select_n3A_565 = arith.select %and3A_562, %sub3A_564, %div3A_543 : i32
            %add3A_566 = arith.addi %mul3A_32, %select_n3A_565 : i32
            %jit3A_567 = arith.constant 3 : i32
            %eq3A_568 = arith.constant 0 : i32
            %eq3A_569 = arith.cmpi eq, %jit3A_567, %eq3A_568 : i32
            %jit3A_570 = arith.constant 1 : i32
            %select_n3A_571 = arith.select %eq3A_569, %jit3A_570, %jit3A_567 : i32
            %rem3A_572 = arith.remsi %select_n3A_565, %select_n3A_571 : i32
            %ne3A_573 = arith.constant 0 : i32
            %ne3A_574 = arith.cmpi ne, %rem3A_572, %ne3A_573 : i32
            %lt3A_575 = arith.constant 0 : i32
            %lt3A_576 = arith.cmpi slt, %rem3A_572, %lt3A_575 : i32
            %lt3A_577 = arith.constant 0 : i32
            %lt3A_578 = arith.cmpi slt, %select_n3A_571, %lt3A_577 : i32
            %ne3A_579 = arith.xori %lt3A_576, %lt3A_578 : i1
            %and3A_580 = arith.andi %ne3A_579, %ne3A_574 : i1
            %add3A_581 = arith.addi %rem3A_572, %select_n3A_571 : i32
            %select_n3A_582 = arith.select %and3A_580, %add3A_581, %rem3A_572 : i32
            %dma_wait3A_583 = arith.constant 0 : i32
            %dma_wait3A_584 = arith.constant 0 : i32
            %dma_wait3A_585 = tpu.memref_slice %arg8[%select_n3A_582, %dma_wait3A_583, %dma_wait3A_584] : memref<3x16x64xi32, #tpu.memory_space<vmem>> -> memref<1x16x64xi32, #tpu.memory_space<vmem>>
            %dma_wait3A_586 = tpu.memref_squeeze %dma_wait3A_585 : memref<1x16x64xi32, #tpu.memory_space<vmem>> -> memref<16x64xi32, #tpu.memory_space<vmem>>
            %dma_wait3A_587 = arith.constant 0 : i32
            %dma_wait3A_588 = arith.constant 0 : i32
            %dma_wait3A_589 = tpu.memref_slice %arg4[%add3A_566, %dma_wait3A_587, %dma_wait3A_588] : memref<320x16x64xi32, #tpu.memory_space<hbm>> -> memref<1x16x64xi32, #tpu.memory_space<hbm>>
            %dma_wait3A_590 = tpu.memref_squeeze %dma_wait3A_589 : memref<1x16x64xi32, #tpu.memory_space<hbm>> -> memref<16x64xi32, #tpu.memory_space<hbm>>
            %dma_wait3A_591 = arith.constant 0 : i32
            %dma_wait3A_592 = arith.constant 0 : i32
            %dma_wait3A_593 = tpu.memref_slice %arg8[%select_n3A_582, %dma_wait3A_591, %dma_wait3A_592] : memref<3x16x64xi32, #tpu.memory_space<vmem>> -> memref<1x16x64xi32, #tpu.memory_space<vmem>>
            %dma_wait3A_594 = tpu.memref_squeeze %dma_wait3A_593 : memref<1x16x64xi32, #tpu.memory_space<vmem>> -> memref<16x64xi32, #tpu.memory_space<vmem>>
            %dma_wait3A_595 = arith.constant 0 : i32
            %dma_wait3A_596 = arith.constant 0 : i32
            %dma_wait3A_597 = tpu.memref_slice %arg4[%add3A_566, %dma_wait3A_595, %dma_wait3A_596] : memref<320x16x64xi32, #tpu.memory_space<hbm>> -> memref<1x16x64xi32, #tpu.memory_space<hbm>>
            %dma_wait3A_598 = tpu.memref_squeeze %dma_wait3A_597 : memref<1x16x64xi32, #tpu.memory_space<hbm>> -> memref<16x64xi32, #tpu.memory_space<hbm>>
            tpu.wait_dma2 semaphore(%arg15 : memref<!tpu.dma_semaphore, #tpu.memory_space<semaphore_mem>>) src(%dma_wait3A_598 : memref<16x64xi32, #tpu.memory_space<hbm>>) dst(%dma_wait3A_594 : memref<16x64xi32, #tpu.memory_space<vmem>>)
            %add3A_599 = arith.addi %mul3A_32, %select_n3A_565 : i32
            %jit3A_600 = arith.constant 3 : i32
            %eq3A_601 = arith.constant 0 : i32
            %eq3A_602 = arith.cmpi eq, %jit3A_600, %eq3A_601 : i32
            %jit3A_603 = arith.constant 1 : i32
            %select_n3A_604 = arith.select %eq3A_602, %jit3A_603, %jit3A_600 : i32
            %rem3A_605 = arith.remsi %select_n3A_565, %select_n3A_604 : i32
            %ne3A_606 = arith.constant 0 : i32
            %ne3A_607 = arith.cmpi ne, %rem3A_605, %ne3A_606 : i32
            %lt3A_608 = arith.constant 0 : i32
            %lt3A_609 = arith.cmpi slt, %rem3A_605, %lt3A_608 : i32
            %lt3A_610 = arith.constant 0 : i32
            %lt3A_611 = arith.cmpi slt, %select_n3A_604, %lt3A_610 : i32
            %ne3A_612 = arith.xori %lt3A_609, %lt3A_611 : i1
            %and3A_613 = arith.andi %ne3A_612, %ne3A_607 : i1
            %add3A_614 = arith.addi %rem3A_605, %select_n3A_604 : i32
            %select_n3A_615 = arith.select %and3A_613, %add3A_614, %rem3A_605 : i32
            %dma_wait3A_616 = arith.constant 0 : i32
            %dma_wait3A_617 = arith.constant 0 : i32
            %dma_wait3A_618 = tpu.memref_slice %arg9[%select_n3A_615, %dma_wait3A_616, %dma_wait3A_617] : memref<3x16x64xi32, #tpu.memory_space<vmem>> -> memref<1x16x64xi32, #tpu.memory_space<vmem>>
            %dma_wait3A_619 = tpu.memref_squeeze %dma_wait3A_618 : memref<1x16x64xi32, #tpu.memory_space<vmem>> -> memref<16x64xi32, #tpu.memory_space<vmem>>
            %dma_wait3A_620 = arith.constant 0 : i32
            %dma_wait3A_621 = arith.constant 0 : i32
            %dma_wait3A_622 = tpu.memref_slice %arg5[%add3A_599, %dma_wait3A_620, %dma_wait3A_621] : memref<320x16x64xi32, #tpu.memory_space<hbm>> -> memref<1x16x64xi32, #tpu.memory_space<hbm>>
            %dma_wait3A_623 = tpu.memref_squeeze %dma_wait3A_622 : memref<1x16x64xi32, #tpu.memory_space<hbm>> -> memref<16x64xi32, #tpu.memory_space<hbm>>
            %dma_wait3A_624 = arith.constant 0 : i32
            %dma_wait3A_625 = arith.constant 0 : i32
            %dma_wait3A_626 = tpu.memref_slice %arg9[%select_n3A_615, %dma_wait3A_624, %dma_wait3A_625] : memref<3x16x64xi32, #tpu.memory_space<vmem>> -> memref<1x16x64xi32, #tpu.memory_space<vmem>>
            %dma_wait3A_627 = tpu.memref_squeeze %dma_wait3A_626 : memref<1x16x64xi32, #tpu.memory_space<vmem>> -> memref<16x64xi32, #tpu.memory_space<vmem>>
            %dma_wait3A_628 = arith.constant 0 : i32
            %dma_wait3A_629 = arith.constant 0 : i32
            %dma_wait3A_630 = tpu.memref_slice %arg5[%add3A_599, %dma_wait3A_628, %dma_wait3A_629] : memref<320x16x64xi32, #tpu.memory_space<hbm>> -> memref<1x16x64xi32, #tpu.memory_space<hbm>>
            %dma_wait3A_631 = tpu.memref_squeeze %dma_wait3A_630 : memref<1x16x64xi32, #tpu.memory_space<hbm>> -> memref<16x64xi32, #tpu.memory_space<hbm>>
            tpu.wait_dma2 semaphore(%arg16 : memref<!tpu.dma_semaphore, #tpu.memory_space<semaphore_mem>>) src(%dma_wait3A_631 : memref<16x64xi32, #tpu.memory_space<hbm>>) dst(%dma_wait3A_627 : memref<16x64xi32, #tpu.memory_space<vmem>>)
            %add3A_632 = arith.constant 1 : i32
            %add3A_633 = arith.addi %select_n3A_565, %add3A_632 : i32
            %lt3A_634 = arith.constant 20 : i32
            %lt3A_635 = arith.cmpi slt, %add3A_633, %lt3A_634 : i32
            %convert_element_type3A_636 = arith.extui %lt3A_635 : i1 to i32
            %cond3A_637 = arith.constant 0 : i32
            %cond3A_638 = arith.cmpi ne, %convert_element_type3A_636, %cond3A_637 : i32
            scf.if %cond3A_638 {
              %add3A_639 = arith.addi %mul3A_32, %select_n3A_565 : i32
              %add3A_640 = arith.constant 1 : i32
              %add3A_641 = arith.addi %add3A_639, %add3A_640 : i32
              %add3A_642 = arith.constant 1 : i32
              %add3A_643 = arith.addi %select_n3A_565, %add3A_642 : i32
              %jit3A_644 = arith.constant 3 : i32
              %eq3A_645 = arith.constant 0 : i32
              %eq3A_646 = arith.cmpi eq, %jit3A_644, %eq3A_645 : i32
              %jit3A_647 = arith.constant 1 : i32
              %select_n3A_648 = arith.select %eq3A_646, %jit3A_647, %jit3A_644 : i32
              %rem3A_649 = arith.remsi %add3A_643, %select_n3A_648 : i32
              %ne3A_650 = arith.constant 0 : i32
              %ne3A_651 = arith.cmpi ne, %rem3A_649, %ne3A_650 : i32
              %lt3A_652 = arith.constant 0 : i32
              %lt3A_653 = arith.cmpi slt, %rem3A_649, %lt3A_652 : i32
              %lt3A_654 = arith.constant 0 : i32
              %lt3A_655 = arith.cmpi slt, %select_n3A_648, %lt3A_654 : i32
              %ne3A_656 = arith.xori %lt3A_653, %lt3A_655 : i1
              %and3A_657 = arith.andi %ne3A_656, %ne3A_651 : i1
              %add3A_658 = arith.addi %rem3A_649, %select_n3A_648 : i32
              %select_n3A_659 = arith.select %and3A_657, %add3A_658, %rem3A_649 : i32
              %dma_start3A_660 = arith.constant 0 : i32
              %dma_start3A_661 = arith.constant 0 : i32
              %dma_start3A_662 = tpu.memref_slice %arg8[%select_n3A_659, %dma_start3A_660, %dma_start3A_661] : memref<3x16x64xi32, #tpu.memory_space<vmem>> -> memref<1x16x64xi32, #tpu.memory_space<vmem>>
              %dma_start3A_663 = tpu.memref_squeeze %dma_start3A_662 : memref<1x16x64xi32, #tpu.memory_space<vmem>> -> memref<16x64xi32, #tpu.memory_space<vmem>>
              %dma_start3A_664 = arith.constant 0 : i32
              %dma_start3A_665 = arith.constant 0 : i32
              %dma_start3A_666 = tpu.memref_slice %arg4[%add3A_641, %dma_start3A_664, %dma_start3A_665] : memref<320x16x64xi32, #tpu.memory_space<hbm>> -> memref<1x16x64xi32, #tpu.memory_space<hbm>>
              %dma_start3A_667 = tpu.memref_squeeze %dma_start3A_666 : memref<1x16x64xi32, #tpu.memory_space<hbm>> -> memref<16x64xi32, #tpu.memory_space<hbm>>
              %dma_start3A_668 = arith.constant 0 : i32
              %dma_start3A_669 = arith.constant 0 : i32
              %dma_start3A_670 = tpu.memref_slice %arg8[%select_n3A_659, %dma_start3A_668, %dma_start3A_669] : memref<3x16x64xi32, #tpu.memory_space<vmem>> -> memref<1x16x64xi32, #tpu.memory_space<vmem>>
              %dma_start3A_671 = tpu.memref_squeeze %dma_start3A_670 : memref<1x16x64xi32, #tpu.memory_space<vmem>> -> memref<16x64xi32, #tpu.memory_space<vmem>>
              %dma_start3A_672 = arith.constant 0 : i32
              %dma_start3A_673 = arith.constant 0 : i32
              %dma_start3A_674 = tpu.memref_slice %arg4[%add3A_641, %dma_start3A_672, %dma_start3A_673] : memref<320x16x64xi32, #tpu.memory_space<hbm>> -> memref<1x16x64xi32, #tpu.memory_space<hbm>>
              %dma_start3A_675 = tpu.memref_squeeze %dma_start3A_674 : memref<1x16x64xi32, #tpu.memory_space<hbm>> -> memref<16x64xi32, #tpu.memory_space<hbm>>
              tpu.enqueue_dma source(%dma_start3A_675 : memref<16x64xi32, #tpu.memory_space<hbm>>) target(%dma_start3A_671 : memref<16x64xi32, #tpu.memory_space<vmem>>) target_semaphore(%arg15 : memref<!tpu.dma_semaphore, #tpu.memory_space<semaphore_mem>>)
              %add3A_676 = arith.addi %mul3A_32, %select_n3A_565 : i32
              %add3A_677 = arith.constant 1 : i32
              %add3A_678 = arith.addi %add3A_676, %add3A_677 : i32
              %add3A_679 = arith.constant 1 : i32
              %add3A_680 = arith.addi %select_n3A_565, %add3A_679 : i32
              %jit3A_681 = arith.constant 3 : i32
              %eq3A_682 = arith.constant 0 : i32
              %eq3A_683 = arith.cmpi eq, %jit3A_681, %eq3A_682 : i32
              %jit3A_684 = arith.constant 1 : i32
              %select_n3A_685 = arith.select %eq3A_683, %jit3A_684, %jit3A_681 : i32
              %rem3A_686 = arith.remsi %add3A_680, %select_n3A_685 : i32
              %ne3A_687 = arith.constant 0 : i32
              %ne3A_688 = arith.cmpi ne, %rem3A_686, %ne3A_687 : i32
              %lt3A_689 = arith.constant 0 : i32
              %lt3A_690 = arith.cmpi slt, %rem3A_686, %lt3A_689 : i32
              %lt3A_691 = arith.constant 0 : i32
              %lt3A_692 = arith.cmpi slt, %select_n3A_685, %lt3A_691 : i32
              %ne3A_693 = arith.xori %lt3A_690, %lt3A_692 : i1
              %and3A_694 = arith.andi %ne3A_693, %ne3A_688 : i1
              %add3A_695 = arith.addi %rem3A_686, %select_n3A_685 : i32
              %select_n3A_696 = arith.select %and3A_694, %add3A_695, %rem3A_686 : i32
              %dma_start3A_697 = arith.constant 0 : i32
              %dma_start3A_698 = arith.constant 0 : i32
              %dma_start3A_699 = tpu.memref_slice %arg9[%select_n3A_696, %dma_start3A_697, %dma_start3A_698] : memref<3x16x64xi32, #tpu.memory_space<vmem>> -> memref<1x16x64xi32, #tpu.memory_space<vmem>>
              %dma_start3A_700 = tpu.memref_squeeze %dma_start3A_699 : memref<1x16x64xi32, #tpu.memory_space<vmem>> -> memref<16x64xi32, #tpu.memory_space<vmem>>
              %dma_start3A_701 = arith.constant 0 : i32
              %dma_start3A_702 = arith.constant 0 : i32
              %dma_start3A_703 = tpu.memref_slice %arg5[%add3A_678, %dma_start3A_701, %dma_start3A_702] : memref<320x16x64xi32, #tpu.memory_space<hbm>> -> memref<1x16x64xi32, #tpu.memory_space<hbm>>
              %dma_start3A_704 = tpu.memref_squeeze %dma_start3A_703 : memref<1x16x64xi32, #tpu.memory_space<hbm>> -> memref<16x64xi32, #tpu.memory_space<hbm>>
              %dma_start3A_705 = arith.constant 0 : i32
              %dma_start3A_706 = arith.constant 0 : i32
              %dma_start3A_707 = tpu.memref_slice %arg9[%select_n3A_696, %dma_start3A_705, %dma_start3A_706] : memref<3x16x64xi32, #tpu.memory_space<vmem>> -> memref<1x16x64xi32, #tpu.memory_space<vmem>>
              %dma_start3A_708 = tpu.memref_squeeze %dma_start3A_707 : memref<1x16x64xi32, #tpu.memory_space<vmem>> -> memref<16x64xi32, #tpu.memory_space<vmem>>
              %dma_start3A_709 = arith.constant 0 : i32
              %dma_start3A_710 = arith.constant 0 : i32
              %dma_start3A_711 = tpu.memref_slice %arg5[%add3A_678, %dma_start3A_709, %dma_start3A_710] : memref<320x16x64xi32, #tpu.memory_space<hbm>> -> memref<1x16x64xi32, #tpu.memory_space<hbm>>
              %dma_start3A_712 = tpu.memref_squeeze %dma_start3A_711 : memref<1x16x64xi32, #tpu.memory_space<hbm>> -> memref<16x64xi32, #tpu.memory_space<hbm>>
              tpu.enqueue_dma source(%dma_start3A_712 : memref<16x64xi32, #tpu.memory_space<hbm>>) target(%dma_start3A_708 : memref<16x64xi32, #tpu.memory_space<vmem>>) target_semaphore(%arg16 : memref<!tpu.dma_semaphore, #tpu.memory_space<semaphore_mem>>)
            } else {
            }
          } else {
          }
          %ge3A = arith.constant 1 : i32
          %ge3A_476 = arith.cmpi sge, %add3A_296, %ge3A : i32
          %convert_element_type3A_477 = arith.extui %ge3A_476 : i1 to i32
          %cond3A_478 = arith.constant 0 : i32
          %cond3A_479 = arith.cmpi ne, %convert_element_type3A_477, %cond3A_478 : i32
          scf.if %cond3A_479 {
            %dma_wait3A_542 = arith.constant 0 : i32
            %dma_wait3A_543 = arith.constant 0 : i32
            %dma_wait3A_544 = arith.constant 0 : i32
            %dma_wait3A_545 = tpu.memref_slice %arg9[%dma_wait3A_542, %dma_wait3A_543, %dma_wait3A_544] : memref<3x16x64xi32, #tpu.memory_space<vmem>> -> memref<1x1x64xi32, #tpu.memory_space<vmem>>
            %dma_wait3A_546 = tpu.memref_squeeze %dma_wait3A_545 : memref<1x1x64xi32, #tpu.memory_space<vmem>> -> memref<64xi32, #tpu.memory_space<vmem>>
            %dma_wait3A_547 = arith.constant 0 : i32
            %dma_wait3A_548 = arith.constant 0 : i32
            %dma_wait3A_549 = tpu.memref_slice %arg14[%dma_wait3A_547, %dma_wait3A_548] : memref<10112x128xf32, #tpu.memory_space<vmem_shared>> -> memref<10112x128xf32, #tpu.memory_space<vmem_shared>>
            tpu.wait_indirect_dma semaphore(%arg22 : memref<!tpu.dma_semaphore, #tpu.memory_space<semaphore_mem>>) src(%arg11 : memref<64x128xf32, #tpu.memory_space<vmem>>) dst(%dma_wait3A_549 : memref<10112x128xf32, #tpu.memory_space<vmem_shared>>)
          } else {
          }
          %jit3A_480 = arith.constant 16 : i32
          %div3A_481 = arith.divsi %add3A_298, %jit3A_480 : i32
          %sign3A_482 = arith.constant 0 : i32
          %sign3A_483 = arith.cmpi sgt, %add3A_298, %sign3A_482 : i32
          %sign3A_484 = arith.extui %sign3A_483 : i1 to i32
          %sign3A_485 = arith.constant 0 : i32
          %sign3A_486 = arith.cmpi slt, %add3A_298, %sign3A_485 : i32
          %sign3A_487 = arith.extui %sign3A_486 : i1 to i32
          %sign3A_488 = arith.subi %sign3A_484, %sign3A_487 : i32
          %sign3A_489 = arith.constant 0 : i32
          %sign3A_490 = arith.cmpi sgt, %jit3A_480, %sign3A_489 : i32
          %sign3A_491 = arith.extui %sign3A_490 : i1 to i32
          %sign3A_492 = arith.constant 0 : i32
          %sign3A_493 = arith.cmpi slt, %jit3A_480, %sign3A_492 : i32
          %sign3A_494 = arith.extui %sign3A_493 : i1 to i32
          %sign3A_495 = arith.subi %sign3A_491, %sign3A_494 : i32
          %ne3A_496 = arith.cmpi ne, %sign3A_488, %sign3A_495 : i32
          %rem3A_497 = arith.remsi %add3A_298, %jit3A_480 : i32
          %ne3A_498 = arith.constant 0 : i32
          %ne3A_499 = arith.cmpi ne, %rem3A_497, %ne3A_498 : i32
          %and3A_500 = arith.andi %ne3A_496, %ne3A_499 : i1
          %sub3A_501 = arith.constant 1 : i32
          %sub3A_502 = arith.subi %div3A_481, %sub3A_501 : i32
          %select_n3A_503 = arith.select %and3A_500, %sub3A_502, %div3A_481 : i32
          %jit3A_504 = arith.constant 3 : i32
          %eq3A_505 = arith.constant 0 : i32
          %eq3A_506 = arith.cmpi eq, %jit3A_504, %eq3A_505 : i32
          %jit3A_507 = arith.constant 1 : i32
          %select_n3A_508 = arith.select %eq3A_506, %jit3A_507, %jit3A_504 : i32
          %rem3A_509 = arith.remsi %select_n3A_503, %select_n3A_508 : i32
          %ne3A_510 = arith.constant 0 : i32
          %ne3A_511 = arith.cmpi ne, %rem3A_509, %ne3A_510 : i32
          %lt3A_512 = arith.constant 0 : i32
          %lt3A_513 = arith.cmpi slt, %rem3A_509, %lt3A_512 : i32
          %lt3A_514 = arith.constant 0 : i32
          %lt3A_515 = arith.cmpi slt, %select_n3A_508, %lt3A_514 : i32
          %ne3A_516 = arith.xori %lt3A_513, %lt3A_515 : i1
          %and3A_517 = arith.andi %ne3A_516, %ne3A_511 : i1
          %add3A_518 = arith.addi %rem3A_509, %select_n3A_508 : i32
          %select_n3A_519 = arith.select %and3A_517, %add3A_518, %rem3A_509 : i32
          %jit3A_520 = arith.constant 16 : i32
          %eq3A_521 = arith.constant 0 : i32
          %eq3A_522 = arith.cmpi eq, %jit3A_520, %eq3A_521 : i32
          %jit3A_523 = arith.constant 1 : i32
          %select_n3A_524 = arith.select %eq3A_522, %jit3A_523, %jit3A_520 : i32
          %rem3A_525 = arith.remsi %add3A_298, %select_n3A_524 : i32
          %ne3A_526 = arith.constant 0 : i32
          %ne3A_527 = arith.cmpi ne, %rem3A_525, %ne3A_526 : i32
          %lt3A_528 = arith.constant 0 : i32
          %lt3A_529 = arith.cmpi slt, %rem3A_525, %lt3A_528 : i32
          %lt3A_530 = arith.constant 0 : i32
          %lt3A_531 = arith.cmpi slt, %select_n3A_524, %lt3A_530 : i32
          %ne3A_532 = arith.xori %lt3A_529, %lt3A_531 : i1
          %and3A_533 = arith.andi %ne3A_532, %ne3A_527 : i1
          %add3A_534 = arith.addi %rem3A_525, %select_n3A_524 : i32
          %select_n3A_535 = arith.select %and3A_533, %add3A_534, %rem3A_525 : i32
          %dma_start3A_536 = arith.constant 0 : i32
          %dma_start3A_537 = tpu.memref_slice %arg8[%select_n3A_519, %select_n3A_535, %dma_start3A_536] : memref<3x16x64xi32, #tpu.memory_space<vmem>> -> memref<1x1x64xi32, #tpu.memory_space<vmem>>
          %dma_start3A_538 = tpu.memref_squeeze %dma_start3A_537 : memref<1x1x64xi32, #tpu.memory_space<vmem>> -> memref<64xi32, #tpu.memory_space<vmem>>
          %dma_start3A_539 = arith.constant 0 : i32
          %dma_start3A_540 = arith.constant 0 : i32
          %dma_start3A_541 = tpu.memref_slice %arg2[%dma_start3A_539, %dma_start3A_540] : memref<10000x128xf32, #tpu.memory_space<hbm>> -> memref<10000x128xf32, #tpu.memory_space<hbm>>
          tpu.enqueue_indirect_dma source(%dma_start3A_541 : memref<10000x128xf32, #tpu.memory_space<hbm>>) target(%arg11 : memref<64x128xf32, #tpu.memory_space<vmem>>) offsets(%dma_start3A_538 : memref<64xi32, #tpu.memory_space<vmem>>) semaphore(%arg18 : memref<!tpu.dma_semaphore, #tpu.memory_space<semaphore_mem>>)
        } else {
        }
        %dma_wait3A_304 = arith.constant 0 : i32
        %dma_wait3A_305 = arith.constant 0 : i32
        %dma_wait3A_306 = arith.constant 0 : i32
        %dma_wait3A_307 = tpu.memref_slice %arg8[%dma_wait3A_304, %dma_wait3A_305, %dma_wait3A_306] : memref<3x16x64xi32, #tpu.memory_space<vmem>> -> memref<1x1x64xi32, #tpu.memory_space<vmem>>
        %dma_wait3A_308 = tpu.memref_squeeze %dma_wait3A_307 : memref<1x1x64xi32, #tpu.memory_space<vmem>> -> memref<64xi32, #tpu.memory_space<vmem>>
        %dma_wait3A_309 = arith.constant 0 : i32
        %dma_wait3A_310 = arith.constant 0 : i32
        %dma_wait3A_311 = tpu.memref_slice %arg2[%dma_wait3A_309, %dma_wait3A_310] : memref<10000x128xf32, #tpu.memory_space<hbm>> -> memref<10000x128xf32, #tpu.memory_space<hbm>>
        tpu.wait_indirect_dma semaphore(%arg19 : memref<!tpu.dma_semaphore, #tpu.memory_space<semaphore_mem>>) src(%dma_wait3A_311 : memref<10000x128xf32, #tpu.memory_space<hbm>>) dst(%arg12 : memref<64x128xf32, #tpu.memory_space<vmem>>)
        %jit3A_312 = arith.constant 16 : i32
        %div3A_313 = arith.divsi %add3A_296, %jit3A_312 : i32
        %sign3A_314 = arith.constant 0 : i32
        %sign3A_315 = arith.cmpi sgt, %add3A_296, %sign3A_314 : i32
        %sign3A_316 = arith.extui %sign3A_315 : i1 to i32
        %sign3A_317 = arith.constant 0 : i32
        %sign3A_318 = arith.cmpi slt, %add3A_296, %sign3A_317 : i32
        %sign3A_319 = arith.extui %sign3A_318 : i1 to i32
        %sign3A_320 = arith.subi %sign3A_316, %sign3A_319 : i32
        %sign3A_321 = arith.constant 0 : i32
        %sign3A_322 = arith.cmpi sgt, %jit3A_312, %sign3A_321 : i32
        %sign3A_323 = arith.extui %sign3A_322 : i1 to i32
        %sign3A_324 = arith.constant 0 : i32
        %sign3A_325 = arith.cmpi slt, %jit3A_312, %sign3A_324 : i32
        %sign3A_326 = arith.extui %sign3A_325 : i1 to i32
        %sign3A_327 = arith.subi %sign3A_323, %sign3A_326 : i32
        %ne3A_328 = arith.cmpi ne, %sign3A_320, %sign3A_327 : i32
        %rem3A_329 = arith.remsi %add3A_296, %jit3A_312 : i32
        %ne3A_330 = arith.constant 0 : i32
        %ne3A_331 = arith.cmpi ne, %rem3A_329, %ne3A_330 : i32
        %and3A_332 = arith.andi %ne3A_328, %ne3A_331 : i1
        %sub3A_333 = arith.constant 1 : i32
        %sub3A_334 = arith.subi %div3A_313, %sub3A_333 : i32
        %select_n3A_335 = arith.select %and3A_332, %sub3A_334, %div3A_313 : i32
        %jit3A_336 = arith.constant 3 : i32
        %eq3A_337 = arith.constant 0 : i32
        %eq3A_338 = arith.cmpi eq, %jit3A_336, %eq3A_337 : i32
        %jit3A_339 = arith.constant 1 : i32
        %select_n3A_340 = arith.select %eq3A_338, %jit3A_339, %jit3A_336 : i32
        %rem3A_341 = arith.remsi %select_n3A_335, %select_n3A_340 : i32
        %ne3A_342 = arith.constant 0 : i32
        %ne3A_343 = arith.cmpi ne, %rem3A_341, %ne3A_342 : i32
        %lt3A_344 = arith.constant 0 : i32
        %lt3A_345 = arith.cmpi slt, %rem3A_341, %lt3A_344 : i32
        %lt3A_346 = arith.constant 0 : i32
        %lt3A_347 = arith.cmpi slt, %select_n3A_340, %lt3A_346 : i32
        %ne3A_348 = arith.xori %lt3A_345, %lt3A_347 : i1
        %and3A_349 = arith.andi %ne3A_348, %ne3A_343 : i1
        %add3A_350 = arith.addi %rem3A_341, %select_n3A_340 : i32
        %select_n3A_351 = arith.select %and3A_349, %add3A_350, %rem3A_341 : i32
        %jit3A_352 = arith.constant 16 : i32
        %eq3A_353 = arith.constant 0 : i32
        %eq3A_354 = arith.cmpi eq, %jit3A_352, %eq3A_353 : i32
        %jit3A_355 = arith.constant 1 : i32
        %select_n3A_356 = arith.select %eq3A_354, %jit3A_355, %jit3A_352 : i32
        %rem3A_357 = arith.remsi %add3A_296, %select_n3A_356 : i32
        %ne3A_358 = arith.constant 0 : i32
        %ne3A_359 = arith.cmpi ne, %rem3A_357, %ne3A_358 : i32
        %lt3A_360 = arith.constant 0 : i32
        %lt3A_361 = arith.cmpi slt, %rem3A_357, %lt3A_360 : i32
        %lt3A_362 = arith.constant 0 : i32
        %lt3A_363 = arith.cmpi slt, %select_n3A_356, %lt3A_362 : i32
        %ne3A_364 = arith.xori %lt3A_361, %lt3A_363 : i1
        %and3A_365 = arith.andi %ne3A_364, %ne3A_359 : i1
        %add3A_366 = arith.addi %rem3A_357, %select_n3A_356 : i32
        %select_n3A_367 = arith.select %and3A_365, %add3A_366, %rem3A_357 : i32
        %dma_start3A_368 = arith.constant 0 : i32
        %dma_start3A_369 = tpu.memref_slice %arg9[%select_n3A_351, %select_n3A_367, %dma_start3A_368] : memref<3x16x64xi32, #tpu.memory_space<vmem>> -> memref<1x1x64xi32, #tpu.memory_space<vmem>>
        %dma_start3A_370 = tpu.memref_squeeze %dma_start3A_369 : memref<1x1x64xi32, #tpu.memory_space<vmem>> -> memref<64xi32, #tpu.memory_space<vmem>>
        %dma_start3A_371 = arith.constant 0 : i32
        %dma_start3A_372 = arith.constant 0 : i32
        %dma_start3A_373 = tpu.memref_slice %arg14[%dma_start3A_371, %dma_start3A_372] : memref<10112x128xf32, #tpu.memory_space<vmem_shared>> -> memref<10112x128xf32, #tpu.memory_space<vmem_shared>>
        tpu.enqueue_indirect_dma source(%arg12 : memref<64x128xf32, #tpu.memory_space<vmem>>) target(%dma_start3A_373 : memref<10112x128xf32, #tpu.memory_space<vmem_shared>>) offsets(%dma_start3A_370 : memref<64xi32, #tpu.memory_space<vmem>>) semaphore(%arg23 : memref<!tpu.dma_semaphore, #tpu.memory_space<semaphore_mem>>) {add = true}
        %mul3A_374 = arith.constant 4 : i32
        %mul3A_375 = arith.muli %scan3A_139, %mul3A_374 : i32
        %add3A_376 = arith.constant 3 : i32
        %add3A_377 = arith.addi %mul3A_375, %add3A_376 : i32
        %add3A_378 = arith.constant 3 : i32
        %add3A_379 = arith.addi %add3A_377, %add3A_378 : i32
        %lt3A_380 = arith.constant 320 : i32
        %lt3A_381 = arith.cmpi slt, %add3A_379, %lt3A_380 : i32
        %convert_element_type3A_382 = arith.extui %lt3A_381 : i1 to i32
        %cond3A_383 = arith.constant 0 : i32
        %cond3A_384 = arith.cmpi ne, %convert_element_type3A_382, %cond3A_383 : i32
        scf.if %cond3A_384 {
          %jit3A_455 = arith.constant 16 : i32
          %eq3A_456 = arith.constant 0 : i32
          %eq3A_457 = arith.cmpi eq, %jit3A_455, %eq3A_456 : i32
          %jit3A_458 = arith.constant 1 : i32
          %select_n3A_459 = arith.select %eq3A_457, %jit3A_458, %jit3A_455 : i32
          %rem3A_460 = arith.remsi %add3A_379, %select_n3A_459 : i32
          %ne3A_461 = arith.constant 0 : i32
          %ne3A_462 = arith.cmpi ne, %rem3A_460, %ne3A_461 : i32
          %lt3A_463 = arith.constant 0 : i32
          %lt3A_464 = arith.cmpi slt, %rem3A_460, %lt3A_463 : i32
          %lt3A_465 = arith.constant 0 : i32
          %lt3A_466 = arith.cmpi slt, %select_n3A_459, %lt3A_465 : i32
          %ne3A_467 = arith.xori %lt3A_464, %lt3A_466 : i1
          %and3A_468 = arith.andi %ne3A_467, %ne3A_462 : i1
          %add3A_469 = arith.addi %rem3A_460, %select_n3A_459 : i32
          %select_n3A_470 = arith.select %and3A_468, %add3A_469, %rem3A_460 : i32
          %eq3A_471 = arith.constant 0 : i32
          %eq3A_472 = arith.cmpi eq, %select_n3A_470, %eq3A_471 : i32
          %convert_element_type3A_473 = arith.extui %eq3A_472 : i1 to i32
          %cond3A_474 = arith.constant 0 : i32
          %cond3A_475 = arith.cmpi ne, %convert_element_type3A_473, %cond3A_474 : i32
          scf.if %cond3A_475 {
            %jit3A_542 = arith.constant 16 : i32
            %div3A_543 = arith.divsi %add3A_379, %jit3A_542 : i32
            %sign3A_544 = arith.constant 0 : i32
            %sign3A_545 = arith.cmpi sgt, %add3A_379, %sign3A_544 : i32
            %sign3A_546 = arith.extui %sign3A_545 : i1 to i32
            %sign3A_547 = arith.constant 0 : i32
            %sign3A_548 = arith.cmpi slt, %add3A_379, %sign3A_547 : i32
            %sign3A_549 = arith.extui %sign3A_548 : i1 to i32
            %sign3A_550 = arith.subi %sign3A_546, %sign3A_549 : i32
            %sign3A_551 = arith.constant 0 : i32
            %sign3A_552 = arith.cmpi sgt, %jit3A_542, %sign3A_551 : i32
            %sign3A_553 = arith.extui %sign3A_552 : i1 to i32
            %sign3A_554 = arith.constant 0 : i32
            %sign3A_555 = arith.cmpi slt, %jit3A_542, %sign3A_554 : i32
            %sign3A_556 = arith.extui %sign3A_555 : i1 to i32
            %sign3A_557 = arith.subi %sign3A_553, %sign3A_556 : i32
            %ne3A_558 = arith.cmpi ne, %sign3A_550, %sign3A_557 : i32
            %rem3A_559 = arith.remsi %add3A_379, %jit3A_542 : i32
            %ne3A_560 = arith.constant 0 : i32
            %ne3A_561 = arith.cmpi ne, %rem3A_559, %ne3A_560 : i32
            %and3A_562 = arith.andi %ne3A_558, %ne3A_561 : i1
            %sub3A_563 = arith.constant 1 : i32
            %sub3A_564 = arith.subi %div3A_543, %sub3A_563 : i32
            %select_n3A_565 = arith.select %and3A_562, %sub3A_564, %div3A_543 : i32
            %add3A_566 = arith.addi %mul3A_32, %select_n3A_565 : i32
            %jit3A_567 = arith.constant 3 : i32
            %eq3A_568 = arith.constant 0 : i32
            %eq3A_569 = arith.cmpi eq, %jit3A_567, %eq3A_568 : i32
            %jit3A_570 = arith.constant 1 : i32
            %select_n3A_571 = arith.select %eq3A_569, %jit3A_570, %jit3A_567 : i32
            %rem3A_572 = arith.remsi %select_n3A_565, %select_n3A_571 : i32
            %ne3A_573 = arith.constant 0 : i32
            %ne3A_574 = arith.cmpi ne, %rem3A_572, %ne3A_573 : i32
            %lt3A_575 = arith.constant 0 : i32
            %lt3A_576 = arith.cmpi slt, %rem3A_572, %lt3A_575 : i32
            %lt3A_577 = arith.constant 0 : i32
            %lt3A_578 = arith.cmpi slt, %select_n3A_571, %lt3A_577 : i32
            %ne3A_579 = arith.xori %lt3A_576, %lt3A_578 : i1
            %and3A_580 = arith.andi %ne3A_579, %ne3A_574 : i1
            %add3A_581 = arith.addi %rem3A_572, %select_n3A_571 : i32
            %select_n3A_582 = arith.select %and3A_580, %add3A_581, %rem3A_572 : i32
            %dma_wait3A_583 = arith.constant 0 : i32
            %dma_wait3A_584 = arith.constant 0 : i32
            %dma_wait3A_585 = tpu.memref_slice %arg8[%select_n3A_582, %dma_wait3A_583, %dma_wait3A_584] : memref<3x16x64xi32, #tpu.memory_space<vmem>> -> memref<1x16x64xi32, #tpu.memory_space<vmem>>
            %dma_wait3A_586 = tpu.memref_squeeze %dma_wait3A_585 : memref<1x16x64xi32, #tpu.memory_space<vmem>> -> memref<16x64xi32, #tpu.memory_space<vmem>>
            %dma_wait3A_587 = arith.constant 0 : i32
            %dma_wait3A_588 = arith.constant 0 : i32
            %dma_wait3A_589 = tpu.memref_slice %arg4[%add3A_566, %dma_wait3A_587, %dma_wait3A_588] : memref<320x16x64xi32, #tpu.memory_space<hbm>> -> memref<1x16x64xi32, #tpu.memory_space<hbm>>
            %dma_wait3A_590 = tpu.memref_squeeze %dma_wait3A_589 : memref<1x16x64xi32, #tpu.memory_space<hbm>> -> memref<16x64xi32, #tpu.memory_space<hbm>>
            %dma_wait3A_591 = arith.constant 0 : i32
            %dma_wait3A_592 = arith.constant 0 : i32
            %dma_wait3A_593 = tpu.memref_slice %arg8[%select_n3A_582, %dma_wait3A_591, %dma_wait3A_592] : memref<3x16x64xi32, #tpu.memory_space<vmem>> -> memref<1x16x64xi32, #tpu.memory_space<vmem>>
            %dma_wait3A_594 = tpu.memref_squeeze %dma_wait3A_593 : memref<1x16x64xi32, #tpu.memory_space<vmem>> -> memref<16x64xi32, #tpu.memory_space<vmem>>
            %dma_wait3A_595 = arith.constant 0 : i32
            %dma_wait3A_596 = arith.constant 0 : i32
            %dma_wait3A_597 = tpu.memref_slice %arg4[%add3A_566, %dma_wait3A_595, %dma_wait3A_596] : memref<320x16x64xi32, #tpu.memory_space<hbm>> -> memref<1x16x64xi32, #tpu.memory_space<hbm>>
            %dma_wait3A_598 = tpu.memref_squeeze %dma_wait3A_597 : memref<1x16x64xi32, #tpu.memory_space<hbm>> -> memref<16x64xi32, #tpu.memory_space<hbm>>
            tpu.wait_dma2 semaphore(%arg15 : memref<!tpu.dma_semaphore, #tpu.memory_space<semaphore_mem>>) src(%dma_wait3A_598 : memref<16x64xi32, #tpu.memory_space<hbm>>) dst(%dma_wait3A_594 : memref<16x64xi32, #tpu.memory_space<vmem>>)
            %add3A_599 = arith.addi %mul3A_32, %select_n3A_565 : i32
            %jit3A_600 = arith.constant 3 : i32
            %eq3A_601 = arith.constant 0 : i32
            %eq3A_602 = arith.cmpi eq, %jit3A_600, %eq3A_601 : i32
            %jit3A_603 = arith.constant 1 : i32
            %select_n3A_604 = arith.select %eq3A_602, %jit3A_603, %jit3A_600 : i32
            %rem3A_605 = arith.remsi %select_n3A_565, %select_n3A_604 : i32
            %ne3A_606 = arith.constant 0 : i32
            %ne3A_607 = arith.cmpi ne, %rem3A_605, %ne3A_606 : i32
            %lt3A_608 = arith.constant 0 : i32
            %lt3A_609 = arith.cmpi slt, %rem3A_605, %lt3A_608 : i32
            %lt3A_610 = arith.constant 0 : i32
            %lt3A_611 = arith.cmpi slt, %select_n3A_604, %lt3A_610 : i32
            %ne3A_612 = arith.xori %lt3A_609, %lt3A_611 : i1
            %and3A_613 = arith.andi %ne3A_612, %ne3A_607 : i1
            %add3A_614 = arith.addi %rem3A_605, %select_n3A_604 : i32
            %select_n3A_615 = arith.select %and3A_613, %add3A_614, %rem3A_605 : i32
            %dma_wait3A_616 = arith.constant 0 : i32
            %dma_wait3A_617 = arith.constant 0 : i32
            %dma_wait3A_618 = tpu.memref_slice %arg9[%select_n3A_615, %dma_wait3A_616, %dma_wait3A_617] : memref<3x16x64xi32, #tpu.memory_space<vmem>> -> memref<1x16x64xi32, #tpu.memory_space<vmem>>
            %dma_wait3A_619 = tpu.memref_squeeze %dma_wait3A_618 : memref<1x16x64xi32, #tpu.memory_space<vmem>> -> memref<16x64xi32, #tpu.memory_space<vmem>>
            %dma_wait3A_620 = arith.constant 0 : i32
            %dma_wait3A_621 = arith.constant 0 : i32
            %dma_wait3A_622 = tpu.memref_slice %arg5[%add3A_599, %dma_wait3A_620, %dma_wait3A_621] : memref<320x16x64xi32, #tpu.memory_space<hbm>> -> memref<1x16x64xi32, #tpu.memory_space<hbm>>
            %dma_wait3A_623 = tpu.memref_squeeze %dma_wait3A_622 : memref<1x16x64xi32, #tpu.memory_space<hbm>> -> memref<16x64xi32, #tpu.memory_space<hbm>>
            %dma_wait3A_624 = arith.constant 0 : i32
            %dma_wait3A_625 = arith.constant 0 : i32
            %dma_wait3A_626 = tpu.memref_slice %arg9[%select_n3A_615, %dma_wait3A_624, %dma_wait3A_625] : memref<3x16x64xi32, #tpu.memory_space<vmem>> -> memref<1x16x64xi32, #tpu.memory_space<vmem>>
            %dma_wait3A_627 = tpu.memref_squeeze %dma_wait3A_626 : memref<1x16x64xi32, #tpu.memory_space<vmem>> -> memref<16x64xi32, #tpu.memory_space<vmem>>
            %dma_wait3A_628 = arith.constant 0 : i32
            %dma_wait3A_629 = arith.constant 0 : i32
            %dma_wait3A_630 = tpu.memref_slice %arg5[%add3A_599, %dma_wait3A_628, %dma_wait3A_629] : memref<320x16x64xi32, #tpu.memory_space<hbm>> -> memref<1x16x64xi32, #tpu.memory_space<hbm>>
            %dma_wait3A_631 = tpu.memref_squeeze %dma_wait3A_630 : memref<1x16x64xi32, #tpu.memory_space<hbm>> -> memref<16x64xi32, #tpu.memory_space<hbm>>
            tpu.wait_dma2 semaphore(%arg16 : memref<!tpu.dma_semaphore, #tpu.memory_space<semaphore_mem>>) src(%dma_wait3A_631 : memref<16x64xi32, #tpu.memory_space<hbm>>) dst(%dma_wait3A_627 : memref<16x64xi32, #tpu.memory_space<vmem>>)
            %add3A_632 = arith.constant 1 : i32
            %add3A_633 = arith.addi %select_n3A_565, %add3A_632 : i32
            %lt3A_634 = arith.constant 20 : i32
            %lt3A_635 = arith.cmpi slt, %add3A_633, %lt3A_634 : i32
            %convert_element_type3A_636 = arith.extui %lt3A_635 : i1 to i32
            %cond3A_637 = arith.constant 0 : i32
            %cond3A_638 = arith.cmpi ne, %convert_element_type3A_636, %cond3A_637 : i32
            scf.if %cond3A_638 {
              %add3A_639 = arith.addi %mul3A_32, %select_n3A_565 : i32
              %add3A_640 = arith.constant 1 : i32
              %add3A_641 = arith.addi %add3A_639, %add3A_640 : i32
              %add3A_642 = arith.constant 1 : i32
              %add3A_643 = arith.addi %select_n3A_565, %add3A_642 : i32
              %jit3A_644 = arith.constant 3 : i32
              %eq3A_645 = arith.constant 0 : i32
              %eq3A_646 = arith.cmpi eq, %jit3A_644, %eq3A_645 : i32
              %jit3A_647 = arith.constant 1 : i32
              %select_n3A_648 = arith.select %eq3A_646, %jit3A_647, %jit3A_644 : i32
              %rem3A_649 = arith.remsi %add3A_643, %select_n3A_648 : i32
              %ne3A_650 = arith.constant 0 : i32
              %ne3A_651 = arith.cmpi ne, %rem3A_649, %ne3A_650 : i32
              %lt3A_652 = arith.constant 0 : i32
              %lt3A_653 = arith.cmpi slt, %rem3A_649, %lt3A_652 : i32
              %lt3A_654 = arith.constant 0 : i32
              %lt3A_655 = arith.cmpi slt, %select_n3A_648, %lt3A_654 : i32
              %ne3A_656 = arith.xori %lt3A_653, %lt3A_655 : i1
              %and3A_657 = arith.andi %ne3A_656, %ne3A_651 : i1
              %add3A_658 = arith.addi %rem3A_649, %select_n3A_648 : i32
              %select_n3A_659 = arith.select %and3A_657, %add3A_658, %rem3A_649 : i32
              %dma_start3A_660 = arith.constant 0 : i32
              %dma_start3A_661 = arith.constant 0 : i32
              %dma_start3A_662 = tpu.memref_slice %arg8[%select_n3A_659, %dma_start3A_660, %dma_start3A_661] : memref<3x16x64xi32, #tpu.memory_space<vmem>> -> memref<1x16x64xi32, #tpu.memory_space<vmem>>
              %dma_start3A_663 = tpu.memref_squeeze %dma_start3A_662 : memref<1x16x64xi32, #tpu.memory_space<vmem>> -> memref<16x64xi32, #tpu.memory_space<vmem>>
              %dma_start3A_664 = arith.constant 0 : i32
              %dma_start3A_665 = arith.constant 0 : i32
              %dma_start3A_666 = tpu.memref_slice %arg4[%add3A_641, %dma_start3A_664, %dma_start3A_665] : memref<320x16x64xi32, #tpu.memory_space<hbm>> -> memref<1x16x64xi32, #tpu.memory_space<hbm>>
              %dma_start3A_667 = tpu.memref_squeeze %dma_start3A_666 : memref<1x16x64xi32, #tpu.memory_space<hbm>> -> memref<16x64xi32, #tpu.memory_space<hbm>>
              %dma_start3A_668 = arith.constant 0 : i32
              %dma_start3A_669 = arith.constant 0 : i32
              %dma_start3A_670 = tpu.memref_slice %arg8[%select_n3A_659, %dma_start3A_668, %dma_start3A_669] : memref<3x16x64xi32, #tpu.memory_space<vmem>> -> memref<1x16x64xi32, #tpu.memory_space<vmem>>
              %dma_start3A_671 = tpu.memref_squeeze %dma_start3A_670 : memref<1x16x64xi32, #tpu.memory_space<vmem>> -> memref<16x64xi32, #tpu.memory_space<vmem>>
              %dma_start3A_672 = arith.constant 0 : i32
              %dma_start3A_673 = arith.constant 0 : i32
              %dma_start3A_674 = tpu.memref_slice %arg4[%add3A_641, %dma_start3A_672, %dma_start3A_673] : memref<320x16x64xi32, #tpu.memory_space<hbm>> -> memref<1x16x64xi32, #tpu.memory_space<hbm>>
              %dma_start3A_675 = tpu.memref_squeeze %dma_start3A_674 : memref<1x16x64xi32, #tpu.memory_space<hbm>> -> memref<16x64xi32, #tpu.memory_space<hbm>>
              tpu.enqueue_dma source(%dma_start3A_675 : memref<16x64xi32, #tpu.memory_space<hbm>>) target(%dma_start3A_671 : memref<16x64xi32, #tpu.memory_space<vmem>>) target_semaphore(%arg15 : memref<!tpu.dma_semaphore, #tpu.memory_space<semaphore_mem>>)
              %add3A_676 = arith.addi %mul3A_32, %select_n3A_565 : i32
              %add3A_677 = arith.constant 1 : i32
              %add3A_678 = arith.addi %add3A_676, %add3A_677 : i32
              %add3A_679 = arith.constant 1 : i32
              %add3A_680 = arith.addi %select_n3A_565, %add3A_679 : i32
              %jit3A_681 = arith.constant 3 : i32
              %eq3A_682 = arith.constant 0 : i32
              %eq3A_683 = arith.cmpi eq, %jit3A_681, %eq3A_682 : i32
              %jit3A_684 = arith.constant 1 : i32
              %select_n3A_685 = arith.select %eq3A_683, %jit3A_684, %jit3A_681 : i32
              %rem3A_686 = arith.remsi %add3A_680, %select_n3A_685 : i32
              %ne3A_687 = arith.constant 0 : i32
              %ne3A_688 = arith.cmpi ne, %rem3A_686, %ne3A_687 : i32
              %lt3A_689 = arith.constant 0 : i32
              %lt3A_690 = arith.cmpi slt, %rem3A_686, %lt3A_689 : i32
              %lt3A_691 = arith.constant 0 : i32
              %lt3A_692 = arith.cmpi slt, %select_n3A_685, %lt3A_691 : i32
              %ne3A_693 = arith.xori %lt3A_690, %lt3A_692 : i1
              %and3A_694 = arith.andi %ne3A_693, %ne3A_688 : i1
              %add3A_695 = arith.addi %rem3A_686, %select_n3A_685 : i32
              %select_n3A_696 = arith.select %and3A_694, %add3A_695, %rem3A_686 : i32
              %dma_start3A_697 = arith.constant 0 : i32
              %dma_start3A_698 = arith.constant 0 : i32
              %dma_start3A_699 = tpu.memref_slice %arg9[%select_n3A_696, %dma_start3A_697, %dma_start3A_698] : memref<3x16x64xi32, #tpu.memory_space<vmem>> -> memref<1x16x64xi32, #tpu.memory_space<vmem>>
              %dma_start3A_700 = tpu.memref_squeeze %dma_start3A_699 : memref<1x16x64xi32, #tpu.memory_space<vmem>> -> memref<16x64xi32, #tpu.memory_space<vmem>>
              %dma_start3A_701 = arith.constant 0 : i32
              %dma_start3A_702 = arith.constant 0 : i32
              %dma_start3A_703 = tpu.memref_slice %arg5[%add3A_678, %dma_start3A_701, %dma_start3A_702] : memref<320x16x64xi32, #tpu.memory_space<hbm>> -> memref<1x16x64xi32, #tpu.memory_space<hbm>>
              %dma_start3A_704 = tpu.memref_squeeze %dma_start3A_703 : memref<1x16x64xi32, #tpu.memory_space<hbm>> -> memref<16x64xi32, #tpu.memory_space<hbm>>
              %dma_start3A_705 = arith.constant 0 : i32
              %dma_start3A_706 = arith.constant 0 : i32
              %dma_start3A_707 = tpu.memref_slice %arg9[%select_n3A_696, %dma_start3A_705, %dma_start3A_706] : memref<3x16x64xi32, #tpu.memory_space<vmem>> -> memref<1x16x64xi32, #tpu.memory_space<vmem>>
              %dma_start3A_708 = tpu.memref_squeeze %dma_start3A_707 : memref<1x16x64xi32, #tpu.memory_space<vmem>> -> memref<16x64xi32, #tpu.memory_space<vmem>>
              %dma_start3A_709 = arith.constant 0 : i32
              %dma_start3A_710 = arith.constant 0 : i32
              %dma_start3A_711 = tpu.memref_slice %arg5[%add3A_678, %dma_start3A_709, %dma_start3A_710] : memref<320x16x64xi32, #tpu.memory_space<hbm>> -> memref<1x16x64xi32, #tpu.memory_space<hbm>>
              %dma_start3A_712 = tpu.memref_squeeze %dma_start3A_711 : memref<1x16x64xi32, #tpu.memory_space<hbm>> -> memref<16x64xi32, #tpu.memory_space<hbm>>
              tpu.enqueue_dma source(%dma_start3A_712 : memref<16x64xi32, #tpu.memory_space<hbm>>) target(%dma_start3A_708 : memref<16x64xi32, #tpu.memory_space<vmem>>) target_semaphore(%arg16 : memref<!tpu.dma_semaphore, #tpu.memory_space<semaphore_mem>>)
            } else {
            }
          } else {
          }
          %ge3A = arith.constant 1 : i32
          %ge3A_476 = arith.cmpi sge, %add3A_377, %ge3A : i32
          %convert_element_type3A_477 = arith.extui %ge3A_476 : i1 to i32
          %cond3A_478 = arith.constant 0 : i32
          %cond3A_479 = arith.cmpi ne, %convert_element_type3A_477, %cond3A_478 : i32
          scf.if %cond3A_479 {
            %dma_wait3A_542 = arith.constant 0 : i32
            %dma_wait3A_543 = arith.constant 0 : i32
            %dma_wait3A_544 = arith.constant 0 : i32
            %dma_wait3A_545 = tpu.memref_slice %arg9[%dma_wait3A_542, %dma_wait3A_543, %dma_wait3A_544] : memref<3x16x64xi32, #tpu.memory_space<vmem>> -> memref<1x1x64xi32, #tpu.memory_space<vmem>>
            %dma_wait3A_546 = tpu.memref_squeeze %dma_wait3A_545 : memref<1x1x64xi32, #tpu.memory_space<vmem>> -> memref<64xi32, #tpu.memory_space<vmem>>
            %dma_wait3A_547 = arith.constant 0 : i32
            %dma_wait3A_548 = arith.constant 0 : i32
            %dma_wait3A_549 = tpu.memref_slice %arg14[%dma_wait3A_547, %dma_wait3A_548] : memref<10112x128xf32, #tpu.memory_space<vmem_shared>> -> memref<10112x128xf32, #tpu.memory_space<vmem_shared>>
            tpu.wait_indirect_dma semaphore(%arg23 : memref<!tpu.dma_semaphore, #tpu.memory_space<semaphore_mem>>) src(%arg12 : memref<64x128xf32, #tpu.memory_space<vmem>>) dst(%dma_wait3A_549 : memref<10112x128xf32, #tpu.memory_space<vmem_shared>>)
          } else {
          }
          %jit3A_480 = arith.constant 16 : i32
          %div3A_481 = arith.divsi %add3A_379, %jit3A_480 : i32
          %sign3A_482 = arith.constant 0 : i32
          %sign3A_483 = arith.cmpi sgt, %add3A_379, %sign3A_482 : i32
          %sign3A_484 = arith.extui %sign3A_483 : i1 to i32
          %sign3A_485 = arith.constant 0 : i32
          %sign3A_486 = arith.cmpi slt, %add3A_379, %sign3A_485 : i32
          %sign3A_487 = arith.extui %sign3A_486 : i1 to i32
          %sign3A_488 = arith.subi %sign3A_484, %sign3A_487 : i32
          %sign3A_489 = arith.constant 0 : i32
          %sign3A_490 = arith.cmpi sgt, %jit3A_480, %sign3A_489 : i32
          %sign3A_491 = arith.extui %sign3A_490 : i1 to i32
          %sign3A_492 = arith.constant 0 : i32
          %sign3A_493 = arith.cmpi slt, %jit3A_480, %sign3A_492 : i32
          %sign3A_494 = arith.extui %sign3A_493 : i1 to i32
          %sign3A_495 = arith.subi %sign3A_491, %sign3A_494 : i32
          %ne3A_496 = arith.cmpi ne, %sign3A_488, %sign3A_495 : i32
          %rem3A_497 = arith.remsi %add3A_379, %jit3A_480 : i32
          %ne3A_498 = arith.constant 0 : i32
          %ne3A_499 = arith.cmpi ne, %rem3A_497, %ne3A_498 : i32
          %and3A_500 = arith.andi %ne3A_496, %ne3A_499 : i1
          %sub3A_501 = arith.constant 1 : i32
          %sub3A_502 = arith.subi %div3A_481, %sub3A_501 : i32
          %select_n3A_503 = arith.select %and3A_500, %sub3A_502, %div3A_481 : i32
          %jit3A_504 = arith.constant 3 : i32
          %eq3A_505 = arith.constant 0 : i32
          %eq3A_506 = arith.cmpi eq, %jit3A_504, %eq3A_505 : i32
          %jit3A_507 = arith.constant 1 : i32
          %select_n3A_508 = arith.select %eq3A_506, %jit3A_507, %jit3A_504 : i32
          %rem3A_509 = arith.remsi %select_n3A_503, %select_n3A_508 : i32
          %ne3A_510 = arith.constant 0 : i32
          %ne3A_511 = arith.cmpi ne, %rem3A_509, %ne3A_510 : i32
          %lt3A_512 = arith.constant 0 : i32
          %lt3A_513 = arith.cmpi slt, %rem3A_509, %lt3A_512 : i32
          %lt3A_514 = arith.constant 0 : i32
          %lt3A_515 = arith.cmpi slt, %select_n3A_508, %lt3A_514 : i32
          %ne3A_516 = arith.xori %lt3A_513, %lt3A_515 : i1
          %and3A_517 = arith.andi %ne3A_516, %ne3A_511 : i1
          %add3A_518 = arith.addi %rem3A_509, %select_n3A_508 : i32
          %select_n3A_519 = arith.select %and3A_517, %add3A_518, %rem3A_509 : i32
          %jit3A_520 = arith.constant 16 : i32
          %eq3A_521 = arith.constant 0 : i32
          %eq3A_522 = arith.cmpi eq, %jit3A_520, %eq3A_521 : i32
          %jit3A_523 = arith.constant 1 : i32
          %select_n3A_524 = arith.select %eq3A_522, %jit3A_523, %jit3A_520 : i32
          %rem3A_525 = arith.remsi %add3A_379, %select_n3A_524 : i32
          %ne3A_526 = arith.constant 0 : i32
          %ne3A_527 = arith.cmpi ne, %rem3A_525, %ne3A_526 : i32
          %lt3A_528 = arith.constant 0 : i32
          %lt3A_529 = arith.cmpi slt, %rem3A_525, %lt3A_528 : i32
          %lt3A_530 = arith.constant 0 : i32
          %lt3A_531 = arith.cmpi slt, %select_n3A_524, %lt3A_530 : i32
          %ne3A_532 = arith.xori %lt3A_529, %lt3A_531 : i1
          %and3A_533 = arith.andi %ne3A_532, %ne3A_527 : i1
          %add3A_534 = arith.addi %rem3A_525, %select_n3A_524 : i32
          %select_n3A_535 = arith.select %and3A_533, %add3A_534, %rem3A_525 : i32
          %dma_start3A_536 = arith.constant 0 : i32
          %dma_start3A_537 = tpu.memref_slice %arg8[%select_n3A_519, %select_n3A_535, %dma_start3A_536] : memref<3x16x64xi32, #tpu.memory_space<vmem>> -> memref<1x1x64xi32, #tpu.memory_space<vmem>>
          %dma_start3A_538 = tpu.memref_squeeze %dma_start3A_537 : memref<1x1x64xi32, #tpu.memory_space<vmem>> -> memref<64xi32, #tpu.memory_space<vmem>>
          %dma_start3A_539 = arith.constant 0 : i32
          %dma_start3A_540 = arith.constant 0 : i32
          %dma_start3A_541 = tpu.memref_slice %arg2[%dma_start3A_539, %dma_start3A_540] : memref<10000x128xf32, #tpu.memory_space<hbm>> -> memref<10000x128xf32, #tpu.memory_space<hbm>>
          tpu.enqueue_indirect_dma source(%dma_start3A_541 : memref<10000x128xf32, #tpu.memory_space<hbm>>) target(%arg12 : memref<64x128xf32, #tpu.memory_space<vmem>>) offsets(%dma_start3A_538 : memref<64xi32, #tpu.memory_space<vmem>>) semaphore(%arg19 : memref<!tpu.dma_semaphore, #tpu.memory_space<semaphore_mem>>)
        } else {
        }
        %dma_wait3A_385 = arith.constant 0 : i32
        %dma_wait3A_386 = arith.constant 0 : i32
        %dma_wait3A_387 = arith.constant 0 : i32
        %dma_wait3A_388 = tpu.memref_slice %arg8[%dma_wait3A_385, %dma_wait3A_386, %dma_wait3A_387] : memref<3x16x64xi32, #tpu.memory_space<vmem>> -> memref<1x1x64xi32, #tpu.memory_space<vmem>>
        %dma_wait3A_389 = tpu.memref_squeeze %dma_wait3A_388 : memref<1x1x64xi32, #tpu.memory_space<vmem>> -> memref<64xi32, #tpu.memory_space<vmem>>
        %dma_wait3A_390 = arith.constant 0 : i32
        %dma_wait3A_391 = arith.constant 0 : i32
        %dma_wait3A_392 = tpu.memref_slice %arg2[%dma_wait3A_390, %dma_wait3A_391] : memref<10000x128xf32, #tpu.memory_space<hbm>> -> memref<10000x128xf32, #tpu.memory_space<hbm>>
        tpu.wait_indirect_dma semaphore(%arg20 : memref<!tpu.dma_semaphore, #tpu.memory_space<semaphore_mem>>) src(%dma_wait3A_392 : memref<10000x128xf32, #tpu.memory_space<hbm>>) dst(%arg13 : memref<64x128xf32, #tpu.memory_space<vmem>>)
        %jit3A_393 = arith.constant 16 : i32
        %div3A_394 = arith.divsi %add3A_377, %jit3A_393 : i32
        %sign3A_395 = arith.constant 0 : i32
        %sign3A_396 = arith.cmpi sgt, %add3A_377, %sign3A_395 : i32
        %sign3A_397 = arith.extui %sign3A_396 : i1 to i32
        %sign3A_398 = arith.constant 0 : i32
        %sign3A_399 = arith.cmpi slt, %add3A_377, %sign3A_398 : i32
        %sign3A_400 = arith.extui %sign3A_399 : i1 to i32
        %sign3A_401 = arith.subi %sign3A_397, %sign3A_400 : i32
        %sign3A_402 = arith.constant 0 : i32
        %sign3A_403 = arith.cmpi sgt, %jit3A_393, %sign3A_402 : i32
        %sign3A_404 = arith.extui %sign3A_403 : i1 to i32
        %sign3A_405 = arith.constant 0 : i32
        %sign3A_406 = arith.cmpi slt, %jit3A_393, %sign3A_405 : i32
        %sign3A_407 = arith.extui %sign3A_406 : i1 to i32
        %sign3A_408 = arith.subi %sign3A_404, %sign3A_407 : i32
        %ne3A_409 = arith.cmpi ne, %sign3A_401, %sign3A_408 : i32
        %rem3A_410 = arith.remsi %add3A_377, %jit3A_393 : i32
        %ne3A_411 = arith.constant 0 : i32
        %ne3A_412 = arith.cmpi ne, %rem3A_410, %ne3A_411 : i32
        %and3A_413 = arith.andi %ne3A_409, %ne3A_412 : i1
        %sub3A_414 = arith.constant 1 : i32
        %sub3A_415 = arith.subi %div3A_394, %sub3A_414 : i32
        %select_n3A_416 = arith.select %and3A_413, %sub3A_415, %div3A_394 : i32
        %jit3A_417 = arith.constant 3 : i32
        %eq3A_418 = arith.constant 0 : i32
        %eq3A_419 = arith.cmpi eq, %jit3A_417, %eq3A_418 : i32
        %jit3A_420 = arith.constant 1 : i32
        %select_n3A_421 = arith.select %eq3A_419, %jit3A_420, %jit3A_417 : i32
        %rem3A_422 = arith.remsi %select_n3A_416, %select_n3A_421 : i32
        %ne3A_423 = arith.constant 0 : i32
        %ne3A_424 = arith.cmpi ne, %rem3A_422, %ne3A_423 : i32
        %lt3A_425 = arith.constant 0 : i32
        %lt3A_426 = arith.cmpi slt, %rem3A_422, %lt3A_425 : i32
        %lt3A_427 = arith.constant 0 : i32
        %lt3A_428 = arith.cmpi slt, %select_n3A_421, %lt3A_427 : i32
        %ne3A_429 = arith.xori %lt3A_426, %lt3A_428 : i1
        %and3A_430 = arith.andi %ne3A_429, %ne3A_424 : i1
        %add3A_431 = arith.addi %rem3A_422, %select_n3A_421 : i32
        %select_n3A_432 = arith.select %and3A_430, %add3A_431, %rem3A_422 : i32
        %jit3A_433 = arith.constant 16 : i32
        %eq3A_434 = arith.constant 0 : i32
        %eq3A_435 = arith.cmpi eq, %jit3A_433, %eq3A_434 : i32
        %jit3A_436 = arith.constant 1 : i32
        %select_n3A_437 = arith.select %eq3A_435, %jit3A_436, %jit3A_433 : i32
        %rem3A_438 = arith.remsi %add3A_377, %select_n3A_437 : i32
        %ne3A_439 = arith.constant 0 : i32
        %ne3A_440 = arith.cmpi ne, %rem3A_438, %ne3A_439 : i32
        %lt3A_441 = arith.constant 0 : i32
        %lt3A_442 = arith.cmpi slt, %rem3A_438, %lt3A_441 : i32
        %lt3A_443 = arith.constant 0 : i32
        %lt3A_444 = arith.cmpi slt, %select_n3A_437, %lt3A_443 : i32
        %ne3A_445 = arith.xori %lt3A_442, %lt3A_444 : i1
        %and3A_446 = arith.andi %ne3A_445, %ne3A_440 : i1
        %add3A_447 = arith.addi %rem3A_438, %select_n3A_437 : i32
        %select_n3A_448 = arith.select %and3A_446, %add3A_447, %rem3A_438 : i32
        %dma_start3A_449 = arith.constant 0 : i32
        %dma_start3A_450 = tpu.memref_slice %arg9[%select_n3A_432, %select_n3A_448, %dma_start3A_449] : memref<3x16x64xi32, #tpu.memory_space<vmem>> -> memref<1x1x64xi32, #tpu.memory_space<vmem>>
        %dma_start3A_451 = tpu.memref_squeeze %dma_start3A_450 : memref<1x1x64xi32, #tpu.memory_space<vmem>> -> memref<64xi32, #tpu.memory_space<vmem>>
        %dma_start3A_452 = arith.constant 0 : i32
        %dma_start3A_453 = arith.constant 0 : i32
        %dma_start3A_454 = tpu.memref_slice %arg14[%dma_start3A_452, %dma_start3A_453] : memref<10112x128xf32, #tpu.memory_space<vmem_shared>> -> memref<10112x128xf32, #tpu.memory_space<vmem_shared>>
        tpu.enqueue_indirect_dma source(%arg13 : memref<64x128xf32, #tpu.memory_space<vmem>>) target(%dma_start3A_454 : memref<10112x128xf32, #tpu.memory_space<vmem_shared>>) offsets(%dma_start3A_451 : memref<64xi32, #tpu.memory_space<vmem>>) semaphore(%arg24 : memref<!tpu.dma_semaphore, #tpu.memory_space<semaphore_mem>>) {add = true}
      }
      %scan3A_99 = arith.constant 80 : i32
      %dma_wait3A = arith.constant 0 : i32
      %dma_wait3A_100 = arith.constant 0 : i32
      %dma_wait3A_101 = arith.constant 0 : i32
      %dma_wait3A_102 = tpu.memref_slice %arg9[%dma_wait3A, %dma_wait3A_100, %dma_wait3A_101] : memref<3x16x64xi32, #tpu.memory_space<vmem>> -> memref<1x1x64xi32, #tpu.memory_space<vmem>>
      %dma_wait3A_103 = tpu.memref_squeeze %dma_wait3A_102 : memref<1x1x64xi32, #tpu.memory_space<vmem>> -> memref<64xi32, #tpu.memory_space<vmem>>
      %dma_wait3A_104 = arith.constant 0 : i32
      %dma_wait3A_105 = arith.constant 0 : i32
      %dma_wait3A_106 = tpu.memref_slice %arg14[%dma_wait3A_104, %dma_wait3A_105] : memref<10112x128xf32, #tpu.memory_space<vmem_shared>> -> memref<10112x128xf32, #tpu.memory_space<vmem_shared>>
      tpu.wait_indirect_dma semaphore(%arg21 : memref<!tpu.dma_semaphore, #tpu.memory_space<semaphore_mem>>) src(%arg10 : memref<64x128xf32, #tpu.memory_space<vmem>>) dst(%dma_wait3A_106 : memref<10112x128xf32, #tpu.memory_space<vmem_shared>>)
      %dma_wait3A_107 = arith.constant 0 : i32
      %dma_wait3A_108 = arith.constant 0 : i32
      %dma_wait3A_109 = arith.constant 0 : i32
      %dma_wait3A_110 = tpu.memref_slice %arg9[%dma_wait3A_107, %dma_wait3A_108, %dma_wait3A_109] : memref<3x16x64xi32, #tpu.memory_space<vmem>> -> memref<1x1x64xi32, #tpu.memory_space<vmem>>
      %dma_wait3A_111 = tpu.memref_squeeze %dma_wait3A_110 : memref<1x1x64xi32, #tpu.memory_space<vmem>> -> memref<64xi32, #tpu.memory_space<vmem>>
      %dma_wait3A_112 = arith.constant 0 : i32
      %dma_wait3A_113 = arith.constant 0 : i32
      %dma_wait3A_114 = tpu.memref_slice %arg14[%dma_wait3A_112, %dma_wait3A_113] : memref<10112x128xf32, #tpu.memory_space<vmem_shared>> -> memref<10112x128xf32, #tpu.memory_space<vmem_shared>>
      tpu.wait_indirect_dma semaphore(%arg22 : memref<!tpu.dma_semaphore, #tpu.memory_space<semaphore_mem>>) src(%arg11 : memref<64x128xf32, #tpu.memory_space<vmem>>) dst(%dma_wait3A_114 : memref<10112x128xf32, #tpu.memory_space<vmem_shared>>)
      %dma_wait3A_115 = arith.constant 0 : i32
      %dma_wait3A_116 = arith.constant 0 : i32
      %dma_wait3A_117 = arith.constant 0 : i32
      %dma_wait3A_118 = tpu.memref_slice %arg9[%dma_wait3A_115, %dma_wait3A_116, %dma_wait3A_117] : memref<3x16x64xi32, #tpu.memory_space<vmem>> -> memref<1x1x64xi32, #tpu.memory_space<vmem>>
      %dma_wait3A_119 = tpu.memref_squeeze %dma_wait3A_118 : memref<1x1x64xi32, #tpu.memory_space<vmem>> -> memref<64xi32, #tpu.memory_space<vmem>>
      %dma_wait3A_120 = arith.constant 0 : i32
      %dma_wait3A_121 = arith.constant 0 : i32
      %dma_wait3A_122 = tpu.memref_slice %arg14[%dma_wait3A_120, %dma_wait3A_121] : memref<10112x128xf32, #tpu.memory_space<vmem_shared>> -> memref<10112x128xf32, #tpu.memory_space<vmem_shared>>
      tpu.wait_indirect_dma semaphore(%arg23 : memref<!tpu.dma_semaphore, #tpu.memory_space<semaphore_mem>>) src(%arg12 : memref<64x128xf32, #tpu.memory_space<vmem>>) dst(%dma_wait3A_122 : memref<10112x128xf32, #tpu.memory_space<vmem_shared>>)
      %dma_wait3A_123 = arith.constant 0 : i32
      %dma_wait3A_124 = arith.constant 0 : i32
      %dma_wait3A_125 = arith.constant 0 : i32
      %dma_wait3A_126 = tpu.memref_slice %arg9[%dma_wait3A_123, %dma_wait3A_124, %dma_wait3A_125] : memref<3x16x64xi32, #tpu.memory_space<vmem>> -> memref<1x1x64xi32, #tpu.memory_space<vmem>>
      %dma_wait3A_127 = tpu.memref_squeeze %dma_wait3A_126 : memref<1x1x64xi32, #tpu.memory_space<vmem>> -> memref<64xi32, #tpu.memory_space<vmem>>
      %dma_wait3A_128 = arith.constant 0 : i32
      %dma_wait3A_129 = arith.constant 0 : i32
      %dma_wait3A_130 = tpu.memref_slice %arg14[%dma_wait3A_128, %dma_wait3A_129] : memref<10112x128xf32, #tpu.memory_space<vmem_shared>> -> memref<10112x128xf32, #tpu.memory_space<vmem_shared>>
      tpu.wait_indirect_dma semaphore(%arg24 : memref<!tpu.dma_semaphore, #tpu.memory_space<semaphore_mem>>) src(%arg13 : memref<64x128xf32, #tpu.memory_space<vmem>>) dst(%dma_wait3A_130 : memref<10112x128xf32, #tpu.memory_space<vmem_shared>>)
      %barrier3A_131 = arith.constant 0 : index
      tpu.barrier barrier_id(%barrier3A_131)
      %mul3A_132 = arith.constant 624 : i32
      %mul3A_133 = arith.muli %arg1, %mul3A_132 : i32
      "tpu.region"() ({
        %run_scoped3A_139 = tpu.sem_alloc : memref<!tpu.dma_semaphore, #tpu.memory_space<semaphore_mem>>
        %dma_start3A_140 = arith.constant 0 : i32
        %dma_start3A_141 = tpu.memref_slice %arg6[%mul3A_133, %dma_start3A_140] : memref<10000x128xf32, #tpu.memory_space<hbm>> -> memref<624x128xf32, #tpu.memory_space<hbm>>
        %dma_start3A_142 = arith.constant 0 : i32
        %dma_start3A_143 = tpu.memref_slice %arg14[%mul3A_133, %dma_start3A_142] : memref<10112x128xf32, #tpu.memory_space<vmem_shared>> -> memref<624x128xf32, #tpu.memory_space<vmem_shared>>
        tpu.enqueue_dma source(%dma_start3A_143 : memref<624x128xf32, #tpu.memory_space<vmem_shared>>) target(%dma_start3A_141 : memref<624x128xf32, #tpu.memory_space<hbm>>) target_semaphore(%run_scoped3A_139 : memref<!tpu.dma_semaphore, #tpu.memory_space<semaphore_mem>>)
        %dma_wait3A_144 = arith.constant 0 : i32
        %dma_wait3A_145 = tpu.memref_slice %arg6[%mul3A_133, %dma_wait3A_144] : memref<10000x128xf32, #tpu.memory_space<hbm>> -> memref<624x128xf32, #tpu.memory_space<hbm>>
        %dma_wait3A_146 = arith.constant 0 : i32
        %dma_wait3A_147 = tpu.memref_slice %arg14[%mul3A_133, %dma_wait3A_146] : memref<10112x128xf32, #tpu.memory_space<vmem_shared>> -> memref<624x128xf32, #tpu.memory_space<vmem_shared>>
        tpu.wait_dma2 semaphore(%run_scoped3A_139 : memref<!tpu.dma_semaphore, #tpu.memory_space<semaphore_mem>>) src(%dma_wait3A_147 : memref<624x128xf32, #tpu.memory_space<vmem_shared>>) dst(%dma_wait3A_145 : memref<624x128xf32, #tpu.memory_space<hbm>>)
        tpu.yield
      }) : () -> ()
      %eq3A_134 = arith.constant 0 : i32
      %eq3A_135 = arith.cmpi eq, %arg1, %eq3A_134 : i32
      %convert_element_type3A_136 = arith.extui %eq3A_135 : i1 to i32
      %cond3A_137 = arith.constant 0 : i32
      %cond3A_138 = arith.cmpi ne, %convert_element_type3A_136, %cond3A_137 : i32
      scf.if %cond3A_138 {
        "tpu.region"() ({
          %run_scoped3A_139 = tpu.sem_alloc : memref<!tpu.dma_semaphore, #tpu.memory_space<semaphore_mem>>
          %dma_start3A_140 = arith.constant 9984 : i32
          %dma_start3A_141 = arith.constant 0 : i32
          %dma_start3A_142 = tpu.memref_slice %arg6[%dma_start3A_140, %dma_start3A_141] : memref<10000x128xf32, #tpu.memory_space<hbm>> -> memref<16x128xf32, #tpu.memory_space<hbm>>
          %dma_start3A_143 = arith.constant 9984 : i32
          %dma_start3A_144 = arith.constant 0 : i32
          %dma_start3A_145 = tpu.memref_slice %arg14[%dma_start3A_143, %dma_start3A_144] : memref<10112x128xf32, #tpu.memory_space<vmem_shared>> -> memref<16x128xf32, #tpu.memory_space<vmem_shared>>
          tpu.enqueue_dma source(%dma_start3A_145 : memref<16x128xf32, #tpu.memory_space<vmem_shared>>) target(%dma_start3A_142 : memref<16x128xf32, #tpu.memory_space<hbm>>) target_semaphore(%run_scoped3A_139 : memref<!tpu.dma_semaphore, #tpu.memory_space<semaphore_mem>>)
          %dma_wait3A_146 = arith.constant 9984 : i32
          %dma_wait3A_147 = arith.constant 0 : i32
          %dma_wait3A_148 = tpu.memref_slice %arg6[%dma_wait3A_146, %dma_wait3A_147] : memref<10000x128xf32, #tpu.memory_space<hbm>> -> memref<16x128xf32, #tpu.memory_space<hbm>>
          %dma_wait3A_149 = arith.constant 9984 : i32
          %dma_wait3A_150 = arith.constant 0 : i32
          %dma_wait3A_151 = tpu.memref_slice %arg14[%dma_wait3A_149, %dma_wait3A_150] : memref<10112x128xf32, #tpu.memory_space<vmem_shared>> -> memref<16x128xf32, #tpu.memory_space<vmem_shared>>
          tpu.wait_dma2 semaphore(%run_scoped3A_139 : memref<!tpu.dma_semaphore, #tpu.memory_space<semaphore_mem>>) src(%dma_wait3A_151 : memref<16x128xf32, #tpu.memory_space<vmem_shared>>) dst(%dma_wait3A_148 : memref<16x128xf32, #tpu.memory_space<hbm>>)
          tpu.yield
        }) : () -> ()
      } else {
      }
    } else {
    }
    %eq3A_26 = arith.constant 1 : i32
    %eq3A_27 = arith.cmpi eq, %arg0, %eq3A_26 : i32
    %convert_element_type3A_28 = arith.extui %eq3A_27 : i1 to i32
    %cond3A_29 = arith.constant 0 : i32
    %cond3A_30 = arith.cmpi ne, %convert_element_type3A_28, %cond3A_29 : i32
    scf.if %cond3A_30 {
      %mul3A_31 = arith.constant 20 : i32
      %mul3A_32 = arith.muli %arg1, %mul3A_31 : i32
      %run_scoped3A = arith.constant 0 : i32
      "tpu.region"() ({
        %run_scoped3A_139 = tpu.sem_alloc : memref<!tpu.dma_semaphore, #tpu.memory_space<semaphore_mem>>
        %dma_start3A_140 = arith.constant 0 : i32
        %dma_start3A_141 = arith.constant 0 : i32
        %dma_start3A_142 = tpu.memref_slice %arg8[%run_scoped3A, %dma_start3A_140, %dma_start3A_141] : memref<3x16x64xi32, #tpu.memory_space<vmem>> -> memref<1x16x64xi32, #tpu.memory_space<vmem>>
        %dma_start3A_143 = tpu.memref_squeeze %dma_start3A_142 : memref<1x16x64xi32, #tpu.memory_space<vmem>> -> memref<16x64xi32, #tpu.memory_space<vmem>>
        %dma_start3A_144 = arith.constant 0 : i32
        %dma_start3A_145 = arith.constant 0 : i32
        %dma_start3A_146 = tpu.memref_slice %arg4[%mul3A_32, %dma_start3A_144, %dma_start3A_145] : memref<320x16x64xi32, #tpu.memory_space<hbm>> -> memref<1x16x64xi32, #tpu.memory_space<hbm>>
        %dma_start3A_147 = tpu.memref_squeeze %dma_start3A_146 : memref<1x16x64xi32, #tpu.memory_space<hbm>> -> memref<16x64xi32, #tpu.memory_space<hbm>>
        %dma_start3A_148 = arith.constant 0 : i32
        %dma_start3A_149 = arith.constant 0 : i32
        %dma_start3A_150 = tpu.memref_slice %arg8[%run_scoped3A, %dma_start3A_148, %dma_start3A_149] : memref<3x16x64xi32, #tpu.memory_space<vmem>> -> memref<1x16x64xi32, #tpu.memory_space<vmem>>
        %dma_start3A_151 = tpu.memref_squeeze %dma_start3A_150 : memref<1x16x64xi32, #tpu.memory_space<vmem>> -> memref<16x64xi32, #tpu.memory_space<vmem>>
        %dma_start3A_152 = arith.constant 0 : i32
        %dma_start3A_153 = arith.constant 0 : i32
        %dma_start3A_154 = tpu.memref_slice %arg4[%mul3A_32, %dma_start3A_152, %dma_start3A_153] : memref<320x16x64xi32, #tpu.memory_space<hbm>> -> memref<1x16x64xi32, #tpu.memory_space<hbm>>
        %dma_start3A_155 = tpu.memref_squeeze %dma_start3A_154 : memref<1x16x64xi32, #tpu.memory_space<hbm>> -> memref<16x64xi32, #tpu.memory_space<hbm>>
        tpu.enqueue_dma source(%dma_start3A_155 : memref<16x64xi32, #tpu.memory_space<hbm>>) target(%dma_start3A_151 : memref<16x64xi32, #tpu.memory_space<vmem>>) target_semaphore(%run_scoped3A_139 : memref<!tpu.dma_semaphore, #tpu.memory_space<semaphore_mem>>)
        %dma_wait3A_156 = arith.constant 0 : i32
        %dma_wait3A_157 = arith.constant 0 : i32
        %dma_wait3A_158 = tpu.memref_slice %arg8[%run_scoped3A, %dma_wait3A_156, %dma_wait3A_157] : memref<3x16x64xi32, #tpu.memory_space<vmem>> -> memref<1x16x64xi32, #tpu.memory_space<vmem>>
        %dma_wait3A_159 = tpu.memref_squeeze %dma_wait3A_158 : memref<1x16x64xi32, #tpu.memory_space<vmem>> -> memref<16x64xi32, #tpu.memory_space<vmem>>
        %dma_wait3A_160 = arith.constant 0 : i32
        %dma_wait3A_161 = arith.constant 0 : i32
        %dma_wait3A_162 = tpu.memref_slice %arg4[%mul3A_32, %dma_wait3A_160, %dma_wait3A_161] : memref<320x16x64xi32, #tpu.memory_space<hbm>> -> memref<1x16x64xi32, #tpu.memory_space<hbm>>
        %dma_wait3A_163 = tpu.memref_squeeze %dma_wait3A_162 : memref<1x16x64xi32, #tpu.memory_space<hbm>> -> memref<16x64xi32, #tpu.memory_space<hbm>>
        %dma_wait3A_164 = arith.constant 0 : i32
        %dma_wait3A_165 = arith.constant 0 : i32
        %dma_wait3A_166 = tpu.memref_slice %arg8[%run_scoped3A, %dma_wait3A_164, %dma_wait3A_165] : memref<3x16x64xi32, #tpu.memory_space<vmem>> -> memref<1x16x64xi32, #tpu.memory_space<vmem>>
        %dma_wait3A_167 = tpu.memref_squeeze %dma_wait3A_166 : memref<1x16x64xi32, #tpu.memory_space<vmem>> -> memref<16x64xi32, #tpu.memory_space<vmem>>
        %dma_wait3A_168 = arith.constant 0 : i32
        %dma_wait3A_169 = arith.constant 0 : i32
        %dma_wait3A_170 = tpu.memref_slice %arg4[%mul3A_32, %dma_wait3A_168, %dma_wait3A_169] : memref<320x16x64xi32, #tpu.memory_space<hbm>> -> memref<1x16x64xi32, #tpu.memory_space<hbm>>
        %dma_wait3A_171 = tpu.memref_squeeze %dma_wait3A_170 : memref<1x16x64xi32, #tpu.memory_space<hbm>> -> memref<16x64xi32, #tpu.memory_space<hbm>>
        tpu.wait_dma2 semaphore(%run_scoped3A_139 : memref<!tpu.dma_semaphore, #tpu.memory_space<semaphore_mem>>) src(%dma_wait3A_171 : memref<16x64xi32, #tpu.memory_space<hbm>>) dst(%dma_wait3A_167 : memref<16x64xi32, #tpu.memory_space<vmem>>)
        tpu.yield
      }) : () -> ()
      %run_scoped3A_33 = arith.constant 0 : i32
      "tpu.region"() ({
        %run_scoped3A_139 = tpu.sem_alloc : memref<!tpu.dma_semaphore, #tpu.memory_space<semaphore_mem>>
        %dma_start3A_140 = arith.constant 0 : i32
        %dma_start3A_141 = arith.constant 0 : i32
        %dma_start3A_142 = tpu.memref_slice %arg9[%run_scoped3A_33, %dma_start3A_140, %dma_start3A_141] : memref<3x16x64xi32, #tpu.memory_space<vmem>> -> memref<1x16x64xi32, #tpu.memory_space<vmem>>
        %dma_start3A_143 = tpu.memref_squeeze %dma_start3A_142 : memref<1x16x64xi32, #tpu.memory_space<vmem>> -> memref<16x64xi32, #tpu.memory_space<vmem>>
        %dma_start3A_144 = arith.constant 0 : i32
        %dma_start3A_145 = arith.constant 0 : i32
        %dma_start3A_146 = tpu.memref_slice %arg5[%mul3A_32, %dma_start3A_144, %dma_start3A_145] : memref<320x16x64xi32, #tpu.memory_space<hbm>> -> memref<1x16x64xi32, #tpu.memory_space<hbm>>
        %dma_start3A_147 = tpu.memref_squeeze %dma_start3A_146 : memref<1x16x64xi32, #tpu.memory_space<hbm>> -> memref<16x64xi32, #tpu.memory_space<hbm>>
        %dma_start3A_148 = arith.constant 0 : i32
        %dma_start3A_149 = arith.constant 0 : i32
        %dma_start3A_150 = tpu.memref_slice %arg9[%run_scoped3A_33, %dma_start3A_148, %dma_start3A_149] : memref<3x16x64xi32, #tpu.memory_space<vmem>> -> memref<1x16x64xi32, #tpu.memory_space<vmem>>
        %dma_start3A_151 = tpu.memref_squeeze %dma_start3A_150 : memref<1x16x64xi32, #tpu.memory_space<vmem>> -> memref<16x64xi32, #tpu.memory_space<vmem>>
        %dma_start3A_152 = arith.constant 0 : i32
        %dma_start3A_153 = arith.constant 0 : i32
        %dma_start3A_154 = tpu.memref_slice %arg5[%mul3A_32, %dma_start3A_152, %dma_start3A_153] : memref<320x16x64xi32, #tpu.memory_space<hbm>> -> memref<1x16x64xi32, #tpu.memory_space<hbm>>
        %dma_start3A_155 = tpu.memref_squeeze %dma_start3A_154 : memref<1x16x64xi32, #tpu.memory_space<hbm>> -> memref<16x64xi32, #tpu.memory_space<hbm>>
        tpu.enqueue_dma source(%dma_start3A_155 : memref<16x64xi32, #tpu.memory_space<hbm>>) target(%dma_start3A_151 : memref<16x64xi32, #tpu.memory_space<vmem>>) target_semaphore(%run_scoped3A_139 : memref<!tpu.dma_semaphore, #tpu.memory_space<semaphore_mem>>)
        %dma_wait3A_156 = arith.constant 0 : i32
        %dma_wait3A_157 = arith.constant 0 : i32
        %dma_wait3A_158 = tpu.memref_slice %arg9[%run_scoped3A_33, %dma_wait3A_156, %dma_wait3A_157] : memref<3x16x64xi32, #tpu.memory_space<vmem>> -> memref<1x16x64xi32, #tpu.memory_space<vmem>>
        %dma_wait3A_159 = tpu.memref_squeeze %dma_wait3A_158 : memref<1x16x64xi32, #tpu.memory_space<vmem>> -> memref<16x64xi32, #tpu.memory_space<vmem>>
        %dma_wait3A_160 = arith.constant 0 : i32
        %dma_wait3A_161 = arith.constant 0 : i32
        %dma_wait3A_162 = tpu.memref_slice %arg5[%mul3A_32, %dma_wait3A_160, %dma_wait3A_161] : memref<320x16x64xi32, #tpu.memory_space<hbm>> -> memref<1x16x64xi32, #tpu.memory_space<hbm>>
        %dma_wait3A_163 = tpu.memref_squeeze %dma_wait3A_162 : memref<1x16x64xi32, #tpu.memory_space<hbm>> -> memref<16x64xi32, #tpu.memory_space<hbm>>
        %dma_wait3A_164 = arith.constant 0 : i32
        %dma_wait3A_165 = arith.constant 0 : i32
        %dma_wait3A_166 = tpu.memref_slice %arg9[%run_scoped3A_33, %dma_wait3A_164, %dma_wait3A_165] : memref<3x16x64xi32, #tpu.memory_space<vmem>> -> memref<1x16x64xi32, #tpu.memory_space<vmem>>
        %dma_wait3A_167 = tpu.memref_squeeze %dma_wait3A_166 : memref<1x16x64xi32, #tpu.memory_space<vmem>> -> memref<16x64xi32, #tpu.memory_space<vmem>>
        %dma_wait3A_168 = arith.constant 0 : i32
        %dma_wait3A_169 = arith.constant 0 : i32
        %dma_wait3A_170 = tpu.memref_slice %arg5[%mul3A_32, %dma_wait3A_168, %dma_wait3A_169] : memref<320x16x64xi32, #tpu.memory_space<hbm>> -> memref<1x16x64xi32, #tpu.memory_space<hbm>>
        %dma_wait3A_171 = tpu.memref_squeeze %dma_wait3A_170 : memref<1x16x64xi32, #tpu.memory_space<hbm>> -> memref<16x64xi32, #tpu.memory_space<hbm>>
        tpu.wait_dma2 semaphore(%run_scoped3A_139 : memref<!tpu.dma_semaphore, #tpu.memory_space<semaphore_mem>>) src(%dma_wait3A_171 : memref<16x64xi32, #tpu.memory_space<hbm>>) dst(%dma_wait3A_167 : memref<16x64xi32, #tpu.memory_space<vmem>>)
        tpu.yield
      }) : () -> ()
      %add3A_34 = arith.constant 1 : i32
      %add3A_35 = arith.addi %mul3A_32, %add3A_34 : i32
      %dma_start3A = arith.constant 1 : i32
      %dma_start3A_36 = arith.constant 0 : i32
      %dma_start3A_37 = arith.constant 0 : i32
      %dma_start3A_38 = tpu.memref_slice %arg8[%dma_start3A, %dma_start3A_36, %dma_start3A_37] : memref<3x16x64xi32, #tpu.memory_space<vmem>> -> memref<1x16x64xi32, #tpu.memory_space<vmem>>
      %dma_start3A_39 = tpu.memref_squeeze %dma_start3A_38 : memref<1x16x64xi32, #tpu.memory_space<vmem>> -> memref<16x64xi32, #tpu.memory_space<vmem>>
      %dma_start3A_40 = arith.constant 0 : i32
      %dma_start3A_41 = arith.constant 0 : i32
      %dma_start3A_42 = tpu.memref_slice %arg4[%add3A_35, %dma_start3A_40, %dma_start3A_41] : memref<320x16x64xi32, #tpu.memory_space<hbm>> -> memref<1x16x64xi32, #tpu.memory_space<hbm>>
      %dma_start3A_43 = tpu.memref_squeeze %dma_start3A_42 : memref<1x16x64xi32, #tpu.memory_space<hbm>> -> memref<16x64xi32, #tpu.memory_space<hbm>>
      %dma_start3A_44 = arith.constant 0 : i32
      %dma_start3A_45 = arith.constant 0 : i32
      %dma_start3A_46 = tpu.memref_slice %arg8[%dma_start3A, %dma_start3A_44, %dma_start3A_45] : memref<3x16x64xi32, #tpu.memory_space<vmem>> -> memref<1x16x64xi32, #tpu.memory_space<vmem>>
      %dma_start3A_47 = tpu.memref_squeeze %dma_start3A_46 : memref<1x16x64xi32, #tpu.memory_space<vmem>> -> memref<16x64xi32, #tpu.memory_space<vmem>>
      %dma_start3A_48 = arith.constant 0 : i32
      %dma_start3A_49 = arith.constant 0 : i32
      %dma_start3A_50 = tpu.memref_slice %arg4[%add3A_35, %dma_start3A_48, %dma_start3A_49] : memref<320x16x64xi32, #tpu.memory_space<hbm>> -> memref<1x16x64xi32, #tpu.memory_space<hbm>>
      %dma_start3A_51 = tpu.memref_squeeze %dma_start3A_50 : memref<1x16x64xi32, #tpu.memory_space<hbm>> -> memref<16x64xi32, #tpu.memory_space<hbm>>
      tpu.enqueue_dma source(%dma_start3A_51 : memref<16x64xi32, #tpu.memory_space<hbm>>) target(%dma_start3A_47 : memref<16x64xi32, #tpu.memory_space<vmem>>) target_semaphore(%arg15 : memref<!tpu.dma_semaphore, #tpu.memory_space<semaphore_mem>>)
      %add3A_52 = arith.constant 1 : i32
      %add3A_53 = arith.addi %mul3A_32, %add3A_52 : i32
      %dma_start3A_54 = arith.constant 1 : i32
      %dma_start3A_55 = arith.constant 0 : i32
      %dma_start3A_56 = arith.constant 0 : i32
      %dma_start3A_57 = tpu.memref_slice %arg9[%dma_start3A_54, %dma_start3A_55, %dma_start3A_56] : memref<3x16x64xi32, #tpu.memory_space<vmem>> -> memref<1x16x64xi32, #tpu.memory_space<vmem>>
      %dma_start3A_58 = tpu.memref_squeeze %dma_start3A_57 : memref<1x16x64xi32, #tpu.memory_space<vmem>> -> memref<16x64xi32, #tpu.memory_space<vmem>>
      %dma_start3A_59 = arith.constant 0 : i32
      %dma_start3A_60 = arith.constant 0 : i32
      %dma_start3A_61 = tpu.memref_slice %arg5[%add3A_53, %dma_start3A_59, %dma_start3A_60] : memref<320x16x64xi32, #tpu.memory_space<hbm>> -> memref<1x16x64xi32, #tpu.memory_space<hbm>>
      %dma_start3A_62 = tpu.memref_squeeze %dma_start3A_61 : memref<1x16x64xi32, #tpu.memory_space<hbm>> -> memref<16x64xi32, #tpu.memory_space<hbm>>
      %dma_start3A_63 = arith.constant 0 : i32
      %dma_start3A_64 = arith.constant 0 : i32
      %dma_start3A_65 = tpu.memref_slice %arg9[%dma_start3A_54, %dma_start3A_63, %dma_start3A_64] : memref<3x16x64xi32, #tpu.memory_space<vmem>> -> memref<1x16x64xi32, #tpu.memory_space<vmem>>
      %dma_start3A_66 = tpu.memref_squeeze %dma_start3A_65 : memref<1x16x64xi32, #tpu.memory_space<vmem>> -> memref<16x64xi32, #tpu.memory_space<vmem>>
      %dma_start3A_67 = arith.constant 0 : i32
      %dma_start3A_68 = arith.constant 0 : i32
      %dma_start3A_69 = tpu.memref_slice %arg5[%add3A_53, %dma_start3A_67, %dma_start3A_68] : memref<320x16x64xi32, #tpu.memory_space<hbm>> -> memref<1x16x64xi32, #tpu.memory_space<hbm>>
      %dma_start3A_70 = tpu.memref_squeeze %dma_start3A_69 : memref<1x16x64xi32, #tpu.memory_space<hbm>> -> memref<16x64xi32, #tpu.memory_space<hbm>>
      tpu.enqueue_dma source(%dma_start3A_70 : memref<16x64xi32, #tpu.memory_space<hbm>>) target(%dma_start3A_66 : memref<16x64xi32, #tpu.memory_space<vmem>>) target_semaphore(%arg16 : memref<!tpu.dma_semaphore, #tpu.memory_space<semaphore_mem>>)
      %dma_start3A_71 = arith.constant 0 : i32
      %dma_start3A_72 = arith.constant 0 : i32
      %dma_start3A_73 = arith.constant 0 : i32
      %dma_start3A_74 = tpu.memref_slice %arg8[%dma_start3A_71, %dma_start3A_72, %dma_start3A_73] : memref<3x16x64xi32, #tpu.memory_space<vmem>> -> memref<1x1x64xi32, #tpu.memory_space<vmem>>
      %dma_start3A_75 = tpu.memref_squeeze %dma_start3A_74 : memref<1x1x64xi32, #tpu.memory_space<vmem>> -> memref<64xi32, #tpu.memory_space<vmem>>
      %dma_start3A_76 = arith.constant 0 : i32
      %dma_start3A_77 = arith.constant 0 : i32
      %dma_start3A_78 = tpu.memref_slice %arg3[%dma_start3A_76, %dma_start3A_77] : memref<10000x128xf32, #tpu.memory_space<hbm>> -> memref<10000x128xf32, #tpu.memory_space<hbm>>
      tpu.enqueue_indirect_dma source(%dma_start3A_78 : memref<10000x128xf32, #tpu.memory_space<hbm>>) target(%arg10 : memref<64x128xf32, #tpu.memory_space<vmem>>) offsets(%dma_start3A_75 : memref<64xi32, #tpu.memory_space<vmem>>) semaphore(%arg17 : memref<!tpu.dma_semaphore, #tpu.memory_space<semaphore_mem>>)
      %dma_start3A_79 = arith.constant 0 : i32
      %dma_start3A_80 = arith.constant 1 : i32
      %dma_start3A_81 = arith.constant 0 : i32
      %dma_start3A_82 = tpu.memref_slice %arg8[%dma_start3A_79, %dma_start3A_80, %dma_start3A_81] : memref<3x16x64xi32, #tpu.memory_space<vmem>> -> memref<1x1x64xi32, #tpu.memory_space<vmem>>
      %dma_start3A_83 = tpu.memref_squeeze %dma_start3A_82 : memref<1x1x64xi32, #tpu.memory_space<vmem>> -> memref<64xi32, #tpu.memory_space<vmem>>
      %dma_start3A_84 = arith.constant 0 : i32
      %dma_start3A_85 = arith.constant 0 : i32
      %dma_start3A_86 = tpu.memref_slice %arg3[%dma_start3A_84, %dma_start3A_85] : memref<10000x128xf32, #tpu.memory_space<hbm>> -> memref<10000x128xf32, #tpu.memory_space<hbm>>
      tpu.enqueue_indirect_dma source(%dma_start3A_86 : memref<10000x128xf32, #tpu.memory_space<hbm>>) target(%arg11 : memref<64x128xf32, #tpu.memory_space<vmem>>) offsets(%dma_start3A_83 : memref<64xi32, #tpu.memory_space<vmem>>) semaphore(%arg18 : memref<!tpu.dma_semaphore, #tpu.memory_space<semaphore_mem>>)
      %dma_start3A_87 = arith.constant 0 : i32
      %dma_start3A_88 = arith.constant 2 : i32
      %dma_start3A_89 = arith.constant 0 : i32
      %dma_start3A_90 = tpu.memref_slice %arg8[%dma_start3A_87, %dma_start3A_88, %dma_start3A_89] : memref<3x16x64xi32, #tpu.memory_space<vmem>> -> memref<1x1x64xi32, #tpu.memory_space<vmem>>
      %dma_start3A_91 = tpu.memref_squeeze %dma_start3A_90 : memref<1x1x64xi32, #tpu.memory_space<vmem>> -> memref<64xi32, #tpu.memory_space<vmem>>
      %dma_start3A_92 = arith.constant 0 : i32
      %dma_start3A_93 = arith.constant 0 : i32
      %dma_start3A_94 = tpu.memref_slice %arg3[%dma_start3A_92, %dma_start3A_93] : memref<10000x128xf32, #tpu.memory_space<hbm>> -> memref<10000x128xf32, #tpu.memory_space<hbm>>
      tpu.enqueue_indirect_dma source(%dma_start3A_94 : memref<10000x128xf32, #tpu.memory_space<hbm>>) target(%arg12 : memref<64x128xf32, #tpu.memory_space<vmem>>) offsets(%dma_start3A_91 : memref<64xi32, #tpu.memory_space<vmem>>) semaphore(%arg19 : memref<!tpu.dma_semaphore, #tpu.memory_space<semaphore_mem>>)
      %scan3A_95 = arith.constant 0 : i32
      %scan3A_96 = arith.constant 80 : i32
      %scan3A_97 = arith.addi %scan3A_95, %scan3A_96 : i32
      %scan3A_98 = arith.constant 1 : i32
      scf.for %scan3A_139 = %scan3A_95 to %scan3A_97 step %scan3A_98  : i32 {
        %mul3A_140 = arith.constant 4 : i32
        %mul3A_141 = arith.muli %scan3A_139, %mul3A_140 : i32
        %add3A_142 = arith.constant 0 : i32
        %add3A_143 = arith.addi %mul3A_141, %add3A_142 : i32
        %add3A_144 = arith.constant 3 : i32
        %add3A_145 = arith.addi %add3A_143, %add3A_144 : i32
        %lt3A = arith.constant 320 : i32
        %lt3A_146 = arith.cmpi slt, %add3A_145, %lt3A : i32
        %convert_element_type3A_147 = arith.extui %lt3A_146 : i1 to i32
        %cond3A_148 = arith.constant 0 : i32
        %cond3A_149 = arith.cmpi ne, %convert_element_type3A_147, %cond3A_148 : i32
        scf.if %cond3A_149 {
          %jit3A_455 = arith.constant 16 : i32
          %eq3A_456 = arith.constant 0 : i32
          %eq3A_457 = arith.cmpi eq, %jit3A_455, %eq3A_456 : i32
          %jit3A_458 = arith.constant 1 : i32
          %select_n3A_459 = arith.select %eq3A_457, %jit3A_458, %jit3A_455 : i32
          %rem3A_460 = arith.remsi %add3A_145, %select_n3A_459 : i32
          %ne3A_461 = arith.constant 0 : i32
          %ne3A_462 = arith.cmpi ne, %rem3A_460, %ne3A_461 : i32
          %lt3A_463 = arith.constant 0 : i32
          %lt3A_464 = arith.cmpi slt, %rem3A_460, %lt3A_463 : i32
          %lt3A_465 = arith.constant 0 : i32
          %lt3A_466 = arith.cmpi slt, %select_n3A_459, %lt3A_465 : i32
          %ne3A_467 = arith.xori %lt3A_464, %lt3A_466 : i1
          %and3A_468 = arith.andi %ne3A_467, %ne3A_462 : i1
          %add3A_469 = arith.addi %rem3A_460, %select_n3A_459 : i32
          %select_n3A_470 = arith.select %and3A_468, %add3A_469, %rem3A_460 : i32
          %eq3A_471 = arith.constant 0 : i32
          %eq3A_472 = arith.cmpi eq, %select_n3A_470, %eq3A_471 : i32
          %convert_element_type3A_473 = arith.extui %eq3A_472 : i1 to i32
          %cond3A_474 = arith.constant 0 : i32
          %cond3A_475 = arith.cmpi ne, %convert_element_type3A_473, %cond3A_474 : i32
          scf.if %cond3A_475 {
            %jit3A_542 = arith.constant 16 : i32
            %div3A_543 = arith.divsi %add3A_145, %jit3A_542 : i32
            %sign3A_544 = arith.constant 0 : i32
            %sign3A_545 = arith.cmpi sgt, %add3A_145, %sign3A_544 : i32
            %sign3A_546 = arith.extui %sign3A_545 : i1 to i32
            %sign3A_547 = arith.constant 0 : i32
            %sign3A_548 = arith.cmpi slt, %add3A_145, %sign3A_547 : i32
            %sign3A_549 = arith.extui %sign3A_548 : i1 to i32
            %sign3A_550 = arith.subi %sign3A_546, %sign3A_549 : i32
            %sign3A_551 = arith.constant 0 : i32
            %sign3A_552 = arith.cmpi sgt, %jit3A_542, %sign3A_551 : i32
            %sign3A_553 = arith.extui %sign3A_552 : i1 to i32
            %sign3A_554 = arith.constant 0 : i32
            %sign3A_555 = arith.cmpi slt, %jit3A_542, %sign3A_554 : i32
            %sign3A_556 = arith.extui %sign3A_555 : i1 to i32
            %sign3A_557 = arith.subi %sign3A_553, %sign3A_556 : i32
            %ne3A_558 = arith.cmpi ne, %sign3A_550, %sign3A_557 : i32
            %rem3A_559 = arith.remsi %add3A_145, %jit3A_542 : i32
            %ne3A_560 = arith.constant 0 : i32
            %ne3A_561 = arith.cmpi ne, %rem3A_559, %ne3A_560 : i32
            %and3A_562 = arith.andi %ne3A_558, %ne3A_561 : i1
            %sub3A_563 = arith.constant 1 : i32
            %sub3A_564 = arith.subi %div3A_543, %sub3A_563 : i32
            %select_n3A_565 = arith.select %and3A_562, %sub3A_564, %div3A_543 : i32
            %add3A_566 = arith.addi %mul3A_32, %select_n3A_565 : i32
            %jit3A_567 = arith.constant 3 : i32
            %eq3A_568 = arith.constant 0 : i32
            %eq3A_569 = arith.cmpi eq, %jit3A_567, %eq3A_568 : i32
            %jit3A_570 = arith.constant 1 : i32
            %select_n3A_571 = arith.select %eq3A_569, %jit3A_570, %jit3A_567 : i32
            %rem3A_572 = arith.remsi %select_n3A_565, %select_n3A_571 : i32
            %ne3A_573 = arith.constant 0 : i32
            %ne3A_574 = arith.cmpi ne, %rem3A_572, %ne3A_573 : i32
            %lt3A_575 = arith.constant 0 : i32
            %lt3A_576 = arith.cmpi slt, %rem3A_572, %lt3A_575 : i32
            %lt3A_577 = arith.constant 0 : i32
            %lt3A_578 = arith.cmpi slt, %select_n3A_571, %lt3A_577 : i32
            %ne3A_579 = arith.xori %lt3A_576, %lt3A_578 : i1
            %and3A_580 = arith.andi %ne3A_579, %ne3A_574 : i1
            %add3A_581 = arith.addi %rem3A_572, %select_n3A_571 : i32
            %select_n3A_582 = arith.select %and3A_580, %add3A_581, %rem3A_572 : i32
            %dma_wait3A_583 = arith.constant 0 : i32
            %dma_wait3A_584 = arith.constant 0 : i32
            %dma_wait3A_585 = tpu.memref_slice %arg8[%select_n3A_582, %dma_wait3A_583, %dma_wait3A_584] : memref<3x16x64xi32, #tpu.memory_space<vmem>> -> memref<1x16x64xi32, #tpu.memory_space<vmem>>
            %dma_wait3A_586 = tpu.memref_squeeze %dma_wait3A_585 : memref<1x16x64xi32, #tpu.memory_space<vmem>> -> memref<16x64xi32, #tpu.memory_space<vmem>>
            %dma_wait3A_587 = arith.constant 0 : i32
            %dma_wait3A_588 = arith.constant 0 : i32
            %dma_wait3A_589 = tpu.memref_slice %arg4[%add3A_566, %dma_wait3A_587, %dma_wait3A_588] : memref<320x16x64xi32, #tpu.memory_space<hbm>> -> memref<1x16x64xi32, #tpu.memory_space<hbm>>
            %dma_wait3A_590 = tpu.memref_squeeze %dma_wait3A_589 : memref<1x16x64xi32, #tpu.memory_space<hbm>> -> memref<16x64xi32, #tpu.memory_space<hbm>>
            %dma_wait3A_591 = arith.constant 0 : i32
            %dma_wait3A_592 = arith.constant 0 : i32
            %dma_wait3A_593 = tpu.memref_slice %arg8[%select_n3A_582, %dma_wait3A_591, %dma_wait3A_592] : memref<3x16x64xi32, #tpu.memory_space<vmem>> -> memref<1x16x64xi32, #tpu.memory_space<vmem>>
            %dma_wait3A_594 = tpu.memref_squeeze %dma_wait3A_593 : memref<1x16x64xi32, #tpu.memory_space<vmem>> -> memref<16x64xi32, #tpu.memory_space<vmem>>
            %dma_wait3A_595 = arith.constant 0 : i32
            %dma_wait3A_596 = arith.constant 0 : i32
            %dma_wait3A_597 = tpu.memref_slice %arg4[%add3A_566, %dma_wait3A_595, %dma_wait3A_596] : memref<320x16x64xi32, #tpu.memory_space<hbm>> -> memref<1x16x64xi32, #tpu.memory_space<hbm>>
            %dma_wait3A_598 = tpu.memref_squeeze %dma_wait3A_597 : memref<1x16x64xi32, #tpu.memory_space<hbm>> -> memref<16x64xi32, #tpu.memory_space<hbm>>
            tpu.wait_dma2 semaphore(%arg15 : memref<!tpu.dma_semaphore, #tpu.memory_space<semaphore_mem>>) src(%dma_wait3A_598 : memref<16x64xi32, #tpu.memory_space<hbm>>) dst(%dma_wait3A_594 : memref<16x64xi32, #tpu.memory_space<vmem>>)
            %add3A_599 = arith.addi %mul3A_32, %select_n3A_565 : i32
            %jit3A_600 = arith.constant 3 : i32
            %eq3A_601 = arith.constant 0 : i32
            %eq3A_602 = arith.cmpi eq, %jit3A_600, %eq3A_601 : i32
            %jit3A_603 = arith.constant 1 : i32
            %select_n3A_604 = arith.select %eq3A_602, %jit3A_603, %jit3A_600 : i32
            %rem3A_605 = arith.remsi %select_n3A_565, %select_n3A_604 : i32
            %ne3A_606 = arith.constant 0 : i32
            %ne3A_607 = arith.cmpi ne, %rem3A_605, %ne3A_606 : i32
            %lt3A_608 = arith.constant 0 : i32
            %lt3A_609 = arith.cmpi slt, %rem3A_605, %lt3A_608 : i32
            %lt3A_610 = arith.constant 0 : i32
            %lt3A_611 = arith.cmpi slt, %select_n3A_604, %lt3A_610 : i32
            %ne3A_612 = arith.xori %lt3A_609, %lt3A_611 : i1
            %and3A_613 = arith.andi %ne3A_612, %ne3A_607 : i1
            %add3A_614 = arith.addi %rem3A_605, %select_n3A_604 : i32
            %select_n3A_615 = arith.select %and3A_613, %add3A_614, %rem3A_605 : i32
            %dma_wait3A_616 = arith.constant 0 : i32
            %dma_wait3A_617 = arith.constant 0 : i32
            %dma_wait3A_618 = tpu.memref_slice %arg9[%select_n3A_615, %dma_wait3A_616, %dma_wait3A_617] : memref<3x16x64xi32, #tpu.memory_space<vmem>> -> memref<1x16x64xi32, #tpu.memory_space<vmem>>
            %dma_wait3A_619 = tpu.memref_squeeze %dma_wait3A_618 : memref<1x16x64xi32, #tpu.memory_space<vmem>> -> memref<16x64xi32, #tpu.memory_space<vmem>>
            %dma_wait3A_620 = arith.constant 0 : i32
            %dma_wait3A_621 = arith.constant 0 : i32
            %dma_wait3A_622 = tpu.memref_slice %arg5[%add3A_599, %dma_wait3A_620, %dma_wait3A_621] : memref<320x16x64xi32, #tpu.memory_space<hbm>> -> memref<1x16x64xi32, #tpu.memory_space<hbm>>
            %dma_wait3A_623 = tpu.memref_squeeze %dma_wait3A_622 : memref<1x16x64xi32, #tpu.memory_space<hbm>> -> memref<16x64xi32, #tpu.memory_space<hbm>>
            %dma_wait3A_624 = arith.constant 0 : i32
            %dma_wait3A_625 = arith.constant 0 : i32
            %dma_wait3A_626 = tpu.memref_slice %arg9[%select_n3A_615, %dma_wait3A_624, %dma_wait3A_625] : memref<3x16x64xi32, #tpu.memory_space<vmem>> -> memref<1x16x64xi32, #tpu.memory_space<vmem>>
            %dma_wait3A_627 = tpu.memref_squeeze %dma_wait3A_626 : memref<1x16x64xi32, #tpu.memory_space<vmem>> -> memref<16x64xi32, #tpu.memory_space<vmem>>
            %dma_wait3A_628 = arith.constant 0 : i32
            %dma_wait3A_629 = arith.constant 0 : i32
            %dma_wait3A_630 = tpu.memref_slice %arg5[%add3A_599, %dma_wait3A_628, %dma_wait3A_629] : memref<320x16x64xi32, #tpu.memory_space<hbm>> -> memref<1x16x64xi32, #tpu.memory_space<hbm>>
            %dma_wait3A_631 = tpu.memref_squeeze %dma_wait3A_630 : memref<1x16x64xi32, #tpu.memory_space<hbm>> -> memref<16x64xi32, #tpu.memory_space<hbm>>
            tpu.wait_dma2 semaphore(%arg16 : memref<!tpu.dma_semaphore, #tpu.memory_space<semaphore_mem>>) src(%dma_wait3A_631 : memref<16x64xi32, #tpu.memory_space<hbm>>) dst(%dma_wait3A_627 : memref<16x64xi32, #tpu.memory_space<vmem>>)
            %add3A_632 = arith.constant 1 : i32
            %add3A_633 = arith.addi %select_n3A_565, %add3A_632 : i32
            %lt3A_634 = arith.constant 20 : i32
            %lt3A_635 = arith.cmpi slt, %add3A_633, %lt3A_634 : i32
            %convert_element_type3A_636 = arith.extui %lt3A_635 : i1 to i32
            %cond3A_637 = arith.constant 0 : i32
            %cond3A_638 = arith.cmpi ne, %convert_element_type3A_636, %cond3A_637 : i32
            scf.if %cond3A_638 {
              %add3A_639 = arith.addi %mul3A_32, %select_n3A_565 : i32
              %add3A_640 = arith.constant 1 : i32
              %add3A_641 = arith.addi %add3A_639, %add3A_640 : i32
              %add3A_642 = arith.constant 1 : i32
              %add3A_643 = arith.addi %select_n3A_565, %add3A_642 : i32
              %jit3A_644 = arith.constant 3 : i32
              %eq3A_645 = arith.constant 0 : i32
              %eq3A_646 = arith.cmpi eq, %jit3A_644, %eq3A_645 : i32
              %jit3A_647 = arith.constant 1 : i32
              %select_n3A_648 = arith.select %eq3A_646, %jit3A_647, %jit3A_644 : i32
              %rem3A_649 = arith.remsi %add3A_643, %select_n3A_648 : i32
              %ne3A_650 = arith.constant 0 : i32
              %ne3A_651 = arith.cmpi ne, %rem3A_649, %ne3A_650 : i32
              %lt3A_652 = arith.constant 0 : i32
              %lt3A_653 = arith.cmpi slt, %rem3A_649, %lt3A_652 : i32
              %lt3A_654 = arith.constant 0 : i32
              %lt3A_655 = arith.cmpi slt, %select_n3A_648, %lt3A_654 : i32
              %ne3A_656 = arith.xori %lt3A_653, %lt3A_655 : i1
              %and3A_657 = arith.andi %ne3A_656, %ne3A_651 : i1
              %add3A_658 = arith.addi %rem3A_649, %select_n3A_648 : i32
              %select_n3A_659 = arith.select %and3A_657, %add3A_658, %rem3A_649 : i32
              %dma_start3A_660 = arith.constant 0 : i32
              %dma_start3A_661 = arith.constant 0 : i32
              %dma_start3A_662 = tpu.memref_slice %arg8[%select_n3A_659, %dma_start3A_660, %dma_start3A_661] : memref<3x16x64xi32, #tpu.memory_space<vmem>> -> memref<1x16x64xi32, #tpu.memory_space<vmem>>
              %dma_start3A_663 = tpu.memref_squeeze %dma_start3A_662 : memref<1x16x64xi32, #tpu.memory_space<vmem>> -> memref<16x64xi32, #tpu.memory_space<vmem>>
              %dma_start3A_664 = arith.constant 0 : i32
              %dma_start3A_665 = arith.constant 0 : i32
              %dma_start3A_666 = tpu.memref_slice %arg4[%add3A_641, %dma_start3A_664, %dma_start3A_665] : memref<320x16x64xi32, #tpu.memory_space<hbm>> -> memref<1x16x64xi32, #tpu.memory_space<hbm>>
              %dma_start3A_667 = tpu.memref_squeeze %dma_start3A_666 : memref<1x16x64xi32, #tpu.memory_space<hbm>> -> memref<16x64xi32, #tpu.memory_space<hbm>>
              %dma_start3A_668 = arith.constant 0 : i32
              %dma_start3A_669 = arith.constant 0 : i32
              %dma_start3A_670 = tpu.memref_slice %arg8[%select_n3A_659, %dma_start3A_668, %dma_start3A_669] : memref<3x16x64xi32, #tpu.memory_space<vmem>> -> memref<1x16x64xi32, #tpu.memory_space<vmem>>
              %dma_start3A_671 = tpu.memref_squeeze %dma_start3A_670 : memref<1x16x64xi32, #tpu.memory_space<vmem>> -> memref<16x64xi32, #tpu.memory_space<vmem>>
              %dma_start3A_672 = arith.constant 0 : i32
              %dma_start3A_673 = arith.constant 0 : i32
              %dma_start3A_674 = tpu.memref_slice %arg4[%add3A_641, %dma_start3A_672, %dma_start3A_673] : memref<320x16x64xi32, #tpu.memory_space<hbm>> -> memref<1x16x64xi32, #tpu.memory_space<hbm>>
              %dma_start3A_675 = tpu.memref_squeeze %dma_start3A_674 : memref<1x16x64xi32, #tpu.memory_space<hbm>> -> memref<16x64xi32, #tpu.memory_space<hbm>>
              tpu.enqueue_dma source(%dma_start3A_675 : memref<16x64xi32, #tpu.memory_space<hbm>>) target(%dma_start3A_671 : memref<16x64xi32, #tpu.memory_space<vmem>>) target_semaphore(%arg15 : memref<!tpu.dma_semaphore, #tpu.memory_space<semaphore_mem>>)
              %add3A_676 = arith.addi %mul3A_32, %select_n3A_565 : i32
              %add3A_677 = arith.constant 1 : i32
              %add3A_678 = arith.addi %add3A_676, %add3A_677 : i32
              %add3A_679 = arith.constant 1 : i32
              %add3A_680 = arith.addi %select_n3A_565, %add3A_679 : i32
              %jit3A_681 = arith.constant 3 : i32
              %eq3A_682 = arith.constant 0 : i32
              %eq3A_683 = arith.cmpi eq, %jit3A_681, %eq3A_682 : i32
              %jit3A_684 = arith.constant 1 : i32
              %select_n3A_685 = arith.select %eq3A_683, %jit3A_684, %jit3A_681 : i32
              %rem3A_686 = arith.remsi %add3A_680, %select_n3A_685 : i32
              %ne3A_687 = arith.constant 0 : i32
              %ne3A_688 = arith.cmpi ne, %rem3A_686, %ne3A_687 : i32
              %lt3A_689 = arith.constant 0 : i32
              %lt3A_690 = arith.cmpi slt, %rem3A_686, %lt3A_689 : i32
              %lt3A_691 = arith.constant 0 : i32
              %lt3A_692 = arith.cmpi slt, %select_n3A_685, %lt3A_691 : i32
              %ne3A_693 = arith.xori %lt3A_690, %lt3A_692 : i1
              %and3A_694 = arith.andi %ne3A_693, %ne3A_688 : i1
              %add3A_695 = arith.addi %rem3A_686, %select_n3A_685 : i32
              %select_n3A_696 = arith.select %and3A_694, %add3A_695, %rem3A_686 : i32
              %dma_start3A_697 = arith.constant 0 : i32
              %dma_start3A_698 = arith.constant 0 : i32
              %dma_start3A_699 = tpu.memref_slice %arg9[%select_n3A_696, %dma_start3A_697, %dma_start3A_698] : memref<3x16x64xi32, #tpu.memory_space<vmem>> -> memref<1x16x64xi32, #tpu.memory_space<vmem>>
              %dma_start3A_700 = tpu.memref_squeeze %dma_start3A_699 : memref<1x16x64xi32, #tpu.memory_space<vmem>> -> memref<16x64xi32, #tpu.memory_space<vmem>>
              %dma_start3A_701 = arith.constant 0 : i32
              %dma_start3A_702 = arith.constant 0 : i32
              %dma_start3A_703 = tpu.memref_slice %arg5[%add3A_678, %dma_start3A_701, %dma_start3A_702] : memref<320x16x64xi32, #tpu.memory_space<hbm>> -> memref<1x16x64xi32, #tpu.memory_space<hbm>>
              %dma_start3A_704 = tpu.memref_squeeze %dma_start3A_703 : memref<1x16x64xi32, #tpu.memory_space<hbm>> -> memref<16x64xi32, #tpu.memory_space<hbm>>
              %dma_start3A_705 = arith.constant 0 : i32
              %dma_start3A_706 = arith.constant 0 : i32
              %dma_start3A_707 = tpu.memref_slice %arg9[%select_n3A_696, %dma_start3A_705, %dma_start3A_706] : memref<3x16x64xi32, #tpu.memory_space<vmem>> -> memref<1x16x64xi32, #tpu.memory_space<vmem>>
              %dma_start3A_708 = tpu.memref_squeeze %dma_start3A_707 : memref<1x16x64xi32, #tpu.memory_space<vmem>> -> memref<16x64xi32, #tpu.memory_space<vmem>>
              %dma_start3A_709 = arith.constant 0 : i32
              %dma_start3A_710 = arith.constant 0 : i32
              %dma_start3A_711 = tpu.memref_slice %arg5[%add3A_678, %dma_start3A_709, %dma_start3A_710] : memref<320x16x64xi32, #tpu.memory_space<hbm>> -> memref<1x16x64xi32, #tpu.memory_space<hbm>>
              %dma_start3A_712 = tpu.memref_squeeze %dma_start3A_711 : memref<1x16x64xi32, #tpu.memory_space<hbm>> -> memref<16x64xi32, #tpu.memory_space<hbm>>
              tpu.enqueue_dma source(%dma_start3A_712 : memref<16x64xi32, #tpu.memory_space<hbm>>) target(%dma_start3A_708 : memref<16x64xi32, #tpu.memory_space<vmem>>) target_semaphore(%arg16 : memref<!tpu.dma_semaphore, #tpu.memory_space<semaphore_mem>>)
            } else {
            }
          } else {
          }
          %ge3A = arith.constant 1 : i32
          %ge3A_476 = arith.cmpi sge, %add3A_143, %ge3A : i32
          %convert_element_type3A_477 = arith.extui %ge3A_476 : i1 to i32
          %cond3A_478 = arith.constant 0 : i32
          %cond3A_479 = arith.cmpi ne, %convert_element_type3A_477, %cond3A_478 : i32
          scf.if %cond3A_479 {
            %dma_wait3A_542 = arith.constant 0 : i32
            %dma_wait3A_543 = arith.constant 0 : i32
            %dma_wait3A_544 = arith.constant 0 : i32
            %dma_wait3A_545 = tpu.memref_slice %arg9[%dma_wait3A_542, %dma_wait3A_543, %dma_wait3A_544] : memref<3x16x64xi32, #tpu.memory_space<vmem>> -> memref<1x1x64xi32, #tpu.memory_space<vmem>>
            %dma_wait3A_546 = tpu.memref_squeeze %dma_wait3A_545 : memref<1x1x64xi32, #tpu.memory_space<vmem>> -> memref<64xi32, #tpu.memory_space<vmem>>
            %dma_wait3A_547 = arith.constant 0 : i32
            %dma_wait3A_548 = arith.constant 0 : i32
            %dma_wait3A_549 = tpu.memref_slice %arg14[%dma_wait3A_547, %dma_wait3A_548] : memref<10112x128xf32, #tpu.memory_space<vmem_shared>> -> memref<10112x128xf32, #tpu.memory_space<vmem_shared>>
            tpu.wait_indirect_dma semaphore(%arg24 : memref<!tpu.dma_semaphore, #tpu.memory_space<semaphore_mem>>) src(%arg13 : memref<64x128xf32, #tpu.memory_space<vmem>>) dst(%dma_wait3A_549 : memref<10112x128xf32, #tpu.memory_space<vmem_shared>>)
          } else {
          }
          %jit3A_480 = arith.constant 16 : i32
          %div3A_481 = arith.divsi %add3A_145, %jit3A_480 : i32
          %sign3A_482 = arith.constant 0 : i32
          %sign3A_483 = arith.cmpi sgt, %add3A_145, %sign3A_482 : i32
          %sign3A_484 = arith.extui %sign3A_483 : i1 to i32
          %sign3A_485 = arith.constant 0 : i32
          %sign3A_486 = arith.cmpi slt, %add3A_145, %sign3A_485 : i32
          %sign3A_487 = arith.extui %sign3A_486 : i1 to i32
          %sign3A_488 = arith.subi %sign3A_484, %sign3A_487 : i32
          %sign3A_489 = arith.constant 0 : i32
          %sign3A_490 = arith.cmpi sgt, %jit3A_480, %sign3A_489 : i32
          %sign3A_491 = arith.extui %sign3A_490 : i1 to i32
          %sign3A_492 = arith.constant 0 : i32
          %sign3A_493 = arith.cmpi slt, %jit3A_480, %sign3A_492 : i32
          %sign3A_494 = arith.extui %sign3A_493 : i1 to i32
          %sign3A_495 = arith.subi %sign3A_491, %sign3A_494 : i32
          %ne3A_496 = arith.cmpi ne, %sign3A_488, %sign3A_495 : i32
          %rem3A_497 = arith.remsi %add3A_145, %jit3A_480 : i32
          %ne3A_498 = arith.constant 0 : i32
          %ne3A_499 = arith.cmpi ne, %rem3A_497, %ne3A_498 : i32
          %and3A_500 = arith.andi %ne3A_496, %ne3A_499 : i1
          %sub3A_501 = arith.constant 1 : i32
          %sub3A_502 = arith.subi %div3A_481, %sub3A_501 : i32
          %select_n3A_503 = arith.select %and3A_500, %sub3A_502, %div3A_481 : i32
          %jit3A_504 = arith.constant 3 : i32
          %eq3A_505 = arith.constant 0 : i32
          %eq3A_506 = arith.cmpi eq, %jit3A_504, %eq3A_505 : i32
          %jit3A_507 = arith.constant 1 : i32
          %select_n3A_508 = arith.select %eq3A_506, %jit3A_507, %jit3A_504 : i32
          %rem3A_509 = arith.remsi %select_n3A_503, %select_n3A_508 : i32
          %ne3A_510 = arith.constant 0 : i32
          %ne3A_511 = arith.cmpi ne, %rem3A_509, %ne3A_510 : i32
          %lt3A_512 = arith.constant 0 : i32
          %lt3A_513 = arith.cmpi slt, %rem3A_509, %lt3A_512 : i32
          %lt3A_514 = arith.constant 0 : i32
          %lt3A_515 = arith.cmpi slt, %select_n3A_508, %lt3A_514 : i32
          %ne3A_516 = arith.xori %lt3A_513, %lt3A_515 : i1
          %and3A_517 = arith.andi %ne3A_516, %ne3A_511 : i1
          %add3A_518 = arith.addi %rem3A_509, %select_n3A_508 : i32
          %select_n3A_519 = arith.select %and3A_517, %add3A_518, %rem3A_509 : i32
          %jit3A_520 = arith.constant 16 : i32
          %eq3A_521 = arith.constant 0 : i32
          %eq3A_522 = arith.cmpi eq, %jit3A_520, %eq3A_521 : i32
          %jit3A_523 = arith.constant 1 : i32
          %select_n3A_524 = arith.select %eq3A_522, %jit3A_523, %jit3A_520 : i32
          %rem3A_525 = arith.remsi %add3A_145, %select_n3A_524 : i32
          %ne3A_526 = arith.constant 0 : i32
          %ne3A_527 = arith.cmpi ne, %rem3A_525, %ne3A_526 : i32
          %lt3A_528 = arith.constant 0 : i32
          %lt3A_529 = arith.cmpi slt, %rem3A_525, %lt3A_528 : i32
          %lt3A_530 = arith.constant 0 : i32
          %lt3A_531 = arith.cmpi slt, %select_n3A_524, %lt3A_530 : i32
          %ne3A_532 = arith.xori %lt3A_529, %lt3A_531 : i1
          %and3A_533 = arith.andi %ne3A_532, %ne3A_527 : i1
          %add3A_534 = arith.addi %rem3A_525, %select_n3A_524 : i32
          %select_n3A_535 = arith.select %and3A_533, %add3A_534, %rem3A_525 : i32
          %dma_start3A_536 = arith.constant 0 : i32
          %dma_start3A_537 = tpu.memref_slice %arg8[%select_n3A_519, %select_n3A_535, %dma_start3A_536] : memref<3x16x64xi32, #tpu.memory_space<vmem>> -> memref<1x1x64xi32, #tpu.memory_space<vmem>>
          %dma_start3A_538 = tpu.memref_squeeze %dma_start3A_537 : memref<1x1x64xi32, #tpu.memory_space<vmem>> -> memref<64xi32, #tpu.memory_space<vmem>>
          %dma_start3A_539 = arith.constant 0 : i32
          %dma_start3A_540 = arith.constant 0 : i32
          %dma_start3A_541 = tpu.memref_slice %arg3[%dma_start3A_539, %dma_start3A_540] : memref<10000x128xf32, #tpu.memory_space<hbm>> -> memref<10000x128xf32, #tpu.memory_space<hbm>>
          tpu.enqueue_indirect_dma source(%dma_start3A_541 : memref<10000x128xf32, #tpu.memory_space<hbm>>) target(%arg13 : memref<64x128xf32, #tpu.memory_space<vmem>>) offsets(%dma_start3A_538 : memref<64xi32, #tpu.memory_space<vmem>>) semaphore(%arg20 : memref<!tpu.dma_semaphore, #tpu.memory_space<semaphore_mem>>)
        } else {
        }
        %dma_wait3A_150 = arith.constant 0 : i32
        %dma_wait3A_151 = arith.constant 0 : i32
        %dma_wait3A_152 = arith.constant 0 : i32
        %dma_wait3A_153 = tpu.memref_slice %arg8[%dma_wait3A_150, %dma_wait3A_151, %dma_wait3A_152] : memref<3x16x64xi32, #tpu.memory_space<vmem>> -> memref<1x1x64xi32, #tpu.memory_space<vmem>>
        %dma_wait3A_154 = tpu.memref_squeeze %dma_wait3A_153 : memref<1x1x64xi32, #tpu.memory_space<vmem>> -> memref<64xi32, #tpu.memory_space<vmem>>
        %dma_wait3A_155 = arith.constant 0 : i32
        %dma_wait3A_156 = arith.constant 0 : i32
        %dma_wait3A_157 = tpu.memref_slice %arg3[%dma_wait3A_155, %dma_wait3A_156] : memref<10000x128xf32, #tpu.memory_space<hbm>> -> memref<10000x128xf32, #tpu.memory_space<hbm>>
        tpu.wait_indirect_dma semaphore(%arg17 : memref<!tpu.dma_semaphore, #tpu.memory_space<semaphore_mem>>) src(%dma_wait3A_157 : memref<10000x128xf32, #tpu.memory_space<hbm>>) dst(%arg10 : memref<64x128xf32, #tpu.memory_space<vmem>>)
        %jit3A = arith.constant 16 : i32
        %div3A = arith.divsi %add3A_143, %jit3A : i32
        %sign3A = arith.constant 0 : i32
        %sign3A_158 = arith.cmpi sgt, %add3A_143, %sign3A : i32
        %sign3A_159 = arith.extui %sign3A_158 : i1 to i32
        %sign3A_160 = arith.constant 0 : i32
        %sign3A_161 = arith.cmpi slt, %add3A_143, %sign3A_160 : i32
        %sign3A_162 = arith.extui %sign3A_161 : i1 to i32
        %sign3A_163 = arith.subi %sign3A_159, %sign3A_162 : i32
        %sign3A_164 = arith.constant 0 : i32
        %sign3A_165 = arith.cmpi sgt, %jit3A, %sign3A_164 : i32
        %sign3A_166 = arith.extui %sign3A_165 : i1 to i32
        %sign3A_167 = arith.constant 0 : i32
        %sign3A_168 = arith.cmpi slt, %jit3A, %sign3A_167 : i32
        %sign3A_169 = arith.extui %sign3A_168 : i1 to i32
        %sign3A_170 = arith.subi %sign3A_166, %sign3A_169 : i32
        %ne3A = arith.cmpi ne, %sign3A_163, %sign3A_170 : i32
        %rem3A = arith.remsi %add3A_143, %jit3A : i32
        %ne3A_171 = arith.constant 0 : i32
        %ne3A_172 = arith.cmpi ne, %rem3A, %ne3A_171 : i32
        %and3A = arith.andi %ne3A, %ne3A_172 : i1
        %sub3A = arith.constant 1 : i32
        %sub3A_173 = arith.subi %div3A, %sub3A : i32
        %select_n3A = arith.select %and3A, %sub3A_173, %div3A : i32
        %jit3A_174 = arith.constant 3 : i32
        %eq3A_175 = arith.constant 0 : i32
        %eq3A_176 = arith.cmpi eq, %jit3A_174, %eq3A_175 : i32
        %jit3A_177 = arith.constant 1 : i32
        %select_n3A_178 = arith.select %eq3A_176, %jit3A_177, %jit3A_174 : i32
        %rem3A_179 = arith.remsi %select_n3A, %select_n3A_178 : i32
        %ne3A_180 = arith.constant 0 : i32
        %ne3A_181 = arith.cmpi ne, %rem3A_179, %ne3A_180 : i32
        %lt3A_182 = arith.constant 0 : i32
        %lt3A_183 = arith.cmpi slt, %rem3A_179, %lt3A_182 : i32
        %lt3A_184 = arith.constant 0 : i32
        %lt3A_185 = arith.cmpi slt, %select_n3A_178, %lt3A_184 : i32
        %ne3A_186 = arith.xori %lt3A_183, %lt3A_185 : i1
        %and3A_187 = arith.andi %ne3A_186, %ne3A_181 : i1
        %add3A_188 = arith.addi %rem3A_179, %select_n3A_178 : i32
        %select_n3A_189 = arith.select %and3A_187, %add3A_188, %rem3A_179 : i32
        %jit3A_190 = arith.constant 16 : i32
        %eq3A_191 = arith.constant 0 : i32
        %eq3A_192 = arith.cmpi eq, %jit3A_190, %eq3A_191 : i32
        %jit3A_193 = arith.constant 1 : i32
        %select_n3A_194 = arith.select %eq3A_192, %jit3A_193, %jit3A_190 : i32
        %rem3A_195 = arith.remsi %add3A_143, %select_n3A_194 : i32
        %ne3A_196 = arith.constant 0 : i32
        %ne3A_197 = arith.cmpi ne, %rem3A_195, %ne3A_196 : i32
        %lt3A_198 = arith.constant 0 : i32
        %lt3A_199 = arith.cmpi slt, %rem3A_195, %lt3A_198 : i32
        %lt3A_200 = arith.constant 0 : i32
        %lt3A_201 = arith.cmpi slt, %select_n3A_194, %lt3A_200 : i32
        %ne3A_202 = arith.xori %lt3A_199, %lt3A_201 : i1
        %and3A_203 = arith.andi %ne3A_202, %ne3A_197 : i1
        %add3A_204 = arith.addi %rem3A_195, %select_n3A_194 : i32
        %select_n3A_205 = arith.select %and3A_203, %add3A_204, %rem3A_195 : i32
        %dma_start3A_206 = arith.constant 0 : i32
        %dma_start3A_207 = tpu.memref_slice %arg9[%select_n3A_189, %select_n3A_205, %dma_start3A_206] : memref<3x16x64xi32, #tpu.memory_space<vmem>> -> memref<1x1x64xi32, #tpu.memory_space<vmem>>
        %dma_start3A_208 = tpu.memref_squeeze %dma_start3A_207 : memref<1x1x64xi32, #tpu.memory_space<vmem>> -> memref<64xi32, #tpu.memory_space<vmem>>
        %dma_start3A_209 = arith.constant 0 : i32
        %dma_start3A_210 = arith.constant 0 : i32
        %dma_start3A_211 = tpu.memref_slice %arg14[%dma_start3A_209, %dma_start3A_210] : memref<10112x128xf32, #tpu.memory_space<vmem_shared>> -> memref<10112x128xf32, #tpu.memory_space<vmem_shared>>
        tpu.enqueue_indirect_dma source(%arg10 : memref<64x128xf32, #tpu.memory_space<vmem>>) target(%dma_start3A_211 : memref<10112x128xf32, #tpu.memory_space<vmem_shared>>) offsets(%dma_start3A_208 : memref<64xi32, #tpu.memory_space<vmem>>) semaphore(%arg21 : memref<!tpu.dma_semaphore, #tpu.memory_space<semaphore_mem>>) {add = true}
        %mul3A_212 = arith.constant 4 : i32
        %mul3A_213 = arith.muli %scan3A_139, %mul3A_212 : i32
        %add3A_214 = arith.constant 1 : i32
        %add3A_215 = arith.addi %mul3A_213, %add3A_214 : i32
        %add3A_216 = arith.constant 3 : i32
        %add3A_217 = arith.addi %add3A_215, %add3A_216 : i32
        %lt3A_218 = arith.constant 320 : i32
        %lt3A_219 = arith.cmpi slt, %add3A_217, %lt3A_218 : i32
        %convert_element_type3A_220 = arith.extui %lt3A_219 : i1 to i32
        %cond3A_221 = arith.constant 0 : i32
        %cond3A_222 = arith.cmpi ne, %convert_element_type3A_220, %cond3A_221 : i32
        scf.if %cond3A_222 {
          %jit3A_455 = arith.constant 16 : i32
          %eq3A_456 = arith.constant 0 : i32
          %eq3A_457 = arith.cmpi eq, %jit3A_455, %eq3A_456 : i32
          %jit3A_458 = arith.constant 1 : i32
          %select_n3A_459 = arith.select %eq3A_457, %jit3A_458, %jit3A_455 : i32
          %rem3A_460 = arith.remsi %add3A_217, %select_n3A_459 : i32
          %ne3A_461 = arith.constant 0 : i32
          %ne3A_462 = arith.cmpi ne, %rem3A_460, %ne3A_461 : i32
          %lt3A_463 = arith.constant 0 : i32
          %lt3A_464 = arith.cmpi slt, %rem3A_460, %lt3A_463 : i32
          %lt3A_465 = arith.constant 0 : i32
          %lt3A_466 = arith.cmpi slt, %select_n3A_459, %lt3A_465 : i32
          %ne3A_467 = arith.xori %lt3A_464, %lt3A_466 : i1
          %and3A_468 = arith.andi %ne3A_467, %ne3A_462 : i1
          %add3A_469 = arith.addi %rem3A_460, %select_n3A_459 : i32
          %select_n3A_470 = arith.select %and3A_468, %add3A_469, %rem3A_460 : i32
          %eq3A_471 = arith.constant 0 : i32
          %eq3A_472 = arith.cmpi eq, %select_n3A_470, %eq3A_471 : i32
          %convert_element_type3A_473 = arith.extui %eq3A_472 : i1 to i32
          %cond3A_474 = arith.constant 0 : i32
          %cond3A_475 = arith.cmpi ne, %convert_element_type3A_473, %cond3A_474 : i32
          scf.if %cond3A_475 {
            %jit3A_542 = arith.constant 16 : i32
            %div3A_543 = arith.divsi %add3A_217, %jit3A_542 : i32
            %sign3A_544 = arith.constant 0 : i32
            %sign3A_545 = arith.cmpi sgt, %add3A_217, %sign3A_544 : i32
            %sign3A_546 = arith.extui %sign3A_545 : i1 to i32
            %sign3A_547 = arith.constant 0 : i32
            %sign3A_548 = arith.cmpi slt, %add3A_217, %sign3A_547 : i32
            %sign3A_549 = arith.extui %sign3A_548 : i1 to i32
            %sign3A_550 = arith.subi %sign3A_546, %sign3A_549 : i32
            %sign3A_551 = arith.constant 0 : i32
            %sign3A_552 = arith.cmpi sgt, %jit3A_542, %sign3A_551 : i32
            %sign3A_553 = arith.extui %sign3A_552 : i1 to i32
            %sign3A_554 = arith.constant 0 : i32
            %sign3A_555 = arith.cmpi slt, %jit3A_542, %sign3A_554 : i32
            %sign3A_556 = arith.extui %sign3A_555 : i1 to i32
            %sign3A_557 = arith.subi %sign3A_553, %sign3A_556 : i32
            %ne3A_558 = arith.cmpi ne, %sign3A_550, %sign3A_557 : i32
            %rem3A_559 = arith.remsi %add3A_217, %jit3A_542 : i32
            %ne3A_560 = arith.constant 0 : i32
            %ne3A_561 = arith.cmpi ne, %rem3A_559, %ne3A_560 : i32
            %and3A_562 = arith.andi %ne3A_558, %ne3A_561 : i1
            %sub3A_563 = arith.constant 1 : i32
            %sub3A_564 = arith.subi %div3A_543, %sub3A_563 : i32
            %select_n3A_565 = arith.select %and3A_562, %sub3A_564, %div3A_543 : i32
            %add3A_566 = arith.addi %mul3A_32, %select_n3A_565 : i32
            %jit3A_567 = arith.constant 3 : i32
            %eq3A_568 = arith.constant 0 : i32
            %eq3A_569 = arith.cmpi eq, %jit3A_567, %eq3A_568 : i32
            %jit3A_570 = arith.constant 1 : i32
            %select_n3A_571 = arith.select %eq3A_569, %jit3A_570, %jit3A_567 : i32
            %rem3A_572 = arith.remsi %select_n3A_565, %select_n3A_571 : i32
            %ne3A_573 = arith.constant 0 : i32
            %ne3A_574 = arith.cmpi ne, %rem3A_572, %ne3A_573 : i32
            %lt3A_575 = arith.constant 0 : i32
            %lt3A_576 = arith.cmpi slt, %rem3A_572, %lt3A_575 : i32
            %lt3A_577 = arith.constant 0 : i32
            %lt3A_578 = arith.cmpi slt, %select_n3A_571, %lt3A_577 : i32
            %ne3A_579 = arith.xori %lt3A_576, %lt3A_578 : i1
            %and3A_580 = arith.andi %ne3A_579, %ne3A_574 : i1
            %add3A_581 = arith.addi %rem3A_572, %select_n3A_571 : i32
            %select_n3A_582 = arith.select %and3A_580, %add3A_581, %rem3A_572 : i32
            %dma_wait3A_583 = arith.constant 0 : i32
            %dma_wait3A_584 = arith.constant 0 : i32
            %dma_wait3A_585 = tpu.memref_slice %arg8[%select_n3A_582, %dma_wait3A_583, %dma_wait3A_584] : memref<3x16x64xi32, #tpu.memory_space<vmem>> -> memref<1x16x64xi32, #tpu.memory_space<vmem>>
            %dma_wait3A_586 = tpu.memref_squeeze %dma_wait3A_585 : memref<1x16x64xi32, #tpu.memory_space<vmem>> -> memref<16x64xi32, #tpu.memory_space<vmem>>
            %dma_wait3A_587 = arith.constant 0 : i32
            %dma_wait3A_588 = arith.constant 0 : i32
            %dma_wait3A_589 = tpu.memref_slice %arg4[%add3A_566, %dma_wait3A_587, %dma_wait3A_588] : memref<320x16x64xi32, #tpu.memory_space<hbm>> -> memref<1x16x64xi32, #tpu.memory_space<hbm>>
            %dma_wait3A_590 = tpu.memref_squeeze %dma_wait3A_589 : memref<1x16x64xi32, #tpu.memory_space<hbm>> -> memref<16x64xi32, #tpu.memory_space<hbm>>
            %dma_wait3A_591 = arith.constant 0 : i32
            %dma_wait3A_592 = arith.constant 0 : i32
            %dma_wait3A_593 = tpu.memref_slice %arg8[%select_n3A_582, %dma_wait3A_591, %dma_wait3A_592] : memref<3x16x64xi32, #tpu.memory_space<vmem>> -> memref<1x16x64xi32, #tpu.memory_space<vmem>>
            %dma_wait3A_594 = tpu.memref_squeeze %dma_wait3A_593 : memref<1x16x64xi32, #tpu.memory_space<vmem>> -> memref<16x64xi32, #tpu.memory_space<vmem>>
            %dma_wait3A_595 = arith.constant 0 : i32
            %dma_wait3A_596 = arith.constant 0 : i32
            %dma_wait3A_597 = tpu.memref_slice %arg4[%add3A_566, %dma_wait3A_595, %dma_wait3A_596] : memref<320x16x64xi32, #tpu.memory_space<hbm>> -> memref<1x16x64xi32, #tpu.memory_space<hbm>>
            %dma_wait3A_598 = tpu.memref_squeeze %dma_wait3A_597 : memref<1x16x64xi32, #tpu.memory_space<hbm>> -> memref<16x64xi32, #tpu.memory_space<hbm>>
            tpu.wait_dma2 semaphore(%arg15 : memref<!tpu.dma_semaphore, #tpu.memory_space<semaphore_mem>>) src(%dma_wait3A_598 : memref<16x64xi32, #tpu.memory_space<hbm>>) dst(%dma_wait3A_594 : memref<16x64xi32, #tpu.memory_space<vmem>>)
            %add3A_599 = arith.addi %mul3A_32, %select_n3A_565 : i32
            %jit3A_600 = arith.constant 3 : i32
            %eq3A_601 = arith.constant 0 : i32
            %eq3A_602 = arith.cmpi eq, %jit3A_600, %eq3A_601 : i32
            %jit3A_603 = arith.constant 1 : i32
            %select_n3A_604 = arith.select %eq3A_602, %jit3A_603, %jit3A_600 : i32
            %rem3A_605 = arith.remsi %select_n3A_565, %select_n3A_604 : i32
            %ne3A_606 = arith.constant 0 : i32
            %ne3A_607 = arith.cmpi ne, %rem3A_605, %ne3A_606 : i32
            %lt3A_608 = arith.constant 0 : i32
            %lt3A_609 = arith.cmpi slt, %rem3A_605, %lt3A_608 : i32
            %lt3A_610 = arith.constant 0 : i32
            %lt3A_611 = arith.cmpi slt, %select_n3A_604, %lt3A_610 : i32
            %ne3A_612 = arith.xori %lt3A_609, %lt3A_611 : i1
            %and3A_613 = arith.andi %ne3A_612, %ne3A_607 : i1
            %add3A_614 = arith.addi %rem3A_605, %select_n3A_604 : i32
            %select_n3A_615 = arith.select %and3A_613, %add3A_614, %rem3A_605 : i32
            %dma_wait3A_616 = arith.constant 0 : i32
            %dma_wait3A_617 = arith.constant 0 : i32
            %dma_wait3A_618 = tpu.memref_slice %arg9[%select_n3A_615, %dma_wait3A_616, %dma_wait3A_617] : memref<3x16x64xi32, #tpu.memory_space<vmem>> -> memref<1x16x64xi32, #tpu.memory_space<vmem>>
            %dma_wait3A_619 = tpu.memref_squeeze %dma_wait3A_618 : memref<1x16x64xi32, #tpu.memory_space<vmem>> -> memref<16x64xi32, #tpu.memory_space<vmem>>
            %dma_wait3A_620 = arith.constant 0 : i32
            %dma_wait3A_621 = arith.constant 0 : i32
            %dma_wait3A_622 = tpu.memref_slice %arg5[%add3A_599, %dma_wait3A_620, %dma_wait3A_621] : memref<320x16x64xi32, #tpu.memory_space<hbm>> -> memref<1x16x64xi32, #tpu.memory_space<hbm>>
            %dma_wait3A_623 = tpu.memref_squeeze %dma_wait3A_622 : memref<1x16x64xi32, #tpu.memory_space<hbm>> -> memref<16x64xi32, #tpu.memory_space<hbm>>
            %dma_wait3A_624 = arith.constant 0 : i32
            %dma_wait3A_625 = arith.constant 0 : i32
            %dma_wait3A_626 = tpu.memref_slice %arg9[%select_n3A_615, %dma_wait3A_624, %dma_wait3A_625] : memref<3x16x64xi32, #tpu.memory_space<vmem>> -> memref<1x16x64xi32, #tpu.memory_space<vmem>>
            %dma_wait3A_627 = tpu.memref_squeeze %dma_wait3A_626 : memref<1x16x64xi32, #tpu.memory_space<vmem>> -> memref<16x64xi32, #tpu.memory_space<vmem>>
            %dma_wait3A_628 = arith.constant 0 : i32
            %dma_wait3A_629 = arith.constant 0 : i32
            %dma_wait3A_630 = tpu.memref_slice %arg5[%add3A_599, %dma_wait3A_628, %dma_wait3A_629] : memref<320x16x64xi32, #tpu.memory_space<hbm>> -> memref<1x16x64xi32, #tpu.memory_space<hbm>>
            %dma_wait3A_631 = tpu.memref_squeeze %dma_wait3A_630 : memref<1x16x64xi32, #tpu.memory_space<hbm>> -> memref<16x64xi32, #tpu.memory_space<hbm>>
            tpu.wait_dma2 semaphore(%arg16 : memref<!tpu.dma_semaphore, #tpu.memory_space<semaphore_mem>>) src(%dma_wait3A_631 : memref<16x64xi32, #tpu.memory_space<hbm>>) dst(%dma_wait3A_627 : memref<16x64xi32, #tpu.memory_space<vmem>>)
            %add3A_632 = arith.constant 1 : i32
            %add3A_633 = arith.addi %select_n3A_565, %add3A_632 : i32
            %lt3A_634 = arith.constant 20 : i32
            %lt3A_635 = arith.cmpi slt, %add3A_633, %lt3A_634 : i32
            %convert_element_type3A_636 = arith.extui %lt3A_635 : i1 to i32
            %cond3A_637 = arith.constant 0 : i32
            %cond3A_638 = arith.cmpi ne, %convert_element_type3A_636, %cond3A_637 : i32
            scf.if %cond3A_638 {
              %add3A_639 = arith.addi %mul3A_32, %select_n3A_565 : i32
              %add3A_640 = arith.constant 1 : i32
              %add3A_641 = arith.addi %add3A_639, %add3A_640 : i32
              %add3A_642 = arith.constant 1 : i32
              %add3A_643 = arith.addi %select_n3A_565, %add3A_642 : i32
              %jit3A_644 = arith.constant 3 : i32
              %eq3A_645 = arith.constant 0 : i32
              %eq3A_646 = arith.cmpi eq, %jit3A_644, %eq3A_645 : i32
              %jit3A_647 = arith.constant 1 : i32
              %select_n3A_648 = arith.select %eq3A_646, %jit3A_647, %jit3A_644 : i32
              %rem3A_649 = arith.remsi %add3A_643, %select_n3A_648 : i32
              %ne3A_650 = arith.constant 0 : i32
              %ne3A_651 = arith.cmpi ne, %rem3A_649, %ne3A_650 : i32
              %lt3A_652 = arith.constant 0 : i32
              %lt3A_653 = arith.cmpi slt, %rem3A_649, %lt3A_652 : i32
              %lt3A_654 = arith.constant 0 : i32
              %lt3A_655 = arith.cmpi slt, %select_n3A_648, %lt3A_654 : i32
              %ne3A_656 = arith.xori %lt3A_653, %lt3A_655 : i1
              %and3A_657 = arith.andi %ne3A_656, %ne3A_651 : i1
              %add3A_658 = arith.addi %rem3A_649, %select_n3A_648 : i32
              %select_n3A_659 = arith.select %and3A_657, %add3A_658, %rem3A_649 : i32
              %dma_start3A_660 = arith.constant 0 : i32
              %dma_start3A_661 = arith.constant 0 : i32
              %dma_start3A_662 = tpu.memref_slice %arg8[%select_n3A_659, %dma_start3A_660, %dma_start3A_661] : memref<3x16x64xi32, #tpu.memory_space<vmem>> -> memref<1x16x64xi32, #tpu.memory_space<vmem>>
              %dma_start3A_663 = tpu.memref_squeeze %dma_start3A_662 : memref<1x16x64xi32, #tpu.memory_space<vmem>> -> memref<16x64xi32, #tpu.memory_space<vmem>>
              %dma_start3A_664 = arith.constant 0 : i32
              %dma_start3A_665 = arith.constant 0 : i32
              %dma_start3A_666 = tpu.memref_slice %arg4[%add3A_641, %dma_start3A_664, %dma_start3A_665] : memref<320x16x64xi32, #tpu.memory_space<hbm>> -> memref<1x16x64xi32, #tpu.memory_space<hbm>>
              %dma_start3A_667 = tpu.memref_squeeze %dma_start3A_666 : memref<1x16x64xi32, #tpu.memory_space<hbm>> -> memref<16x64xi32, #tpu.memory_space<hbm>>
              %dma_start3A_668 = arith.constant 0 : i32
              %dma_start3A_669 = arith.constant 0 : i32
              %dma_start3A_670 = tpu.memref_slice %arg8[%select_n3A_659, %dma_start3A_668, %dma_start3A_669] : memref<3x16x64xi32, #tpu.memory_space<vmem>> -> memref<1x16x64xi32, #tpu.memory_space<vmem>>
              %dma_start3A_671 = tpu.memref_squeeze %dma_start3A_670 : memref<1x16x64xi32, #tpu.memory_space<vmem>> -> memref<16x64xi32, #tpu.memory_space<vmem>>
              %dma_start3A_672 = arith.constant 0 : i32
              %dma_start3A_673 = arith.constant 0 : i32
              %dma_start3A_674 = tpu.memref_slice %arg4[%add3A_641, %dma_start3A_672, %dma_start3A_673] : memref<320x16x64xi32, #tpu.memory_space<hbm>> -> memref<1x16x64xi32, #tpu.memory_space<hbm>>
              %dma_start3A_675 = tpu.memref_squeeze %dma_start3A_674 : memref<1x16x64xi32, #tpu.memory_space<hbm>> -> memref<16x64xi32, #tpu.memory_space<hbm>>
              tpu.enqueue_dma source(%dma_start3A_675 : memref<16x64xi32, #tpu.memory_space<hbm>>) target(%dma_start3A_671 : memref<16x64xi32, #tpu.memory_space<vmem>>) target_semaphore(%arg15 : memref<!tpu.dma_semaphore, #tpu.memory_space<semaphore_mem>>)
              %add3A_676 = arith.addi %mul3A_32, %select_n3A_565 : i32
              %add3A_677 = arith.constant 1 : i32
              %add3A_678 = arith.addi %add3A_676, %add3A_677 : i32
              %add3A_679 = arith.constant 1 : i32
              %add3A_680 = arith.addi %select_n3A_565, %add3A_679 : i32
              %jit3A_681 = arith.constant 3 : i32
              %eq3A_682 = arith.constant 0 : i32
              %eq3A_683 = arith.cmpi eq, %jit3A_681, %eq3A_682 : i32
              %jit3A_684 = arith.constant 1 : i32
              %select_n3A_685 = arith.select %eq3A_683, %jit3A_684, %jit3A_681 : i32
              %rem3A_686 = arith.remsi %add3A_680, %select_n3A_685 : i32
              %ne3A_687 = arith.constant 0 : i32
              %ne3A_688 = arith.cmpi ne, %rem3A_686, %ne3A_687 : i32
              %lt3A_689 = arith.constant 0 : i32
              %lt3A_690 = arith.cmpi slt, %rem3A_686, %lt3A_689 : i32
              %lt3A_691 = arith.constant 0 : i32
              %lt3A_692 = arith.cmpi slt, %select_n3A_685, %lt3A_691 : i32
              %ne3A_693 = arith.xori %lt3A_690, %lt3A_692 : i1
              %and3A_694 = arith.andi %ne3A_693, %ne3A_688 : i1
              %add3A_695 = arith.addi %rem3A_686, %select_n3A_685 : i32
              %select_n3A_696 = arith.select %and3A_694, %add3A_695, %rem3A_686 : i32
              %dma_start3A_697 = arith.constant 0 : i32
              %dma_start3A_698 = arith.constant 0 : i32
              %dma_start3A_699 = tpu.memref_slice %arg9[%select_n3A_696, %dma_start3A_697, %dma_start3A_698] : memref<3x16x64xi32, #tpu.memory_space<vmem>> -> memref<1x16x64xi32, #tpu.memory_space<vmem>>
              %dma_start3A_700 = tpu.memref_squeeze %dma_start3A_699 : memref<1x16x64xi32, #tpu.memory_space<vmem>> -> memref<16x64xi32, #tpu.memory_space<vmem>>
              %dma_start3A_701 = arith.constant 0 : i32
              %dma_start3A_702 = arith.constant 0 : i32
              %dma_start3A_703 = tpu.memref_slice %arg5[%add3A_678, %dma_start3A_701, %dma_start3A_702] : memref<320x16x64xi32, #tpu.memory_space<hbm>> -> memref<1x16x64xi32, #tpu.memory_space<hbm>>
              %dma_start3A_704 = tpu.memref_squeeze %dma_start3A_703 : memref<1x16x64xi32, #tpu.memory_space<hbm>> -> memref<16x64xi32, #tpu.memory_space<hbm>>
              %dma_start3A_705 = arith.constant 0 : i32
              %dma_start3A_706 = arith.constant 0 : i32
              %dma_start3A_707 = tpu.memref_slice %arg9[%select_n3A_696, %dma_start3A_705, %dma_start3A_706] : memref<3x16x64xi32, #tpu.memory_space<vmem>> -> memref<1x16x64xi32, #tpu.memory_space<vmem>>
              %dma_start3A_708 = tpu.memref_squeeze %dma_start3A_707 : memref<1x16x64xi32, #tpu.memory_space<vmem>> -> memref<16x64xi32, #tpu.memory_space<vmem>>
              %dma_start3A_709 = arith.constant 0 : i32
              %dma_start3A_710 = arith.constant 0 : i32
              %dma_start3A_711 = tpu.memref_slice %arg5[%add3A_678, %dma_start3A_709, %dma_start3A_710] : memref<320x16x64xi32, #tpu.memory_space<hbm>> -> memref<1x16x64xi32, #tpu.memory_space<hbm>>
              %dma_start3A_712 = tpu.memref_squeeze %dma_start3A_711 : memref<1x16x64xi32, #tpu.memory_space<hbm>> -> memref<16x64xi32, #tpu.memory_space<hbm>>
              tpu.enqueue_dma source(%dma_start3A_712 : memref<16x64xi32, #tpu.memory_space<hbm>>) target(%dma_start3A_708 : memref<16x64xi32, #tpu.memory_space<vmem>>) target_semaphore(%arg16 : memref<!tpu.dma_semaphore, #tpu.memory_space<semaphore_mem>>)
            } else {
            }
          } else {
          }
          %ge3A = arith.constant 1 : i32
          %ge3A_476 = arith.cmpi sge, %add3A_215, %ge3A : i32
          %convert_element_type3A_477 = arith.extui %ge3A_476 : i1 to i32
          %cond3A_478 = arith.constant 0 : i32
          %cond3A_479 = arith.cmpi ne, %convert_element_type3A_477, %cond3A_478 : i32
          scf.if %cond3A_479 {
            %dma_wait3A_542 = arith.constant 0 : i32
            %dma_wait3A_543 = arith.constant 0 : i32
            %dma_wait3A_544 = arith.constant 0 : i32
            %dma_wait3A_545 = tpu.memref_slice %arg9[%dma_wait3A_542, %dma_wait3A_543, %dma_wait3A_544] : memref<3x16x64xi32, #tpu.memory_space<vmem>> -> memref<1x1x64xi32, #tpu.memory_space<vmem>>
            %dma_wait3A_546 = tpu.memref_squeeze %dma_wait3A_545 : memref<1x1x64xi32, #tpu.memory_space<vmem>> -> memref<64xi32, #tpu.memory_space<vmem>>
            %dma_wait3A_547 = arith.constant 0 : i32
            %dma_wait3A_548 = arith.constant 0 : i32
            %dma_wait3A_549 = tpu.memref_slice %arg14[%dma_wait3A_547, %dma_wait3A_548] : memref<10112x128xf32, #tpu.memory_space<vmem_shared>> -> memref<10112x128xf32, #tpu.memory_space<vmem_shared>>
            tpu.wait_indirect_dma semaphore(%arg21 : memref<!tpu.dma_semaphore, #tpu.memory_space<semaphore_mem>>) src(%arg10 : memref<64x128xf32, #tpu.memory_space<vmem>>) dst(%dma_wait3A_549 : memref<10112x128xf32, #tpu.memory_space<vmem_shared>>)
          } else {
          }
          %jit3A_480 = arith.constant 16 : i32
          %div3A_481 = arith.divsi %add3A_217, %jit3A_480 : i32
          %sign3A_482 = arith.constant 0 : i32
          %sign3A_483 = arith.cmpi sgt, %add3A_217, %sign3A_482 : i32
          %sign3A_484 = arith.extui %sign3A_483 : i1 to i32
          %sign3A_485 = arith.constant 0 : i32
          %sign3A_486 = arith.cmpi slt, %add3A_217, %sign3A_485 : i32
          %sign3A_487 = arith.extui %sign3A_486 : i1 to i32
          %sign3A_488 = arith.subi %sign3A_484, %sign3A_487 : i32
          %sign3A_489 = arith.constant 0 : i32
          %sign3A_490 = arith.cmpi sgt, %jit3A_480, %sign3A_489 : i32
          %sign3A_491 = arith.extui %sign3A_490 : i1 to i32
          %sign3A_492 = arith.constant 0 : i32
          %sign3A_493 = arith.cmpi slt, %jit3A_480, %sign3A_492 : i32
          %sign3A_494 = arith.extui %sign3A_493 : i1 to i32
          %sign3A_495 = arith.subi %sign3A_491, %sign3A_494 : i32
          %ne3A_496 = arith.cmpi ne, %sign3A_488, %sign3A_495 : i32
          %rem3A_497 = arith.remsi %add3A_217, %jit3A_480 : i32
          %ne3A_498 = arith.constant 0 : i32
          %ne3A_499 = arith.cmpi ne, %rem3A_497, %ne3A_498 : i32
          %and3A_500 = arith.andi %ne3A_496, %ne3A_499 : i1
          %sub3A_501 = arith.constant 1 : i32
          %sub3A_502 = arith.subi %div3A_481, %sub3A_501 : i32
          %select_n3A_503 = arith.select %and3A_500, %sub3A_502, %div3A_481 : i32
          %jit3A_504 = arith.constant 3 : i32
          %eq3A_505 = arith.constant 0 : i32
          %eq3A_506 = arith.cmpi eq, %jit3A_504, %eq3A_505 : i32
          %jit3A_507 = arith.constant 1 : i32
          %select_n3A_508 = arith.select %eq3A_506, %jit3A_507, %jit3A_504 : i32
          %rem3A_509 = arith.remsi %select_n3A_503, %select_n3A_508 : i32
          %ne3A_510 = arith.constant 0 : i32
          %ne3A_511 = arith.cmpi ne, %rem3A_509, %ne3A_510 : i32
          %lt3A_512 = arith.constant 0 : i32
          %lt3A_513 = arith.cmpi slt, %rem3A_509, %lt3A_512 : i32
          %lt3A_514 = arith.constant 0 : i32
          %lt3A_515 = arith.cmpi slt, %select_n3A_508, %lt3A_514 : i32
          %ne3A_516 = arith.xori %lt3A_513, %lt3A_515 : i1
          %and3A_517 = arith.andi %ne3A_516, %ne3A_511 : i1
          %add3A_518 = arith.addi %rem3A_509, %select_n3A_508 : i32
          %select_n3A_519 = arith.select %and3A_517, %add3A_518, %rem3A_509 : i32
          %jit3A_520 = arith.constant 16 : i32
          %eq3A_521 = arith.constant 0 : i32
          %eq3A_522 = arith.cmpi eq, %jit3A_520, %eq3A_521 : i32
          %jit3A_523 = arith.constant 1 : i32
          %select_n3A_524 = arith.select %eq3A_522, %jit3A_523, %jit3A_520 : i32
          %rem3A_525 = arith.remsi %add3A_217, %select_n3A_524 : i32
          %ne3A_526 = arith.constant 0 : i32
          %ne3A_527 = arith.cmpi ne, %rem3A_525, %ne3A_526 : i32
          %lt3A_528 = arith.constant 0 : i32
          %lt3A_529 = arith.cmpi slt, %rem3A_525, %lt3A_528 : i32
          %lt3A_530 = arith.constant 0 : i32
          %lt3A_531 = arith.cmpi slt, %select_n3A_524, %lt3A_530 : i32
          %ne3A_532 = arith.xori %lt3A_529, %lt3A_531 : i1
          %and3A_533 = arith.andi %ne3A_532, %ne3A_527 : i1
          %add3A_534 = arith.addi %rem3A_525, %select_n3A_524 : i32
          %select_n3A_535 = arith.select %and3A_533, %add3A_534, %rem3A_525 : i32
          %dma_start3A_536 = arith.constant 0 : i32
          %dma_start3A_537 = tpu.memref_slice %arg8[%select_n3A_519, %select_n3A_535, %dma_start3A_536] : memref<3x16x64xi32, #tpu.memory_space<vmem>> -> memref<1x1x64xi32, #tpu.memory_space<vmem>>
          %dma_start3A_538 = tpu.memref_squeeze %dma_start3A_537 : memref<1x1x64xi32, #tpu.memory_space<vmem>> -> memref<64xi32, #tpu.memory_space<vmem>>
          %dma_start3A_539 = arith.constant 0 : i32
          %dma_start3A_540 = arith.constant 0 : i32
          %dma_start3A_541 = tpu.memref_slice %arg3[%dma_start3A_539, %dma_start3A_540] : memref<10000x128xf32, #tpu.memory_space<hbm>> -> memref<10000x128xf32, #tpu.memory_space<hbm>>
          tpu.enqueue_indirect_dma source(%dma_start3A_541 : memref<10000x128xf32, #tpu.memory_space<hbm>>) target(%arg10 : memref<64x128xf32, #tpu.memory_space<vmem>>) offsets(%dma_start3A_538 : memref<64xi32, #tpu.memory_space<vmem>>) semaphore(%arg17 : memref<!tpu.dma_semaphore, #tpu.memory_space<semaphore_mem>>)
        } else {
        }
        %dma_wait3A_223 = arith.constant 0 : i32
        %dma_wait3A_224 = arith.constant 0 : i32
        %dma_wait3A_225 = arith.constant 0 : i32
        %dma_wait3A_226 = tpu.memref_slice %arg8[%dma_wait3A_223, %dma_wait3A_224, %dma_wait3A_225] : memref<3x16x64xi32, #tpu.memory_space<vmem>> -> memref<1x1x64xi32, #tpu.memory_space<vmem>>
        %dma_wait3A_227 = tpu.memref_squeeze %dma_wait3A_226 : memref<1x1x64xi32, #tpu.memory_space<vmem>> -> memref<64xi32, #tpu.memory_space<vmem>>
        %dma_wait3A_228 = arith.constant 0 : i32
        %dma_wait3A_229 = arith.constant 0 : i32
        %dma_wait3A_230 = tpu.memref_slice %arg3[%dma_wait3A_228, %dma_wait3A_229] : memref<10000x128xf32, #tpu.memory_space<hbm>> -> memref<10000x128xf32, #tpu.memory_space<hbm>>
        tpu.wait_indirect_dma semaphore(%arg18 : memref<!tpu.dma_semaphore, #tpu.memory_space<semaphore_mem>>) src(%dma_wait3A_230 : memref<10000x128xf32, #tpu.memory_space<hbm>>) dst(%arg11 : memref<64x128xf32, #tpu.memory_space<vmem>>)
        %jit3A_231 = arith.constant 16 : i32
        %div3A_232 = arith.divsi %add3A_215, %jit3A_231 : i32
        %sign3A_233 = arith.constant 0 : i32
        %sign3A_234 = arith.cmpi sgt, %add3A_215, %sign3A_233 : i32
        %sign3A_235 = arith.extui %sign3A_234 : i1 to i32
        %sign3A_236 = arith.constant 0 : i32
        %sign3A_237 = arith.cmpi slt, %add3A_215, %sign3A_236 : i32
        %sign3A_238 = arith.extui %sign3A_237 : i1 to i32
        %sign3A_239 = arith.subi %sign3A_235, %sign3A_238 : i32
        %sign3A_240 = arith.constant 0 : i32
        %sign3A_241 = arith.cmpi sgt, %jit3A_231, %sign3A_240 : i32
        %sign3A_242 = arith.extui %sign3A_241 : i1 to i32
        %sign3A_243 = arith.constant 0 : i32
        %sign3A_244 = arith.cmpi slt, %jit3A_231, %sign3A_243 : i32
        %sign3A_245 = arith.extui %sign3A_244 : i1 to i32
        %sign3A_246 = arith.subi %sign3A_242, %sign3A_245 : i32
        %ne3A_247 = arith.cmpi ne, %sign3A_239, %sign3A_246 : i32
        %rem3A_248 = arith.remsi %add3A_215, %jit3A_231 : i32
        %ne3A_249 = arith.constant 0 : i32
        %ne3A_250 = arith.cmpi ne, %rem3A_248, %ne3A_249 : i32
        %and3A_251 = arith.andi %ne3A_247, %ne3A_250 : i1
        %sub3A_252 = arith.constant 1 : i32
        %sub3A_253 = arith.subi %div3A_232, %sub3A_252 : i32
        %select_n3A_254 = arith.select %and3A_251, %sub3A_253, %div3A_232 : i32
        %jit3A_255 = arith.constant 3 : i32
        %eq3A_256 = arith.constant 0 : i32
        %eq3A_257 = arith.cmpi eq, %jit3A_255, %eq3A_256 : i32
        %jit3A_258 = arith.constant 1 : i32
        %select_n3A_259 = arith.select %eq3A_257, %jit3A_258, %jit3A_255 : i32
        %rem3A_260 = arith.remsi %select_n3A_254, %select_n3A_259 : i32
        %ne3A_261 = arith.constant 0 : i32
        %ne3A_262 = arith.cmpi ne, %rem3A_260, %ne3A_261 : i32
        %lt3A_263 = arith.constant 0 : i32
        %lt3A_264 = arith.cmpi slt, %rem3A_260, %lt3A_263 : i32
        %lt3A_265 = arith.constant 0 : i32
        %lt3A_266 = arith.cmpi slt, %select_n3A_259, %lt3A_265 : i32
        %ne3A_267 = arith.xori %lt3A_264, %lt3A_266 : i1
        %and3A_268 = arith.andi %ne3A_267, %ne3A_262 : i1
        %add3A_269 = arith.addi %rem3A_260, %select_n3A_259 : i32
        %select_n3A_270 = arith.select %and3A_268, %add3A_269, %rem3A_260 : i32
        %jit3A_271 = arith.constant 16 : i32
        %eq3A_272 = arith.constant 0 : i32
        %eq3A_273 = arith.cmpi eq, %jit3A_271, %eq3A_272 : i32
        %jit3A_274 = arith.constant 1 : i32
        %select_n3A_275 = arith.select %eq3A_273, %jit3A_274, %jit3A_271 : i32
        %rem3A_276 = arith.remsi %add3A_215, %select_n3A_275 : i32
        %ne3A_277 = arith.constant 0 : i32
        %ne3A_278 = arith.cmpi ne, %rem3A_276, %ne3A_277 : i32
        %lt3A_279 = arith.constant 0 : i32
        %lt3A_280 = arith.cmpi slt, %rem3A_276, %lt3A_279 : i32
        %lt3A_281 = arith.constant 0 : i32
        %lt3A_282 = arith.cmpi slt, %select_n3A_275, %lt3A_281 : i32
        %ne3A_283 = arith.xori %lt3A_280, %lt3A_282 : i1
        %and3A_284 = arith.andi %ne3A_283, %ne3A_278 : i1
        %add3A_285 = arith.addi %rem3A_276, %select_n3A_275 : i32
        %select_n3A_286 = arith.select %and3A_284, %add3A_285, %rem3A_276 : i32
        %dma_start3A_287 = arith.constant 0 : i32
        %dma_start3A_288 = tpu.memref_slice %arg9[%select_n3A_270, %select_n3A_286, %dma_start3A_287] : memref<3x16x64xi32, #tpu.memory_space<vmem>> -> memref<1x1x64xi32, #tpu.memory_space<vmem>>
        %dma_start3A_289 = tpu.memref_squeeze %dma_start3A_288 : memref<1x1x64xi32, #tpu.memory_space<vmem>> -> memref<64xi32, #tpu.memory_space<vmem>>
        %dma_start3A_290 = arith.constant 0 : i32
        %dma_start3A_291 = arith.constant 0 : i32
        %dma_start3A_292 = tpu.memref_slice %arg14[%dma_start3A_290, %dma_start3A_291] : memref<10112x128xf32, #tpu.memory_space<vmem_shared>> -> memref<10112x128xf32, #tpu.memory_space<vmem_shared>>
        tpu.enqueue_indirect_dma source(%arg11 : memref<64x128xf32, #tpu.memory_space<vmem>>) target(%dma_start3A_292 : memref<10112x128xf32, #tpu.memory_space<vmem_shared>>) offsets(%dma_start3A_289 : memref<64xi32, #tpu.memory_space<vmem>>) semaphore(%arg22 : memref<!tpu.dma_semaphore, #tpu.memory_space<semaphore_mem>>) {add = true}
        %mul3A_293 = arith.constant 4 : i32
        %mul3A_294 = arith.muli %scan3A_139, %mul3A_293 : i32
        %add3A_295 = arith.constant 2 : i32
        %add3A_296 = arith.addi %mul3A_294, %add3A_295 : i32
        %add3A_297 = arith.constant 3 : i32
        %add3A_298 = arith.addi %add3A_296, %add3A_297 : i32
        %lt3A_299 = arith.constant 320 : i32
        %lt3A_300 = arith.cmpi slt, %add3A_298, %lt3A_299 : i32
        %convert_element_type3A_301 = arith.extui %lt3A_300 : i1 to i32
        %cond3A_302 = arith.constant 0 : i32
        %cond3A_303 = arith.cmpi ne, %convert_element_type3A_301, %cond3A_302 : i32
        scf.if %cond3A_303 {
          %jit3A_455 = arith.constant 16 : i32
          %eq3A_456 = arith.constant 0 : i32
          %eq3A_457 = arith.cmpi eq, %jit3A_455, %eq3A_456 : i32
          %jit3A_458 = arith.constant 1 : i32
          %select_n3A_459 = arith.select %eq3A_457, %jit3A_458, %jit3A_455 : i32
          %rem3A_460 = arith.remsi %add3A_298, %select_n3A_459 : i32
          %ne3A_461 = arith.constant 0 : i32
          %ne3A_462 = arith.cmpi ne, %rem3A_460, %ne3A_461 : i32
          %lt3A_463 = arith.constant 0 : i32
          %lt3A_464 = arith.cmpi slt, %rem3A_460, %lt3A_463 : i32
          %lt3A_465 = arith.constant 0 : i32
          %lt3A_466 = arith.cmpi slt, %select_n3A_459, %lt3A_465 : i32
          %ne3A_467 = arith.xori %lt3A_464, %lt3A_466 : i1
          %and3A_468 = arith.andi %ne3A_467, %ne3A_462 : i1
          %add3A_469 = arith.addi %rem3A_460, %select_n3A_459 : i32
          %select_n3A_470 = arith.select %and3A_468, %add3A_469, %rem3A_460 : i32
          %eq3A_471 = arith.constant 0 : i32
          %eq3A_472 = arith.cmpi eq, %select_n3A_470, %eq3A_471 : i32
          %convert_element_type3A_473 = arith.extui %eq3A_472 : i1 to i32
          %cond3A_474 = arith.constant 0 : i32
          %cond3A_475 = arith.cmpi ne, %convert_element_type3A_473, %cond3A_474 : i32
          scf.if %cond3A_475 {
            %jit3A_542 = arith.constant 16 : i32
            %div3A_543 = arith.divsi %add3A_298, %jit3A_542 : i32
            %sign3A_544 = arith.constant 0 : i32
            %sign3A_545 = arith.cmpi sgt, %add3A_298, %sign3A_544 : i32
            %sign3A_546 = arith.extui %sign3A_545 : i1 to i32
            %sign3A_547 = arith.constant 0 : i32
            %sign3A_548 = arith.cmpi slt, %add3A_298, %sign3A_547 : i32
            %sign3A_549 = arith.extui %sign3A_548 : i1 to i32
            %sign3A_550 = arith.subi %sign3A_546, %sign3A_549 : i32
            %sign3A_551 = arith.constant 0 : i32
            %sign3A_552 = arith.cmpi sgt, %jit3A_542, %sign3A_551 : i32
            %sign3A_553 = arith.extui %sign3A_552 : i1 to i32
            %sign3A_554 = arith.constant 0 : i32
            %sign3A_555 = arith.cmpi slt, %jit3A_542, %sign3A_554 : i32
            %sign3A_556 = arith.extui %sign3A_555 : i1 to i32
            %sign3A_557 = arith.subi %sign3A_553, %sign3A_556 : i32
            %ne3A_558 = arith.cmpi ne, %sign3A_550, %sign3A_557 : i32
            %rem3A_559 = arith.remsi %add3A_298, %jit3A_542 : i32
            %ne3A_560 = arith.constant 0 : i32
            %ne3A_561 = arith.cmpi ne, %rem3A_559, %ne3A_560 : i32
            %and3A_562 = arith.andi %ne3A_558, %ne3A_561 : i1
            %sub3A_563 = arith.constant 1 : i32
            %sub3A_564 = arith.subi %div3A_543, %sub3A_563 : i32
            %select_n3A_565 = arith.select %and3A_562, %sub3A_564, %div3A_543 : i32
            %add3A_566 = arith.addi %mul3A_32, %select_n3A_565 : i32
            %jit3A_567 = arith.constant 3 : i32
            %eq3A_568 = arith.constant 0 : i32
            %eq3A_569 = arith.cmpi eq, %jit3A_567, %eq3A_568 : i32
            %jit3A_570 = arith.constant 1 : i32
            %select_n3A_571 = arith.select %eq3A_569, %jit3A_570, %jit3A_567 : i32
            %rem3A_572 = arith.remsi %select_n3A_565, %select_n3A_571 : i32
            %ne3A_573 = arith.constant 0 : i32
            %ne3A_574 = arith.cmpi ne, %rem3A_572, %ne3A_573 : i32
            %lt3A_575 = arith.constant 0 : i32
            %lt3A_576 = arith.cmpi slt, %rem3A_572, %lt3A_575 : i32
            %lt3A_577 = arith.constant 0 : i32
            %lt3A_578 = arith.cmpi slt, %select_n3A_571, %lt3A_577 : i32
            %ne3A_579 = arith.xori %lt3A_576, %lt3A_578 : i1
            %and3A_580 = arith.andi %ne3A_579, %ne3A_574 : i1
            %add3A_581 = arith.addi %rem3A_572, %select_n3A_571 : i32
            %select_n3A_582 = arith.select %and3A_580, %add3A_581, %rem3A_572 : i32
            %dma_wait3A_583 = arith.constant 0 : i32
            %dma_wait3A_584 = arith.constant 0 : i32
            %dma_wait3A_585 = tpu.memref_slice %arg8[%select_n3A_582, %dma_wait3A_583, %dma_wait3A_584] : memref<3x16x64xi32, #tpu.memory_space<vmem>> -> memref<1x16x64xi32, #tpu.memory_space<vmem>>
            %dma_wait3A_586 = tpu.memref_squeeze %dma_wait3A_585 : memref<1x16x64xi32, #tpu.memory_space<vmem>> -> memref<16x64xi32, #tpu.memory_space<vmem>>
            %dma_wait3A_587 = arith.constant 0 : i32
            %dma_wait3A_588 = arith.constant 0 : i32
            %dma_wait3A_589 = tpu.memref_slice %arg4[%add3A_566, %dma_wait3A_587, %dma_wait3A_588] : memref<320x16x64xi32, #tpu.memory_space<hbm>> -> memref<1x16x64xi32, #tpu.memory_space<hbm>>
            %dma_wait3A_590 = tpu.memref_squeeze %dma_wait3A_589 : memref<1x16x64xi32, #tpu.memory_space<hbm>> -> memref<16x64xi32, #tpu.memory_space<hbm>>
            %dma_wait3A_591 = arith.constant 0 : i32
            %dma_wait3A_592 = arith.constant 0 : i32
            %dma_wait3A_593 = tpu.memref_slice %arg8[%select_n3A_582, %dma_wait3A_591, %dma_wait3A_592] : memref<3x16x64xi32, #tpu.memory_space<vmem>> -> memref<1x16x64xi32, #tpu.memory_space<vmem>>
            %dma_wait3A_594 = tpu.memref_squeeze %dma_wait3A_593 : memref<1x16x64xi32, #tpu.memory_space<vmem>> -> memref<16x64xi32, #tpu.memory_space<vmem>>
            %dma_wait3A_595 = arith.constant 0 : i32
            %dma_wait3A_596 = arith.constant 0 : i32
            %dma_wait3A_597 = tpu.memref_slice %arg4[%add3A_566, %dma_wait3A_595, %dma_wait3A_596] : memref<320x16x64xi32, #tpu.memory_space<hbm>> -> memref<1x16x64xi32, #tpu.memory_space<hbm>>
            %dma_wait3A_598 = tpu.memref_squeeze %dma_wait3A_597 : memref<1x16x64xi32, #tpu.memory_space<hbm>> -> memref<16x64xi32, #tpu.memory_space<hbm>>
            tpu.wait_dma2 semaphore(%arg15 : memref<!tpu.dma_semaphore, #tpu.memory_space<semaphore_mem>>) src(%dma_wait3A_598 : memref<16x64xi32, #tpu.memory_space<hbm>>) dst(%dma_wait3A_594 : memref<16x64xi32, #tpu.memory_space<vmem>>)
            %add3A_599 = arith.addi %mul3A_32, %select_n3A_565 : i32
            %jit3A_600 = arith.constant 3 : i32
            %eq3A_601 = arith.constant 0 : i32
            %eq3A_602 = arith.cmpi eq, %jit3A_600, %eq3A_601 : i32
            %jit3A_603 = arith.constant 1 : i32
            %select_n3A_604 = arith.select %eq3A_602, %jit3A_603, %jit3A_600 : i32
            %rem3A_605 = arith.remsi %select_n3A_565, %select_n3A_604 : i32
            %ne3A_606 = arith.constant 0 : i32
            %ne3A_607 = arith.cmpi ne, %rem3A_605, %ne3A_606 : i32
            %lt3A_608 = arith.constant 0 : i32
            %lt3A_609 = arith.cmpi slt, %rem3A_605, %lt3A_608 : i32
            %lt3A_610 = arith.constant 0 : i32
            %lt3A_611 = arith.cmpi slt, %select_n3A_604, %lt3A_610 : i32
            %ne3A_612 = arith.xori %lt3A_609, %lt3A_611 : i1
            %and3A_613 = arith.andi %ne3A_612, %ne3A_607 : i1
            %add3A_614 = arith.addi %rem3A_605, %select_n3A_604 : i32
            %select_n3A_615 = arith.select %and3A_613, %add3A_614, %rem3A_605 : i32
            %dma_wait3A_616 = arith.constant 0 : i32
            %dma_wait3A_617 = arith.constant 0 : i32
            %dma_wait3A_618 = tpu.memref_slice %arg9[%select_n3A_615, %dma_wait3A_616, %dma_wait3A_617] : memref<3x16x64xi32, #tpu.memory_space<vmem>> -> memref<1x16x64xi32, #tpu.memory_space<vmem>>
            %dma_wait3A_619 = tpu.memref_squeeze %dma_wait3A_618 : memref<1x16x64xi32, #tpu.memory_space<vmem>> -> memref<16x64xi32, #tpu.memory_space<vmem>>
            %dma_wait3A_620 = arith.constant 0 : i32
            %dma_wait3A_621 = arith.constant 0 : i32
            %dma_wait3A_622 = tpu.memref_slice %arg5[%add3A_599, %dma_wait3A_620, %dma_wait3A_621] : memref<320x16x64xi32, #tpu.memory_space<hbm>> -> memref<1x16x64xi32, #tpu.memory_space<hbm>>
            %dma_wait3A_623 = tpu.memref_squeeze %dma_wait3A_622 : memref<1x16x64xi32, #tpu.memory_space<hbm>> -> memref<16x64xi32, #tpu.memory_space<hbm>>
            %dma_wait3A_624 = arith.constant 0 : i32
            %dma_wait3A_625 = arith.constant 0 : i32
            %dma_wait3A_626 = tpu.memref_slice %arg9[%select_n3A_615, %dma_wait3A_624, %dma_wait3A_625] : memref<3x16x64xi32, #tpu.memory_space<vmem>> -> memref<1x16x64xi32, #tpu.memory_space<vmem>>
            %dma_wait3A_627 = tpu.memref_squeeze %dma_wait3A_626 : memref<1x16x64xi32, #tpu.memory_space<vmem>> -> memref<16x64xi32, #tpu.memory_space<vmem>>
            %dma_wait3A_628 = arith.constant 0 : i32
            %dma_wait3A_629 = arith.constant 0 : i32
            %dma_wait3A_630 = tpu.memref_slice %arg5[%add3A_599, %dma_wait3A_628, %dma_wait3A_629] : memref<320x16x64xi32, #tpu.memory_space<hbm>> -> memref<1x16x64xi32, #tpu.memory_space<hbm>>
            %dma_wait3A_631 = tpu.memref_squeeze %dma_wait3A_630 : memref<1x16x64xi32, #tpu.memory_space<hbm>> -> memref<16x64xi32, #tpu.memory_space<hbm>>
            tpu.wait_dma2 semaphore(%arg16 : memref<!tpu.dma_semaphore, #tpu.memory_space<semaphore_mem>>) src(%dma_wait3A_631 : memref<16x64xi32, #tpu.memory_space<hbm>>) dst(%dma_wait3A_627 : memref<16x64xi32, #tpu.memory_space<vmem>>)
            %add3A_632 = arith.constant 1 : i32
            %add3A_633 = arith.addi %select_n3A_565, %add3A_632 : i32
            %lt3A_634 = arith.constant 20 : i32
            %lt3A_635 = arith.cmpi slt, %add3A_633, %lt3A_634 : i32
            %convert_element_type3A_636 = arith.extui %lt3A_635 : i1 to i32
            %cond3A_637 = arith.constant 0 : i32
            %cond3A_638 = arith.cmpi ne, %convert_element_type3A_636, %cond3A_637 : i32
            scf.if %cond3A_638 {
              %add3A_639 = arith.addi %mul3A_32, %select_n3A_565 : i32
              %add3A_640 = arith.constant 1 : i32
              %add3A_641 = arith.addi %add3A_639, %add3A_640 : i32
              %add3A_642 = arith.constant 1 : i32
              %add3A_643 = arith.addi %select_n3A_565, %add3A_642 : i32
              %jit3A_644 = arith.constant 3 : i32
              %eq3A_645 = arith.constant 0 : i32
              %eq3A_646 = arith.cmpi eq, %jit3A_644, %eq3A_645 : i32
              %jit3A_647 = arith.constant 1 : i32
              %select_n3A_648 = arith.select %eq3A_646, %jit3A_647, %jit3A_644 : i32
              %rem3A_649 = arith.remsi %add3A_643, %select_n3A_648 : i32
              %ne3A_650 = arith.constant 0 : i32
              %ne3A_651 = arith.cmpi ne, %rem3A_649, %ne3A_650 : i32
              %lt3A_652 = arith.constant 0 : i32
              %lt3A_653 = arith.cmpi slt, %rem3A_649, %lt3A_652 : i32
              %lt3A_654 = arith.constant 0 : i32
              %lt3A_655 = arith.cmpi slt, %select_n3A_648, %lt3A_654 : i32
              %ne3A_656 = arith.xori %lt3A_653, %lt3A_655 : i1
              %and3A_657 = arith.andi %ne3A_656, %ne3A_651 : i1
              %add3A_658 = arith.addi %rem3A_649, %select_n3A_648 : i32
              %select_n3A_659 = arith.select %and3A_657, %add3A_658, %rem3A_649 : i32
              %dma_start3A_660 = arith.constant 0 : i32
              %dma_start3A_661 = arith.constant 0 : i32
              %dma_start3A_662 = tpu.memref_slice %arg8[%select_n3A_659, %dma_start3A_660, %dma_start3A_661] : memref<3x16x64xi32, #tpu.memory_space<vmem>> -> memref<1x16x64xi32, #tpu.memory_space<vmem>>
              %dma_start3A_663 = tpu.memref_squeeze %dma_start3A_662 : memref<1x16x64xi32, #tpu.memory_space<vmem>> -> memref<16x64xi32, #tpu.memory_space<vmem>>
              %dma_start3A_664 = arith.constant 0 : i32
              %dma_start3A_665 = arith.constant 0 : i32
              %dma_start3A_666 = tpu.memref_slice %arg4[%add3A_641, %dma_start3A_664, %dma_start3A_665] : memref<320x16x64xi32, #tpu.memory_space<hbm>> -> memref<1x16x64xi32, #tpu.memory_space<hbm>>
              %dma_start3A_667 = tpu.memref_squeeze %dma_start3A_666 : memref<1x16x64xi32, #tpu.memory_space<hbm>> -> memref<16x64xi32, #tpu.memory_space<hbm>>
              %dma_start3A_668 = arith.constant 0 : i32
              %dma_start3A_669 = arith.constant 0 : i32
              %dma_start3A_670 = tpu.memref_slice %arg8[%select_n3A_659, %dma_start3A_668, %dma_start3A_669] : memref<3x16x64xi32, #tpu.memory_space<vmem>> -> memref<1x16x64xi32, #tpu.memory_space<vmem>>
              %dma_start3A_671 = tpu.memref_squeeze %dma_start3A_670 : memref<1x16x64xi32, #tpu.memory_space<vmem>> -> memref<16x64xi32, #tpu.memory_space<vmem>>
              %dma_start3A_672 = arith.constant 0 : i32
              %dma_start3A_673 = arith.constant 0 : i32
              %dma_start3A_674 = tpu.memref_slice %arg4[%add3A_641, %dma_start3A_672, %dma_start3A_673] : memref<320x16x64xi32, #tpu.memory_space<hbm>> -> memref<1x16x64xi32, #tpu.memory_space<hbm>>
              %dma_start3A_675 = tpu.memref_squeeze %dma_start3A_674 : memref<1x16x64xi32, #tpu.memory_space<hbm>> -> memref<16x64xi32, #tpu.memory_space<hbm>>
              tpu.enqueue_dma source(%dma_start3A_675 : memref<16x64xi32, #tpu.memory_space<hbm>>) target(%dma_start3A_671 : memref<16x64xi32, #tpu.memory_space<vmem>>) target_semaphore(%arg15 : memref<!tpu.dma_semaphore, #tpu.memory_space<semaphore_mem>>)
              %add3A_676 = arith.addi %mul3A_32, %select_n3A_565 : i32
              %add3A_677 = arith.constant 1 : i32
              %add3A_678 = arith.addi %add3A_676, %add3A_677 : i32
              %add3A_679 = arith.constant 1 : i32
              %add3A_680 = arith.addi %select_n3A_565, %add3A_679 : i32
              %jit3A_681 = arith.constant 3 : i32
              %eq3A_682 = arith.constant 0 : i32
              %eq3A_683 = arith.cmpi eq, %jit3A_681, %eq3A_682 : i32
              %jit3A_684 = arith.constant 1 : i32
              %select_n3A_685 = arith.select %eq3A_683, %jit3A_684, %jit3A_681 : i32
              %rem3A_686 = arith.remsi %add3A_680, %select_n3A_685 : i32
              %ne3A_687 = arith.constant 0 : i32
              %ne3A_688 = arith.cmpi ne, %rem3A_686, %ne3A_687 : i32
              %lt3A_689 = arith.constant 0 : i32
              %lt3A_690 = arith.cmpi slt, %rem3A_686, %lt3A_689 : i32
              %lt3A_691 = arith.constant 0 : i32
              %lt3A_692 = arith.cmpi slt, %select_n3A_685, %lt3A_691 : i32
              %ne3A_693 = arith.xori %lt3A_690, %lt3A_692 : i1
              %and3A_694 = arith.andi %ne3A_693, %ne3A_688 : i1
              %add3A_695 = arith.addi %rem3A_686, %select_n3A_685 : i32
              %select_n3A_696 = arith.select %and3A_694, %add3A_695, %rem3A_686 : i32
              %dma_start3A_697 = arith.constant 0 : i32
              %dma_start3A_698 = arith.constant 0 : i32
              %dma_start3A_699 = tpu.memref_slice %arg9[%select_n3A_696, %dma_start3A_697, %dma_start3A_698] : memref<3x16x64xi32, #tpu.memory_space<vmem>> -> memref<1x16x64xi32, #tpu.memory_space<vmem>>
              %dma_start3A_700 = tpu.memref_squeeze %dma_start3A_699 : memref<1x16x64xi32, #tpu.memory_space<vmem>> -> memref<16x64xi32, #tpu.memory_space<vmem>>
              %dma_start3A_701 = arith.constant 0 : i32
              %dma_start3A_702 = arith.constant 0 : i32
              %dma_start3A_703 = tpu.memref_slice %arg5[%add3A_678, %dma_start3A_701, %dma_start3A_702] : memref<320x16x64xi32, #tpu.memory_space<hbm>> -> memref<1x16x64xi32, #tpu.memory_space<hbm>>
              %dma_start3A_704 = tpu.memref_squeeze %dma_start3A_703 : memref<1x16x64xi32, #tpu.memory_space<hbm>> -> memref<16x64xi32, #tpu.memory_space<hbm>>
              %dma_start3A_705 = arith.constant 0 : i32
              %dma_start3A_706 = arith.constant 0 : i32
              %dma_start3A_707 = tpu.memref_slice %arg9[%select_n3A_696, %dma_start3A_705, %dma_start3A_706] : memref<3x16x64xi32, #tpu.memory_space<vmem>> -> memref<1x16x64xi32, #tpu.memory_space<vmem>>
              %dma_start3A_708 = tpu.memref_squeeze %dma_start3A_707 : memref<1x16x64xi32, #tpu.memory_space<vmem>> -> memref<16x64xi32, #tpu.memory_space<vmem>>
              %dma_start3A_709 = arith.constant 0 : i32
              %dma_start3A_710 = arith.constant 0 : i32
              %dma_start3A_711 = tpu.memref_slice %arg5[%add3A_678, %dma_start3A_709, %dma_start3A_710] : memref<320x16x64xi32, #tpu.memory_space<hbm>> -> memref<1x16x64xi32, #tpu.memory_space<hbm>>
              %dma_start3A_712 = tpu.memref_squeeze %dma_start3A_711 : memref<1x16x64xi32, #tpu.memory_space<hbm>> -> memref<16x64xi32, #tpu.memory_space<hbm>>
              tpu.enqueue_dma source(%dma_start3A_712 : memref<16x64xi32, #tpu.memory_space<hbm>>) target(%dma_start3A_708 : memref<16x64xi32, #tpu.memory_space<vmem>>) target_semaphore(%arg16 : memref<!tpu.dma_semaphore, #tpu.memory_space<semaphore_mem>>)
            } else {
            }
          } else {
          }
          %ge3A = arith.constant 1 : i32
          %ge3A_476 = arith.cmpi sge, %add3A_296, %ge3A : i32
          %convert_element_type3A_477 = arith.extui %ge3A_476 : i1 to i32
          %cond3A_478 = arith.constant 0 : i32
          %cond3A_479 = arith.cmpi ne, %convert_element_type3A_477, %cond3A_478 : i32
          scf.if %cond3A_479 {
            %dma_wait3A_542 = arith.constant 0 : i32
            %dma_wait3A_543 = arith.constant 0 : i32
            %dma_wait3A_544 = arith.constant 0 : i32
            %dma_wait3A_545 = tpu.memref_slice %arg9[%dma_wait3A_542, %dma_wait3A_543, %dma_wait3A_544] : memref<3x16x64xi32, #tpu.memory_space<vmem>> -> memref<1x1x64xi32, #tpu.memory_space<vmem>>
            %dma_wait3A_546 = tpu.memref_squeeze %dma_wait3A_545 : memref<1x1x64xi32, #tpu.memory_space<vmem>> -> memref<64xi32, #tpu.memory_space<vmem>>
            %dma_wait3A_547 = arith.constant 0 : i32
            %dma_wait3A_548 = arith.constant 0 : i32
            %dma_wait3A_549 = tpu.memref_slice %arg14[%dma_wait3A_547, %dma_wait3A_548] : memref<10112x128xf32, #tpu.memory_space<vmem_shared>> -> memref<10112x128xf32, #tpu.memory_space<vmem_shared>>
            tpu.wait_indirect_dma semaphore(%arg22 : memref<!tpu.dma_semaphore, #tpu.memory_space<semaphore_mem>>) src(%arg11 : memref<64x128xf32, #tpu.memory_space<vmem>>) dst(%dma_wait3A_549 : memref<10112x128xf32, #tpu.memory_space<vmem_shared>>)
          } else {
          }
          %jit3A_480 = arith.constant 16 : i32
          %div3A_481 = arith.divsi %add3A_298, %jit3A_480 : i32
          %sign3A_482 = arith.constant 0 : i32
          %sign3A_483 = arith.cmpi sgt, %add3A_298, %sign3A_482 : i32
          %sign3A_484 = arith.extui %sign3A_483 : i1 to i32
          %sign3A_485 = arith.constant 0 : i32
          %sign3A_486 = arith.cmpi slt, %add3A_298, %sign3A_485 : i32
          %sign3A_487 = arith.extui %sign3A_486 : i1 to i32
          %sign3A_488 = arith.subi %sign3A_484, %sign3A_487 : i32
          %sign3A_489 = arith.constant 0 : i32
          %sign3A_490 = arith.cmpi sgt, %jit3A_480, %sign3A_489 : i32
          %sign3A_491 = arith.extui %sign3A_490 : i1 to i32
          %sign3A_492 = arith.constant 0 : i32
          %sign3A_493 = arith.cmpi slt, %jit3A_480, %sign3A_492 : i32
          %sign3A_494 = arith.extui %sign3A_493 : i1 to i32
          %sign3A_495 = arith.subi %sign3A_491, %sign3A_494 : i32
          %ne3A_496 = arith.cmpi ne, %sign3A_488, %sign3A_495 : i32
          %rem3A_497 = arith.remsi %add3A_298, %jit3A_480 : i32
          %ne3A_498 = arith.constant 0 : i32
          %ne3A_499 = arith.cmpi ne, %rem3A_497, %ne3A_498 : i32
          %and3A_500 = arith.andi %ne3A_496, %ne3A_499 : i1
          %sub3A_501 = arith.constant 1 : i32
          %sub3A_502 = arith.subi %div3A_481, %sub3A_501 : i32
          %select_n3A_503 = arith.select %and3A_500, %sub3A_502, %div3A_481 : i32
          %jit3A_504 = arith.constant 3 : i32
          %eq3A_505 = arith.constant 0 : i32
          %eq3A_506 = arith.cmpi eq, %jit3A_504, %eq3A_505 : i32
          %jit3A_507 = arith.constant 1 : i32
          %select_n3A_508 = arith.select %eq3A_506, %jit3A_507, %jit3A_504 : i32
          %rem3A_509 = arith.remsi %select_n3A_503, %select_n3A_508 : i32
          %ne3A_510 = arith.constant 0 : i32
          %ne3A_511 = arith.cmpi ne, %rem3A_509, %ne3A_510 : i32
          %lt3A_512 = arith.constant 0 : i32
          %lt3A_513 = arith.cmpi slt, %rem3A_509, %lt3A_512 : i32
          %lt3A_514 = arith.constant 0 : i32
          %lt3A_515 = arith.cmpi slt, %select_n3A_508, %lt3A_514 : i32
          %ne3A_516 = arith.xori %lt3A_513, %lt3A_515 : i1
          %and3A_517 = arith.andi %ne3A_516, %ne3A_511 : i1
          %add3A_518 = arith.addi %rem3A_509, %select_n3A_508 : i32
          %select_n3A_519 = arith.select %and3A_517, %add3A_518, %rem3A_509 : i32
          %jit3A_520 = arith.constant 16 : i32
          %eq3A_521 = arith.constant 0 : i32
          %eq3A_522 = arith.cmpi eq, %jit3A_520, %eq3A_521 : i32
          %jit3A_523 = arith.constant 1 : i32
          %select_n3A_524 = arith.select %eq3A_522, %jit3A_523, %jit3A_520 : i32
          %rem3A_525 = arith.remsi %add3A_298, %select_n3A_524 : i32
          %ne3A_526 = arith.constant 0 : i32
          %ne3A_527 = arith.cmpi ne, %rem3A_525, %ne3A_526 : i32
          %lt3A_528 = arith.constant 0 : i32
          %lt3A_529 = arith.cmpi slt, %rem3A_525, %lt3A_528 : i32
          %lt3A_530 = arith.constant 0 : i32
          %lt3A_531 = arith.cmpi slt, %select_n3A_524, %lt3A_530 : i32
          %ne3A_532 = arith.xori %lt3A_529, %lt3A_531 : i1
          %and3A_533 = arith.andi %ne3A_532, %ne3A_527 : i1
          %add3A_534 = arith.addi %rem3A_525, %select_n3A_524 : i32
          %select_n3A_535 = arith.select %and3A_533, %add3A_534, %rem3A_525 : i32
          %dma_start3A_536 = arith.constant 0 : i32
          %dma_start3A_537 = tpu.memref_slice %arg8[%select_n3A_519, %select_n3A_535, %dma_start3A_536] : memref<3x16x64xi32, #tpu.memory_space<vmem>> -> memref<1x1x64xi32, #tpu.memory_space<vmem>>
          %dma_start3A_538 = tpu.memref_squeeze %dma_start3A_537 : memref<1x1x64xi32, #tpu.memory_space<vmem>> -> memref<64xi32, #tpu.memory_space<vmem>>
          %dma_start3A_539 = arith.constant 0 : i32
          %dma_start3A_540 = arith.constant 0 : i32
          %dma_start3A_541 = tpu.memref_slice %arg3[%dma_start3A_539, %dma_start3A_540] : memref<10000x128xf32, #tpu.memory_space<hbm>> -> memref<10000x128xf32, #tpu.memory_space<hbm>>
          tpu.enqueue_indirect_dma source(%dma_start3A_541 : memref<10000x128xf32, #tpu.memory_space<hbm>>) target(%arg11 : memref<64x128xf32, #tpu.memory_space<vmem>>) offsets(%dma_start3A_538 : memref<64xi32, #tpu.memory_space<vmem>>) semaphore(%arg18 : memref<!tpu.dma_semaphore, #tpu.memory_space<semaphore_mem>>)
        } else {
        }
        %dma_wait3A_304 = arith.constant 0 : i32
        %dma_wait3A_305 = arith.constant 0 : i32
        %dma_wait3A_306 = arith.constant 0 : i32
        %dma_wait3A_307 = tpu.memref_slice %arg8[%dma_wait3A_304, %dma_wait3A_305, %dma_wait3A_306] : memref<3x16x64xi32, #tpu.memory_space<vmem>> -> memref<1x1x64xi32, #tpu.memory_space<vmem>>
        %dma_wait3A_308 = tpu.memref_squeeze %dma_wait3A_307 : memref<1x1x64xi32, #tpu.memory_space<vmem>> -> memref<64xi32, #tpu.memory_space<vmem>>
        %dma_wait3A_309 = arith.constant 0 : i32
        %dma_wait3A_310 = arith.constant 0 : i32
        %dma_wait3A_311 = tpu.memref_slice %arg3[%dma_wait3A_309, %dma_wait3A_310] : memref<10000x128xf32, #tpu.memory_space<hbm>> -> memref<10000x128xf32, #tpu.memory_space<hbm>>
        tpu.wait_indirect_dma semaphore(%arg19 : memref<!tpu.dma_semaphore, #tpu.memory_space<semaphore_mem>>) src(%dma_wait3A_311 : memref<10000x128xf32, #tpu.memory_space<hbm>>) dst(%arg12 : memref<64x128xf32, #tpu.memory_space<vmem>>)
        %jit3A_312 = arith.constant 16 : i32
        %div3A_313 = arith.divsi %add3A_296, %jit3A_312 : i32
        %sign3A_314 = arith.constant 0 : i32
        %sign3A_315 = arith.cmpi sgt, %add3A_296, %sign3A_314 : i32
        %sign3A_316 = arith.extui %sign3A_315 : i1 to i32
        %sign3A_317 = arith.constant 0 : i32
        %sign3A_318 = arith.cmpi slt, %add3A_296, %sign3A_317 : i32
        %sign3A_319 = arith.extui %sign3A_318 : i1 to i32
        %sign3A_320 = arith.subi %sign3A_316, %sign3A_319 : i32
        %sign3A_321 = arith.constant 0 : i32
        %sign3A_322 = arith.cmpi sgt, %jit3A_312, %sign3A_321 : i32
        %sign3A_323 = arith.extui %sign3A_322 : i1 to i32
        %sign3A_324 = arith.constant 0 : i32
        %sign3A_325 = arith.cmpi slt, %jit3A_312, %sign3A_324 : i32
        %sign3A_326 = arith.extui %sign3A_325 : i1 to i32
        %sign3A_327 = arith.subi %sign3A_323, %sign3A_326 : i32
        %ne3A_328 = arith.cmpi ne, %sign3A_320, %sign3A_327 : i32
        %rem3A_329 = arith.remsi %add3A_296, %jit3A_312 : i32
        %ne3A_330 = arith.constant 0 : i32
        %ne3A_331 = arith.cmpi ne, %rem3A_329, %ne3A_330 : i32
        %and3A_332 = arith.andi %ne3A_328, %ne3A_331 : i1
        %sub3A_333 = arith.constant 1 : i32
        %sub3A_334 = arith.subi %div3A_313, %sub3A_333 : i32
        %select_n3A_335 = arith.select %and3A_332, %sub3A_334, %div3A_313 : i32
        %jit3A_336 = arith.constant 3 : i32
        %eq3A_337 = arith.constant 0 : i32
        %eq3A_338 = arith.cmpi eq, %jit3A_336, %eq3A_337 : i32
        %jit3A_339 = arith.constant 1 : i32
        %select_n3A_340 = arith.select %eq3A_338, %jit3A_339, %jit3A_336 : i32
        %rem3A_341 = arith.remsi %select_n3A_335, %select_n3A_340 : i32
        %ne3A_342 = arith.constant 0 : i32
        %ne3A_343 = arith.cmpi ne, %rem3A_341, %ne3A_342 : i32
        %lt3A_344 = arith.constant 0 : i32
        %lt3A_345 = arith.cmpi slt, %rem3A_341, %lt3A_344 : i32
        %lt3A_346 = arith.constant 0 : i32
        %lt3A_347 = arith.cmpi slt, %select_n3A_340, %lt3A_346 : i32
        %ne3A_348 = arith.xori %lt3A_345, %lt3A_347 : i1
        %and3A_349 = arith.andi %ne3A_348, %ne3A_343 : i1
        %add3A_350 = arith.addi %rem3A_341, %select_n3A_340 : i32
        %select_n3A_351 = arith.select %and3A_349, %add3A_350, %rem3A_341 : i32
        %jit3A_352 = arith.constant 16 : i32
        %eq3A_353 = arith.constant 0 : i32
        %eq3A_354 = arith.cmpi eq, %jit3A_352, %eq3A_353 : i32
        %jit3A_355 = arith.constant 1 : i32
        %select_n3A_356 = arith.select %eq3A_354, %jit3A_355, %jit3A_352 : i32
        %rem3A_357 = arith.remsi %add3A_296, %select_n3A_356 : i32
        %ne3A_358 = arith.constant 0 : i32
        %ne3A_359 = arith.cmpi ne, %rem3A_357, %ne3A_358 : i32
        %lt3A_360 = arith.constant 0 : i32
        %lt3A_361 = arith.cmpi slt, %rem3A_357, %lt3A_360 : i32
        %lt3A_362 = arith.constant 0 : i32
        %lt3A_363 = arith.cmpi slt, %select_n3A_356, %lt3A_362 : i32
        %ne3A_364 = arith.xori %lt3A_361, %lt3A_363 : i1
        %and3A_365 = arith.andi %ne3A_364, %ne3A_359 : i1
        %add3A_366 = arith.addi %rem3A_357, %select_n3A_356 : i32
        %select_n3A_367 = arith.select %and3A_365, %add3A_366, %rem3A_357 : i32
        %dma_start3A_368 = arith.constant 0 : i32
        %dma_start3A_369 = tpu.memref_slice %arg9[%select_n3A_351, %select_n3A_367, %dma_start3A_368] : memref<3x16x64xi32, #tpu.memory_space<vmem>> -> memref<1x1x64xi32, #tpu.memory_space<vmem>>
        %dma_start3A_370 = tpu.memref_squeeze %dma_start3A_369 : memref<1x1x64xi32, #tpu.memory_space<vmem>> -> memref<64xi32, #tpu.memory_space<vmem>>
        %dma_start3A_371 = arith.constant 0 : i32
        %dma_start3A_372 = arith.constant 0 : i32
        %dma_start3A_373 = tpu.memref_slice %arg14[%dma_start3A_371, %dma_start3A_372] : memref<10112x128xf32, #tpu.memory_space<vmem_shared>> -> memref<10112x128xf32, #tpu.memory_space<vmem_shared>>
        tpu.enqueue_indirect_dma source(%arg12 : memref<64x128xf32, #tpu.memory_space<vmem>>) target(%dma_start3A_373 : memref<10112x128xf32, #tpu.memory_space<vmem_shared>>) offsets(%dma_start3A_370 : memref<64xi32, #tpu.memory_space<vmem>>) semaphore(%arg23 : memref<!tpu.dma_semaphore, #tpu.memory_space<semaphore_mem>>) {add = true}
        %mul3A_374 = arith.constant 4 : i32
        %mul3A_375 = arith.muli %scan3A_139, %mul3A_374 : i32
        %add3A_376 = arith.constant 3 : i32
        %add3A_377 = arith.addi %mul3A_375, %add3A_376 : i32
        %add3A_378 = arith.constant 3 : i32
        %add3A_379 = arith.addi %add3A_377, %add3A_378 : i32
        %lt3A_380 = arith.constant 320 : i32
        %lt3A_381 = arith.cmpi slt, %add3A_379, %lt3A_380 : i32
        %convert_element_type3A_382 = arith.extui %lt3A_381 : i1 to i32
        %cond3A_383 = arith.constant 0 : i32
        %cond3A_384 = arith.cmpi ne, %convert_element_type3A_382, %cond3A_383 : i32
        scf.if %cond3A_384 {
          %jit3A_455 = arith.constant 16 : i32
          %eq3A_456 = arith.constant 0 : i32
          %eq3A_457 = arith.cmpi eq, %jit3A_455, %eq3A_456 : i32
          %jit3A_458 = arith.constant 1 : i32
          %select_n3A_459 = arith.select %eq3A_457, %jit3A_458, %jit3A_455 : i32
          %rem3A_460 = arith.remsi %add3A_379, %select_n3A_459 : i32
          %ne3A_461 = arith.constant 0 : i32
          %ne3A_462 = arith.cmpi ne, %rem3A_460, %ne3A_461 : i32
          %lt3A_463 = arith.constant 0 : i32
          %lt3A_464 = arith.cmpi slt, %rem3A_460, %lt3A_463 : i32
          %lt3A_465 = arith.constant 0 : i32
          %lt3A_466 = arith.cmpi slt, %select_n3A_459, %lt3A_465 : i32
          %ne3A_467 = arith.xori %lt3A_464, %lt3A_466 : i1
          %and3A_468 = arith.andi %ne3A_467, %ne3A_462 : i1
          %add3A_469 = arith.addi %rem3A_460, %select_n3A_459 : i32
          %select_n3A_470 = arith.select %and3A_468, %add3A_469, %rem3A_460 : i32
          %eq3A_471 = arith.constant 0 : i32
          %eq3A_472 = arith.cmpi eq, %select_n3A_470, %eq3A_471 : i32
          %convert_element_type3A_473 = arith.extui %eq3A_472 : i1 to i32
          %cond3A_474 = arith.constant 0 : i32
          %cond3A_475 = arith.cmpi ne, %convert_element_type3A_473, %cond3A_474 : i32
          scf.if %cond3A_475 {
            %jit3A_542 = arith.constant 16 : i32
            %div3A_543 = arith.divsi %add3A_379, %jit3A_542 : i32
            %sign3A_544 = arith.constant 0 : i32
            %sign3A_545 = arith.cmpi sgt, %add3A_379, %sign3A_544 : i32
            %sign3A_546 = arith.extui %sign3A_545 : i1 to i32
            %sign3A_547 = arith.constant 0 : i32
            %sign3A_548 = arith.cmpi slt, %add3A_379, %sign3A_547 : i32
            %sign3A_549 = arith.extui %sign3A_548 : i1 to i32
            %sign3A_550 = arith.subi %sign3A_546, %sign3A_549 : i32
            %sign3A_551 = arith.constant 0 : i32
            %sign3A_552 = arith.cmpi sgt, %jit3A_542, %sign3A_551 : i32
            %sign3A_553 = arith.extui %sign3A_552 : i1 to i32
            %sign3A_554 = arith.constant 0 : i32
            %sign3A_555 = arith.cmpi slt, %jit3A_542, %sign3A_554 : i32
            %sign3A_556 = arith.extui %sign3A_555 : i1 to i32
            %sign3A_557 = arith.subi %sign3A_553, %sign3A_556 : i32
            %ne3A_558 = arith.cmpi ne, %sign3A_550, %sign3A_557 : i32
            %rem3A_559 = arith.remsi %add3A_379, %jit3A_542 : i32
            %ne3A_560 = arith.constant 0 : i32
            %ne3A_561 = arith.cmpi ne, %rem3A_559, %ne3A_560 : i32
            %and3A_562 = arith.andi %ne3A_558, %ne3A_561 : i1
            %sub3A_563 = arith.constant 1 : i32
            %sub3A_564 = arith.subi %div3A_543, %sub3A_563 : i32
            %select_n3A_565 = arith.select %and3A_562, %sub3A_564, %div3A_543 : i32
            %add3A_566 = arith.addi %mul3A_32, %select_n3A_565 : i32
            %jit3A_567 = arith.constant 3 : i32
            %eq3A_568 = arith.constant 0 : i32
            %eq3A_569 = arith.cmpi eq, %jit3A_567, %eq3A_568 : i32
            %jit3A_570 = arith.constant 1 : i32
            %select_n3A_571 = arith.select %eq3A_569, %jit3A_570, %jit3A_567 : i32
            %rem3A_572 = arith.remsi %select_n3A_565, %select_n3A_571 : i32
            %ne3A_573 = arith.constant 0 : i32
            %ne3A_574 = arith.cmpi ne, %rem3A_572, %ne3A_573 : i32
            %lt3A_575 = arith.constant 0 : i32
            %lt3A_576 = arith.cmpi slt, %rem3A_572, %lt3A_575 : i32
            %lt3A_577 = arith.constant 0 : i32
            %lt3A_578 = arith.cmpi slt, %select_n3A_571, %lt3A_577 : i32
            %ne3A_579 = arith.xori %lt3A_576, %lt3A_578 : i1
            %and3A_580 = arith.andi %ne3A_579, %ne3A_574 : i1
            %add3A_581 = arith.addi %rem3A_572, %select_n3A_571 : i32
            %select_n3A_582 = arith.select %and3A_580, %add3A_581, %rem3A_572 : i32
            %dma_wait3A_583 = arith.constant 0 : i32
            %dma_wait3A_584 = arith.constant 0 : i32
            %dma_wait3A_585 = tpu.memref_slice %arg8[%select_n3A_582, %dma_wait3A_583, %dma_wait3A_584] : memref<3x16x64xi32, #tpu.memory_space<vmem>> -> memref<1x16x64xi32, #tpu.memory_space<vmem>>
            %dma_wait3A_586 = tpu.memref_squeeze %dma_wait3A_585 : memref<1x16x64xi32, #tpu.memory_space<vmem>> -> memref<16x64xi32, #tpu.memory_space<vmem>>
            %dma_wait3A_587 = arith.constant 0 : i32
            %dma_wait3A_588 = arith.constant 0 : i32
            %dma_wait3A_589 = tpu.memref_slice %arg4[%add3A_566, %dma_wait3A_587, %dma_wait3A_588] : memref<320x16x64xi32, #tpu.memory_space<hbm>> -> memref<1x16x64xi32, #tpu.memory_space<hbm>>
            %dma_wait3A_590 = tpu.memref_squeeze %dma_wait3A_589 : memref<1x16x64xi32, #tpu.memory_space<hbm>> -> memref<16x64xi32, #tpu.memory_space<hbm>>
            %dma_wait3A_591 = arith.constant 0 : i32
            %dma_wait3A_592 = arith.constant 0 : i32
            %dma_wait3A_593 = tpu.memref_slice %arg8[%select_n3A_582, %dma_wait3A_591, %dma_wait3A_592] : memref<3x16x64xi32, #tpu.memory_space<vmem>> -> memref<1x16x64xi32, #tpu.memory_space<vmem>>
            %dma_wait3A_594 = tpu.memref_squeeze %dma_wait3A_593 : memref<1x16x64xi32, #tpu.memory_space<vmem>> -> memref<16x64xi32, #tpu.memory_space<vmem>>
            %dma_wait3A_595 = arith.constant 0 : i32
            %dma_wait3A_596 = arith.constant 0 : i32
            %dma_wait3A_597 = tpu.memref_slice %arg4[%add3A_566, %dma_wait3A_595, %dma_wait3A_596] : memref<320x16x64xi32, #tpu.memory_space<hbm>> -> memref<1x16x64xi32, #tpu.memory_space<hbm>>
            %dma_wait3A_598 = tpu.memref_squeeze %dma_wait3A_597 : memref<1x16x64xi32, #tpu.memory_space<hbm>> -> memref<16x64xi32, #tpu.memory_space<hbm>>
            tpu.wait_dma2 semaphore(%arg15 : memref<!tpu.dma_semaphore, #tpu.memory_space<semaphore_mem>>) src(%dma_wait3A_598 : memref<16x64xi32, #tpu.memory_space<hbm>>) dst(%dma_wait3A_594 : memref<16x64xi32, #tpu.memory_space<vmem>>)
            %add3A_599 = arith.addi %mul3A_32, %select_n3A_565 : i32
            %jit3A_600 = arith.constant 3 : i32
            %eq3A_601 = arith.constant 0 : i32
            %eq3A_602 = arith.cmpi eq, %jit3A_600, %eq3A_601 : i32
            %jit3A_603 = arith.constant 1 : i32
            %select_n3A_604 = arith.select %eq3A_602, %jit3A_603, %jit3A_600 : i32
            %rem3A_605 = arith.remsi %select_n3A_565, %select_n3A_604 : i32
            %ne3A_606 = arith.constant 0 : i32
            %ne3A_607 = arith.cmpi ne, %rem3A_605, %ne3A_606 : i32
            %lt3A_608 = arith.constant 0 : i32
            %lt3A_609 = arith.cmpi slt, %rem3A_605, %lt3A_608 : i32
            %lt3A_610 = arith.constant 0 : i32
            %lt3A_611 = arith.cmpi slt, %select_n3A_604, %lt3A_610 : i32
            %ne3A_612 = arith.xori %lt3A_609, %lt3A_611 : i1
            %and3A_613 = arith.andi %ne3A_612, %ne3A_607 : i1
            %add3A_614 = arith.addi %rem3A_605, %select_n3A_604 : i32
            %select_n3A_615 = arith.select %and3A_613, %add3A_614, %rem3A_605 : i32
            %dma_wait3A_616 = arith.constant 0 : i32
            %dma_wait3A_617 = arith.constant 0 : i32
            %dma_wait3A_618 = tpu.memref_slice %arg9[%select_n3A_615, %dma_wait3A_616, %dma_wait3A_617] : memref<3x16x64xi32, #tpu.memory_space<vmem>> -> memref<1x16x64xi32, #tpu.memory_space<vmem>>
            %dma_wait3A_619 = tpu.memref_squeeze %dma_wait3A_618 : memref<1x16x64xi32, #tpu.memory_space<vmem>> -> memref<16x64xi32, #tpu.memory_space<vmem>>
            %dma_wait3A_620 = arith.constant 0 : i32
            %dma_wait3A_621 = arith.constant 0 : i32
            %dma_wait3A_622 = tpu.memref_slice %arg5[%add3A_599, %dma_wait3A_620, %dma_wait3A_621] : memref<320x16x64xi32, #tpu.memory_space<hbm>> -> memref<1x16x64xi32, #tpu.memory_space<hbm>>
            %dma_wait3A_623 = tpu.memref_squeeze %dma_wait3A_622 : memref<1x16x64xi32, #tpu.memory_space<hbm>> -> memref<16x64xi32, #tpu.memory_space<hbm>>
            %dma_wait3A_624 = arith.constant 0 : i32
            %dma_wait3A_625 = arith.constant 0 : i32
            %dma_wait3A_626 = tpu.memref_slice %arg9[%select_n3A_615, %dma_wait3A_624, %dma_wait3A_625] : memref<3x16x64xi32, #tpu.memory_space<vmem>> -> memref<1x16x64xi32, #tpu.memory_space<vmem>>
            %dma_wait3A_627 = tpu.memref_squeeze %dma_wait3A_626 : memref<1x16x64xi32, #tpu.memory_space<vmem>> -> memref<16x64xi32, #tpu.memory_space<vmem>>
            %dma_wait3A_628 = arith.constant 0 : i32
            %dma_wait3A_629 = arith.constant 0 : i32
            %dma_wait3A_630 = tpu.memref_slice %arg5[%add3A_599, %dma_wait3A_628, %dma_wait3A_629] : memref<320x16x64xi32, #tpu.memory_space<hbm>> -> memref<1x16x64xi32, #tpu.memory_space<hbm>>
            %dma_wait3A_631 = tpu.memref_squeeze %dma_wait3A_630 : memref<1x16x64xi32, #tpu.memory_space<hbm>> -> memref<16x64xi32, #tpu.memory_space<hbm>>
            tpu.wait_dma2 semaphore(%arg16 : memref<!tpu.dma_semaphore, #tpu.memory_space<semaphore_mem>>) src(%dma_wait3A_631 : memref<16x64xi32, #tpu.memory_space<hbm>>) dst(%dma_wait3A_627 : memref<16x64xi32, #tpu.memory_space<vmem>>)
            %add3A_632 = arith.constant 1 : i32
            %add3A_633 = arith.addi %select_n3A_565, %add3A_632 : i32
            %lt3A_634 = arith.constant 20 : i32
            %lt3A_635 = arith.cmpi slt, %add3A_633, %lt3A_634 : i32
            %convert_element_type3A_636 = arith.extui %lt3A_635 : i1 to i32
            %cond3A_637 = arith.constant 0 : i32
            %cond3A_638 = arith.cmpi ne, %convert_element_type3A_636, %cond3A_637 : i32
            scf.if %cond3A_638 {
              %add3A_639 = arith.addi %mul3A_32, %select_n3A_565 : i32
              %add3A_640 = arith.constant 1 : i32
              %add3A_641 = arith.addi %add3A_639, %add3A_640 : i32
              %add3A_642 = arith.constant 1 : i32
              %add3A_643 = arith.addi %select_n3A_565, %add3A_642 : i32
              %jit3A_644 = arith.constant 3 : i32
              %eq3A_645 = arith.constant 0 : i32
              %eq3A_646 = arith.cmpi eq, %jit3A_644, %eq3A_645 : i32
              %jit3A_647 = arith.constant 1 : i32
              %select_n3A_648 = arith.select %eq3A_646, %jit3A_647, %jit3A_644 : i32
              %rem3A_649 = arith.remsi %add3A_643, %select_n3A_648 : i32
              %ne3A_650 = arith.constant 0 : i32
              %ne3A_651 = arith.cmpi ne, %rem3A_649, %ne3A_650 : i32
              %lt3A_652 = arith.constant 0 : i32
              %lt3A_653 = arith.cmpi slt, %rem3A_649, %lt3A_652 : i32
              %lt3A_654 = arith.constant 0 : i32
              %lt3A_655 = arith.cmpi slt, %select_n3A_648, %lt3A_654 : i32
              %ne3A_656 = arith.xori %lt3A_653, %lt3A_655 : i1
              %and3A_657 = arith.andi %ne3A_656, %ne3A_651 : i1
              %add3A_658 = arith.addi %rem3A_649, %select_n3A_648 : i32
              %select_n3A_659 = arith.select %and3A_657, %add3A_658, %rem3A_649 : i32
              %dma_start3A_660 = arith.constant 0 : i32
              %dma_start3A_661 = arith.constant 0 : i32
              %dma_start3A_662 = tpu.memref_slice %arg8[%select_n3A_659, %dma_start3A_660, %dma_start3A_661] : memref<3x16x64xi32, #tpu.memory_space<vmem>> -> memref<1x16x64xi32, #tpu.memory_space<vmem>>
              %dma_start3A_663 = tpu.memref_squeeze %dma_start3A_662 : memref<1x16x64xi32, #tpu.memory_space<vmem>> -> memref<16x64xi32, #tpu.memory_space<vmem>>
              %dma_start3A_664 = arith.constant 0 : i32
              %dma_start3A_665 = arith.constant 0 : i32
              %dma_start3A_666 = tpu.memref_slice %arg4[%add3A_641, %dma_start3A_664, %dma_start3A_665] : memref<320x16x64xi32, #tpu.memory_space<hbm>> -> memref<1x16x64xi32, #tpu.memory_space<hbm>>
              %dma_start3A_667 = tpu.memref_squeeze %dma_start3A_666 : memref<1x16x64xi32, #tpu.memory_space<hbm>> -> memref<16x64xi32, #tpu.memory_space<hbm>>
              %dma_start3A_668 = arith.constant 0 : i32
              %dma_start3A_669 = arith.constant 0 : i32
              %dma_start3A_670 = tpu.memref_slice %arg8[%select_n3A_659, %dma_start3A_668, %dma_start3A_669] : memref<3x16x64xi32, #tpu.memory_space<vmem>> -> memref<1x16x64xi32, #tpu.memory_space<vmem>>
              %dma_start3A_671 = tpu.memref_squeeze %dma_start3A_670 : memref<1x16x64xi32, #tpu.memory_space<vmem>> -> memref<16x64xi32, #tpu.memory_space<vmem>>
              %dma_start3A_672 = arith.constant 0 : i32
              %dma_start3A_673 = arith.constant 0 : i32
              %dma_start3A_674 = tpu.memref_slice %arg4[%add3A_641, %dma_start3A_672, %dma_start3A_673] : memref<320x16x64xi32, #tpu.memory_space<hbm>> -> memref<1x16x64xi32, #tpu.memory_space<hbm>>
              %dma_start3A_675 = tpu.memref_squeeze %dma_start3A_674 : memref<1x16x64xi32, #tpu.memory_space<hbm>> -> memref<16x64xi32, #tpu.memory_space<hbm>>
              tpu.enqueue_dma source(%dma_start3A_675 : memref<16x64xi32, #tpu.memory_space<hbm>>) target(%dma_start3A_671 : memref<16x64xi32, #tpu.memory_space<vmem>>) target_semaphore(%arg15 : memref<!tpu.dma_semaphore, #tpu.memory_space<semaphore_mem>>)
              %add3A_676 = arith.addi %mul3A_32, %select_n3A_565 : i32
              %add3A_677 = arith.constant 1 : i32
              %add3A_678 = arith.addi %add3A_676, %add3A_677 : i32
              %add3A_679 = arith.constant 1 : i32
              %add3A_680 = arith.addi %select_n3A_565, %add3A_679 : i32
              %jit3A_681 = arith.constant 3 : i32
              %eq3A_682 = arith.constant 0 : i32
              %eq3A_683 = arith.cmpi eq, %jit3A_681, %eq3A_682 : i32
              %jit3A_684 = arith.constant 1 : i32
              %select_n3A_685 = arith.select %eq3A_683, %jit3A_684, %jit3A_681 : i32
              %rem3A_686 = arith.remsi %add3A_680, %select_n3A_685 : i32
              %ne3A_687 = arith.constant 0 : i32
              %ne3A_688 = arith.cmpi ne, %rem3A_686, %ne3A_687 : i32
              %lt3A_689 = arith.constant 0 : i32
              %lt3A_690 = arith.cmpi slt, %rem3A_686, %lt3A_689 : i32
              %lt3A_691 = arith.constant 0 : i32
              %lt3A_692 = arith.cmpi slt, %select_n3A_685, %lt3A_691 : i32
              %ne3A_693 = arith.xori %lt3A_690, %lt3A_692 : i1
              %and3A_694 = arith.andi %ne3A_693, %ne3A_688 : i1
              %add3A_695 = arith.addi %rem3A_686, %select_n3A_685 : i32
              %select_n3A_696 = arith.select %and3A_694, %add3A_695, %rem3A_686 : i32
              %dma_start3A_697 = arith.constant 0 : i32
              %dma_start3A_698 = arith.constant 0 : i32
              %dma_start3A_699 = tpu.memref_slice %arg9[%select_n3A_696, %dma_start3A_697, %dma_start3A_698] : memref<3x16x64xi32, #tpu.memory_space<vmem>> -> memref<1x16x64xi32, #tpu.memory_space<vmem>>
              %dma_start3A_700 = tpu.memref_squeeze %dma_start3A_699 : memref<1x16x64xi32, #tpu.memory_space<vmem>> -> memref<16x64xi32, #tpu.memory_space<vmem>>
              %dma_start3A_701 = arith.constant 0 : i32
              %dma_start3A_702 = arith.constant 0 : i32
              %dma_start3A_703 = tpu.memref_slice %arg5[%add3A_678, %dma_start3A_701, %dma_start3A_702] : memref<320x16x64xi32, #tpu.memory_space<hbm>> -> memref<1x16x64xi32, #tpu.memory_space<hbm>>
              %dma_start3A_704 = tpu.memref_squeeze %dma_start3A_703 : memref<1x16x64xi32, #tpu.memory_space<hbm>> -> memref<16x64xi32, #tpu.memory_space<hbm>>
              %dma_start3A_705 = arith.constant 0 : i32
              %dma_start3A_706 = arith.constant 0 : i32
              %dma_start3A_707 = tpu.memref_slice %arg9[%select_n3A_696, %dma_start3A_705, %dma_start3A_706] : memref<3x16x64xi32, #tpu.memory_space<vmem>> -> memref<1x16x64xi32, #tpu.memory_space<vmem>>
              %dma_start3A_708 = tpu.memref_squeeze %dma_start3A_707 : memref<1x16x64xi32, #tpu.memory_space<vmem>> -> memref<16x64xi32, #tpu.memory_space<vmem>>
              %dma_start3A_709 = arith.constant 0 : i32
              %dma_start3A_710 = arith.constant 0 : i32
              %dma_start3A_711 = tpu.memref_slice %arg5[%add3A_678, %dma_start3A_709, %dma_start3A_710] : memref<320x16x64xi32, #tpu.memory_space<hbm>> -> memref<1x16x64xi32, #tpu.memory_space<hbm>>
              %dma_start3A_712 = tpu.memref_squeeze %dma_start3A_711 : memref<1x16x64xi32, #tpu.memory_space<hbm>> -> memref<16x64xi32, #tpu.memory_space<hbm>>
              tpu.enqueue_dma source(%dma_start3A_712 : memref<16x64xi32, #tpu.memory_space<hbm>>) target(%dma_start3A_708 : memref<16x64xi32, #tpu.memory_space<vmem>>) target_semaphore(%arg16 : memref<!tpu.dma_semaphore, #tpu.memory_space<semaphore_mem>>)
            } else {
            }
          } else {
          }
          %ge3A = arith.constant 1 : i32
          %ge3A_476 = arith.cmpi sge, %add3A_377, %ge3A : i32
          %convert_element_type3A_477 = arith.extui %ge3A_476 : i1 to i32
          %cond3A_478 = arith.constant 0 : i32
          %cond3A_479 = arith.cmpi ne, %convert_element_type3A_477, %cond3A_478 : i32
          scf.if %cond3A_479 {
            %dma_wait3A_542 = arith.constant 0 : i32
            %dma_wait3A_543 = arith.constant 0 : i32
            %dma_wait3A_544 = arith.constant 0 : i32
            %dma_wait3A_545 = tpu.memref_slice %arg9[%dma_wait3A_542, %dma_wait3A_543, %dma_wait3A_544] : memref<3x16x64xi32, #tpu.memory_space<vmem>> -> memref<1x1x64xi32, #tpu.memory_space<vmem>>
            %dma_wait3A_546 = tpu.memref_squeeze %dma_wait3A_545 : memref<1x1x64xi32, #tpu.memory_space<vmem>> -> memref<64xi32, #tpu.memory_space<vmem>>
            %dma_wait3A_547 = arith.constant 0 : i32
            %dma_wait3A_548 = arith.constant 0 : i32
            %dma_wait3A_549 = tpu.memref_slice %arg14[%dma_wait3A_547, %dma_wait3A_548] : memref<10112x128xf32, #tpu.memory_space<vmem_shared>> -> memref<10112x128xf32, #tpu.memory_space<vmem_shared>>
            tpu.wait_indirect_dma semaphore(%arg23 : memref<!tpu.dma_semaphore, #tpu.memory_space<semaphore_mem>>) src(%arg12 : memref<64x128xf32, #tpu.memory_space<vmem>>) dst(%dma_wait3A_549 : memref<10112x128xf32, #tpu.memory_space<vmem_shared>>)
          } else {
          }
          %jit3A_480 = arith.constant 16 : i32
          %div3A_481 = arith.divsi %add3A_379, %jit3A_480 : i32
          %sign3A_482 = arith.constant 0 : i32
          %sign3A_483 = arith.cmpi sgt, %add3A_379, %sign3A_482 : i32
          %sign3A_484 = arith.extui %sign3A_483 : i1 to i32
          %sign3A_485 = arith.constant 0 : i32
          %sign3A_486 = arith.cmpi slt, %add3A_379, %sign3A_485 : i32
          %sign3A_487 = arith.extui %sign3A_486 : i1 to i32
          %sign3A_488 = arith.subi %sign3A_484, %sign3A_487 : i32
          %sign3A_489 = arith.constant 0 : i32
          %sign3A_490 = arith.cmpi sgt, %jit3A_480, %sign3A_489 : i32
          %sign3A_491 = arith.extui %sign3A_490 : i1 to i32
          %sign3A_492 = arith.constant 0 : i32
          %sign3A_493 = arith.cmpi slt, %jit3A_480, %sign3A_492 : i32
          %sign3A_494 = arith.extui %sign3A_493 : i1 to i32
          %sign3A_495 = arith.subi %sign3A_491, %sign3A_494 : i32
          %ne3A_496 = arith.cmpi ne, %sign3A_488, %sign3A_495 : i32
          %rem3A_497 = arith.remsi %add3A_379, %jit3A_480 : i32
          %ne3A_498 = arith.constant 0 : i32
          %ne3A_499 = arith.cmpi ne, %rem3A_497, %ne3A_498 : i32
          %and3A_500 = arith.andi %ne3A_496, %ne3A_499 : i1
          %sub3A_501 = arith.constant 1 : i32
          %sub3A_502 = arith.subi %div3A_481, %sub3A_501 : i32
          %select_n3A_503 = arith.select %and3A_500, %sub3A_502, %div3A_481 : i32
          %jit3A_504 = arith.constant 3 : i32
          %eq3A_505 = arith.constant 0 : i32
          %eq3A_506 = arith.cmpi eq, %jit3A_504, %eq3A_505 : i32
          %jit3A_507 = arith.constant 1 : i32
          %select_n3A_508 = arith.select %eq3A_506, %jit3A_507, %jit3A_504 : i32
          %rem3A_509 = arith.remsi %select_n3A_503, %select_n3A_508 : i32
          %ne3A_510 = arith.constant 0 : i32
          %ne3A_511 = arith.cmpi ne, %rem3A_509, %ne3A_510 : i32
          %lt3A_512 = arith.constant 0 : i32
          %lt3A_513 = arith.cmpi slt, %rem3A_509, %lt3A_512 : i32
          %lt3A_514 = arith.constant 0 : i32
          %lt3A_515 = arith.cmpi slt, %select_n3A_508, %lt3A_514 : i32
          %ne3A_516 = arith.xori %lt3A_513, %lt3A_515 : i1
          %and3A_517 = arith.andi %ne3A_516, %ne3A_511 : i1
          %add3A_518 = arith.addi %rem3A_509, %select_n3A_508 : i32
          %select_n3A_519 = arith.select %and3A_517, %add3A_518, %rem3A_509 : i32
          %jit3A_520 = arith.constant 16 : i32
          %eq3A_521 = arith.constant 0 : i32
          %eq3A_522 = arith.cmpi eq, %jit3A_520, %eq3A_521 : i32
          %jit3A_523 = arith.constant 1 : i32
          %select_n3A_524 = arith.select %eq3A_522, %jit3A_523, %jit3A_520 : i32
          %rem3A_525 = arith.remsi %add3A_379, %select_n3A_524 : i32
          %ne3A_526 = arith.constant 0 : i32
          %ne3A_527 = arith.cmpi ne, %rem3A_525, %ne3A_526 : i32
          %lt3A_528 = arith.constant 0 : i32
          %lt3A_529 = arith.cmpi slt, %rem3A_525, %lt3A_528 : i32
          %lt3A_530 = arith.constant 0 : i32
          %lt3A_531 = arith.cmpi slt, %select_n3A_524, %lt3A_530 : i32
          %ne3A_532 = arith.xori %lt3A_529, %lt3A_531 : i1
          %and3A_533 = arith.andi %ne3A_532, %ne3A_527 : i1
          %add3A_534 = arith.addi %rem3A_525, %select_n3A_524 : i32
          %select_n3A_535 = arith.select %and3A_533, %add3A_534, %rem3A_525 : i32
          %dma_start3A_536 = arith.constant 0 : i32
          %dma_start3A_537 = tpu.memref_slice %arg8[%select_n3A_519, %select_n3A_535, %dma_start3A_536] : memref<3x16x64xi32, #tpu.memory_space<vmem>> -> memref<1x1x64xi32, #tpu.memory_space<vmem>>
          %dma_start3A_538 = tpu.memref_squeeze %dma_start3A_537 : memref<1x1x64xi32, #tpu.memory_space<vmem>> -> memref<64xi32, #tpu.memory_space<vmem>>
          %dma_start3A_539 = arith.constant 0 : i32
          %dma_start3A_540 = arith.constant 0 : i32
          %dma_start3A_541 = tpu.memref_slice %arg3[%dma_start3A_539, %dma_start3A_540] : memref<10000x128xf32, #tpu.memory_space<hbm>> -> memref<10000x128xf32, #tpu.memory_space<hbm>>
          tpu.enqueue_indirect_dma source(%dma_start3A_541 : memref<10000x128xf32, #tpu.memory_space<hbm>>) target(%arg12 : memref<64x128xf32, #tpu.memory_space<vmem>>) offsets(%dma_start3A_538 : memref<64xi32, #tpu.memory_space<vmem>>) semaphore(%arg19 : memref<!tpu.dma_semaphore, #tpu.memory_space<semaphore_mem>>)
        } else {
        }
        %dma_wait3A_385 = arith.constant 0 : i32
        %dma_wait3A_386 = arith.constant 0 : i32
        %dma_wait3A_387 = arith.constant 0 : i32
        %dma_wait3A_388 = tpu.memref_slice %arg8[%dma_wait3A_385, %dma_wait3A_386, %dma_wait3A_387] : memref<3x16x64xi32, #tpu.memory_space<vmem>> -> memref<1x1x64xi32, #tpu.memory_space<vmem>>
        %dma_wait3A_389 = tpu.memref_squeeze %dma_wait3A_388 : memref<1x1x64xi32, #tpu.memory_space<vmem>> -> memref<64xi32, #tpu.memory_space<vmem>>
        %dma_wait3A_390 = arith.constant 0 : i32
        %dma_wait3A_391 = arith.constant 0 : i32
        %dma_wait3A_392 = tpu.memref_slice %arg3[%dma_wait3A_390, %dma_wait3A_391] : memref<10000x128xf32, #tpu.memory_space<hbm>> -> memref<10000x128xf32, #tpu.memory_space<hbm>>
        tpu.wait_indirect_dma semaphore(%arg20 : memref<!tpu.dma_semaphore, #tpu.memory_space<semaphore_mem>>) src(%dma_wait3A_392 : memref<10000x128xf32, #tpu.memory_space<hbm>>) dst(%arg13 : memref<64x128xf32, #tpu.memory_space<vmem>>)
        %jit3A_393 = arith.constant 16 : i32
        %div3A_394 = arith.divsi %add3A_377, %jit3A_393 : i32
        %sign3A_395 = arith.constant 0 : i32
        %sign3A_396 = arith.cmpi sgt, %add3A_377, %sign3A_395 : i32
        %sign3A_397 = arith.extui %sign3A_396 : i1 to i32
        %sign3A_398 = arith.constant 0 : i32
        %sign3A_399 = arith.cmpi slt, %add3A_377, %sign3A_398 : i32
        %sign3A_400 = arith.extui %sign3A_399 : i1 to i32
        %sign3A_401 = arith.subi %sign3A_397, %sign3A_400 : i32
        %sign3A_402 = arith.constant 0 : i32
        %sign3A_403 = arith.cmpi sgt, %jit3A_393, %sign3A_402 : i32
        %sign3A_404 = arith.extui %sign3A_403 : i1 to i32
        %sign3A_405 = arith.constant 0 : i32
        %sign3A_406 = arith.cmpi slt, %jit3A_393, %sign3A_405 : i32
        %sign3A_407 = arith.extui %sign3A_406 : i1 to i32
        %sign3A_408 = arith.subi %sign3A_404, %sign3A_407 : i32
        %ne3A_409 = arith.cmpi ne, %sign3A_401, %sign3A_408 : i32
        %rem3A_410 = arith.remsi %add3A_377, %jit3A_393 : i32
        %ne3A_411 = arith.constant 0 : i32
        %ne3A_412 = arith.cmpi ne, %rem3A_410, %ne3A_411 : i32
        %and3A_413 = arith.andi %ne3A_409, %ne3A_412 : i1
        %sub3A_414 = arith.constant 1 : i32
        %sub3A_415 = arith.subi %div3A_394, %sub3A_414 : i32
        %select_n3A_416 = arith.select %and3A_413, %sub3A_415, %div3A_394 : i32
        %jit3A_417 = arith.constant 3 : i32
        %eq3A_418 = arith.constant 0 : i32
        %eq3A_419 = arith.cmpi eq, %jit3A_417, %eq3A_418 : i32
        %jit3A_420 = arith.constant 1 : i32
        %select_n3A_421 = arith.select %eq3A_419, %jit3A_420, %jit3A_417 : i32
        %rem3A_422 = arith.remsi %select_n3A_416, %select_n3A_421 : i32
        %ne3A_423 = arith.constant 0 : i32
        %ne3A_424 = arith.cmpi ne, %rem3A_422, %ne3A_423 : i32
        %lt3A_425 = arith.constant 0 : i32
        %lt3A_426 = arith.cmpi slt, %rem3A_422, %lt3A_425 : i32
        %lt3A_427 = arith.constant 0 : i32
        %lt3A_428 = arith.cmpi slt, %select_n3A_421, %lt3A_427 : i32
        %ne3A_429 = arith.xori %lt3A_426, %lt3A_428 : i1
        %and3A_430 = arith.andi %ne3A_429, %ne3A_424 : i1
        %add3A_431 = arith.addi %rem3A_422, %select_n3A_421 : i32
        %select_n3A_432 = arith.select %and3A_430, %add3A_431, %rem3A_422 : i32
        %jit3A_433 = arith.constant 16 : i32
        %eq3A_434 = arith.constant 0 : i32
        %eq3A_435 = arith.cmpi eq, %jit3A_433, %eq3A_434 : i32
        %jit3A_436 = arith.constant 1 : i32
        %select_n3A_437 = arith.select %eq3A_435, %jit3A_436, %jit3A_433 : i32
        %rem3A_438 = arith.remsi %add3A_377, %select_n3A_437 : i32
        %ne3A_439 = arith.constant 0 : i32
        %ne3A_440 = arith.cmpi ne, %rem3A_438, %ne3A_439 : i32
        %lt3A_441 = arith.constant 0 : i32
        %lt3A_442 = arith.cmpi slt, %rem3A_438, %lt3A_441 : i32
        %lt3A_443 = arith.constant 0 : i32
        %lt3A_444 = arith.cmpi slt, %select_n3A_437, %lt3A_443 : i32
        %ne3A_445 = arith.xori %lt3A_442, %lt3A_444 : i1
        %and3A_446 = arith.andi %ne3A_445, %ne3A_440 : i1
        %add3A_447 = arith.addi %rem3A_438, %select_n3A_437 : i32
        %select_n3A_448 = arith.select %and3A_446, %add3A_447, %rem3A_438 : i32
        %dma_start3A_449 = arith.constant 0 : i32
        %dma_start3A_450 = tpu.memref_slice %arg9[%select_n3A_432, %select_n3A_448, %dma_start3A_449] : memref<3x16x64xi32, #tpu.memory_space<vmem>> -> memref<1x1x64xi32, #tpu.memory_space<vmem>>
        %dma_start3A_451 = tpu.memref_squeeze %dma_start3A_450 : memref<1x1x64xi32, #tpu.memory_space<vmem>> -> memref<64xi32, #tpu.memory_space<vmem>>
        %dma_start3A_452 = arith.constant 0 : i32
        %dma_start3A_453 = arith.constant 0 : i32
        %dma_start3A_454 = tpu.memref_slice %arg14[%dma_start3A_452, %dma_start3A_453] : memref<10112x128xf32, #tpu.memory_space<vmem_shared>> -> memref<10112x128xf32, #tpu.memory_space<vmem_shared>>
        tpu.enqueue_indirect_dma source(%arg13 : memref<64x128xf32, #tpu.memory_space<vmem>>) target(%dma_start3A_454 : memref<10112x128xf32, #tpu.memory_space<vmem_shared>>) offsets(%dma_start3A_451 : memref<64xi32, #tpu.memory_space<vmem>>) semaphore(%arg24 : memref<!tpu.dma_semaphore, #tpu.memory_space<semaphore_mem>>) {add = true}
      }
      %scan3A_99 = arith.constant 80 : i32
      %dma_wait3A = arith.constant 0 : i32
      %dma_wait3A_100 = arith.constant 0 : i32
      %dma_wait3A_101 = arith.constant 0 : i32
      %dma_wait3A_102 = tpu.memref_slice %arg9[%dma_wait3A, %dma_wait3A_100, %dma_wait3A_101] : memref<3x16x64xi32, #tpu.memory_space<vmem>> -> memref<1x1x64xi32, #tpu.memory_space<vmem>>
      %dma_wait3A_103 = tpu.memref_squeeze %dma_wait3A_102 : memref<1x1x64xi32, #tpu.memory_space<vmem>> -> memref<64xi32, #tpu.memory_space<vmem>>
      %dma_wait3A_104 = arith.constant 0 : i32
      %dma_wait3A_105 = arith.constant 0 : i32
      %dma_wait3A_106 = tpu.memref_slice %arg14[%dma_wait3A_104, %dma_wait3A_105] : memref<10112x128xf32, #tpu.memory_space<vmem_shared>> -> memref<10112x128xf32, #tpu.memory_space<vmem_shared>>
      tpu.wait_indirect_dma semaphore(%arg21 : memref<!tpu.dma_semaphore, #tpu.memory_space<semaphore_mem>>) src(%arg10 : memref<64x128xf32, #tpu.memory_space<vmem>>) dst(%dma_wait3A_106 : memref<10112x128xf32, #tpu.memory_space<vmem_shared>>)
      %dma_wait3A_107 = arith.constant 0 : i32
      %dma_wait3A_108 = arith.constant 0 : i32
      %dma_wait3A_109 = arith.constant 0 : i32
      %dma_wait3A_110 = tpu.memref_slice %arg9[%dma_wait3A_107, %dma_wait3A_108, %dma_wait3A_109] : memref<3x16x64xi32, #tpu.memory_space<vmem>> -> memref<1x1x64xi32, #tpu.memory_space<vmem>>
      %dma_wait3A_111 = tpu.memref_squeeze %dma_wait3A_110 : memref<1x1x64xi32, #tpu.memory_space<vmem>> -> memref<64xi32, #tpu.memory_space<vmem>>
      %dma_wait3A_112 = arith.constant 0 : i32
      %dma_wait3A_113 = arith.constant 0 : i32
      %dma_wait3A_114 = tpu.memref_slice %arg14[%dma_wait3A_112, %dma_wait3A_113] : memref<10112x128xf32, #tpu.memory_space<vmem_shared>> -> memref<10112x128xf32, #tpu.memory_space<vmem_shared>>
      tpu.wait_indirect_dma semaphore(%arg22 : memref<!tpu.dma_semaphore, #tpu.memory_space<semaphore_mem>>) src(%arg11 : memref<64x128xf32, #tpu.memory_space<vmem>>) dst(%dma_wait3A_114 : memref<10112x128xf32, #tpu.memory_space<vmem_shared>>)
      %dma_wait3A_115 = arith.constant 0 : i32
      %dma_wait3A_116 = arith.constant 0 : i32
      %dma_wait3A_117 = arith.constant 0 : i32
      %dma_wait3A_118 = tpu.memref_slice %arg9[%dma_wait3A_115, %dma_wait3A_116, %dma_wait3A_117] : memref<3x16x64xi32, #tpu.memory_space<vmem>> -> memref<1x1x64xi32, #tpu.memory_space<vmem>>
      %dma_wait3A_119 = tpu.memref_squeeze %dma_wait3A_118 : memref<1x1x64xi32, #tpu.memory_space<vmem>> -> memref<64xi32, #tpu.memory_space<vmem>>
      %dma_wait3A_120 = arith.constant 0 : i32
      %dma_wait3A_121 = arith.constant 0 : i32
      %dma_wait3A_122 = tpu.memref_slice %arg14[%dma_wait3A_120, %dma_wait3A_121] : memref<10112x128xf32, #tpu.memory_space<vmem_shared>> -> memref<10112x128xf32, #tpu.memory_space<vmem_shared>>
      tpu.wait_indirect_dma semaphore(%arg23 : memref<!tpu.dma_semaphore, #tpu.memory_space<semaphore_mem>>) src(%arg12 : memref<64x128xf32, #tpu.memory_space<vmem>>) dst(%dma_wait3A_122 : memref<10112x128xf32, #tpu.memory_space<vmem_shared>>)
      %dma_wait3A_123 = arith.constant 0 : i32
      %dma_wait3A_124 = arith.constant 0 : i32
      %dma_wait3A_125 = arith.constant 0 : i32
      %dma_wait3A_126 = tpu.memref_slice %arg9[%dma_wait3A_123, %dma_wait3A_124, %dma_wait3A_125] : memref<3x16x64xi32, #tpu.memory_space<vmem>> -> memref<1x1x64xi32, #tpu.memory_space<vmem>>
      %dma_wait3A_127 = tpu.memref_squeeze %dma_wait3A_126 : memref<1x1x64xi32, #tpu.memory_space<vmem>> -> memref<64xi32, #tpu.memory_space<vmem>>
      %dma_wait3A_128 = arith.constant 0 : i32
      %dma_wait3A_129 = arith.constant 0 : i32
      %dma_wait3A_130 = tpu.memref_slice %arg14[%dma_wait3A_128, %dma_wait3A_129] : memref<10112x128xf32, #tpu.memory_space<vmem_shared>> -> memref<10112x128xf32, #tpu.memory_space<vmem_shared>>
      tpu.wait_indirect_dma semaphore(%arg24 : memref<!tpu.dma_semaphore, #tpu.memory_space<semaphore_mem>>) src(%arg13 : memref<64x128xf32, #tpu.memory_space<vmem>>) dst(%dma_wait3A_130 : memref<10112x128xf32, #tpu.memory_space<vmem_shared>>)
      %barrier3A_131 = arith.constant 0 : index
      tpu.barrier barrier_id(%barrier3A_131)
      %mul3A_132 = arith.constant 624 : i32
      %mul3A_133 = arith.muli %arg1, %mul3A_132 : i32
      "tpu.region"() ({
        %run_scoped3A_139 = tpu.sem_alloc : memref<!tpu.dma_semaphore, #tpu.memory_space<semaphore_mem>>
        %dma_start3A_140 = arith.constant 0 : i32
        %dma_start3A_141 = tpu.memref_slice %arg7[%mul3A_133, %dma_start3A_140] : memref<10000x128xf32, #tpu.memory_space<hbm>> -> memref<624x128xf32, #tpu.memory_space<hbm>>
        %dma_start3A_142 = arith.constant 0 : i32
        %dma_start3A_143 = tpu.memref_slice %arg14[%mul3A_133, %dma_start3A_142] : memref<10112x128xf32, #tpu.memory_space<vmem_shared>> -> memref<624x128xf32, #tpu.memory_space<vmem_shared>>
        tpu.enqueue_dma source(%dma_start3A_143 : memref<624x128xf32, #tpu.memory_space<vmem_shared>>) target(%dma_start3A_141 : memref<624x128xf32, #tpu.memory_space<hbm>>) target_semaphore(%run_scoped3A_139 : memref<!tpu.dma_semaphore, #tpu.memory_space<semaphore_mem>>)
        %dma_wait3A_144 = arith.constant 0 : i32
        %dma_wait3A_145 = tpu.memref_slice %arg7[%mul3A_133, %dma_wait3A_144] : memref<10000x128xf32, #tpu.memory_space<hbm>> -> memref<624x128xf32, #tpu.memory_space<hbm>>
        %dma_wait3A_146 = arith.constant 0 : i32
        %dma_wait3A_147 = tpu.memref_slice %arg14[%mul3A_133, %dma_wait3A_146] : memref<10112x128xf32, #tpu.memory_space<vmem_shared>> -> memref<624x128xf32, #tpu.memory_space<vmem_shared>>
        tpu.wait_dma2 semaphore(%run_scoped3A_139 : memref<!tpu.dma_semaphore, #tpu.memory_space<semaphore_mem>>) src(%dma_wait3A_147 : memref<624x128xf32, #tpu.memory_space<vmem_shared>>) dst(%dma_wait3A_145 : memref<624x128xf32, #tpu.memory_space<hbm>>)
        tpu.yield
      }) : () -> ()
      %eq3A_134 = arith.constant 0 : i32
      %eq3A_135 = arith.cmpi eq, %arg1, %eq3A_134 : i32
      %convert_element_type3A_136 = arith.extui %eq3A_135 : i1 to i32
      %cond3A_137 = arith.constant 0 : i32
      %cond3A_138 = arith.cmpi ne, %convert_element_type3A_136, %cond3A_137 : i32
      scf.if %cond3A_138 {
        "tpu.region"() ({
          %run_scoped3A_139 = tpu.sem_alloc : memref<!tpu.dma_semaphore, #tpu.memory_space<semaphore_mem>>
          %dma_start3A_140 = arith.constant 9984 : i32
          %dma_start3A_141 = arith.constant 0 : i32
          %dma_start3A_142 = tpu.memref_slice %arg7[%dma_start3A_140, %dma_start3A_141] : memref<10000x128xf32, #tpu.memory_space<hbm>> -> memref<16x128xf32, #tpu.memory_space<hbm>>
          %dma_start3A_143 = arith.constant 9984 : i32
          %dma_start3A_144 = arith.constant 0 : i32
          %dma_start3A_145 = tpu.memref_slice %arg14[%dma_start3A_143, %dma_start3A_144] : memref<10112x128xf32, #tpu.memory_space<vmem_shared>> -> memref<16x128xf32, #tpu.memory_space<vmem_shared>>
          tpu.enqueue_dma source(%dma_start3A_145 : memref<16x128xf32, #tpu.memory_space<vmem_shared>>) target(%dma_start3A_142 : memref<16x128xf32, #tpu.memory_space<hbm>>) target_semaphore(%run_scoped3A_139 : memref<!tpu.dma_semaphore, #tpu.memory_space<semaphore_mem>>)
          %dma_wait3A_146 = arith.constant 9984 : i32
          %dma_wait3A_147 = arith.constant 0 : i32
          %dma_wait3A_148 = tpu.memref_slice %arg7[%dma_wait3A_146, %dma_wait3A_147] : memref<10000x128xf32, #tpu.memory_space<hbm>> -> memref<16x128xf32, #tpu.memory_space<hbm>>
          %dma_wait3A_149 = arith.constant 9984 : i32
          %dma_wait3A_150 = arith.constant 0 : i32
          %dma_wait3A_151 = tpu.memref_slice %arg14[%dma_wait3A_149, %dma_wait3A_150] : memref<10112x128xf32, #tpu.memory_space<vmem_shared>> -> memref<16x128xf32, #tpu.memory_space<vmem_shared>>
          tpu.wait_dma2 semaphore(%run_scoped3A_139 : memref<!tpu.dma_semaphore, #tpu.memory_space<semaphore_mem>>) src(%dma_wait3A_151 : memref<16x128xf32, #tpu.memory_space<vmem_shared>>) dst(%dma_wait3A_148 : memref<16x128xf32, #tpu.memory_space<hbm>>)
          tpu.yield
        }) : () -> ()
      } else {
      }
    } else {
    }
    return
  }
}

</mosaic_0001>

<sc_bundles>
// kernel: _shift_call.3.cloned.1.call-start
scs
__scs_entry_jumppad:
0x0: {  	(pc) =	sbr.rel $0x88, $3  }
0x1: {  	(tag) =	ssettag $0x0;
	lr =	simm.s32 $0x1  }
0x2: {  	[smem:$0x3F9D] =	sst lr;
	_ =	strace $0xD0000000  }
0x3: {  	_ = 	snop  }
0x4: {  	_ = 	snop  }
0x5: {  	_ = 	snop  }
0x6: {  	_ = 	snop  }
0x7: {  	_ = 	snop  }
__scs_overlays_trampoline_lowered:
0x8: {  	[smem:$0x3FAC] =	sst s0  }
0x9: {  	[smem:$0x3FAD] =	sst s1  }
0xa: {  	[smem:$0x3FAE] =	sst s2  }
0xb: {  	[smem:$0x3FAF] =	sst s3  }
0xc: {  	[smem:$0x3FB0] =	sst s4  }
0xd: {  	[smem:$0x3FB1] =	sst s5  }
0xe: {  	[smem:$0x3FB2] =	sst s6  }
0xf: {  	[smem:$0x3FB3] =	sst s7  }
0x10: {  	[smem:$0x3FB4] =	sst s8  }
0x11: {  	[smem:$0x3FB5] =	sst s9;
	s0 =	simm.s32 @!p0 $0x0  }
0x12: {  	s1 =	sld [smem:$0x3F9B];
	s0 =	simm.s32 @p0 $0x1  }
0x13: {  	[smem:$0x3FB6] =	sst s0;
	s0 =	simm.s32 @!p1 $0x0  }
0x14: {  	s2 =	sld [smem:$0x3F9A];
	s0 =	simm.s32 @p1 $0x1  }
0x15: {  	[smem:$0x3FB7] =	sst s0;
	s0 =	simm.s32 @!p2 $0x0  }
0x16: {  	s3 =	sld [smem:$0x3FDB];
	s0 =	simm.s32 @p2 $0x1  }
0x17: {  	s4 =	simm.s32 $0x1BF5;
	[smem:$0x3FB9] =	sst s0  }
0x18: {  	s0 =	sld [smem:$0x3F9C];
	_ =	swait.ge [sflag:s4], $0x0  }
0x19: {  	s7 =	sld [smem:$0x3F9D]  }
0x1a: {  	s8 =	sadd.s32 $0xFFFFE003, lr  }
0x1b: {  	s9 =	sadd.s32 $0xFFFFFEF7, lr;
	s5 =	simm.s32 $0xFFFFFFFF;
	p2 =	slt.u32 s8, $0xFFFFF086  }
0x1c: {  	p1 =	slt.u32 s9, $0xF7A;
	s5 =	simm.s32 @!p2 $0x0  }
0x1d: {  	s5 =	simm.s32 @p1 $0x1;
	p0 =	seq.s32 s7, s2  }
0x1e: {  	s7 =	smul.u32 @!p0 $0xF7A, s2;
	p2 =	seq.s32 @!p0 s5, $0x0  }
0x1f: {  	s9 =	smul.u32 $0xF7A, s1;
	s8 =	simm.s32 @!p0 $0x1BF5;
	p2 =	por !p2, p0  }
0x20: {  	[sflag:s8] =	ssyncset.s32 @!p0 $0xFFFFF086;
	s6 =	sadd.s32 @!p0 s3, s7;
	s7 =	simm.s32 @!p0 $0x108  }
0x21: {  	s3 =	sadd.s32 s3, s9;
	s6 =	sadd.s32 @!p0 $0x88, s6;
	s7 =	simm.s32 @p2 $0x1082  }
0x22: {  	[simem:s7], [sflag:s8] =	dma.local @!p0 [hbm:s6], $0xF7A  }
0x23: {  	s9 =	sor.u32 $0xD0000000, s2;
	s6 =	simm.s32 $0x108;
	_ =	swait.ge @!p0 [sflag:s8], $0x0  }
0x24: {  	s3 =	sadd.s32 $0x88, s3;
	s6 =	simm.s32 @!p1 $0x1082;
	[sflag:s4] =	ssyncset.s32 $0xFFFFF086  }
0x25: {  	[simem:s6], [sflag:s4] =	dma.local [hbm:s3], $0xF7A  }
0x26: {  	[smem:$0x3F9D] =	sst s1;
	(tag) =	ssettag s2;
	_ =	strace s9  }
0x27: {  	s1 =	sld [smem:$0x3FAD]  }
0x28: {  	s2 =	sld [smem:$0x3FAE]  }
0x29: {  	s4 =	sld [smem:$0x3FB0]  }
0x2a: {  	p0 =	seq.s32 s5, $0x0;
	s5 =	sld [smem:$0x3FB1]  }
0x2b: {  	s6 =	sld [smem:$0x3FB2]  }
0x2c: {  	s7 =	sld [smem:$0x3FB3]  }
0x2d: {  	s3 =	simm.s32 $0x108;
	s8 =	sld [smem:$0x3FB4]  }
0x2e: {  	s3 =	simm.s32 @!p0 $0x1082;
	s9 =	sld [smem:$0x3FB5]  }
0x2f: {  	lr =	sadd.s32 s0, s3;
	s0 =	sld [smem:$0x3FAC]  }
0x30: {  	s3 =	sld [smem:$0x3FAF]  }
0x31: {  	[smem:$0x3FB8] =	sst s10  }
0x32: {  	s10 =	sld [smem:$0x3FB6];
	_ =	sdelay $0x3  }
0x33: {  	p0 =	seq.s32 s10, $0x1;
	s10 =	sld [smem:$0x3FB8];
	_ =	sdelay $0x3  }
0x34: {  	[smem:$0x3FB8] =	sst s10  }
0x35: {  	s10 =	sld [smem:$0x3FB7];
	_ =	sdelay $0x3  }
0x36: {  	p1 =	seq.s32 s10, $0x1;
	s10 =	sld [smem:$0x3FB8];
	_ =	sdelay $0x3  }
0x37: {  	[smem:$0x3FB8] =	sst s10  }
0x38: {  	s10 =	sld [smem:$0x3FB9]  }
0x39: {  	_ = 	snop;
	(pc) =	sbr.ind lr, $3  }
0x3a: {  	_ = 	snop  }
0x3b: {  	_ = 	snop  }
0x3c: {  	p2 =	seq.s32 s10, $0x1;
	s10 =	sld [smem:$0x3FB8]  }
0x3d: {  	_ =	shalt  }
0x3e: {  	_ =	shalt  }
0x3f: {  	_ =	shalt  }
0x40: {  	_ =	shalt  }
0x41: {  	_ =	shalt  }
0x42: {  	_ =	shalt  }
0x43: {  	_ =	shalt  }
0x44: {  	_ =	shalt  }
0x45: {  	_ =	shalt  }
0x46: {  	_ =	shalt  }
0x47: {  	_ =	shalt  }
0x48: {  	_ =	shalt  }
0x49: {  	_ =	shalt  }
0x4a: {  	_ =	shalt  }
0x4b: {  	_ =	shalt  }
0x4c: {  	_ =	shalt  }
0x4d: {  	_ =	shalt  }
0x4e: {  	_ =	shalt  }
0x4f: {  	_ =	shalt  }
0x50: {  	_ =	shalt  }
0x51: {  	_ =	shalt  }
0x52: {  	_ =	shalt  }
0x53: {  	_ =	shalt  }
0x54: {  	_ =	shalt  }
0x55: {  	_ =	shalt  }
0x56: {  	_ =	shalt  }
0x57: {  	_ =	shalt  }
0x58: {  	_ =	shalt  }
0x59: {  	_ =	shalt  }
0x5a: {  	_ =	shalt  }
0x5b: {  	_ =	shalt  }
0x5c: {  	_ =	shalt  }
0x5d: {  	_ =	shalt  }
0x5e: {  	_ =	shalt  }
0x5f: {  	_ =	shalt  }
0x60: {  	_ =	shalt  }
0x61: {  	_ =	shalt  }
0x62: {  	_ =	shalt  }
0x63: {  	_ =	shalt  }
0x64: {  	_ =	shalt  }
0x65: {  	_ =	shalt  }
0x66: {  	_ =	shalt  }
0x67: {  	_ =	shalt  }
0x68: {  	_ =	shalt  }
0x69: {  	_ =	shalt  }
0x6a: {  	_ =	shalt  }
0x6b: {  	_ =	shalt  }
0x6c: {  	_ =	shalt  }
0x6d: {  	_ =	shalt  }
0x6e: {  	_ =	shalt  }
0x6f: {  	_ =	shalt  }
0x70: {  	_ =	shalt  }
0x71: {  	_ =	shalt  }
0x72: {  	_ =	shalt  }
0x73: {  	_ =	shalt  }
0x74: {  	_ =	shalt  }
0x75: {  	_ =	shalt  }
0x76: {  	_ =	shalt  }
0x77: {  	_ =	shalt  }
0x78: {  	_ =	shalt  }
0x79: {  	_ =	shalt  }
0x7a: {  	_ =	shalt  }
0x7b: {  	_ =	shalt  }
0x7c: {  	_ =	shalt  }
0x7d: {  	_ =	shalt  }
0x7e: {  	_ =	shalt  }
0x7f: {  	_ =	shalt  }
0x80: {  	_ =	shalt  }
0x81: {  	_ =	shalt  }
0x82: {  	_ =	shalt  }
0x83: {  	_ =	shalt  }
0x84: {  	_ =	shalt  }
0x85: {  	_ =	shalt  }
0x86: {  	_ =	shalt  }
0x87: {  	_ =	shalt  }
.Lfunc_end0:
.L_simem_size_0:
called_computation_lowered:
.L_overlay_start_0:
0x88: {  	s2 =	sld [smem:$0x3FD9]  }
0x89: {  	s3 =	sld [smem:$0x3FFE];
	_ =	sdelay $0x1  }
0x8a: {  	s1 =	srdreg.scid  }
0x8b: {  	s0 =	sand.u32 $0x1, s1  }
0x8c: {  	s14 =	sshll.u32 s0, $0xA;
	s2 =	sadd.s32 s3, s2  }
0x8d: {  	s2 =	sadd.s32 s2, s14  }
0x8e: {  	[smem:$0x3FC4] =	sst s2  }
0x8f: {  	_ = 	snop  }
0x90: {  	s2 =	sld [smem:$0x3FD0];
	_ =	sdelay $0x1  }
0x91: {  	s15 =	sld [smem:$0x3FC9]  }
0x92: {  	s5 =	simm.s32 $0xA;
	s6 =	simm.s32 $0x10;
	s4 =	sld [smem:$0x3FC8]  }
0x93: {  	[smem:s6], [sflag:s5] =	dma.local [hbm:s2], $0x1  }
0x94: {  	_ =	swait.eq [sflag:s5], $0x1  }
0x95: {  	[sflag:s5] =	ssyncset.done $0x0  }
0x96: {  	s16 =	sld [smem:$0x10];
	[sflag:s5] =	ssyncadd.s32 $0xFFFFFFFF  }
0x97: {  	s17 =	sld [smem:$0x11];
	(tm) =	ssettm $0x1  }
0x98: {  	s18 =	sld [smem:$0x3FFB];
	_ =	sdelay $0x3  }
0x99: {  	_ =	strace s18  }
0x9a: {  	s6 =	sld [smem:$0x3FFC];
	_ =	sdelay $0x3  }
0x9b: {  	_ =	strace s6  }
0x9c: {  	s6 =	sld [smem:$0x3FFD];
	_ =	sdelay $0x3  }
0x9d: {  	_ =	strace s6  }
0x9e: {  	_ =	strace $0x8FFFFFFF  }
0x9f: {  	s19 =	sld [smem:$0x3FDB];
	_ =	sdelay $0x1  }
0xa0: {  	s7 =	simm.s32 $_scs_section_size  }
0xa1: {  	s8 =	simm.s32 $_size__tile_overlayer_lowered;
	s9 =	simm.s32 $_tile_overlayer_lowered  }
0xa2: {  	s22 =	simm.s32 $0x1BFF;
	s21 =	sshll.u32 s9, $0x1;
	s6 =	sadd.s32 s7, s19  }
0xa3: {  	s10 =	simm.s32 $0x0;
	s20 =	sshll.u32 s8, $0x1;
	s8 =	sadd.s32 s21, s6  }
0xa4: {  	[timem:s10], [sflag:s22] =	dma.local [hbm:s8], s20  }
0xa5: {  	_ =	swait.ge [sflag:s22], s20  }
0xa6: {  	s7 =	ssub.s32 $0x0, s20;
	[sflag:s22] =	ssyncset.done $0x0  }
0xa7: {  	[sflag:s22] =	ssyncadd.s32 s7;
	_ =	sdelay $0x1  }
0xa8: {  	s23 =	simm.s32 $0x1B8B  }
0xa9: {  	_ =	swait.ge [sflag:s23], $0x1  }
0xaa: {  	[sflag:s23] =	ssyncset.done $0x0  }
0xab: {  	s25 =	simm.s32 $0x1B8E;
	s24 =	sld [smem:$0x3FFE];
	[sflag:s23] =	ssyncadd.s32 $0xFFFFFFFF  }
0xac: {  	s26 =	simm.s32 $execute0_lowered;
	[smem:$0x3FD2] =	sst s25  }
0xad: {  	s8 =	sshll.u32 s26, $0x1;
	_ =	strace $0x80000046;
	[dreg:$0x1] =	wrdreg $0xFFFFFFFF  }
0xae: {  	s28 =	simm.s32 $_size_execute0_lowered;
	s6 =	sadd.s32 s6, s8;
	[dreg:$0x0] =	wrdreg $0x0  }
0xaf: {  	s8 =	sshll.u32 s28, $0x1;
	[dreg:$0x2] =	wrdreg s6  }
0xb0: {  	[dreg:$0x3] =	wrdreg s8  }
0xb1: {  	[dreg:$0x4] =	wrdreg $0xC0  }
0xb2: {  	_ =	task [dreg:s10], $0x5FFFF  }
0xb3: {  	[dreg:$0x1] =	wrdreg $0xFFFFFFFF  }
0xb4: {  	[dreg:$0x0] =	wrdreg $0x60  }
0xb5: {  	[dreg:$0x2] =	wrdreg s15  }
0xb6: {  	[dreg:$0x3] =	wrdreg s4  }
0xb7: {  	[dreg:$0x4] =	wrdreg s24  }
0xb8: {  	[dreg:$0x5] =	wrdreg s16  }
0xb9: {  	[dreg:$0x6] =	wrdreg s17  }
0xba: {  	[dreg:$0x7] =	wrdreg $0xB0000  }
0xbb: {  	[dreg:$0x8] =	wrdreg $0x9  }
0xbc: {  	_ =	task.clear_ibuf [dreg:s10], $0x9FFFF;
	_ =	strace $0x90000046  }
0xbd: {  	s29 =	simm.s32 $0x9;
	_ =	strace $0x80000048  }
0xbe: {  	_ =	swait.ge [sflag:s29], $0x1  }
0xbf: {  	[sflag:s29] =	ssyncadd.s32 $0xFFFFFFFF  }
0xc0: {  	_ =	strace $0x90000048  }
0xc1: {  	_ =	sfence  }
0xc2: {  	s30 =	sld [smem:$0x0];
	_ =	sdelay $0x2  }
0xc3: {  	s31 =	sshll.u32 s1, $0xD;
	s1 =	sshrl.u32 s1, $0x2  }
0xc4: {  	s3 =	sand.u32 $0x4000, s31;
	s1 =	sadd.s32 s1, s30  }
0xc5: {  	s0 =	sor.u32 s3, s0;
	s1 =	sshll.u32 s1, $0x11  }
0xc6: {  	s0 =	sor.u32 s1, s0  }
0xc7: {  	s0 =	sadd.s32 $0x8F2B, s0  }
0xc8: {  	[sflag:s0] =	ssyncadd.remote.s32 $0x1  }
0xc9: {  	_ =	sfence.sel $0xFFFF  }
0xca: {  	[dreg:$0x0] =	wrdreg $0xFFFFFFFF;
	(pc) =	sbr.abs _section_cstart, $3  }
0xcb: {  	[dreg:$0x1] =	wrdreg $0xFFFFFFFF  }
0xcc: {  	_ =	task.clear_ibuf [dreg:s10], $0x2FFFF;
	_ =	strace $0x9FFFFFFF  }
0xcd: {  	(tm) =	ssettm $0x7FFFFFFF  }
tec
execute0_lowered:
.L_overlay_start_1:
0x0: {  	(tag) =	ssettag $0x1  }
0x1: {  	s0 =	rddreg [dreg:$0x0]  }
0x2: {  	s2 =	rddreg [dreg:$0x1]  }
0x3: {  	s1 =	rddreg [dreg:$0x2]  }
0x4: {  	s6 =	rddreg [dreg:$0x3]  }
0x5: {  	s8 =	rddreg [dreg:$0x4]  }
0x6: {  	s5 =	rddreg [dreg:$0x5];
	s4 =	simm.s32 $0x0;
	s12 =	stileid.u32  }
0x7: {  	s3 =	srdreg.scid;
	s31 =	simm.s32 $0x3000;
	s26 =	smul.u32 $0x4F000, s12  }
0x8: {  	[smem:$0x7FF] =	sst s4;
	s3 =	sand.u32 $0x1, s3;
	s15 =	smul.u32 $0x1400, s12  }
0x9: {  	s13 =	sadd.s32 $0x800, s1;
	s14 =	sadd.s32 $0x14800, s1;
	s17 =	smul.u32 $0x4E000, s12  }
0xa: {  	s23 =	sadd.s32 $0x138000, s5;
	_ =	strace $0x80000047;
	s7 =	ssub.s32 $0x2, s3  }
0xb: {  	p0 =	seq.s32 s3, $0x1;
	[dreg:$0x7] =	wrdreg s13;
	s25 =	sshrl.u32 s23, $0x3  }
0xc: {  	s18 =	sadd.s32 s13, s15;
	s19 =	sor.u32 $0x100, s15;
	[dreg:$0x17] =	wrdreg s25  }
0xd: {  	s10 =	sshrl.u32 s7, $0x1;
	[dreg:$0xf] =	wrdreg s18;
	s20 =	sadd.s32 s13, s19  }
0xe: {  	s3 =	sshrl.u32 s17, $0x2;
	s21 =	sadd.s32 s14, s19;
	[dreg:$0x11] =	wrdreg s20  }
0xf: {  	s4 =	sshrl.u32 s26, $0x2;
	s3 =	sadd.s32 s3, s5;
	[dreg:$0x12] =	wrdreg s21  }
0x10: {  	s28 =	ssub.s32 s7, s10;
	s10 =	sadd.s32 s4, s5;
	[dreg:$0x13] =	wrdreg s3  }
0x11: {  	p1 =	sne.s32 s12, $0x0;
	s4 =	sadd.s32 $0x2000, s10;
	[dreg:$0x8] =	wrdreg s10  }
0x12: {  	p2 =	seq.s32 s12, $0x0;
	s29 =	sadd.s32 $0x4000, s10;
	[dreg:$0x9] =	wrdreg s4  }
0x13: {  	s30 =	smul.u32 $0x14, s12;
	s7 =	sadd.s32 $0x6000, s10;
	[dreg:$0xa] =	wrdreg s29  }
0x14: {  	s23 =	simm.s32 $0x7000;
	s9 =	sadd.s32 $0x8000, s10;
	[dreg:$0xb] =	wrdreg s7  }
0x15: {  	s25 =	simm.s32 $0x3;
	s11 =	sadd.s32 $0xA000, s10;
	[dreg:$0xc] =	wrdreg s9  }
0x16: {  	s13 =	simm.s32 $0x7;
	s16 =	sadd.s32 $0xC000, s10;
	[dreg:$0xd] =	wrdreg s11  }
0x17: {  	s1 =	smax.u32 s28, $0x1;
	s26 =	sadd.s32 $0xE000, s10;
	[dreg:$0xe] =	wrdreg s16  }
0x18: {  	s28 =	sadd.s32 $0x10000, s10;
	s3 =	simm.s32 $0x40;
	[dreg:$0x16] =	wrdreg s1  }
0x19: {  	s11 =	smul.u32 $0x2700, s12;
	s4 =	sadd.s32 s14, s15;
	[dreg:$0x18] =	wrdreg s26  }
0x1a: {  	s9 =	smov.u32 s14;
	[dreg:$0x19] =	wrdreg s28;
	s29 =	sadd.s32 $0x12000, s10  }
.Ltmp0:
0x1b: {  	s1 =	simm.s32 $0xB;
	s7 =	simm.s32 $0x4;
	(pc) =	sbr.rel .LBB2_1-.Ltmp0, $4  }
0x1c: {  	s12 =	simm.s32 $0x6;
	s14 =	simm.s32 $0x8;
	[dreg:$0x10] =	wrdreg s4  }
0x1d: {  	s10 =	simm.s32 $0x0;
	[dreg:$0x1a] =	wrdreg s29;
	s22 =	sadd.s32 s6, s11  }
0x1e: {  	s4 =	simm.s32 $0x9000;
	s24 =	sadd.s32 s8, s11;
	[dreg:$0x14] =	wrdreg s22  }
0x1f: {  	v0 =	vimm.f32 $0.0e+00;
	s11 =	simm.s32 $0x5;
	[dreg:$0x15] =	wrdreg s24;
	s22 =	simm.s32 $0x5000  }
.LBB2_16:
0x20: {  	s6 =	sadd.s32 $0x27000, s19;
	s8 =	rddreg [dreg:$0x17]  }
0x21: {  	[hbm:s6], [sflag:s18] =	dma.local [spmem:s8], $0x100  }
0x22: {  	_ =	swait.ge [sflag:s1], $0x100  }
0x23: {  	[sflag:s1] =	ssyncset.done $0x0  }
0x24: {  	[sflag:s1] =	ssyncadd.s32 $0xFFFFFF00  }
.LBB2_17:
0x25: {  	s10 =	sadd.s32 $0x1, s10;
	s6 =	rddreg [dreg:$0x16]  }
0x26: {  	p3 =	sne.s32 s10, s6  }
.Ltmp1:
0x27: {  	_ = 	snop;
	(pc) =	sbr.rel @!p3 .LBB2_18-.Ltmp1, $1  }
0x28: {  	_ =	sdelay $0x3  }
.LBB2_1:
0x29: {  	[dreg:$0x1b] =	wrdreg s10;
	s18 =	simm.s32 $0x0;
	s19 =	simm.s32 $0x200  }
.LBB2_2:
0x2a: {  	p3 =	sne.s32 s19, $0x7E00;
	[tilespmem:s18+$0x3070] =	vst v0  }
0x2b: {  	[tilespmem:s18+$0x3000] =	vst v0  }
0x2c: {  	[tilespmem:s18+$0x3010] =	vst v0  }
.Ltmp2:
0x2d: {  	[tilespmem:s18+$0x3020] =	vst v0;
	(pc) =	sbr.rel @p3 .LBB2_2-.Ltmp2, $4  }
0x2e: {  	[tilespmem:s18+$0x3030] =	vst v0  }
0x2f: {  	[tilespmem:s18+$0x3040] =	vst v0  }
0x30: {  	[tilespmem:s18+$0x3050] =	vst v0  }
0x31: {  	[tilespmem:s18+$0x3060] =	vst v0;
	s18 =	sshra.s32 s19, $0x2;
	s19 =	sadd.s32 $0x200, s19  }
0x32: {  	[tilespmem:s18+$0x3070] =	vst v0  }
0x33: {  	[tilespmem:s18+$0x3000] =	vst v0  }
0x34: {  	[tilespmem:s18+$0x3010] =	vst v0  }
0x35: {  	[tilespmem:s18+$0x3020] =	vst v0  }
0x36: {  	[tilespmem:s18+$0x3030] =	vst v0  }
0x37: {  	[tilespmem:s18+$0x3040] =	vst v0  }
0x38: {  	[tilespmem:s18+$0x3050] =	vst v0  }
0x39: {  	[tilespmem:s18+$0x3060] =	vst v0;
	s6 =	rddreg [dreg:$0x8]  }
0x3a: {  	[spmem:s6] =	stream.linear.scatter [tilespmem:s31], [sflag:$0xB], $0x2000, $0x38;
	[tilespmem:$0x1EC00] =	vst v63  }
0x3b: {  	_ =	swait.ge [sflag:s1], $0x2000  }
0x3c: {  	[sflag:s1] =	ssyncset.done $0x0  }
0x3d: {  	s28 =	rddreg [dreg:$0x9];
	[sflag:s1] =	ssyncadd.s32 $0xFFFFE000  }
0x3e: {  	[spmem:s28] =	stream.linear.scatter [tilespmem:s31], [sflag:$0xB], $0x2000, $0x38;
	[tilespmem:$0x1EC00] =	vst v63  }
0x3f: {  	_ =	swait.ge [sflag:s1], $0x2000  }
0x40: {  	[sflag:s1] =	ssyncset.done $0x0  }
0x41: {  	s29 =	rddreg [dreg:$0xa];
	[sflag:s1] =	ssyncadd.s32 $0xFFFFE000  }
0x42: {  	[spmem:s29] =	stream.linear.scatter [tilespmem:s31], [sflag:$0xB], $0x2000, $0x38;
	[tilespmem:$0x1EC00] =	vst v63  }
0x43: {  	_ =	swait.ge [sflag:s1], $0x2000  }
0x44: {  	[sflag:s1] =	ssyncset.done $0x0  }
0x45: {  	s8 =	rddreg [dreg:$0xb];
	[sflag:s1] =	ssyncadd.s32 $0xFFFFE000  }
0x46: {  	[spmem:s8] =	stream.linear.scatter [tilespmem:s31], [sflag:$0xB], $0x2000, $0x38;
	[tilespmem:$0x1EC00] =	vst v63  }
0x47: {  	_ =	swait.ge [sflag:s1], $0x2000  }
0x48: {  	[sflag:s1] =	ssyncset.done $0x0  }
0x49: {  	s10 =	rddreg [dreg:$0xc];
	[sflag:s1] =	ssyncadd.s32 $0xFFFFE000  }
0x4a: {  	[spmem:s10] =	stream.linear.scatter [tilespmem:s31], [sflag:$0xB], $0x2000, $0x38;
	[tilespmem:$0x1EC00] =	vst v63  }
0x4b: {  	_ =	swait.ge [sflag:s1], $0x2000  }
0x4c: {  	[sflag:s1] =	ssyncset.done $0x0  }
0x4d: {  	s15 =	rddreg [dreg:$0xd];
	[sflag:s1] =	ssyncadd.s32 $0xFFFFE000  }
0x4e: {  	[spmem:s15] =	stream.linear.scatter [tilespmem:s31], [sflag:$0xB], $0x2000, $0x38;
	[tilespmem:$0x1EC00] =	vst v63  }
0x4f: {  	_ =	swait.ge [sflag:s1], $0x2000  }
0x50: {  	[sflag:s1] =	ssyncset.done $0x0  }
0x51: {  	s16 =	rddreg [dreg:$0xe];
	[sflag:s1] =	ssyncadd.s32 $0xFFFFE000  }
0x52: {  	[spmem:s16] =	stream.linear.scatter [tilespmem:s31], [sflag:$0xB], $0x2000, $0x38;
	[tilespmem:$0x1EC00] =	vst v63  }
0x53: {  	_ =	swait.ge [sflag:s1], $0x2000  }
0x54: {  	[sflag:s1] =	ssyncset.done $0x0  }
0x55: {  	s17 =	rddreg [dreg:$0x18];
	[sflag:s1] =	ssyncadd.s32 $0xFFFFE000  }
0x56: {  	[spmem:s17] =	stream.linear.scatter [tilespmem:s31], [sflag:$0xB], $0x2000, $0x38;
	[tilespmem:$0x1EC00] =	vst v63  }
0x57: {  	_ =	swait.ge [sflag:s1], $0x2000  }
0x58: {  	[sflag:s1] =	ssyncset.done $0x0  }
0x59: {  	s18 =	rddreg [dreg:$0x19];
	[sflag:s1] =	ssyncadd.s32 $0xFFFFE000  }
0x5a: {  	[spmem:s18] =	stream.linear.scatter [tilespmem:s31], [sflag:$0xB], $0x2000, $0x38;
	[tilespmem:$0x1EC00] =	vst v63  }
0x5b: {  	_ =	swait.ge [sflag:s1], $0x2000  }
0x5c: {  	[sflag:s1] =	ssyncset.done $0x0  }
0x5d: {  	s19 =	rddreg [dreg:$0x1a];
	[sflag:s1] =	ssyncadd.s32 $0xFFFFE000  }
0x5e: {  	[spmem:s19] =	stream.linear.scatter [tilespmem:s31], [sflag:$0xB], $0x1C00, $0x38;
	[tilespmem:$0x1EC00] =	vst v63  }
0x5f: {  	_ =	swait.ge [sflag:s1], $0x1C00  }
0x60: {  	[sflag:s1] =	ssyncset.done $0x0  }
0x61: {  	[sflag:s1] =	ssyncadd.s32 $0xFFFFE400  }
0x62: {  	[bflag:$0x0] =	sbarrier.arrive $0xFFFF  }
0x63: {  	s20 =	simm.s32 $0x0;
	s8 =	rddreg [dreg:$0xf]  }
0x64: {  	[tilespmem:s20], [sflag:$0xB] =	stream.linear.gather [hbm4b:s8+s20], $0x800, $0x38;
	[tilespmem:$0x1EC00] =	vst v63  }
0x65: {  	_ =	swait.ge [sflag:s1], $0x800  }
0x66: {  	[sflag:s1] =	ssyncset.done $0x0  }
0x67: {  	s10 =	simm.s32 $0x1800;
	s21 =	rddreg [dreg:$0x10];
	[sflag:s1] =	ssyncadd.s32 $0xFFFFF800  }
0x68: {  	[tilespmem:s10], [sflag:$0xB] =	stream.linear.gather [hbm4b:s21+s20], $0x800, $0x38;
	[tilespmem:$0x1EC00] =	vst v63  }
0x69: {  	_ =	swait.ge [sflag:s1], $0x800  }
.Ltmp3:
0x6a: {  	[sflag:s1] =	ssyncset.done $0x0;
	(pc) =	sbr.rel @!p0 .LBB2_4-.Ltmp3, $4  }
0x6b: {  	s26 =	simm.s32 $0x800;
	s24 =	rddreg [dreg:$0x11];
	[sflag:s1] =	ssyncadd.s32 $0xFFFFF800  }
0x6c: {  	[tilespmem:s26], [sflag:$0x1] =	stream.linear.gather [hbm4b:s24+s20], $0x800, $0x38;
	[tilespmem:$0x1EC00] =	vst v63  }
0x6d: {  	s29 =	simm.s32 $0x2000;
	s18 =	simm.s32 $0x0;
	s28 =	rddreg [dreg:$0x12]  }
0x6e: {  	[tilespmem:s29], [sflag:$0x2] =	stream.linear.gather [hbm4b:s28+s20], $0x800, $0x38;
	[tilespmem:$0x1EC00] =	vst v63  }
0x6f: {  	[tilespmem:s31], [sflag:$0x3] =	stream.indirect.gather [hbm4b:s2+s3], $0x80, s18, s3, $0xb8;
	[tilespmem:$0x1EC00] =	vst v63  }
.Ltmp4:
0x70: {  	_ = 	snop;
	(pc) =	sbr.rel .LBB2_11-.Ltmp4, $4  }
0x71: {  	s6 =	simm.s32 $0x80  }
0x72: {  	[tilespmem:s22], [sflag:$0x4] =	stream.indirect.gather [hbm4b:s2+s3], $0x80, s6, s3, $0xb8;
	[tilespmem:$0x1EC00] =	vst v63  }
0x73: {  	s29 =	simm.s32 $0x100;
	s19 =	simm.s32 $0x6;
	s20 =	simm.s32 $0x0  }
0x74: {  	[tilespmem:s23], [sflag:$0x5] =	stream.indirect.gather [hbm4b:s2+s3], $0x80, s29, s3, $0xb8;
	[tilespmem:$0x1EC00] =	vst v63  }
.LBB2_13:
0x75: {  	_ =	swait.ge [sflag:s7], $0x2000  }
0x76: {  	[sflag:s7] =	ssyncset.done $0x0  }
0x77: {  	[sflag:s7] =	ssyncadd.s32 $0xFFFFE000  }
0x78: {  	[spmem:s5] =	stream.indirect.scatter.add.f32 [tilespmem:s22], [sflag:$0x8], $0x80, s28, s3, $0xb8;
	[tilespmem:$0x1EC00] =	vst v63  }
.LBB2_14:
0x79: {  	_ =	swait.ge [sflag:s11], $0x2000  }
0x7a: {  	s6 =	sshrl.u32 @!p3 s19, $0x4;
	[sflag:s11] =	ssyncset.done $0x0  }
0x7b: {  	s8 =	sadd.s32 $0x100, s26;
	s10 =	smul.u32 @!p3 $0xAB, s6;
	[sflag:s11] =	ssyncadd.s32 $0xFFFFE000  }
0x7c: {  	[spmem:s5] =	stream.indirect.scatter.add.f32 [tilespmem:s23], [sflag:$0x9], $0x80, s8, s3, $0xb8;
	[tilespmem:$0x1EC00] =	vst v63  }
0x7d: {  	s8 =	sshrl.u32 @!p3 s10, $0x9  }
0x7e: {  	s8 =	sand.u32 @!p3 $0x7F, s8  }
0x7f: {  	s8 =	smul.u32 @!p3 $0x3, s8  }
0x80: {  	s10 =	simm.s32 @!p3 $0x9  }
0x81: {  	s19 =	sadd.s32 $0x4, s19;
	_ =	swait.ge @!p3 [sflag:s10], $0x2000;
	s6 =	ssub.s32 @!p3 s6, s8  }
0x82: {  	[sflag:s10] =	ssyncset.done @!p3 $0x0;
	s8 =	sadd.s32 @!p3 $0x300, s18;
	s6 =	sand.u32 @!p3 $0xFF, s6  }
0x83: {  	[sflag:s10] =	ssyncadd.s32 @!p3 $0xFFFFE000;
	s8 =	sand.u32 @!p3 $0x700, s8;
	s6 =	sshll.u32 @!p3 s6, $0xB  }
0x84: {  	s10 =	simm.s32 @!p3 $0x7000;
	s6 =	sor.u32 @!p3 s8, s6;
	s8 =	simm.s32 @!p3 $0x40  }
0x85: {  	[tilespmem:s10], [sflag:$0x5] =	stream.indirect.gather @!p3 [hbm4b:s2+s8], $0x80, s6, s8, $0xb8;
	[tilespmem:$0x1EC00] =	vst v63  }
0x86: {  	p3 =	sne.s32 s19, $0x146  }
.Ltmp5:
0x87: {  	_ = 	snop;
	(pc) =	sbr.rel @!p3 .LBB2_15-.Ltmp5, $4  }
0x88: {  	_ =	swait.ge [sflag:s12], $0x2000  }
0x89: {  	s29 =	sadd.s32 s21, s24;
	[sflag:s12] =	ssyncset.done $0x0  }
0x8a: {  	s20 =	sadd.s32 $0x1, s20;
	s18 =	sadd.s32 $0x200, s18;
	[sflag:s12] =	ssyncadd.s32 $0xFFFFE000  }
0x8b: {  	[spmem:s5] =	stream.indirect.scatter.add.f32 [tilespmem:s4], [sflag:$0xA], $0x80, s29, s3, $0xb8;
	[tilespmem:$0x1EC00] =	vst v63  }
.LBB2_11:
0x8c: {  	s6 =	sshrl.u32 s20, $0x2  }
0x8d: {  	s8 =	smul.u32 $0xAB, s6;
	_ =	sdelay $0x1  }
0x8e: {  	s8 =	sshrl.u32 s8, $0x9  }
0x8f: {  	s8 =	sand.u32 $0x7F, s8  }
0x90: {  	s8 =	smul.u32 $0x3, s8  }
0x91: {  	p3 =	seq.s32 s19, $0x6  }
0x92: {  	s10 =	simm.s32 @!p3 $0xA;
	s6 =	ssub.s32 s6, s8  }
0x93: {  	s26 =	sand.u32 $0x600, s18;
	_ =	swait.ge @!p3 [sflag:s10], $0x2000;
	s6 =	sand.u32 $0xFF, s6  }
0x94: {  	s21 =	sor.u32 $0x180, s26;
	[sflag:s10] =	ssyncset.done @!p3 $0x0;
	s6 =	sshll.u32 s6, $0xB  }
0x95: {  	[sflag:s10] =	ssyncadd.s32 @!p3 $0xFFFFE000;
	p3 =	seq.s32 s19, $0x142;
	s29 =	sor.u32 s21, s6  }
0x96: {  	[tilespmem:s4], [sflag:$0x6] =	stream.indirect.gather [hbm4b:s2+s3], $0x80, s29, s3, $0xb8;
	[tilespmem:$0x1EC00] =	vst v63  }
.Ltmp6:
0x97: {  	_ = 	snop;
	(pc) =	sbr.rel @p3 .LBB2_13-.Ltmp6, $4  }
0x98: {  	s24 =	sadd.s32 $0x1800, s6;
	_ =	swait.ge [sflag:s25], $0x2000  }
0x99: {  	s26 =	sor.u32 s26, s24;
	[sflag:s25] =	ssyncset.done $0x0  }
0x9a: {  	s28 =	sadd.s32 $0x80, s26;
	[sflag:s25] =	ssyncadd.s32 $0xFFFFE000  }
0x9b: {  	[spmem:s5] =	stream.indirect.scatter.add.f32 [tilespmem:s31], [sflag:$0x7], $0x80, s26, s3, $0xb8;
	[tilespmem:$0x1EC00] =	vst v63  }
0x9c: {  	s6 =	sadd.s32 $0xFFFFFFFE, s19  }
0x9d: {  	s8 =	sand.u32 $0xC, s6  }
0x9e: {  	p5 =	sne.s32 s8, $0x0  }
0x9f: {  	p4 =	sgt.u32 @!p5 s20, $0x4A  }
0xa0: {  	p4 =	por p4, p5  }
0xa1: {  	s10 =	sshrl.u32 @!p4 s6, $0x4  }
0xa2: {  	s17 =	simm.s32 @!p5 $0x1;
	s15 =	sadd.s32 @!p4 $0x1, s10  }
0xa3: {  	_ =	swait.ge @!p5 [sflag:s17], $0x800;
	s16 =	sand.u32 @!p4 $0xFF, s15  }
0xa4: {  	[sflag:s17] =	ssyncset.done @!p5 $0x0;
	s16 =	smul.u32 @!p4 $0xAB, s16  }
0xa5: {  	s6 =	sshrl.u32 s6, $0x4;
	[sflag:s17] =	ssyncadd.s32 @!p5 $0xFFFFF800  }
0xa6: {  	s17 =	simm.s32 @!p5 $0x2;
	s29 =	smul.u32 $0xAB, s6;
	s16 =	sshrl.u32 @!p4 s16, $0x9  }
0xa7: {  	s10 =	sadd.s32 @!p4 s30, s10;
	_ =	swait.ge @!p5 [sflag:s17], $0x800;
	s16 =	smul.u32 @!p4 $0x3, s16  }
0xa8: {  	s10 =	sshll.u32 @!p4 s10, $0x8;
	[sflag:s17] =	ssyncset.done @!p5 $0x0  }
0xa9: {  	s10 =	sadd.s32 @!p4 $0x100, s10;
	s29 =	sshrl.u32 s29, $0x9;
	s15 =	ssub.s32 @!p4 s15, s16  }
0xaa: {  	[sflag:s17] =	ssyncadd.s32 @!p5 $0xFFFFF800;
	s16 =	rddreg [dreg:$0x7];
	s15 =	sand.u32 @!p4 $0xFF, s15  }
0xab: {  	s17 =	simm.s32 @!p4 $0x0;
	s16 =	sadd.s32 @!p4 s16, s10;
	s15 =	sshll.u32 @!p4 s15, $0xB  }
0xac: {  	[tilespmem:s15], [sflag:$0x1] =	stream.linear.gather @!p4 [hbm4b:s16+s17], $0x800, $0x38;
	[tilespmem:$0x1EC00] =	vst v63  }
0xad: {  	s16 =	sand.u32 $0x7F, s29  }
0xae: {  	s10 =	sadd.s32 @!p4 s9, s10;
	s15 =	sadd.s32 @!p4 $0x1800, s15;
	s16 =	smul.u32 $0x3, s16  }
0xaf: {  	[tilespmem:s15], [sflag:$0x2] =	stream.linear.gather @!p4 [hbm4b:s10+s17], $0x800, $0x38;
	[tilespmem:$0x1EC00] =	vst v63  }
0xb0: {  	s8 =	sshll.u32 s8, $0x7;
	s6 =	ssub.s32 s6, s16  }
0xb1: {  	s15 =	sadd.s32 $0xFFFFFFFF, s19;
	_ =	swait.ge [sflag:s13], $0x2000;
	s6 =	sand.u32 $0xFF, s6  }
0xb2: {  	s10 =	sshrl.u32 s15, $0x4;
	[sflag:s13] =	ssyncset.done $0x0;
	s6 =	sshll.u32 s6, $0xB  }
0xb3: {  	s16 =	smul.u32 $0xAB, s10;
	[sflag:s13] =	ssyncadd.s32 $0xFFFFE000;
	s6 =	sor.u32 s8, s6  }
0xb4: {  	[tilespmem:s31], [sflag:$0x3] =	stream.indirect.gather [hbm4b:s2+s3], $0x80, s6, s3, $0xb8;
	[tilespmem:$0x1EC00] =	vst v63  }
0xb5: {  	s17 =	sshrl.u32 s16, $0x9;
	_ =	swait.ge [sflag:s7], $0x2000  }
0xb6: {  	s6 =	sand.u32 $0x7F, s17;
	[sflag:s7] =	ssyncset.done $0x0  }
0xb7: {  	s6 =	smul.u32 $0x3, s6;
	[sflag:s7] =	ssyncadd.s32 $0xFFFFE000  }
0xb8: {  	[spmem:s5] =	stream.indirect.scatter.add.f32 [tilespmem:s22], [sflag:$0x8], $0x80, s28, s3, $0xb8;
	[tilespmem:$0x1EC00] =	vst v63  }
.Ltmp7:
0xb9: {  	s6 =	ssub.s32 s10, s6;
	(pc) =	sbr.rel .LBB2_14-.Ltmp7, $4  }
0xba: {  	s29 =	sadd.s32 $0x280, s18;
	s6 =	sand.u32 $0xFF, s6;
	_ =	swait.ge [sflag:s14], $0x2000  }
0xbb: {  	s8 =	sand.u32 $0x680, s29;
	s6 =	sshll.u32 s6, $0xB;
	[sflag:s14] =	ssyncset.done $0x0  }
0xbc: {  	s6 =	sor.u32 s8, s6;
	[sflag:s14] =	ssyncadd.s32 $0xFFFFE000  }
0xbd: {  	[tilespmem:s22], [sflag:$0x4] =	stream.indirect.gather [hbm4b:s2+s3], $0x80, s6, s3, $0xb8;
	[tilespmem:$0x1EC00] =	vst v63  }
.LBB2_4:
0xbe: {  	[tilespmem:s31], [sflag:$0x3] =	stream.indirect.gather [hbm4b:s0+s3], $0x80, s18, s3, $0xb8;
	[tilespmem:$0x1EC00] =	vst v63  }
.Ltmp8:
0xbf: {  	_ = 	snop;
	(pc) =	sbr.rel .LBB2_5-.Ltmp8, $4  }
0xc0: {  	s6 =	simm.s32 $0x80  }
0xc1: {  	[tilespmem:s22], [sflag:$0x4] =	stream.indirect.gather [hbm4b:s0+s3], $0x80, s6, s3, $0xb8;
	[tilespmem:$0x1EC00] =	vst v63  }
0xc2: {  	s29 =	simm.s32 $0x100;
	s19 =	simm.s32 $0x6;
	s20 =	simm.s32 $0x0  }
0xc3: {  	[tilespmem:s23], [sflag:$0x5] =	stream.indirect.gather [hbm4b:s0+s3], $0x80, s29, s3, $0xb8;
	[tilespmem:$0x1EC00] =	vst v63  }
.LBB2_7:
0xc4: {  	_ =	swait.ge [sflag:s7], $0x2000  }
0xc5: {  	[sflag:s7] =	ssyncset.done $0x0  }
0xc6: {  	[sflag:s7] =	ssyncadd.s32 $0xFFFFE000  }
0xc7: {  	[spmem:s5] =	stream.indirect.scatter.add.f32 [tilespmem:s22], [sflag:$0x8], $0x80, s28, s3, $0xb8;
	[tilespmem:$0x1EC00] =	vst v63  }
.LBB2_8:
0xc8: {  	_ =	swait.ge [sflag:s11], $0x2000  }
0xc9: {  	s6 =	sshrl.u32 @!p3 s19, $0x4;
	[sflag:s11] =	ssyncset.done $0x0  }
0xca: {  	s8 =	sadd.s32 $0x100, s26;
	s10 =	smul.u32 @!p3 $0xAB, s6;
	[sflag:s11] =	ssyncadd.s32 $0xFFFFE000  }
0xcb: {  	[spmem:s5] =	stream.indirect.scatter.add.f32 [tilespmem:s23], [sflag:$0x9], $0x80, s8, s3, $0xb8;
	[tilespmem:$0x1EC00] =	vst v63  }
0xcc: {  	s8 =	sshrl.u32 @!p3 s10, $0x9  }
0xcd: {  	s8 =	sand.u32 @!p3 $0x7F, s8  }
0xce: {  	s8 =	smul.u32 @!p3 $0x3, s8  }
0xcf: {  	s10 =	simm.s32 @!p3 $0x9  }
0xd0: {  	s19 =	sadd.s32 $0x4, s19;
	_ =	swait.ge @!p3 [sflag:s10], $0x2000;
	s6 =	ssub.s32 @!p3 s6, s8  }
0xd1: {  	[sflag:s10] =	ssyncset.done @!p3 $0x0;
	s8 =	sadd.s32 @!p3 $0x300, s18;
	s6 =	sand.u32 @!p3 $0xFF, s6  }
0xd2: {  	[sflag:s10] =	ssyncadd.s32 @!p3 $0xFFFFE000;
	s8 =	sand.u32 @!p3 $0x700, s8;
	s6 =	sshll.u32 @!p3 s6, $0xB  }
0xd3: {  	s10 =	simm.s32 @!p3 $0x7000;
	s6 =	sor.u32 @!p3 s8, s6;
	s8 =	simm.s32 @!p3 $0x40  }
0xd4: {  	[tilespmem:s10], [sflag:$0x5] =	stream.indirect.gather @!p3 [hbm4b:s0+s8], $0x80, s6, s8, $0xb8;
	[tilespmem:$0x1EC00] =	vst v63  }
0xd5: {  	p3 =	sne.s32 s19, $0x146  }
.Ltmp9:
0xd6: {  	_ = 	snop;
	(pc) =	sbr.rel @!p3 .LBB2_9-.Ltmp9, $4  }
0xd7: {  	_ =	swait.ge [sflag:s12], $0x2000  }
0xd8: {  	s29 =	sadd.s32 s21, s24;
	[sflag:s12] =	ssyncset.done $0x0  }
0xd9: {  	s20 =	sadd.s32 $0x1, s20;
	s18 =	sadd.s32 $0x200, s18;
	[sflag:s12] =	ssyncadd.s32 $0xFFFFE000  }
0xda: {  	[spmem:s5] =	stream.indirect.scatter.add.f32 [tilespmem:s4], [sflag:$0xA], $0x80, s29, s3, $0xb8;
	[tilespmem:$0x1EC00] =	vst v63  }
.LBB2_5:
0xdb: {  	s21 =	sshrl.u32 s20, $0x2  }
0xdc: {  	s24 =	smul.u32 $0xAB, s21;
	_ =	sdelay $0x1  }
0xdd: {  	s24 =	sshrl.u32 s24, $0x9  }
0xde: {  	s24 =	sand.u32 $0x7F, s24  }
0xdf: {  	s24 =	smul.u32 $0x3, s24  }
0xe0: {  	p3 =	seq.s32 s19, $0x6  }
0xe1: {  	s26 =	simm.s32 @!p3 $0xA;
	s21 =	ssub.s32 s21, s24  }
0xe2: {  	s28 =	sand.u32 $0x600, s18;
	_ =	swait.ge @!p3 [sflag:s26], $0x2000;
	s24 =	sand.u32 $0xFF, s21  }
0xe3: {  	[sflag:s26] =	ssyncset.done @!p3 $0x0;
	s21 =	sor.u32 $0x180, s28;
	s24 =	sshll.u32 s24, $0xB  }
0xe4: {  	[sflag:s26] =	ssyncadd.s32 @!p3 $0xFFFFE000;
	p3 =	seq.s32 s19, $0x142;
	s29 =	sor.u32 s21, s24  }
0xe5: {  	[tilespmem:s4], [sflag:$0x6] =	stream.indirect.gather [hbm4b:s0+s3], $0x80, s29, s3, $0xb8;
	[tilespmem:$0x1EC00] =	vst v63  }
.Ltmp10:
0xe6: {  	_ = 	snop;
	(pc) =	sbr.rel @p3 .LBB2_7-.Ltmp10, $4  }
0xe7: {  	s24 =	sadd.s32 $0x1800, s24;
	_ =	swait.ge [sflag:s25], $0x2000  }
0xe8: {  	s26 =	sor.u32 s28, s24;
	[sflag:s25] =	ssyncset.done $0x0  }
0xe9: {  	s28 =	sadd.s32 $0x80, s26;
	[sflag:s25] =	ssyncadd.s32 $0xFFFFE000  }
0xea: {  	[spmem:s5] =	stream.indirect.scatter.add.f32 [tilespmem:s31], [sflag:$0x7], $0x80, s26, s3, $0xb8;
	[tilespmem:$0x1EC00] =	vst v63  }
0xeb: {  	s29 =	sadd.s32 $0xFFFFFFFE, s19  }
0xec: {  	s10 =	sand.u32 $0xC, s29  }
0xed: {  	p5 =	sne.s32 s10, $0x0  }
0xee: {  	p4 =	sgt.u32 @!p5 s20, $0x4A  }
0xef: {  	p4 =	por p4, p5  }
0xf0: {  	s15 =	sshrl.u32 @!p4 s29, $0x4  }
0xf1: {  	s17 =	simm.s32 @!p5 $0x1;
	s16 =	sadd.s32 @!p4 $0x1, s15  }
0xf2: {  	_ =	swait.ge @!p5 [sflag:s17], $0x800;
	s6 =	sand.u32 @!p4 $0xFF, s16  }
0xf3: {  	[sflag:s17] =	ssyncset.done @!p5 $0x0;
	s6 =	smul.u32 @!p4 $0xAB, s6  }
0xf4: {  	[sflag:s17] =	ssyncadd.s32 @!p5 $0xFFFFF800  }
0xf5: {  	s17 =	simm.s32 @!p5 $0x2;
	s15 =	sadd.s32 @!p4 s30, s15;
	s6 =	sshrl.u32 @!p4 s6, $0x9  }
0xf6: {  	_ =	swait.ge @!p5 [sflag:s17], $0x800;
	s15 =	sshll.u32 @!p4 s15, $0x8;
	s6 =	smul.u32 @!p4 $0x3, s6  }
0xf7: {  	[sflag:s17] =	ssyncset.done @!p5 $0x0;
	s15 =	sadd.s32 @!p4 $0x100, s15  }
0xf8: {  	s8 =	rddreg [dreg:$0x7];
	[sflag:s17] =	ssyncadd.s32 @!p5 $0xFFFFF800;
	s6 =	ssub.s32 @!p4 s16, s6  }
0xf9: {  	s17 =	sadd.s32 @!p4 s8, s15;
	s16 =	sshrl.u32 s29, $0x4;
	s6 =	sand.u32 @!p4 $0xFF, s6  }
0xfa: {  	s29 =	simm.s32 @!p4 $0x0;
	s8 =	smul.u32 $0xAB, s16;
	s6 =	sshll.u32 @!p4 s6, $0xB  }
0xfb: {  	[tilespmem:s6], [sflag:$0x1] =	stream.linear.gather @!p4 [hbm4b:s17+s29], $0x800, $0x38;
	[tilespmem:$0x1EC00] =	vst v63  }
0xfc: {  	s8 =	sshrl.u32 s8, $0x9  }
0xfd: {  	s8 =	sand.u32 $0x7F, s8  }
0xfe: {  	s15 =	sadd.s32 @!p4 s9, s15;
	s6 =	sadd.s32 @!p4 $0x1800, s6;
	s8 =	smul.u32 $0x3, s8  }
0xff: {  	[tilespmem:s6], [sflag:$0x2] =	stream.linear.gather @!p4 [hbm4b:s15+s29], $0x800, $0x38;
	[tilespmem:$0x1EC00] =	vst v63  }
0x100: {  	s10 =	sshll.u32 s10, $0x7;
	s8 =	ssub.s32 s16, s8  }
0x101: {  	s15 =	sadd.s32 $0xFFFFFFFF, s19;
	_ =	swait.ge [sflag:s13], $0x2000;
	s6 =	sand.u32 $0xFF, s8  }
0x102: {  	[sflag:s13] =	ssyncset.done $0x0;
	s8 =	sshrl.u32 s15, $0x4;
	s6 =	sshll.u32 s6, $0xB  }
0x103: {  	[sflag:s13] =	ssyncadd.s32 $0xFFFFE000;
	s16 =	smul.u32 $0xAB, s8;
	s6 =	sor.u32 s10, s6  }
0x104: {  	[tilespmem:s31], [sflag:$0x3] =	stream.indirect.gather [hbm4b:s0+s3], $0x80, s6, s3, $0xb8;
	[tilespmem:$0x1EC00] =	vst v63  }
0x105: {  	s17 =	sshrl.u32 s16, $0x9;
	_ =	swait.ge [sflag:s7], $0x2000  }
0x106: {  	s6 =	sand.u32 $0x7F, s17;
	[sflag:s7] =	ssyncset.done $0x0  }
0x107: {  	s6 =	smul.u32 $0x3, s6;
	[sflag:s7] =	ssyncadd.s32 $0xFFFFE000  }
0x108: {  	[spmem:s5] =	stream.indirect.scatter.add.f32 [tilespmem:s22], [sflag:$0x8], $0x80, s28, s3, $0xb8;
	[tilespmem:$0x1EC00] =	vst v63  }
.Ltmp11:
0x109: {  	s6 =	ssub.s32 s8, s6;
	(pc) =	sbr.rel .LBB2_8-.Ltmp11, $4  }
0x10a: {  	s29 =	sadd.s32 $0x280, s18;
	_ =	swait.ge [sflag:s14], $0x2000;
	s6 =	sand.u32 $0xFF, s6  }
0x10b: {  	s8 =	sand.u32 $0x680, s29;
	[sflag:s14] =	ssyncset.done $0x0;
	s6 =	sshll.u32 s6, $0xB  }
0x10c: {  	[sflag:s14] =	ssyncadd.s32 $0xFFFFE000;
	s6 =	sor.u32 s8, s6  }
0x10d: {  	[tilespmem:s22], [sflag:$0x4] =	stream.indirect.gather [hbm4b:s0+s3], $0x80, s6, s3, $0xb8;
	[tilespmem:$0x1EC00] =	vst v63  }
.LBB2_15:
0x10e: {  	_ =	swait.ge [sflag:s13], $0x2000  }
0x10f: {  	[sflag:s13] =	ssyncset.done $0x0  }
0x110: {  	[sflag:s13] =	ssyncadd.s32 $0xFFFFE000  }
0x111: {  	_ =	swait.ge [sflag:s14], $0x2000  }
0x112: {  	[sflag:s14] =	ssyncset.done $0x0  }
0x113: {  	s6 =	simm.s32 $0x9;
	[sflag:s14] =	ssyncadd.s32 $0xFFFFE000  }
0x114: {  	_ =	swait.ge [sflag:s6], $0x2000  }
0x115: {  	[sflag:s6] =	ssyncset.done $0x0  }
0x116: {  	s26 =	simm.s32 $0xA;
	[sflag:s6] =	ssyncadd.s32 $0xFFFFE000  }
0x117: {  	_ =	swait.ge [sflag:s26], $0x2000  }
0x118: {  	[sflag:s26] =	ssyncset.done $0x0  }
0x119: {  	[sflag:s26] =	ssyncadd.s32 $0xFFFFE000  }
0x11a: {  	s28 =	stileid.u32;
	[bflag:$0x0] =	sbarrier.arrive $0xFFFF  }
0x11b: {  	s6 =	sshll.u32 s28, $0x6;
	s29 =	rddreg [dreg:$0x13]  }
0x11c: {  	s18 =	sor.u32 $0x1C0B, s6;
	s8 =	rddreg [dreg:$0x15];
	s6 =	sshrl.u32 s29, $0x3  }
0x11d: {  	[hbm:s8], [sflag:s18] =	dma.local [spmem:s6], $0x2700  }
.Ltmp12:
0x11e: {  	_ = 	snop;
	(pc) =	sbr.rel @p1 .LBB2_17-.Ltmp12, $4  }
.Ltmp13:
0x11f: {  	_ =	swait.ge [sflag:s1], $0x2700;
	(pc) =	sbr.rel @!p1 .LBB2_16-.Ltmp13, $4  }
0x120: {  	[sflag:s1] =	ssyncset.done $0x0  }
0x121: {  	s10 =	rddreg [dreg:$0x1b];
	[sflag:s1] =	ssyncadd.s32 $0xFFFFD900  }
0x122: {  	s19 =	rddreg [dreg:$0x4]  }
0x123: {  	_ = 	snop  }
.LBB2_9:
0x124: {  	_ =	swait.ge [sflag:s13], $0x2000  }
0x125: {  	[sflag:s13] =	ssyncset.done $0x0  }
0x126: {  	[sflag:s13] =	ssyncadd.s32 $0xFFFFE000  }
0x127: {  	_ =	swait.ge [sflag:s14], $0x2000  }
0x128: {  	[sflag:s14] =	ssyncset.done $0x0  }
0x129: {  	s6 =	simm.s32 $0x9;
	[sflag:s14] =	ssyncadd.s32 $0xFFFFE000  }
0x12a: {  	_ =	swait.ge [sflag:s6], $0x2000  }
0x12b: {  	[sflag:s6] =	ssyncset.done $0x0  }
0x12c: {  	s26 =	simm.s32 $0xA;
	[sflag:s6] =	ssyncadd.s32 $0xFFFFE000  }
0x12d: {  	_ =	swait.ge [sflag:s26], $0x2000  }
0x12e: {  	[sflag:s26] =	ssyncset.done $0x0  }
0x12f: {  	[sflag:s26] =	ssyncadd.s32 $0xFFFFE000  }
0x130: {  	s28 =	stileid.u32;
	[bflag:$0x0] =	sbarrier.arrive $0xFFFF  }
0x131: {  	s6 =	sshll.u32 s28, $0x6;
	s29 =	rddreg [dreg:$0x13]  }
0x132: {  	s18 =	sor.u32 $0x1C0B, s6;
	s8 =	rddreg [dreg:$0x14];
	s6 =	sshrl.u32 s29, $0x3  }
0x133: {  	[hbm:s8], [sflag:s18] =	dma.local [spmem:s6], $0x2700  }
.Ltmp14:
0x134: {  	_ = 	snop;
	(pc) =	sbr.rel @!p2 .LBB2_17-.Ltmp14, $4  }
.Ltmp15:
0x135: {  	_ =	swait.ge [sflag:s1], $0x2700;
	(pc) =	sbr.rel @p2 .LBB2_16-.Ltmp15, $4  }
0x136: {  	[sflag:s1] =	ssyncset.done $0x0  }
0x137: {  	s10 =	rddreg [dreg:$0x1b];
	[sflag:s1] =	ssyncadd.s32 $0xFFFFD900  }
0x138: {  	s19 =	rddreg [dreg:$0x3]  }
0x139: {  	_ = 	snop  }
.LBB2_18:
0x13a: {  	_ =	sfence.sel $0x180000  }
0x13b: {  	[bflag:$0x0] =	sbarrier.arrive $0xFFFF  }
0x13c: {  	_ =	strace $0x90000047  }
0x13d: {  	[bflag:$0x2] =	sbarrier.arrive $0xFFFF  }
0x13e: {  	s0 =	rddreg [dreg:$0x6]  }
0x13f: {  	s0 =	sadd.s32 @!p1 $0x100000, s0  }
0x140: {  	[sflag:s0] =	ssyncadd.tile.s32 @!p1 $0x1;
	_ =	shalt  }
.Lfunc_end2:
_tile_overlayer_lowered:
.L_overlay_start_2:
0x141: {  	(tag) =	ssettag $0x2  }
0x142: {  	s0 =	rddreg [dreg:$0x0];
	s2 =	stileid.u32  }
0x143: {  	s1 =	rddreg [dreg:$0x1];
	p0 =	sne.s32 s2, $0x0  }
0x144: {  	s3 =	rddreg [dreg:$0x2];
	[bflag:$0x3] =	sbarrier.arrive $0xFFFF;
	s2 =	simm.s32 @!p0 $0x1C0B  }
0x145: {  	[timem:s3], [sflag:s2] =	dma.local @!p0 [hbm:s0], s1  }
0x146: {  	s0 =	simm.s32 @!p0 $0xB  }
0x147: {  	_ =	swait.ge @!p0 [sflag:s0], s1  }
0x148: {  	s1 =	ssub.s32 @!p0 $0x0, s1;
	[sflag:s0] =	ssyncset.done @!p0 $0x0  }
0x149: {  	[sflag:s0] =	ssyncadd.s32 @!p0 s1  }
0x14a: {  	[bflag:$0x3] =	sbarrier.arrive $0xFFFF  }
0x14b: {  	_ =	shalt  }

</sc_bundles>
